<compile_context>
chip_gen: v7x
topology: tpu7x:2x2x1
jax: 0.10.2.dev20260603
libtpu: 0.0.44.dev20260713+nightly
codegen_flags: <defaults>
</compile_context>

<pallas_src>
import functools

import jax
import jax.numpy as jnp
from jax import lax
from jax.experimental import pallas as pl
from jax.experimental.pallas import tpu as pltpu
from jax.experimental.pallas import tpu_sc as plsc

SEQ_LEN = 200
EMBED_DIM = 64
BATCH = 4096
VOCAB = 1000000

NC, NS, L = 2, 16, 16
NW = NC * NS
BBLK = BATCH // NW
TROW, TCOL = SEQ_LEN // 8, BATCH // 128
NBUF = 4
SCALE = 8.0


@functools.partial(
    pl.kernel,
    out_type=jax.ShapeDtypeStruct((SEQ_LEN, 8, TCOL, 8, 128), jnp.float32),
    mesh=plsc.VectorSubcoreMesh(core_axis_name="c", subcore_axis_name="s"),
    compiler_params=pltpu.CompilerParams(
        use_tc_tiling_on_sc=False, needs_layout_passes=False),
    scratch_types=[
        [pltpu.VMEM((BBLK,), jnp.int32) for _ in range(NBUF)],
        [pltpu.VMEM((BBLK, EMBED_DIM), jnp.float32) for _ in range(NBUF)],
        [pltpu.VMEM((8, 8, 128), jnp.float32) for _ in range(NBUF)],
        pltpu.VMEM((SEQ_LEN, EMBED_DIM), jnp.float32),
        [pltpu.SemaphoreType.DMA for _ in range(NBUF)],
        [pltpu.SemaphoreType.DMA for _ in range(NBUF)],
        [pltpu.SemaphoreType.DMA for _ in range(NBUF)],
    ],
)
def _embed_kernel(idx4_hbm, table_hbm, pos_hbm, out_hbm,
                  idx_v, rows_v, outb_v, pos_v,
                  isem, gsem, wsem):
    wid = lax.axis_index("s") * NC + lax.axis_index("c")

    pltpu.sync_copy(pos_hbm, pos_v)

    def idx_descr(t, b):
        return pltpu.make_async_copy(
            idx4_hbm.at[t // 8, wid, t % 8], idx_v[b], isem[b])

    def gather_descr(b):
        return pltpu.make_async_copy(
            table_hbm.at[idx_v[b]], rows_v[b], gsem[b])

    def wb_descrs(t, b):
        return [pltpu.make_async_copy(
            outb_v[b].at[er], out_hbm.at[t, er, wid], wsem[b])
            for er in range(8)]

    idx_descr(0, 0).start()
    idx_descr(1, 1).start()
    idx_descr(2, 2).start()
    idx_descr(0, 0).wait()
    gather_descr(0).start()
    idx_descr(1, 1).wait()
    gather_descr(1).start()

    iota = lax.iota(jnp.int32, L)

    def outer(o, carry):
        for b in range(NBUF):
            t = o * NBUF + b

            @pl.when(t + 3 < SEQ_LEN)
            def _():
                idx_descr(t + 3, (b + 3) % NBUF).start()

            @pl.when(t + 2 < SEQ_LEN)
            def _():
                nb = (b + 2) % NBUF
                idx_descr(t + 2, nb).wait()
                gather_descr(nb).start()

            gather_descr(b).wait()

            @pl.when(t >= NBUF)
            def _():
                for d in wb_descrs(t - NBUF, b):
                    d.wait()

            t_vec = jnp.full((L,), t, jnp.int32)

            @plsc.parallel_loop(0, EMBED_DIM, unroll=4)
            def _(e):
                e_vec = jnp.full((L,), e, jnp.int32)
                ps = plsc.load_gather(pos_v, [t_vec, e_vec])
                er = lax.shift_right_logical(e, 3)
                es = jnp.bitwise_and(e, 7)
                for j in range(BBLK // L):
                    rowi = iota + (j * L)
                    vals = plsc.load_gather(rows_v[b], [rowi, e_vec])
                    outb_v[b][er, es, pl.ds(j * L, L)] = vals * SCALE + ps

            for d in wb_descrs(t, b):
                d.start()
        return carry

    lax.fori_loop(0, SEQ_LEN // NBUF, outer, 0)

    for b in range(NBUF):
        for d in wb_descrs(SEQ_LEN - NBUF + b, b):
            d.wait()


def kernel(inputs, token_table, pos_table):
    idx4 = inputs.T.reshape(TROW, 8, TCOL, 128).transpose(0, 2, 1, 3)
    out5 = _embed_kernel(idx4, token_table, pos_table)
    return out5.transpose(2, 4, 0, 1, 3).reshape(BATCH, SEQ_LEN, EMBED_DIM)

# --- scband reference (transcript-rebuilt; emitter-appended) ---
"""Pipeline reference for scband-positional-embedding-35012573397288 (READ-ONLY COPY).

The authoritative reference and input builder live on the scoring server;
editing this copy changes nothing except your own understanding.
"""

import jax, jax.numpy as jnp
import numpy as np

SEQ_LEN = 200
VOCAB = 1000000
EMBED_DIM = 64
BATCH = 4096

def setup_inputs(seed: int = 0) -> dict:
    key = jax.random.key(seed)
    k1, k2, k3 = jax.random.split(key, 3)
    inputs = jax.random.randint(k1, (BATCH, SEQ_LEN), 0, VOCAB, dtype=jnp.int64 if jax.config.jax_enable_x64 else jnp.int32)
    token_table = jax.random.normal(k2, (VOCAB, EMBED_DIM), dtype=jnp.float32) * 0.05
    pos_table = jax.random.normal(k3, (SEQ_LEN, EMBED_DIM), dtype=jnp.float32) * 0.05
    return {"inputs": inputs, "token_table": token_table, "pos_table": pos_table}

def reference(inputs, token_table, pos_table):
    embed_scale = jnp.sqrt(jnp.asarray(EMBED_DIM, dtype=jnp.float32))
    length = inputs.shape[-1]
    positions = jnp.arange(0, length)
    embedded_tokens = jnp.take(token_table, inputs, axis=0)
    embedded_tokens = embedded_tokens * embed_scale
    embedded_positions = jnp.take(pos_table, positions, axis=0)
    return embedded_tokens + embedded_positions

if __name__ == "__main__":
    import jax
    _d = setup_inputs()
    print(jax.jit(kernel)(*tuple(_d.values())))

</pallas_src>

<mosaic_0001>
#map = affine_map<(d0, d1) -> (0, 0, 0, 0)>
#map1 = affine_map<(d0, d1) -> (0, 0)>
#map2 = affine_map<(d0, d1) -> (0, 0, 0, 0, 0)>
module attributes {stable_mosaic.version = 14 : i64} {
  func.func @_embed_kernel(%arg0: i32, %arg1: i32, %arg2: memref<25x32x8x128xi32, #tpu.memory_space<hbm>>, %arg3: memref<1000000x64xf32, #tpu.memory_space<hbm>>, %arg4: memref<200x64xf32, #tpu.memory_space<hbm>>, %arg5: memref<200x8x32x8x128xf32, #tpu.memory_space<hbm>>, %arg6: memref<128xi32, #tpu.memory_space<vmem>>, %arg7: memref<128xi32, #tpu.memory_space<vmem>>, %arg8: memref<128xi32, #tpu.memory_space<vmem>>, %arg9: memref<128xi32, #tpu.memory_space<vmem>>, %arg10: memref<128x64xf32, #tpu.memory_space<vmem>>, %arg11: memref<128x64xf32, #tpu.memory_space<vmem>>, %arg12: memref<128x64xf32, #tpu.memory_space<vmem>>, %arg13: memref<128x64xf32, #tpu.memory_space<vmem>>, %arg14: memref<8x8x128xf32, #tpu.memory_space<vmem>>, %arg15: memref<8x8x128xf32, #tpu.memory_space<vmem>>, %arg16: memref<8x8x128xf32, #tpu.memory_space<vmem>>, %arg17: memref<8x8x128xf32, #tpu.memory_space<vmem>>, %arg18: memref<200x64xf32, #tpu.memory_space<vmem>>, %arg19: memref<!tpu.dma_semaphore, #tpu.memory_space<semaphore_mem>>, %arg20: memref<!tpu.dma_semaphore, #tpu.memory_space<semaphore_mem>>, %arg21: memref<!tpu.dma_semaphore, #tpu.memory_space<semaphore_mem>>, %arg22: memref<!tpu.dma_semaphore, #tpu.memory_space<semaphore_mem>>, %arg23: memref<!tpu.dma_semaphore, #tpu.memory_space<semaphore_mem>>, %arg24: memref<!tpu.dma_semaphore, #tpu.memory_space<semaphore_mem>>, %arg25: memref<!tpu.dma_semaphore, #tpu.memory_space<semaphore_mem>>, %arg26: memref<!tpu.dma_semaphore, #tpu.memory_space<semaphore_mem>>, %arg27: memref<!tpu.dma_semaphore, #tpu.memory_space<semaphore_mem>>, %arg28: memref<!tpu.dma_semaphore, #tpu.memory_space<semaphore_mem>>, %arg29: memref<!tpu.dma_semaphore, #tpu.memory_space<semaphore_mem>>, %arg30: memref<!tpu.dma_semaphore, #tpu.memory_space<semaphore_mem>>) attributes {dimension_semantics = [#tpu.dimension_semantics<core_parallel>, #tpu.dimension_semantics<subcore_parallel>], iteration_bounds = array<i64: 2, 16>, scalar_prefetch = 0 : i64, scratch_operands = 25 : i64, tpu.core_type = #tpu.core_type<sc_vector_subcore>, window_params = [{transform_indices = #map}, {transform_indices = #map1}, {transform_indices = #map1}, {transform_indices = #map2}]} {
    %mul3A = arith.constant 2 : i32
    %mul3A_0 = arith.muli %arg1, %mul3A : i32
    %add3A = arith.addi %mul3A_0, %arg0 : i32
    "tpu.region"() ({
      %run_scoped3A = tpu.sem_alloc : memref<!tpu.dma_semaphore, #tpu.memory_space<semaphore_mem>>
      tpu.enqueue_dma source(%arg4 : memref<200x64xf32, #tpu.memory_space<hbm>>) target(%arg18 : memref<200x64xf32, #tpu.memory_space<vmem>>) target_semaphore(%run_scoped3A : memref<!tpu.dma_semaphore, #tpu.memory_space<semaphore_mem>>)
      tpu.wait_dma2 semaphore(%run_scoped3A : memref<!tpu.dma_semaphore, #tpu.memory_space<semaphore_mem>>) src(%arg4 : memref<200x64xf32, #tpu.memory_space<hbm>>) dst(%arg18 : memref<200x64xf32, #tpu.memory_space<vmem>>)
      tpu.yield
    }) : () -> ()
    %dma_start3A = arith.constant 0 : i32
    %dma_start3A_1 = arith.constant 0 : i32
    %dma_start3A_2 = arith.constant 0 : i32
    %dma_start3A_3 = tpu.memref_slice %arg2[%dma_start3A, %add3A, %dma_start3A_1, %dma_start3A_2] : memref<25x32x8x128xi32, #tpu.memory_space<hbm>> -> memref<1x1x1x128xi32, #tpu.memory_space<hbm>>
    %dma_start3A_4 = tpu.memref_squeeze %dma_start3A_3 : memref<1x1x1x128xi32, #tpu.memory_space<hbm>> -> memref<128xi32, #tpu.memory_space<hbm>>
    %dma_start3A_5 = arith.constant 0 : i32
    %dma_start3A_6 = tpu.memref_slice %arg2[%dma_start3A, %add3A, %dma_start3A_1, %dma_start3A_5] : memref<25x32x8x128xi32, #tpu.memory_space<hbm>> -> memref<1x1x1x128xi32, #tpu.memory_space<hbm>>
    %dma_start3A_7 = tpu.memref_squeeze %dma_start3A_6 : memref<1x1x1x128xi32, #tpu.memory_space<hbm>> -> memref<128xi32, #tpu.memory_space<hbm>>
    tpu.enqueue_dma source(%dma_start3A_7 : memref<128xi32, #tpu.memory_space<hbm>>) target(%arg6 : memref<128xi32, #tpu.memory_space<vmem>>) target_semaphore(%arg19 : memref<!tpu.dma_semaphore, #tpu.memory_space<semaphore_mem>>)
    %dma_start3A_8 = arith.constant 0 : i32
    %dma_start3A_9 = arith.constant 1 : i32
    %dma_start3A_10 = arith.constant 0 : i32
    %dma_start3A_11 = tpu.memref_slice %arg2[%dma_start3A_8, %add3A, %dma_start3A_9, %dma_start3A_10] : memref<25x32x8x128xi32, #tpu.memory_space<hbm>> -> memref<1x1x1x128xi32, #tpu.memory_space<hbm>>
    %dma_start3A_12 = tpu.memref_squeeze %dma_start3A_11 : memref<1x1x1x128xi32, #tpu.memory_space<hbm>> -> memref<128xi32, #tpu.memory_space<hbm>>
    %dma_start3A_13 = arith.constant 0 : i32
    %dma_start3A_14 = tpu.memref_slice %arg2[%dma_start3A_8, %add3A, %dma_start3A_9, %dma_start3A_13] : memref<25x32x8x128xi32, #tpu.memory_space<hbm>> -> memref<1x1x1x128xi32, #tpu.memory_space<hbm>>
    %dma_start3A_15 = tpu.memref_squeeze %dma_start3A_14 : memref<1x1x1x128xi32, #tpu.memory_space<hbm>> -> memref<128xi32, #tpu.memory_space<hbm>>
    tpu.enqueue_dma source(%dma_start3A_15 : memref<128xi32, #tpu.memory_space<hbm>>) target(%arg7 : memref<128xi32, #tpu.memory_space<vmem>>) target_semaphore(%arg20 : memref<!tpu.dma_semaphore, #tpu.memory_space<semaphore_mem>>)
    %dma_start3A_16 = arith.constant 0 : i32
    %dma_start3A_17 = arith.constant 2 : i32
    %dma_start3A_18 = arith.constant 0 : i32
    %dma_start3A_19 = tpu.memref_slice %arg2[%dma_start3A_16, %add3A, %dma_start3A_17, %dma_start3A_18] : memref<25x32x8x128xi32, #tpu.memory_space<hbm>> -> memref<1x1x1x128xi32, #tpu.memory_space<hbm>>
    %dma_start3A_20 = tpu.memref_squeeze %dma_start3A_19 : memref<1x1x1x128xi32, #tpu.memory_space<hbm>> -> memref<128xi32, #tpu.memory_space<hbm>>
    %dma_start3A_21 = arith.constant 0 : i32
    %dma_start3A_22 = tpu.memref_slice %arg2[%dma_start3A_16, %add3A, %dma_start3A_17, %dma_start3A_21] : memref<25x32x8x128xi32, #tpu.memory_space<hbm>> -> memref<1x1x1x128xi32, #tpu.memory_space<hbm>>
    %dma_start3A_23 = tpu.memref_squeeze %dma_start3A_22 : memref<1x1x1x128xi32, #tpu.memory_space<hbm>> -> memref<128xi32, #tpu.memory_space<hbm>>
    tpu.enqueue_dma source(%dma_start3A_23 : memref<128xi32, #tpu.memory_space<hbm>>) target(%arg8 : memref<128xi32, #tpu.memory_space<vmem>>) target_semaphore(%arg21 : memref<!tpu.dma_semaphore, #tpu.memory_space<semaphore_mem>>)
    %dma_wait3A = arith.constant 0 : i32
    %dma_wait3A_24 = arith.constant 0 : i32
    %dma_wait3A_25 = arith.constant 0 : i32
    %dma_wait3A_26 = tpu.memref_slice %arg2[%dma_wait3A, %add3A, %dma_wait3A_24, %dma_wait3A_25] : memref<25x32x8x128xi32, #tpu.memory_space<hbm>> -> memref<1x1x1x128xi32, #tpu.memory_space<hbm>>
    %dma_wait3A_27 = tpu.memref_squeeze %dma_wait3A_26 : memref<1x1x1x128xi32, #tpu.memory_space<hbm>> -> memref<128xi32, #tpu.memory_space<hbm>>
    %dma_wait3A_28 = arith.constant 0 : i32
    %dma_wait3A_29 = tpu.memref_slice %arg2[%dma_wait3A, %add3A, %dma_wait3A_24, %dma_wait3A_28] : memref<25x32x8x128xi32, #tpu.memory_space<hbm>> -> memref<1x1x1x128xi32, #tpu.memory_space<hbm>>
    %dma_wait3A_30 = tpu.memref_squeeze %dma_wait3A_29 : memref<1x1x1x128xi32, #tpu.memory_space<hbm>> -> memref<128xi32, #tpu.memory_space<hbm>>
    tpu.wait_dma2 semaphore(%arg19 : memref<!tpu.dma_semaphore, #tpu.memory_space<semaphore_mem>>) src(%dma_wait3A_30 : memref<128xi32, #tpu.memory_space<hbm>>) dst(%arg6 : memref<128xi32, #tpu.memory_space<vmem>>)
    %dma_start3A_31 = arith.constant 0 : i32
    %dma_start3A_32 = arith.constant 0 : i32
    %dma_start3A_33 = tpu.memref_slice %arg3[%dma_start3A_31, %dma_start3A_32] : memref<1000000x64xf32, #tpu.memory_space<hbm>> -> memref<1000000x64xf32, #tpu.memory_space<hbm>>
    tpu.enqueue_indirect_dma source(%dma_start3A_33 : memref<1000000x64xf32, #tpu.memory_space<hbm>>) target(%arg10 : memref<128x64xf32, #tpu.memory_space<vmem>>) offsets(%arg6 : memref<128xi32, #tpu.memory_space<vmem>>) semaphore(%arg23 : memref<!tpu.dma_semaphore, #tpu.memory_space<semaphore_mem>>)
    %dma_wait3A_34 = arith.constant 0 : i32
    %dma_wait3A_35 = arith.constant 1 : i32
    %dma_wait3A_36 = arith.constant 0 : i32
    %dma_wait3A_37 = tpu.memref_slice %arg2[%dma_wait3A_34, %add3A, %dma_wait3A_35, %dma_wait3A_36] : memref<25x32x8x128xi32, #tpu.memory_space<hbm>> -> memref<1x1x1x128xi32, #tpu.memory_space<hbm>>
    %dma_wait3A_38 = tpu.memref_squeeze %dma_wait3A_37 : memref<1x1x1x128xi32, #tpu.memory_space<hbm>> -> memref<128xi32, #tpu.memory_space<hbm>>
    %dma_wait3A_39 = arith.constant 0 : i32
    %dma_wait3A_40 = tpu.memref_slice %arg2[%dma_wait3A_34, %add3A, %dma_wait3A_35, %dma_wait3A_39] : memref<25x32x8x128xi32, #tpu.memory_space<hbm>> -> memref<1x1x1x128xi32, #tpu.memory_space<hbm>>
    %dma_wait3A_41 = tpu.memref_squeeze %dma_wait3A_40 : memref<1x1x1x128xi32, #tpu.memory_space<hbm>> -> memref<128xi32, #tpu.memory_space<hbm>>
    tpu.wait_dma2 semaphore(%arg20 : memref<!tpu.dma_semaphore, #tpu.memory_space<semaphore_mem>>) src(%dma_wait3A_41 : memref<128xi32, #tpu.memory_space<hbm>>) dst(%arg7 : memref<128xi32, #tpu.memory_space<vmem>>)
    %dma_start3A_42 = arith.constant 0 : i32
    %dma_start3A_43 = arith.constant 0 : i32
    %dma_start3A_44 = tpu.memref_slice %arg3[%dma_start3A_42, %dma_start3A_43] : memref<1000000x64xf32, #tpu.memory_space<hbm>> -> memref<1000000x64xf32, #tpu.memory_space<hbm>>
    tpu.enqueue_indirect_dma source(%dma_start3A_44 : memref<1000000x64xf32, #tpu.memory_space<hbm>>) target(%arg11 : memref<128x64xf32, #tpu.memory_space<vmem>>) offsets(%arg7 : memref<128xi32, #tpu.memory_space<vmem>>) semaphore(%arg24 : memref<!tpu.dma_semaphore, #tpu.memory_space<semaphore_mem>>)
    %iota3A = tpu.iota {dimensions = array<i32: 0>} : vector<16xi32>
    %scan3A = arith.constant 0 : i32
    %scan3A_45 = arith.constant 0 : i32
    %scan3A_46 = arith.constant 50 : i32
    %scan3A_47 = arith.addi %scan3A_45, %scan3A_46 : i32
    %scan3A_48 = arith.constant 1 : i32
    scf.for %scan3A_658 = %scan3A_45 to %scan3A_47 step %scan3A_48  : i32 {
      %mul3A_659 = arith.constant 4 : i32
      %mul3A_660 = arith.muli %scan3A_658, %mul3A_659 : i32
      %add3A_661 = arith.constant 0 : i32
      %add3A_662 = arith.addi %mul3A_660, %add3A_661 : i32
      %add3A_663 = arith.constant 3 : i32
      %add3A_664 = arith.addi %add3A_662, %add3A_663 : i32
      %lt3A = arith.constant 200 : i32
      %lt3A_665 = arith.cmpi slt, %add3A_664, %lt3A : i32
      %convert_element_type3A = arith.extui %lt3A_665 : i1 to i32
      %cond3A = arith.constant 0 : i32
      %cond3A_666 = arith.cmpi ne, %convert_element_type3A, %cond3A : i32
      scf.if %cond3A_666 {
        %add3A_1349 = arith.constant 3 : i32
        %add3A_1350 = arith.addi %add3A_662, %add3A_1349 : i32
        %jit3A = arith.constant 8 : i32
        %div3A = arith.divsi %add3A_1350, %jit3A : i32
        %sign3A = arith.constant 0 : i32
        %sign3A_1351 = arith.cmpi sgt, %add3A_1350, %sign3A : i32
        %sign3A_1352 = arith.extui %sign3A_1351 : i1 to i32
        %sign3A_1353 = arith.constant 0 : i32
        %sign3A_1354 = arith.cmpi slt, %add3A_1350, %sign3A_1353 : i32
        %sign3A_1355 = arith.extui %sign3A_1354 : i1 to i32
        %sign3A_1356 = arith.subi %sign3A_1352, %sign3A_1355 : i32
        %sign3A_1357 = arith.constant 0 : i32
        %sign3A_1358 = arith.cmpi sgt, %jit3A, %sign3A_1357 : i32
        %sign3A_1359 = arith.extui %sign3A_1358 : i1 to i32
        %sign3A_1360 = arith.constant 0 : i32
        %sign3A_1361 = arith.cmpi slt, %jit3A, %sign3A_1360 : i32
        %sign3A_1362 = arith.extui %sign3A_1361 : i1 to i32
        %sign3A_1363 = arith.subi %sign3A_1359, %sign3A_1362 : i32
        %ne3A = arith.cmpi ne, %sign3A_1356, %sign3A_1363 : i32
        %rem3A = arith.remsi %add3A_1350, %jit3A : i32
        %ne3A_1364 = arith.constant 0 : i32
        %ne3A_1365 = arith.cmpi ne, %rem3A, %ne3A_1364 : i32
        %and3A = arith.andi %ne3A, %ne3A_1365 : i1
        %sub3A = arith.constant 1 : i32
        %sub3A_1366 = arith.subi %div3A, %sub3A : i32
        %select_n3A = arith.select %and3A, %sub3A_1366, %div3A : i32
        %jit3A_1367 = arith.constant 8 : i32
        %eq3A = arith.constant 0 : i32
        %eq3A_1368 = arith.cmpi eq, %jit3A_1367, %eq3A : i32
        %jit3A_1369 = arith.constant 1 : i32
        %select_n3A_1370 = arith.select %eq3A_1368, %jit3A_1369, %jit3A_1367 : i32
        %rem3A_1371 = arith.remsi %add3A_1350, %select_n3A_1370 : i32
        %ne3A_1372 = arith.constant 0 : i32
        %ne3A_1373 = arith.cmpi ne, %rem3A_1371, %ne3A_1372 : i32
        %lt3A_1374 = arith.constant 0 : i32
        %lt3A_1375 = arith.cmpi slt, %rem3A_1371, %lt3A_1374 : i32
        %lt3A_1376 = arith.constant 0 : i32
        %lt3A_1377 = arith.cmpi slt, %select_n3A_1370, %lt3A_1376 : i32
        %ne3A_1378 = arith.xori %lt3A_1375, %lt3A_1377 : i1
        %and3A_1379 = arith.andi %ne3A_1378, %ne3A_1373 : i1
        %add3A_1380 = arith.addi %rem3A_1371, %select_n3A_1370 : i32
        %select_n3A_1381 = arith.select %and3A_1379, %add3A_1380, %rem3A_1371 : i32
        %dma_start3A_1382 = arith.constant 0 : i32
        %dma_start3A_1383 = tpu.memref_slice %arg2[%select_n3A, %add3A, %select_n3A_1381, %dma_start3A_1382] : memref<25x32x8x128xi32, #tpu.memory_space<hbm>> -> memref<1x1x1x128xi32, #tpu.memory_space<hbm>>
        %dma_start3A_1384 = tpu.memref_squeeze %dma_start3A_1383 : memref<1x1x1x128xi32, #tpu.memory_space<hbm>> -> memref<128xi32, #tpu.memory_space<hbm>>
        %dma_start3A_1385 = arith.constant 0 : i32
        %dma_start3A_1386 = tpu.memref_slice %arg2[%select_n3A, %add3A, %select_n3A_1381, %dma_start3A_1385] : memref<25x32x8x128xi32, #tpu.memory_space<hbm>> -> memref<1x1x1x128xi32, #tpu.memory_space<hbm>>
        %dma_start3A_1387 = tpu.memref_squeeze %dma_start3A_1386 : memref<1x1x1x128xi32, #tpu.memory_space<hbm>> -> memref<128xi32, #tpu.memory_space<hbm>>
        tpu.enqueue_dma source(%dma_start3A_1387 : memref<128xi32, #tpu.memory_space<hbm>>) target(%arg9 : memref<128xi32, #tpu.memory_space<vmem>>) target_semaphore(%arg22 : memref<!tpu.dma_semaphore, #tpu.memory_space<semaphore_mem>>)
      } else {
      }
      %add3A_667 = arith.constant 2 : i32
      %add3A_668 = arith.addi %add3A_662, %add3A_667 : i32
      %lt3A_669 = arith.constant 200 : i32
      %lt3A_670 = arith.cmpi slt, %add3A_668, %lt3A_669 : i32
      %convert_element_type3A_671 = arith.extui %lt3A_670 : i1 to i32
      %cond3A_672 = arith.constant 0 : i32
      %cond3A_673 = arith.cmpi ne, %convert_element_type3A_671, %cond3A_672 : i32
      scf.if %cond3A_673 {
        %add3A_1349 = arith.constant 2 : i32
        %add3A_1350 = arith.addi %add3A_662, %add3A_1349 : i32
        %jit3A = arith.constant 8 : i32
        %div3A = arith.divsi %add3A_1350, %jit3A : i32
        %sign3A = arith.constant 0 : i32
        %sign3A_1351 = arith.cmpi sgt, %add3A_1350, %sign3A : i32
        %sign3A_1352 = arith.extui %sign3A_1351 : i1 to i32
        %sign3A_1353 = arith.constant 0 : i32
        %sign3A_1354 = arith.cmpi slt, %add3A_1350, %sign3A_1353 : i32
        %sign3A_1355 = arith.extui %sign3A_1354 : i1 to i32
        %sign3A_1356 = arith.subi %sign3A_1352, %sign3A_1355 : i32
        %sign3A_1357 = arith.constant 0 : i32
        %sign3A_1358 = arith.cmpi sgt, %jit3A, %sign3A_1357 : i32
        %sign3A_1359 = arith.extui %sign3A_1358 : i1 to i32
        %sign3A_1360 = arith.constant 0 : i32
        %sign3A_1361 = arith.cmpi slt, %jit3A, %sign3A_1360 : i32
        %sign3A_1362 = arith.extui %sign3A_1361 : i1 to i32
        %sign3A_1363 = arith.subi %sign3A_1359, %sign3A_1362 : i32
        %ne3A = arith.cmpi ne, %sign3A_1356, %sign3A_1363 : i32
        %rem3A = arith.remsi %add3A_1350, %jit3A : i32
        %ne3A_1364 = arith.constant 0 : i32
        %ne3A_1365 = arith.cmpi ne, %rem3A, %ne3A_1364 : i32
        %and3A = arith.andi %ne3A, %ne3A_1365 : i1
        %sub3A = arith.constant 1 : i32
        %sub3A_1366 = arith.subi %div3A, %sub3A : i32
        %select_n3A = arith.select %and3A, %sub3A_1366, %div3A : i32
        %jit3A_1367 = arith.constant 8 : i32
        %eq3A = arith.constant 0 : i32
        %eq3A_1368 = arith.cmpi eq, %jit3A_1367, %eq3A : i32
        %jit3A_1369 = arith.constant 1 : i32
        %select_n3A_1370 = arith.select %eq3A_1368, %jit3A_1369, %jit3A_1367 : i32
        %rem3A_1371 = arith.remsi %add3A_1350, %select_n3A_1370 : i32
        %ne3A_1372 = arith.constant 0 : i32
        %ne3A_1373 = arith.cmpi ne, %rem3A_1371, %ne3A_1372 : i32
        %lt3A_1374 = arith.constant 0 : i32
        %lt3A_1375 = arith.cmpi slt, %rem3A_1371, %lt3A_1374 : i32
        %lt3A_1376 = arith.constant 0 : i32
        %lt3A_1377 = arith.cmpi slt, %select_n3A_1370, %lt3A_1376 : i32
        %ne3A_1378 = arith.xori %lt3A_1375, %lt3A_1377 : i1
        %and3A_1379 = arith.andi %ne3A_1378, %ne3A_1373 : i1
        %add3A_1380 = arith.addi %rem3A_1371, %select_n3A_1370 : i32
        %select_n3A_1381 = arith.select %and3A_1379, %add3A_1380, %rem3A_1371 : i32
        %dma_wait3A_1382 = arith.constant 0 : i32
        %dma_wait3A_1383 = tpu.memref_slice %arg2[%select_n3A, %add3A, %select_n3A_1381, %dma_wait3A_1382] : memref<25x32x8x128xi32, #tpu.memory_space<hbm>> -> memref<1x1x1x128xi32, #tpu.memory_space<hbm>>
        %dma_wait3A_1384 = tpu.memref_squeeze %dma_wait3A_1383 : memref<1x1x1x128xi32, #tpu.memory_space<hbm>> -> memref<128xi32, #tpu.memory_space<hbm>>
        %dma_wait3A_1385 = arith.constant 0 : i32
        %dma_wait3A_1386 = tpu.memref_slice %arg2[%select_n3A, %add3A, %select_n3A_1381, %dma_wait3A_1385] : memref<25x32x8x128xi32, #tpu.memory_space<hbm>> -> memref<1x1x1x128xi32, #tpu.memory_space<hbm>>
        %dma_wait3A_1387 = tpu.memref_squeeze %dma_wait3A_1386 : memref<1x1x1x128xi32, #tpu.memory_space<hbm>> -> memref<128xi32, #tpu.memory_space<hbm>>
        tpu.wait_dma2 semaphore(%arg21 : memref<!tpu.dma_semaphore, #tpu.memory_space<semaphore_mem>>) src(%dma_wait3A_1387 : memref<128xi32, #tpu.memory_space<hbm>>) dst(%arg8 : memref<128xi32, #tpu.memory_space<vmem>>)
        %dma_start3A_1388 = arith.constant 0 : i32
        %dma_start3A_1389 = arith.constant 0 : i32
        %dma_start3A_1390 = tpu.memref_slice %arg3[%dma_start3A_1388, %dma_start3A_1389] : memref<1000000x64xf32, #tpu.memory_space<hbm>> -> memref<1000000x64xf32, #tpu.memory_space<hbm>>
        tpu.enqueue_indirect_dma source(%dma_start3A_1390 : memref<1000000x64xf32, #tpu.memory_space<hbm>>) target(%arg12 : memref<128x64xf32, #tpu.memory_space<vmem>>) offsets(%arg8 : memref<128xi32, #tpu.memory_space<vmem>>) semaphore(%arg25 : memref<!tpu.dma_semaphore, #tpu.memory_space<semaphore_mem>>)
      } else {
      }
      %dma_wait3A_674 = arith.constant 0 : i32
      %dma_wait3A_675 = arith.constant 0 : i32
      %dma_wait3A_676 = tpu.memref_slice %arg3[%dma_wait3A_674, %dma_wait3A_675] : memref<1000000x64xf32, #tpu.memory_space<hbm>> -> memref<1000000x64xf32, #tpu.memory_space<hbm>>
      tpu.wait_indirect_dma semaphore(%arg23 : memref<!tpu.dma_semaphore, #tpu.memory_space<semaphore_mem>>) src(%dma_wait3A_676 : memref<1000000x64xf32, #tpu.memory_space<hbm>>) dst(%arg10 : memref<128x64xf32, #tpu.memory_space<vmem>>)
      %ge3A = arith.constant 4 : i32
      %ge3A_677 = arith.cmpi sge, %add3A_662, %ge3A : i32
      %convert_element_type3A_678 = arith.extui %ge3A_677 : i1 to i32
      %cond3A_679 = arith.constant 0 : i32
      %cond3A_680 = arith.cmpi ne, %convert_element_type3A_678, %cond3A_679 : i32
      scf.if %cond3A_680 {
        %sub3A = arith.constant 4 : i32
        %sub3A_1349 = arith.subi %add3A_662, %sub3A : i32
        %dma_wait3A_1350 = arith.constant 0 : i32
        %dma_wait3A_1351 = arith.constant 0 : i32
        %dma_wait3A_1352 = arith.constant 0 : i32
        %dma_wait3A_1353 = arith.constant 0 : i32
        %dma_wait3A_1354 = tpu.memref_slice %arg14[%dma_wait3A_1350, %dma_wait3A_1352, %dma_wait3A_1353] : memref<8x8x128xf32, #tpu.memory_space<vmem>> -> memref<1x8x128xf32, #tpu.memory_space<vmem>>
        %dma_wait3A_1355 = tpu.memref_squeeze %dma_wait3A_1354 : memref<1x8x128xf32, #tpu.memory_space<vmem>> -> memref<8x128xf32, #tpu.memory_space<vmem>>
        %dma_wait3A_1356 = arith.constant 0 : i32
        %dma_wait3A_1357 = arith.constant 0 : i32
        %dma_wait3A_1358 = tpu.memref_slice %arg5[%sub3A_1349, %dma_wait3A_1351, %add3A, %dma_wait3A_1356, %dma_wait3A_1357] : memref<200x8x32x8x128xf32, #tpu.memory_space<hbm>> -> memref<1x1x1x8x128xf32, #tpu.memory_space<hbm>>
        %dma_wait3A_1359 = tpu.memref_squeeze %dma_wait3A_1358 : memref<1x1x1x8x128xf32, #tpu.memory_space<hbm>> -> memref<8x128xf32, #tpu.memory_space<hbm>>
        %dma_wait3A_1360 = arith.constant 0 : i32
        %dma_wait3A_1361 = arith.constant 0 : i32
        %dma_wait3A_1362 = tpu.memref_slice %arg5[%sub3A_1349, %dma_wait3A_1351, %add3A, %dma_wait3A_1360, %dma_wait3A_1361] : memref<200x8x32x8x128xf32, #tpu.memory_space<hbm>> -> memref<1x1x1x8x128xf32, #tpu.memory_space<hbm>>
        %dma_wait3A_1363 = tpu.memref_squeeze %dma_wait3A_1362 : memref<1x1x1x8x128xf32, #tpu.memory_space<hbm>> -> memref<8x128xf32, #tpu.memory_space<hbm>>
        %dma_wait3A_1364 = arith.constant 0 : i32
        %dma_wait3A_1365 = arith.constant 0 : i32
        %dma_wait3A_1366 = tpu.memref_slice %arg14[%dma_wait3A_1350, %dma_wait3A_1364, %dma_wait3A_1365] : memref<8x8x128xf32, #tpu.memory_space<vmem>> -> memref<1x8x128xf32, #tpu.memory_space<vmem>>
        %dma_wait3A_1367 = tpu.memref_squeeze %dma_wait3A_1366 : memref<1x8x128xf32, #tpu.memory_space<vmem>> -> memref<8x128xf32, #tpu.memory_space<vmem>>
        tpu.wait_dma2 semaphore(%arg27 : memref<!tpu.dma_semaphore, #tpu.memory_space<semaphore_mem>>) src(%dma_wait3A_1367 : memref<8x128xf32, #tpu.memory_space<vmem>>) dst(%dma_wait3A_1363 : memref<8x128xf32, #tpu.memory_space<hbm>>)
        %dma_wait3A_1368 = arith.constant 1 : i32
        %dma_wait3A_1369 = arith.constant 1 : i32
        %dma_wait3A_1370 = arith.constant 0 : i32
        %dma_wait3A_1371 = arith.constant 0 : i32
        %dma_wait3A_1372 = tpu.memref_slice %arg14[%dma_wait3A_1368, %dma_wait3A_1370, %dma_wait3A_1371] : memref<8x8x128xf32, #tpu.memory_space<vmem>> -> memref<1x8x128xf32, #tpu.memory_space<vmem>>
        %dma_wait3A_1373 = tpu.memref_squeeze %dma_wait3A_1372 : memref<1x8x128xf32, #tpu.memory_space<vmem>> -> memref<8x128xf32, #tpu.memory_space<vmem>>
        %dma_wait3A_1374 = arith.constant 0 : i32
        %dma_wait3A_1375 = arith.constant 0 : i32
        %dma_wait3A_1376 = tpu.memref_slice %arg5[%sub3A_1349, %dma_wait3A_1369, %add3A, %dma_wait3A_1374, %dma_wait3A_1375] : memref<200x8x32x8x128xf32, #tpu.memory_space<hbm>> -> memref<1x1x1x8x128xf32, #tpu.memory_space<hbm>>
        %dma_wait3A_1377 = tpu.memref_squeeze %dma_wait3A_1376 : memref<1x1x1x8x128xf32, #tpu.memory_space<hbm>> -> memref<8x128xf32, #tpu.memory_space<hbm>>
        %dma_wait3A_1378 = arith.constant 0 : i32
        %dma_wait3A_1379 = arith.constant 0 : i32
        %dma_wait3A_1380 = tpu.memref_slice %arg5[%sub3A_1349, %dma_wait3A_1369, %add3A, %dma_wait3A_1378, %dma_wait3A_1379] : memref<200x8x32x8x128xf32, #tpu.memory_space<hbm>> -> memref<1x1x1x8x128xf32, #tpu.memory_space<hbm>>
        %dma_wait3A_1381 = tpu.memref_squeeze %dma_wait3A_1380 : memref<1x1x1x8x128xf32, #tpu.memory_space<hbm>> -> memref<8x128xf32, #tpu.memory_space<hbm>>
        %dma_wait3A_1382 = arith.constant 0 : i32
        %dma_wait3A_1383 = arith.constant 0 : i32
        %dma_wait3A_1384 = tpu.memref_slice %arg14[%dma_wait3A_1368, %dma_wait3A_1382, %dma_wait3A_1383] : memref<8x8x128xf32, #tpu.memory_space<vmem>> -> memref<1x8x128xf32, #tpu.memory_space<vmem>>
        %dma_wait3A_1385 = tpu.memref_squeeze %dma_wait3A_1384 : memref<1x8x128xf32, #tpu.memory_space<vmem>> -> memref<8x128xf32, #tpu.memory_space<vmem>>
        tpu.wait_dma2 semaphore(%arg27 : memref<!tpu.dma_semaphore, #tpu.memory_space<semaphore_mem>>) src(%dma_wait3A_1385 : memref<8x128xf32, #tpu.memory_space<vmem>>) dst(%dma_wait3A_1381 : memref<8x128xf32, #tpu.memory_space<hbm>>)
        %dma_wait3A_1386 = arith.constant 2 : i32
        %dma_wait3A_1387 = arith.constant 2 : i32
        %dma_wait3A_1388 = arith.constant 0 : i32
        %dma_wait3A_1389 = arith.constant 0 : i32
        %dma_wait3A_1390 = tpu.memref_slice %arg14[%dma_wait3A_1386, %dma_wait3A_1388, %dma_wait3A_1389] : memref<8x8x128xf32, #tpu.memory_space<vmem>> -> memref<1x8x128xf32, #tpu.memory_space<vmem>>
        %dma_wait3A_1391 = tpu.memref_squeeze %dma_wait3A_1390 : memref<1x8x128xf32, #tpu.memory_space<vmem>> -> memref<8x128xf32, #tpu.memory_space<vmem>>
        %dma_wait3A_1392 = arith.constant 0 : i32
        %dma_wait3A_1393 = arith.constant 0 : i32
        %dma_wait3A_1394 = tpu.memref_slice %arg5[%sub3A_1349, %dma_wait3A_1387, %add3A, %dma_wait3A_1392, %dma_wait3A_1393] : memref<200x8x32x8x128xf32, #tpu.memory_space<hbm>> -> memref<1x1x1x8x128xf32, #tpu.memory_space<hbm>>
        %dma_wait3A_1395 = tpu.memref_squeeze %dma_wait3A_1394 : memref<1x1x1x8x128xf32, #tpu.memory_space<hbm>> -> memref<8x128xf32, #tpu.memory_space<hbm>>
        %dma_wait3A_1396 = arith.constant 0 : i32
        %dma_wait3A_1397 = arith.constant 0 : i32
        %dma_wait3A_1398 = tpu.memref_slice %arg5[%sub3A_1349, %dma_wait3A_1387, %add3A, %dma_wait3A_1396, %dma_wait3A_1397] : memref<200x8x32x8x128xf32, #tpu.memory_space<hbm>> -> memref<1x1x1x8x128xf32, #tpu.memory_space<hbm>>
        %dma_wait3A_1399 = tpu.memref_squeeze %dma_wait3A_1398 : memref<1x1x1x8x128xf32, #tpu.memory_space<hbm>> -> memref<8x128xf32, #tpu.memory_space<hbm>>
        %dma_wait3A_1400 = arith.constant 0 : i32
        %dma_wait3A_1401 = arith.constant 0 : i32
        %dma_wait3A_1402 = tpu.memref_slice %arg14[%dma_wait3A_1386, %dma_wait3A_1400, %dma_wait3A_1401] : memref<8x8x128xf32, #tpu.memory_space<vmem>> -> memref<1x8x128xf32, #tpu.memory_space<vmem>>
        %dma_wait3A_1403 = tpu.memref_squeeze %dma_wait3A_1402 : memref<1x8x128xf32, #tpu.memory_space<vmem>> -> memref<8x128xf32, #tpu.memory_space<vmem>>
        tpu.wait_dma2 semaphore(%arg27 : memref<!tpu.dma_semaphore, #tpu.memory_space<semaphore_mem>>) src(%dma_wait3A_1403 : memref<8x128xf32, #tpu.memory_space<vmem>>) dst(%dma_wait3A_1399 : memref<8x128xf32, #tpu.memory_space<hbm>>)
        %dma_wait3A_1404 = arith.constant 3 : i32
        %dma_wait3A_1405 = arith.constant 3 : i32
        %dma_wait3A_1406 = arith.constant 0 : i32
        %dma_wait3A_1407 = arith.constant 0 : i32
        %dma_wait3A_1408 = tpu.memref_slice %arg14[%dma_wait3A_1404, %dma_wait3A_1406, %dma_wait3A_1407] : memref<8x8x128xf32, #tpu.memory_space<vmem>> -> memref<1x8x128xf32, #tpu.memory_space<vmem>>
        %dma_wait3A_1409 = tpu.memref_squeeze %dma_wait3A_1408 : memref<1x8x128xf32, #tpu.memory_space<vmem>> -> memref<8x128xf32, #tpu.memory_space<vmem>>
        %dma_wait3A_1410 = arith.constant 0 : i32
        %dma_wait3A_1411 = arith.constant 0 : i32
        %dma_wait3A_1412 = tpu.memref_slice %arg5[%sub3A_1349, %dma_wait3A_1405, %add3A, %dma_wait3A_1410, %dma_wait3A_1411] : memref<200x8x32x8x128xf32, #tpu.memory_space<hbm>> -> memref<1x1x1x8x128xf32, #tpu.memory_space<hbm>>
        %dma_wait3A_1413 = tpu.memref_squeeze %dma_wait3A_1412 : memref<1x1x1x8x128xf32, #tpu.memory_space<hbm>> -> memref<8x128xf32, #tpu.memory_space<hbm>>
        %dma_wait3A_1414 = arith.constant 0 : i32
        %dma_wait3A_1415 = arith.constant 0 : i32
        %dma_wait3A_1416 = tpu.memref_slice %arg5[%sub3A_1349, %dma_wait3A_1405, %add3A, %dma_wait3A_1414, %dma_wait3A_1415] : memref<200x8x32x8x128xf32, #tpu.memory_space<hbm>> -> memref<1x1x1x8x128xf32, #tpu.memory_space<hbm>>
        %dma_wait3A_1417 = tpu.memref_squeeze %dma_wait3A_1416 : memref<1x1x1x8x128xf32, #tpu.memory_space<hbm>> -> memref<8x128xf32, #tpu.memory_space<hbm>>
        %dma_wait3A_1418 = arith.constant 0 : i32
        %dma_wait3A_1419 = arith.constant 0 : i32
        %dma_wait3A_1420 = tpu.memref_slice %arg14[%dma_wait3A_1404, %dma_wait3A_1418, %dma_wait3A_1419] : memref<8x8x128xf32, #tpu.memory_space<vmem>> -> memref<1x8x128xf32, #tpu.memory_space<vmem>>
        %dma_wait3A_1421 = tpu.memref_squeeze %dma_wait3A_1420 : memref<1x8x128xf32, #tpu.memory_space<vmem>> -> memref<8x128xf32, #tpu.memory_space<vmem>>
        tpu.wait_dma2 semaphore(%arg27 : memref<!tpu.dma_semaphore, #tpu.memory_space<semaphore_mem>>) src(%dma_wait3A_1421 : memref<8x128xf32, #tpu.memory_space<vmem>>) dst(%dma_wait3A_1417 : memref<8x128xf32, #tpu.memory_space<hbm>>)
        %dma_wait3A_1422 = arith.constant 4 : i32
        %dma_wait3A_1423 = arith.constant 4 : i32
        %dma_wait3A_1424 = arith.constant 0 : i32
        %dma_wait3A_1425 = arith.constant 0 : i32
        %dma_wait3A_1426 = tpu.memref_slice %arg14[%dma_wait3A_1422, %dma_wait3A_1424, %dma_wait3A_1425] : memref<8x8x128xf32, #tpu.memory_space<vmem>> -> memref<1x8x128xf32, #tpu.memory_space<vmem>>
        %dma_wait3A_1427 = tpu.memref_squeeze %dma_wait3A_1426 : memref<1x8x128xf32, #tpu.memory_space<vmem>> -> memref<8x128xf32, #tpu.memory_space<vmem>>
        %dma_wait3A_1428 = arith.constant 0 : i32
        %dma_wait3A_1429 = arith.constant 0 : i32
        %dma_wait3A_1430 = tpu.memref_slice %arg5[%sub3A_1349, %dma_wait3A_1423, %add3A, %dma_wait3A_1428, %dma_wait3A_1429] : memref<200x8x32x8x128xf32, #tpu.memory_space<hbm>> -> memref<1x1x1x8x128xf32, #tpu.memory_space<hbm>>
        %dma_wait3A_1431 = tpu.memref_squeeze %dma_wait3A_1430 : memref<1x1x1x8x128xf32, #tpu.memory_space<hbm>> -> memref<8x128xf32, #tpu.memory_space<hbm>>
        %dma_wait3A_1432 = arith.constant 0 : i32
        %dma_wait3A_1433 = arith.constant 0 : i32
        %dma_wait3A_1434 = tpu.memref_slice %arg5[%sub3A_1349, %dma_wait3A_1423, %add3A, %dma_wait3A_1432, %dma_wait3A_1433] : memref<200x8x32x8x128xf32, #tpu.memory_space<hbm>> -> memref<1x1x1x8x128xf32, #tpu.memory_space<hbm>>
        %dma_wait3A_1435 = tpu.memref_squeeze %dma_wait3A_1434 : memref<1x1x1x8x128xf32, #tpu.memory_space<hbm>> -> memref<8x128xf32, #tpu.memory_space<hbm>>
        %dma_wait3A_1436 = arith.constant 0 : i32
        %dma_wait3A_1437 = arith.constant 0 : i32
        %dma_wait3A_1438 = tpu.memref_slice %arg14[%dma_wait3A_1422, %dma_wait3A_1436, %dma_wait3A_1437] : memref<8x8x128xf32, #tpu.memory_space<vmem>> -> memref<1x8x128xf32, #tpu.memory_space<vmem>>
        %dma_wait3A_1439 = tpu.memref_squeeze %dma_wait3A_1438 : memref<1x8x128xf32, #tpu.memory_space<vmem>> -> memref<8x128xf32, #tpu.memory_space<vmem>>
        tpu.wait_dma2 semaphore(%arg27 : memref<!tpu.dma_semaphore, #tpu.memory_space<semaphore_mem>>) src(%dma_wait3A_1439 : memref<8x128xf32, #tpu.memory_space<vmem>>) dst(%dma_wait3A_1435 : memref<8x128xf32, #tpu.memory_space<hbm>>)
        %dma_wait3A_1440 = arith.constant 5 : i32
        %dma_wait3A_1441 = arith.constant 5 : i32
        %dma_wait3A_1442 = arith.constant 0 : i32
        %dma_wait3A_1443 = arith.constant 0 : i32
        %dma_wait3A_1444 = tpu.memref_slice %arg14[%dma_wait3A_1440, %dma_wait3A_1442, %dma_wait3A_1443] : memref<8x8x128xf32, #tpu.memory_space<vmem>> -> memref<1x8x128xf32, #tpu.memory_space<vmem>>
        %dma_wait3A_1445 = tpu.memref_squeeze %dma_wait3A_1444 : memref<1x8x128xf32, #tpu.memory_space<vmem>> -> memref<8x128xf32, #tpu.memory_space<vmem>>
        %dma_wait3A_1446 = arith.constant 0 : i32
        %dma_wait3A_1447 = arith.constant 0 : i32
        %dma_wait3A_1448 = tpu.memref_slice %arg5[%sub3A_1349, %dma_wait3A_1441, %add3A, %dma_wait3A_1446, %dma_wait3A_1447] : memref<200x8x32x8x128xf32, #tpu.memory_space<hbm>> -> memref<1x1x1x8x128xf32, #tpu.memory_space<hbm>>
        %dma_wait3A_1449 = tpu.memref_squeeze %dma_wait3A_1448 : memref<1x1x1x8x128xf32, #tpu.memory_space<hbm>> -> memref<8x128xf32, #tpu.memory_space<hbm>>
        %dma_wait3A_1450 = arith.constant 0 : i32
        %dma_wait3A_1451 = arith.constant 0 : i32
        %dma_wait3A_1452 = tpu.memref_slice %arg5[%sub3A_1349, %dma_wait3A_1441, %add3A, %dma_wait3A_1450, %dma_wait3A_1451] : memref<200x8x32x8x128xf32, #tpu.memory_space<hbm>> -> memref<1x1x1x8x128xf32, #tpu.memory_space<hbm>>
        %dma_wait3A_1453 = tpu.memref_squeeze %dma_wait3A_1452 : memref<1x1x1x8x128xf32, #tpu.memory_space<hbm>> -> memref<8x128xf32, #tpu.memory_space<hbm>>
        %dma_wait3A_1454 = arith.constant 0 : i32
        %dma_wait3A_1455 = arith.constant 0 : i32
        %dma_wait3A_1456 = tpu.memref_slice %arg14[%dma_wait3A_1440, %dma_wait3A_1454, %dma_wait3A_1455] : memref<8x8x128xf32, #tpu.memory_space<vmem>> -> memref<1x8x128xf32, #tpu.memory_space<vmem>>
        %dma_wait3A_1457 = tpu.memref_squeeze %dma_wait3A_1456 : memref<1x8x128xf32, #tpu.memory_space<vmem>> -> memref<8x128xf32, #tpu.memory_space<vmem>>
        tpu.wait_dma2 semaphore(%arg27 : memref<!tpu.dma_semaphore, #tpu.memory_space<semaphore_mem>>) src(%dma_wait3A_1457 : memref<8x128xf32, #tpu.memory_space<vmem>>) dst(%dma_wait3A_1453 : memref<8x128xf32, #tpu.memory_space<hbm>>)
        %dma_wait3A_1458 = arith.constant 6 : i32
        %dma_wait3A_1459 = arith.constant 6 : i32
        %dma_wait3A_1460 = arith.constant 0 : i32
        %dma_wait3A_1461 = arith.constant 0 : i32
        %dma_wait3A_1462 = tpu.memref_slice %arg14[%dma_wait3A_1458, %dma_wait3A_1460, %dma_wait3A_1461] : memref<8x8x128xf32, #tpu.memory_space<vmem>> -> memref<1x8x128xf32, #tpu.memory_space<vmem>>
        %dma_wait3A_1463 = tpu.memref_squeeze %dma_wait3A_1462 : memref<1x8x128xf32, #tpu.memory_space<vmem>> -> memref<8x128xf32, #tpu.memory_space<vmem>>
        %dma_wait3A_1464 = arith.constant 0 : i32
        %dma_wait3A_1465 = arith.constant 0 : i32
        %dma_wait3A_1466 = tpu.memref_slice %arg5[%sub3A_1349, %dma_wait3A_1459, %add3A, %dma_wait3A_1464, %dma_wait3A_1465] : memref<200x8x32x8x128xf32, #tpu.memory_space<hbm>> -> memref<1x1x1x8x128xf32, #tpu.memory_space<hbm>>
        %dma_wait3A_1467 = tpu.memref_squeeze %dma_wait3A_1466 : memref<1x1x1x8x128xf32, #tpu.memory_space<hbm>> -> memref<8x128xf32, #tpu.memory_space<hbm>>
        %dma_wait3A_1468 = arith.constant 0 : i32
        %dma_wait3A_1469 = arith.constant 0 : i32
        %dma_wait3A_1470 = tpu.memref_slice %arg5[%sub3A_1349, %dma_wait3A_1459, %add3A, %dma_wait3A_1468, %dma_wait3A_1469] : memref<200x8x32x8x128xf32, #tpu.memory_space<hbm>> -> memref<1x1x1x8x128xf32, #tpu.memory_space<hbm>>
        %dma_wait3A_1471 = tpu.memref_squeeze %dma_wait3A_1470 : memref<1x1x1x8x128xf32, #tpu.memory_space<hbm>> -> memref<8x128xf32, #tpu.memory_space<hbm>>
        %dma_wait3A_1472 = arith.constant 0 : i32
        %dma_wait3A_1473 = arith.constant 0 : i32
        %dma_wait3A_1474 = tpu.memref_slice %arg14[%dma_wait3A_1458, %dma_wait3A_1472, %dma_wait3A_1473] : memref<8x8x128xf32, #tpu.memory_space<vmem>> -> memref<1x8x128xf32, #tpu.memory_space<vmem>>
        %dma_wait3A_1475 = tpu.memref_squeeze %dma_wait3A_1474 : memref<1x8x128xf32, #tpu.memory_space<vmem>> -> memref<8x128xf32, #tpu.memory_space<vmem>>
        tpu.wait_dma2 semaphore(%arg27 : memref<!tpu.dma_semaphore, #tpu.memory_space<semaphore_mem>>) src(%dma_wait3A_1475 : memref<8x128xf32, #tpu.memory_space<vmem>>) dst(%dma_wait3A_1471 : memref<8x128xf32, #tpu.memory_space<hbm>>)
        %dma_wait3A_1476 = arith.constant 7 : i32
        %dma_wait3A_1477 = arith.constant 7 : i32
        %dma_wait3A_1478 = arith.constant 0 : i32
        %dma_wait3A_1479 = arith.constant 0 : i32
        %dma_wait3A_1480 = tpu.memref_slice %arg14[%dma_wait3A_1476, %dma_wait3A_1478, %dma_wait3A_1479] : memref<8x8x128xf32, #tpu.memory_space<vmem>> -> memref<1x8x128xf32, #tpu.memory_space<vmem>>
        %dma_wait3A_1481 = tpu.memref_squeeze %dma_wait3A_1480 : memref<1x8x128xf32, #tpu.memory_space<vmem>> -> memref<8x128xf32, #tpu.memory_space<vmem>>
        %dma_wait3A_1482 = arith.constant 0 : i32
        %dma_wait3A_1483 = arith.constant 0 : i32
        %dma_wait3A_1484 = tpu.memref_slice %arg5[%sub3A_1349, %dma_wait3A_1477, %add3A, %dma_wait3A_1482, %dma_wait3A_1483] : memref<200x8x32x8x128xf32, #tpu.memory_space<hbm>> -> memref<1x1x1x8x128xf32, #tpu.memory_space<hbm>>
        %dma_wait3A_1485 = tpu.memref_squeeze %dma_wait3A_1484 : memref<1x1x1x8x128xf32, #tpu.memory_space<hbm>> -> memref<8x128xf32, #tpu.memory_space<hbm>>
        %dma_wait3A_1486 = arith.constant 0 : i32
        %dma_wait3A_1487 = arith.constant 0 : i32
        %dma_wait3A_1488 = tpu.memref_slice %arg5[%sub3A_1349, %dma_wait3A_1477, %add3A, %dma_wait3A_1486, %dma_wait3A_1487] : memref<200x8x32x8x128xf32, #tpu.memory_space<hbm>> -> memref<1x1x1x8x128xf32, #tpu.memory_space<hbm>>
        %dma_wait3A_1489 = tpu.memref_squeeze %dma_wait3A_1488 : memref<1x1x1x8x128xf32, #tpu.memory_space<hbm>> -> memref<8x128xf32, #tpu.memory_space<hbm>>
        %dma_wait3A_1490 = arith.constant 0 : i32
        %dma_wait3A_1491 = arith.constant 0 : i32
        %dma_wait3A_1492 = tpu.memref_slice %arg14[%dma_wait3A_1476, %dma_wait3A_1490, %dma_wait3A_1491] : memref<8x8x128xf32, #tpu.memory_space<vmem>> -> memref<1x8x128xf32, #tpu.memory_space<vmem>>
        %dma_wait3A_1493 = tpu.memref_squeeze %dma_wait3A_1492 : memref<1x8x128xf32, #tpu.memory_space<vmem>> -> memref<8x128xf32, #tpu.memory_space<vmem>>
        tpu.wait_dma2 semaphore(%arg27 : memref<!tpu.dma_semaphore, #tpu.memory_space<semaphore_mem>>) src(%dma_wait3A_1493 : memref<8x128xf32, #tpu.memory_space<vmem>>) dst(%dma_wait3A_1489 : memref<8x128xf32, #tpu.memory_space<hbm>>)
      } else {
      }
      %broadcast_in_dim3A = vector.broadcast %add3A_662 : i32 to vector<16xi32>
      %parallel_loop3A = arith.constant 0 : i32
      %parallel_loop3A_681 = arith.constant 64 : i32
      %parallel_loop3A_682 = arith.constant 1 : i32
      scf.for %parallel_loop3A_1349 = %parallel_loop3A to %parallel_loop3A_681 step %parallel_loop3A_682  : i32 {
        %parallel_loop3A_1350 = vector.broadcast %parallel_loop3A_1349 : i32 to vector<16xi32>
        %parallel_loop3A_1351 = tpu.vector_load_idx %arg18[%broadcast_in_dim3A, %parallel_loop3A_1350] : memref<200x64xf32, #tpu.memory_space<vmem>>[vector<16xi32>, vector<16xi32>], vector<16xf32>,
        %parallel_loop3A_1352 = arith.constant 3 : i32
        %parallel_loop3A_1353 = arith.shrui %parallel_loop3A_1349, %parallel_loop3A_1352 : i32
        %parallel_loop3A_1354 = arith.constant 7 : i32
        %parallel_loop3A_1355 = arith.andi %parallel_loop3A_1349, %parallel_loop3A_1354 : i32
        %parallel_loop3A_1356 = arith.constant 0 : i32
        %parallel_loop3A_1357 = vector.broadcast %parallel_loop3A_1356 : i32 to vector<16xi32>
        %parallel_loop3A_1358 = arith.addi %iota3A, %parallel_loop3A_1357 : vector<16xi32>
        %parallel_loop3A_1359 = tpu.vector_load_idx %arg10[%parallel_loop3A_1358, %parallel_loop3A_1350] : memref<128x64xf32, #tpu.memory_space<vmem>>[vector<16xi32>, vector<16xi32>], vector<16xf32>,
        %parallel_loop3A_1360 = arith.constant 8.000000e+00 : f32
        %parallel_loop3A_1361 = vector.broadcast %parallel_loop3A_1360 : f32 to vector<16xf32>
        %parallel_loop3A_1362 = arith.mulf %parallel_loop3A_1359, %parallel_loop3A_1361 : vector<16xf32>
        %parallel_loop3A_1363 = arith.addf %parallel_loop3A_1362, %parallel_loop3A_1351 : vector<16xf32>
        %parallel_loop3A_1364 = arith.index_cast %parallel_loop3A_1353 : i32 to index
        %parallel_loop3A_1365 = arith.index_cast %parallel_loop3A_1355 : i32 to index
        %parallel_loop3A_1366 = arith.constant 0 : index
        %parallel_loop3A_1367 = tpu.vector_load %arg14[%parallel_loop3A_1364, %parallel_loop3A_1365, %parallel_loop3A_1366] {strides = array<i32>} : memref<8x8x128xf32, #tpu.memory_space<vmem>>, vector<16xf32>,
        tpu.vector_store %arg14[%parallel_loop3A_1364, %parallel_loop3A_1365, %parallel_loop3A_1366], %parallel_loop3A_1363 {strides = array<i32>} : memref<8x8x128xf32, #tpu.memory_space<vmem>>, vector<16xf32>,
        %parallel_loop3A_1368 = arith.constant 16 : i32
        %parallel_loop3A_1369 = vector.broadcast %parallel_loop3A_1368 : i32 to vector<16xi32>
        %parallel_loop3A_1370 = arith.addi %iota3A, %parallel_loop3A_1369 : vector<16xi32>
        %parallel_loop3A_1371 = tpu.vector_load_idx %arg10[%parallel_loop3A_1370, %parallel_loop3A_1350] : memref<128x64xf32, #tpu.memory_space<vmem>>[vector<16xi32>, vector<16xi32>], vector<16xf32>,
        %parallel_loop3A_1372 = arith.constant 8.000000e+00 : f32
        %parallel_loop3A_1373 = vector.broadcast %parallel_loop3A_1372 : f32 to vector<16xf32>
        %parallel_loop3A_1374 = arith.mulf %parallel_loop3A_1371, %parallel_loop3A_1373 : vector<16xf32>
        %parallel_loop3A_1375 = arith.addf %parallel_loop3A_1374, %parallel_loop3A_1351 : vector<16xf32>
        %parallel_loop3A_1376 = arith.index_cast %parallel_loop3A_1353 : i32 to index
        %parallel_loop3A_1377 = arith.index_cast %parallel_loop3A_1355 : i32 to index
        %parallel_loop3A_1378 = arith.constant 16 : index
        %parallel_loop3A_1379 = tpu.vector_load %arg14[%parallel_loop3A_1376, %parallel_loop3A_1377, %parallel_loop3A_1378] {strides = array<i32>} : memref<8x8x128xf32, #tpu.memory_space<vmem>>, vector<16xf32>,
        tpu.vector_store %arg14[%parallel_loop3A_1376, %parallel_loop3A_1377, %parallel_loop3A_1378], %parallel_loop3A_1375 {strides = array<i32>} : memref<8x8x128xf32, #tpu.memory_space<vmem>>, vector<16xf32>,
        %parallel_loop3A_1380 = arith.constant 32 : i32
        %parallel_loop3A_1381 = vector.broadcast %parallel_loop3A_1380 : i32 to vector<16xi32>
        %parallel_loop3A_1382 = arith.addi %iota3A, %parallel_loop3A_1381 : vector<16xi32>
        %parallel_loop3A_1383 = tpu.vector_load_idx %arg10[%parallel_loop3A_1382, %parallel_loop3A_1350] : memref<128x64xf32, #tpu.memory_space<vmem>>[vector<16xi32>, vector<16xi32>], vector<16xf32>,
        %parallel_loop3A_1384 = arith.constant 8.000000e+00 : f32
        %parallel_loop3A_1385 = vector.broadcast %parallel_loop3A_1384 : f32 to vector<16xf32>
        %parallel_loop3A_1386 = arith.mulf %parallel_loop3A_1383, %parallel_loop3A_1385 : vector<16xf32>
        %parallel_loop3A_1387 = arith.addf %parallel_loop3A_1386, %parallel_loop3A_1351 : vector<16xf32>
        %parallel_loop3A_1388 = arith.index_cast %parallel_loop3A_1353 : i32 to index
        %parallel_loop3A_1389 = arith.index_cast %parallel_loop3A_1355 : i32 to index
        %parallel_loop3A_1390 = arith.constant 32 : index
        %parallel_loop3A_1391 = tpu.vector_load %arg14[%parallel_loop3A_1388, %parallel_loop3A_1389, %parallel_loop3A_1390] {strides = array<i32>} : memref<8x8x128xf32, #tpu.memory_space<vmem>>, vector<16xf32>,
        tpu.vector_store %arg14[%parallel_loop3A_1388, %parallel_loop3A_1389, %parallel_loop3A_1390], %parallel_loop3A_1387 {strides = array<i32>} : memref<8x8x128xf32, #tpu.memory_space<vmem>>, vector<16xf32>,
        %parallel_loop3A_1392 = arith.constant 48 : i32
        %parallel_loop3A_1393 = vector.broadcast %parallel_loop3A_1392 : i32 to vector<16xi32>
        %parallel_loop3A_1394 = arith.addi %iota3A, %parallel_loop3A_1393 : vector<16xi32>
        %parallel_loop3A_1395 = tpu.vector_load_idx %arg10[%parallel_loop3A_1394, %parallel_loop3A_1350] : memref<128x64xf32, #tpu.memory_space<vmem>>[vector<16xi32>, vector<16xi32>], vector<16xf32>,
        %parallel_loop3A_1396 = arith.constant 8.000000e+00 : f32
        %parallel_loop3A_1397 = vector.broadcast %parallel_loop3A_1396 : f32 to vector<16xf32>
        %parallel_loop3A_1398 = arith.mulf %parallel_loop3A_1395, %parallel_loop3A_1397 : vector<16xf32>
        %parallel_loop3A_1399 = arith.addf %parallel_loop3A_1398, %parallel_loop3A_1351 : vector<16xf32>
        %parallel_loop3A_1400 = arith.index_cast %parallel_loop3A_1353 : i32 to index
        %parallel_loop3A_1401 = arith.index_cast %parallel_loop3A_1355 : i32 to index
        %parallel_loop3A_1402 = arith.constant 48 : index
        %parallel_loop3A_1403 = tpu.vector_load %arg14[%parallel_loop3A_1400, %parallel_loop3A_1401, %parallel_loop3A_1402] {strides = array<i32>} : memref<8x8x128xf32, #tpu.memory_space<vmem>>, vector<16xf32>,
        tpu.vector_store %arg14[%parallel_loop3A_1400, %parallel_loop3A_1401, %parallel_loop3A_1402], %parallel_loop3A_1399 {strides = array<i32>} : memref<8x8x128xf32, #tpu.memory_space<vmem>>, vector<16xf32>,
        %parallel_loop3A_1404 = arith.constant 64 : i32
        %parallel_loop3A_1405 = vector.broadcast %parallel_loop3A_1404 : i32 to vector<16xi32>
        %parallel_loop3A_1406 = arith.addi %iota3A, %parallel_loop3A_1405 : vector<16xi32>
        %parallel_loop3A_1407 = tpu.vector_load_idx %arg10[%parallel_loop3A_1406, %parallel_loop3A_1350] : memref<128x64xf32, #tpu.memory_space<vmem>>[vector<16xi32>, vector<16xi32>], vector<16xf32>,
        %parallel_loop3A_1408 = arith.constant 8.000000e+00 : f32
        %parallel_loop3A_1409 = vector.broadcast %parallel_loop3A_1408 : f32 to vector<16xf32>
        %parallel_loop3A_1410 = arith.mulf %parallel_loop3A_1407, %parallel_loop3A_1409 : vector<16xf32>
        %parallel_loop3A_1411 = arith.addf %parallel_loop3A_1410, %parallel_loop3A_1351 : vector<16xf32>
        %parallel_loop3A_1412 = arith.index_cast %parallel_loop3A_1353 : i32 to index
        %parallel_loop3A_1413 = arith.index_cast %parallel_loop3A_1355 : i32 to index
        %parallel_loop3A_1414 = arith.constant 64 : index
        %parallel_loop3A_1415 = tpu.vector_load %arg14[%parallel_loop3A_1412, %parallel_loop3A_1413, %parallel_loop3A_1414] {strides = array<i32>} : memref<8x8x128xf32, #tpu.memory_space<vmem>>, vector<16xf32>,
        tpu.vector_store %arg14[%parallel_loop3A_1412, %parallel_loop3A_1413, %parallel_loop3A_1414], %parallel_loop3A_1411 {strides = array<i32>} : memref<8x8x128xf32, #tpu.memory_space<vmem>>, vector<16xf32>,
        %parallel_loop3A_1416 = arith.constant 80 : i32
        %parallel_loop3A_1417 = vector.broadcast %parallel_loop3A_1416 : i32 to vector<16xi32>
        %parallel_loop3A_1418 = arith.addi %iota3A, %parallel_loop3A_1417 : vector<16xi32>
        %parallel_loop3A_1419 = tpu.vector_load_idx %arg10[%parallel_loop3A_1418, %parallel_loop3A_1350] : memref<128x64xf32, #tpu.memory_space<vmem>>[vector<16xi32>, vector<16xi32>], vector<16xf32>,
        %parallel_loop3A_1420 = arith.constant 8.000000e+00 : f32
        %parallel_loop3A_1421 = vector.broadcast %parallel_loop3A_1420 : f32 to vector<16xf32>
        %parallel_loop3A_1422 = arith.mulf %parallel_loop3A_1419, %parallel_loop3A_1421 : vector<16xf32>
        %parallel_loop3A_1423 = arith.addf %parallel_loop3A_1422, %parallel_loop3A_1351 : vector<16xf32>
        %parallel_loop3A_1424 = arith.index_cast %parallel_loop3A_1353 : i32 to index
        %parallel_loop3A_1425 = arith.index_cast %parallel_loop3A_1355 : i32 to index
        %parallel_loop3A_1426 = arith.constant 80 : index
        %parallel_loop3A_1427 = tpu.vector_load %arg14[%parallel_loop3A_1424, %parallel_loop3A_1425, %parallel_loop3A_1426] {strides = array<i32>} : memref<8x8x128xf32, #tpu.memory_space<vmem>>, vector<16xf32>,
        tpu.vector_store %arg14[%parallel_loop3A_1424, %parallel_loop3A_1425, %parallel_loop3A_1426], %parallel_loop3A_1423 {strides = array<i32>} : memref<8x8x128xf32, #tpu.memory_space<vmem>>, vector<16xf32>,
        %parallel_loop3A_1428 = arith.constant 96 : i32
        %parallel_loop3A_1429 = vector.broadcast %parallel_loop3A_1428 : i32 to vector<16xi32>
        %parallel_loop3A_1430 = arith.addi %iota3A, %parallel_loop3A_1429 : vector<16xi32>
        %parallel_loop3A_1431 = tpu.vector_load_idx %arg10[%parallel_loop3A_1430, %parallel_loop3A_1350] : memref<128x64xf32, #tpu.memory_space<vmem>>[vector<16xi32>, vector<16xi32>], vector<16xf32>,
        %parallel_loop3A_1432 = arith.constant 8.000000e+00 : f32
        %parallel_loop3A_1433 = vector.broadcast %parallel_loop3A_1432 : f32 to vector<16xf32>
        %parallel_loop3A_1434 = arith.mulf %parallel_loop3A_1431, %parallel_loop3A_1433 : vector<16xf32>
        %parallel_loop3A_1435 = arith.addf %parallel_loop3A_1434, %parallel_loop3A_1351 : vector<16xf32>
        %parallel_loop3A_1436 = arith.index_cast %parallel_loop3A_1353 : i32 to index
        %parallel_loop3A_1437 = arith.index_cast %parallel_loop3A_1355 : i32 to index
        %parallel_loop3A_1438 = arith.constant 96 : index
        %parallel_loop3A_1439 = tpu.vector_load %arg14[%parallel_loop3A_1436, %parallel_loop3A_1437, %parallel_loop3A_1438] {strides = array<i32>} : memref<8x8x128xf32, #tpu.memory_space<vmem>>, vector<16xf32>,
        tpu.vector_store %arg14[%parallel_loop3A_1436, %parallel_loop3A_1437, %parallel_loop3A_1438], %parallel_loop3A_1435 {strides = array<i32>} : memref<8x8x128xf32, #tpu.memory_space<vmem>>, vector<16xf32>,
        %parallel_loop3A_1440 = arith.constant 112 : i32
        %parallel_loop3A_1441 = vector.broadcast %parallel_loop3A_1440 : i32 to vector<16xi32>
        %parallel_loop3A_1442 = arith.addi %iota3A, %parallel_loop3A_1441 : vector<16xi32>
        %parallel_loop3A_1443 = tpu.vector_load_idx %arg10[%parallel_loop3A_1442, %parallel_loop3A_1350] : memref<128x64xf32, #tpu.memory_space<vmem>>[vector<16xi32>, vector<16xi32>], vector<16xf32>,
        %parallel_loop3A_1444 = arith.constant 8.000000e+00 : f32
        %parallel_loop3A_1445 = vector.broadcast %parallel_loop3A_1444 : f32 to vector<16xf32>
        %parallel_loop3A_1446 = arith.mulf %parallel_loop3A_1443, %parallel_loop3A_1445 : vector<16xf32>
        %parallel_loop3A_1447 = arith.addf %parallel_loop3A_1446, %parallel_loop3A_1351 : vector<16xf32>
        %parallel_loop3A_1448 = arith.index_cast %parallel_loop3A_1353 : i32 to index
        %parallel_loop3A_1449 = arith.index_cast %parallel_loop3A_1355 : i32 to index
        %parallel_loop3A_1450 = arith.constant 112 : index
        %parallel_loop3A_1451 = tpu.vector_load %arg14[%parallel_loop3A_1448, %parallel_loop3A_1449, %parallel_loop3A_1450] {strides = array<i32>} : memref<8x8x128xf32, #tpu.memory_space<vmem>>, vector<16xf32>,
        tpu.vector_store %arg14[%parallel_loop3A_1448, %parallel_loop3A_1449, %parallel_loop3A_1450], %parallel_loop3A_1447 {strides = array<i32>} : memref<8x8x128xf32, #tpu.memory_space<vmem>>, vector<16xf32>,
      } {sc.loop_unroll_factor = 4 : i64, sc.parallel_access}
      %dma_start3A_683 = arith.constant 0 : i32
      %dma_start3A_684 = arith.constant 0 : i32
      %dma_start3A_685 = arith.constant 0 : i32
      %dma_start3A_686 = arith.constant 0 : i32
      %dma_start3A_687 = tpu.memref_slice %arg14[%dma_start3A_683, %dma_start3A_685, %dma_start3A_686] : memref<8x8x128xf32, #tpu.memory_space<vmem>> -> memref<1x8x128xf32, #tpu.memory_space<vmem>>
      %dma_start3A_688 = tpu.memref_squeeze %dma_start3A_687 : memref<1x8x128xf32, #tpu.memory_space<vmem>> -> memref<8x128xf32, #tpu.memory_space<vmem>>
      %dma_start3A_689 = arith.constant 0 : i32
      %dma_start3A_690 = arith.constant 0 : i32
      %dma_start3A_691 = tpu.memref_slice %arg5[%add3A_662, %dma_start3A_684, %add3A, %dma_start3A_689, %dma_start3A_690] : memref<200x8x32x8x128xf32, #tpu.memory_space<hbm>> -> memref<1x1x1x8x128xf32, #tpu.memory_space<hbm>>
      %dma_start3A_692 = tpu.memref_squeeze %dma_start3A_691 : memref<1x1x1x8x128xf32, #tpu.memory_space<hbm>> -> memref<8x128xf32, #tpu.memory_space<hbm>>
      %dma_start3A_693 = arith.constant 0 : i32
      %dma_start3A_694 = arith.constant 0 : i32
      %dma_start3A_695 = tpu.memref_slice %arg5[%add3A_662, %dma_start3A_684, %add3A, %dma_start3A_693, %dma_start3A_694] : memref<200x8x32x8x128xf32, #tpu.memory_space<hbm>> -> memref<1x1x1x8x128xf32, #tpu.memory_space<hbm>>
      %dma_start3A_696 = tpu.memref_squeeze %dma_start3A_695 : memref<1x1x1x8x128xf32, #tpu.memory_space<hbm>> -> memref<8x128xf32, #tpu.memory_space<hbm>>
      %dma_start3A_697 = arith.constant 0 : i32
      %dma_start3A_698 = arith.constant 0 : i32
      %dma_start3A_699 = tpu.memref_slice %arg14[%dma_start3A_683, %dma_start3A_697, %dma_start3A_698] : memref<8x8x128xf32, #tpu.memory_space<vmem>> -> memref<1x8x128xf32, #tpu.memory_space<vmem>>
      %dma_start3A_700 = tpu.memref_squeeze %dma_start3A_699 : memref<1x8x128xf32, #tpu.memory_space<vmem>> -> memref<8x128xf32, #tpu.memory_space<vmem>>
      tpu.enqueue_dma source(%dma_start3A_700 : memref<8x128xf32, #tpu.memory_space<vmem>>) target(%dma_start3A_696 : memref<8x128xf32, #tpu.memory_space<hbm>>) target_semaphore(%arg27 : memref<!tpu.dma_semaphore, #tpu.memory_space<semaphore_mem>>)
      %dma_start3A_701 = arith.constant 1 : i32
      %dma_start3A_702 = arith.constant 1 : i32
      %dma_start3A_703 = arith.constant 0 : i32
      %dma_start3A_704 = arith.constant 0 : i32
      %dma_start3A_705 = tpu.memref_slice %arg14[%dma_start3A_701, %dma_start3A_703, %dma_start3A_704] : memref<8x8x128xf32, #tpu.memory_space<vmem>> -> memref<1x8x128xf32, #tpu.memory_space<vmem>>
      %dma_start3A_706 = tpu.memref_squeeze %dma_start3A_705 : memref<1x8x128xf32, #tpu.memory_space<vmem>> -> memref<8x128xf32, #tpu.memory_space<vmem>>
      %dma_start3A_707 = arith.constant 0 : i32
      %dma_start3A_708 = arith.constant 0 : i32
      %dma_start3A_709 = tpu.memref_slice %arg5[%add3A_662, %dma_start3A_702, %add3A, %dma_start3A_707, %dma_start3A_708] : memref<200x8x32x8x128xf32, #tpu.memory_space<hbm>> -> memref<1x1x1x8x128xf32, #tpu.memory_space<hbm>>
      %dma_start3A_710 = tpu.memref_squeeze %dma_start3A_709 : memref<1x1x1x8x128xf32, #tpu.memory_space<hbm>> -> memref<8x128xf32, #tpu.memory_space<hbm>>
      %dma_start3A_711 = arith.constant 0 : i32
      %dma_start3A_712 = arith.constant 0 : i32
      %dma_start3A_713 = tpu.memref_slice %arg5[%add3A_662, %dma_start3A_702, %add3A, %dma_start3A_711, %dma_start3A_712] : memref<200x8x32x8x128xf32, #tpu.memory_space<hbm>> -> memref<1x1x1x8x128xf32, #tpu.memory_space<hbm>>
      %dma_start3A_714 = tpu.memref_squeeze %dma_start3A_713 : memref<1x1x1x8x128xf32, #tpu.memory_space<hbm>> -> memref<8x128xf32, #tpu.memory_space<hbm>>
      %dma_start3A_715 = arith.constant 0 : i32
      %dma_start3A_716 = arith.constant 0 : i32
      %dma_start3A_717 = tpu.memref_slice %arg14[%dma_start3A_701, %dma_start3A_715, %dma_start3A_716] : memref<8x8x128xf32, #tpu.memory_space<vmem>> -> memref<1x8x128xf32, #tpu.memory_space<vmem>>
      %dma_start3A_718 = tpu.memref_squeeze %dma_start3A_717 : memref<1x8x128xf32, #tpu.memory_space<vmem>> -> memref<8x128xf32, #tpu.memory_space<vmem>>
      tpu.enqueue_dma source(%dma_start3A_718 : memref<8x128xf32, #tpu.memory_space<vmem>>) target(%dma_start3A_714 : memref<8x128xf32, #tpu.memory_space<hbm>>) target_semaphore(%arg27 : memref<!tpu.dma_semaphore, #tpu.memory_space<semaphore_mem>>)
      %dma_start3A_719 = arith.constant 2 : i32
      %dma_start3A_720 = arith.constant 2 : i32
      %dma_start3A_721 = arith.constant 0 : i32
      %dma_start3A_722 = arith.constant 0 : i32
      %dma_start3A_723 = tpu.memref_slice %arg14[%dma_start3A_719, %dma_start3A_721, %dma_start3A_722] : memref<8x8x128xf32, #tpu.memory_space<vmem>> -> memref<1x8x128xf32, #tpu.memory_space<vmem>>
      %dma_start3A_724 = tpu.memref_squeeze %dma_start3A_723 : memref<1x8x128xf32, #tpu.memory_space<vmem>> -> memref<8x128xf32, #tpu.memory_space<vmem>>
      %dma_start3A_725 = arith.constant 0 : i32
      %dma_start3A_726 = arith.constant 0 : i32
      %dma_start3A_727 = tpu.memref_slice %arg5[%add3A_662, %dma_start3A_720, %add3A, %dma_start3A_725, %dma_start3A_726] : memref<200x8x32x8x128xf32, #tpu.memory_space<hbm>> -> memref<1x1x1x8x128xf32, #tpu.memory_space<hbm>>
      %dma_start3A_728 = tpu.memref_squeeze %dma_start3A_727 : memref<1x1x1x8x128xf32, #tpu.memory_space<hbm>> -> memref<8x128xf32, #tpu.memory_space<hbm>>
      %dma_start3A_729 = arith.constant 0 : i32
      %dma_start3A_730 = arith.constant 0 : i32
      %dma_start3A_731 = tpu.memref_slice %arg5[%add3A_662, %dma_start3A_720, %add3A, %dma_start3A_729, %dma_start3A_730] : memref<200x8x32x8x128xf32, #tpu.memory_space<hbm>> -> memref<1x1x1x8x128xf32, #tpu.memory_space<hbm>>
      %dma_start3A_732 = tpu.memref_squeeze %dma_start3A_731 : memref<1x1x1x8x128xf32, #tpu.memory_space<hbm>> -> memref<8x128xf32, #tpu.memory_space<hbm>>
      %dma_start3A_733 = arith.constant 0 : i32
      %dma_start3A_734 = arith.constant 0 : i32
      %dma_start3A_735 = tpu.memref_slice %arg14[%dma_start3A_719, %dma_start3A_733, %dma_start3A_734] : memref<8x8x128xf32, #tpu.memory_space<vmem>> -> memref<1x8x128xf32, #tpu.memory_space<vmem>>
      %dma_start3A_736 = tpu.memref_squeeze %dma_start3A_735 : memref<1x8x128xf32, #tpu.memory_space<vmem>> -> memref<8x128xf32, #tpu.memory_space<vmem>>
      tpu.enqueue_dma source(%dma_start3A_736 : memref<8x128xf32, #tpu.memory_space<vmem>>) target(%dma_start3A_732 : memref<8x128xf32, #tpu.memory_space<hbm>>) target_semaphore(%arg27 : memref<!tpu.dma_semaphore, #tpu.memory_space<semaphore_mem>>)
      %dma_start3A_737 = arith.constant 3 : i32
      %dma_start3A_738 = arith.constant 3 : i32
      %dma_start3A_739 = arith.constant 0 : i32
      %dma_start3A_740 = arith.constant 0 : i32
      %dma_start3A_741 = tpu.memref_slice %arg14[%dma_start3A_737, %dma_start3A_739, %dma_start3A_740] : memref<8x8x128xf32, #tpu.memory_space<vmem>> -> memref<1x8x128xf32, #tpu.memory_space<vmem>>
      %dma_start3A_742 = tpu.memref_squeeze %dma_start3A_741 : memref<1x8x128xf32, #tpu.memory_space<vmem>> -> memref<8x128xf32, #tpu.memory_space<vmem>>
      %dma_start3A_743 = arith.constant 0 : i32
      %dma_start3A_744 = arith.constant 0 : i32
      %dma_start3A_745 = tpu.memref_slice %arg5[%add3A_662, %dma_start3A_738, %add3A, %dma_start3A_743, %dma_start3A_744] : memref<200x8x32x8x128xf32, #tpu.memory_space<hbm>> -> memref<1x1x1x8x128xf32, #tpu.memory_space<hbm>>
      %dma_start3A_746 = tpu.memref_squeeze %dma_start3A_745 : memref<1x1x1x8x128xf32, #tpu.memory_space<hbm>> -> memref<8x128xf32, #tpu.memory_space<hbm>>
      %dma_start3A_747 = arith.constant 0 : i32
      %dma_start3A_748 = arith.constant 0 : i32
      %dma_start3A_749 = tpu.memref_slice %arg5[%add3A_662, %dma_start3A_738, %add3A, %dma_start3A_747, %dma_start3A_748] : memref<200x8x32x8x128xf32, #tpu.memory_space<hbm>> -> memref<1x1x1x8x128xf32, #tpu.memory_space<hbm>>
      %dma_start3A_750 = tpu.memref_squeeze %dma_start3A_749 : memref<1x1x1x8x128xf32, #tpu.memory_space<hbm>> -> memref<8x128xf32, #tpu.memory_space<hbm>>
      %dma_start3A_751 = arith.constant 0 : i32
      %dma_start3A_752 = arith.constant 0 : i32
      %dma_start3A_753 = tpu.memref_slice %arg14[%dma_start3A_737, %dma_start3A_751, %dma_start3A_752] : memref<8x8x128xf32, #tpu.memory_space<vmem>> -> memref<1x8x128xf32, #tpu.memory_space<vmem>>
      %dma_start3A_754 = tpu.memref_squeeze %dma_start3A_753 : memref<1x8x128xf32, #tpu.memory_space<vmem>> -> memref<8x128xf32, #tpu.memory_space<vmem>>
      tpu.enqueue_dma source(%dma_start3A_754 : memref<8x128xf32, #tpu.memory_space<vmem>>) target(%dma_start3A_750 : memref<8x128xf32, #tpu.memory_space<hbm>>) target_semaphore(%arg27 : memref<!tpu.dma_semaphore, #tpu.memory_space<semaphore_mem>>)
      %dma_start3A_755 = arith.constant 4 : i32
      %dma_start3A_756 = arith.constant 4 : i32
      %dma_start3A_757 = arith.constant 0 : i32
      %dma_start3A_758 = arith.constant 0 : i32
      %dma_start3A_759 = tpu.memref_slice %arg14[%dma_start3A_755, %dma_start3A_757, %dma_start3A_758] : memref<8x8x128xf32, #tpu.memory_space<vmem>> -> memref<1x8x128xf32, #tpu.memory_space<vmem>>
      %dma_start3A_760 = tpu.memref_squeeze %dma_start3A_759 : memref<1x8x128xf32, #tpu.memory_space<vmem>> -> memref<8x128xf32, #tpu.memory_space<vmem>>
      %dma_start3A_761 = arith.constant 0 : i32
      %dma_start3A_762 = arith.constant 0 : i32
      %dma_start3A_763 = tpu.memref_slice %arg5[%add3A_662, %dma_start3A_756, %add3A, %dma_start3A_761, %dma_start3A_762] : memref<200x8x32x8x128xf32, #tpu.memory_space<hbm>> -> memref<1x1x1x8x128xf32, #tpu.memory_space<hbm>>
      %dma_start3A_764 = tpu.memref_squeeze %dma_start3A_763 : memref<1x1x1x8x128xf32, #tpu.memory_space<hbm>> -> memref<8x128xf32, #tpu.memory_space<hbm>>
      %dma_start3A_765 = arith.constant 0 : i32
      %dma_start3A_766 = arith.constant 0 : i32
      %dma_start3A_767 = tpu.memref_slice %arg5[%add3A_662, %dma_start3A_756, %add3A, %dma_start3A_765, %dma_start3A_766] : memref<200x8x32x8x128xf32, #tpu.memory_space<hbm>> -> memref<1x1x1x8x128xf32, #tpu.memory_space<hbm>>
      %dma_start3A_768 = tpu.memref_squeeze %dma_start3A_767 : memref<1x1x1x8x128xf32, #tpu.memory_space<hbm>> -> memref<8x128xf32, #tpu.memory_space<hbm>>
      %dma_start3A_769 = arith.constant 0 : i32
      %dma_start3A_770 = arith.constant 0 : i32
      %dma_start3A_771 = tpu.memref_slice %arg14[%dma_start3A_755, %dma_start3A_769, %dma_start3A_770] : memref<8x8x128xf32, #tpu.memory_space<vmem>> -> memref<1x8x128xf32, #tpu.memory_space<vmem>>
      %dma_start3A_772 = tpu.memref_squeeze %dma_start3A_771 : memref<1x8x128xf32, #tpu.memory_space<vmem>> -> memref<8x128xf32, #tpu.memory_space<vmem>>
      tpu.enqueue_dma source(%dma_start3A_772 : memref<8x128xf32, #tpu.memory_space<vmem>>) target(%dma_start3A_768 : memref<8x128xf32, #tpu.memory_space<hbm>>) target_semaphore(%arg27 : memref<!tpu.dma_semaphore, #tpu.memory_space<semaphore_mem>>)
      %dma_start3A_773 = arith.constant 5 : i32
      %dma_start3A_774 = arith.constant 5 : i32
      %dma_start3A_775 = arith.constant 0 : i32
      %dma_start3A_776 = arith.constant 0 : i32
      %dma_start3A_777 = tpu.memref_slice %arg14[%dma_start3A_773, %dma_start3A_775, %dma_start3A_776] : memref<8x8x128xf32, #tpu.memory_space<vmem>> -> memref<1x8x128xf32, #tpu.memory_space<vmem>>
      %dma_start3A_778 = tpu.memref_squeeze %dma_start3A_777 : memref<1x8x128xf32, #tpu.memory_space<vmem>> -> memref<8x128xf32, #tpu.memory_space<vmem>>
      %dma_start3A_779 = arith.constant 0 : i32
      %dma_start3A_780 = arith.constant 0 : i32
      %dma_start3A_781 = tpu.memref_slice %arg5[%add3A_662, %dma_start3A_774, %add3A, %dma_start3A_779, %dma_start3A_780] : memref<200x8x32x8x128xf32, #tpu.memory_space<hbm>> -> memref<1x1x1x8x128xf32, #tpu.memory_space<hbm>>
      %dma_start3A_782 = tpu.memref_squeeze %dma_start3A_781 : memref<1x1x1x8x128xf32, #tpu.memory_space<hbm>> -> memref<8x128xf32, #tpu.memory_space<hbm>>
      %dma_start3A_783 = arith.constant 0 : i32
      %dma_start3A_784 = arith.constant 0 : i32
      %dma_start3A_785 = tpu.memref_slice %arg5[%add3A_662, %dma_start3A_774, %add3A, %dma_start3A_783, %dma_start3A_784] : memref<200x8x32x8x128xf32, #tpu.memory_space<hbm>> -> memref<1x1x1x8x128xf32, #tpu.memory_space<hbm>>
      %dma_start3A_786 = tpu.memref_squeeze %dma_start3A_785 : memref<1x1x1x8x128xf32, #tpu.memory_space<hbm>> -> memref<8x128xf32, #tpu.memory_space<hbm>>
      %dma_start3A_787 = arith.constant 0 : i32
      %dma_start3A_788 = arith.constant 0 : i32
      %dma_start3A_789 = tpu.memref_slice %arg14[%dma_start3A_773, %dma_start3A_787, %dma_start3A_788] : memref<8x8x128xf32, #tpu.memory_space<vmem>> -> memref<1x8x128xf32, #tpu.memory_space<vmem>>
      %dma_start3A_790 = tpu.memref_squeeze %dma_start3A_789 : memref<1x8x128xf32, #tpu.memory_space<vmem>> -> memref<8x128xf32, #tpu.memory_space<vmem>>
      tpu.enqueue_dma source(%dma_start3A_790 : memref<8x128xf32, #tpu.memory_space<vmem>>) target(%dma_start3A_786 : memref<8x128xf32, #tpu.memory_space<hbm>>) target_semaphore(%arg27 : memref<!tpu.dma_semaphore, #tpu.memory_space<semaphore_mem>>)
      %dma_start3A_791 = arith.constant 6 : i32
      %dma_start3A_792 = arith.constant 6 : i32
      %dma_start3A_793 = arith.constant 0 : i32
      %dma_start3A_794 = arith.constant 0 : i32
      %dma_start3A_795 = tpu.memref_slice %arg14[%dma_start3A_791, %dma_start3A_793, %dma_start3A_794] : memref<8x8x128xf32, #tpu.memory_space<vmem>> -> memref<1x8x128xf32, #tpu.memory_space<vmem>>
      %dma_start3A_796 = tpu.memref_squeeze %dma_start3A_795 : memref<1x8x128xf32, #tpu.memory_space<vmem>> -> memref<8x128xf32, #tpu.memory_space<vmem>>
      %dma_start3A_797 = arith.constant 0 : i32
      %dma_start3A_798 = arith.constant 0 : i32
      %dma_start3A_799 = tpu.memref_slice %arg5[%add3A_662, %dma_start3A_792, %add3A, %dma_start3A_797, %dma_start3A_798] : memref<200x8x32x8x128xf32, #tpu.memory_space<hbm>> -> memref<1x1x1x8x128xf32, #tpu.memory_space<hbm>>
      %dma_start3A_800 = tpu.memref_squeeze %dma_start3A_799 : memref<1x1x1x8x128xf32, #tpu.memory_space<hbm>> -> memref<8x128xf32, #tpu.memory_space<hbm>>
      %dma_start3A_801 = arith.constant 0 : i32
      %dma_start3A_802 = arith.constant 0 : i32
      %dma_start3A_803 = tpu.memref_slice %arg5[%add3A_662, %dma_start3A_792, %add3A, %dma_start3A_801, %dma_start3A_802] : memref<200x8x32x8x128xf32, #tpu.memory_space<hbm>> -> memref<1x1x1x8x128xf32, #tpu.memory_space<hbm>>
      %dma_start3A_804 = tpu.memref_squeeze %dma_start3A_803 : memref<1x1x1x8x128xf32, #tpu.memory_space<hbm>> -> memref<8x128xf32, #tpu.memory_space<hbm>>
      %dma_start3A_805 = arith.constant 0 : i32
      %dma_start3A_806 = arith.constant 0 : i32
      %dma_start3A_807 = tpu.memref_slice %arg14[%dma_start3A_791, %dma_start3A_805, %dma_start3A_806] : memref<8x8x128xf32, #tpu.memory_space<vmem>> -> memref<1x8x128xf32, #tpu.memory_space<vmem>>
      %dma_start3A_808 = tpu.memref_squeeze %dma_start3A_807 : memref<1x8x128xf32, #tpu.memory_space<vmem>> -> memref<8x128xf32, #tpu.memory_space<vmem>>
      tpu.enqueue_dma source(%dma_start3A_808 : memref<8x128xf32, #tpu.memory_space<vmem>>) target(%dma_start3A_804 : memref<8x128xf32, #tpu.memory_space<hbm>>) target_semaphore(%arg27 : memref<!tpu.dma_semaphore, #tpu.memory_space<semaphore_mem>>)
      %dma_start3A_809 = arith.constant 7 : i32
      %dma_start3A_810 = arith.constant 7 : i32
      %dma_start3A_811 = arith.constant 0 : i32
      %dma_start3A_812 = arith.constant 0 : i32
      %dma_start3A_813 = tpu.memref_slice %arg14[%dma_start3A_809, %dma_start3A_811, %dma_start3A_812] : memref<8x8x128xf32, #tpu.memory_space<vmem>> -> memref<1x8x128xf32, #tpu.memory_space<vmem>>
      %dma_start3A_814 = tpu.memref_squeeze %dma_start3A_813 : memref<1x8x128xf32, #tpu.memory_space<vmem>> -> memref<8x128xf32, #tpu.memory_space<vmem>>
      %dma_start3A_815 = arith.constant 0 : i32
      %dma_start3A_816 = arith.constant 0 : i32
      %dma_start3A_817 = tpu.memref_slice %arg5[%add3A_662, %dma_start3A_810, %add3A, %dma_start3A_815, %dma_start3A_816] : memref<200x8x32x8x128xf32, #tpu.memory_space<hbm>> -> memref<1x1x1x8x128xf32, #tpu.memory_space<hbm>>
      %dma_start3A_818 = tpu.memref_squeeze %dma_start3A_817 : memref<1x1x1x8x128xf32, #tpu.memory_space<hbm>> -> memref<8x128xf32, #tpu.memory_space<hbm>>
      %dma_start3A_819 = arith.constant 0 : i32
      %dma_start3A_820 = arith.constant 0 : i32
      %dma_start3A_821 = tpu.memref_slice %arg5[%add3A_662, %dma_start3A_810, %add3A, %dma_start3A_819, %dma_start3A_820] : memref<200x8x32x8x128xf32, #tpu.memory_space<hbm>> -> memref<1x1x1x8x128xf32, #tpu.memory_space<hbm>>
      %dma_start3A_822 = tpu.memref_squeeze %dma_start3A_821 : memref<1x1x1x8x128xf32, #tpu.memory_space<hbm>> -> memref<8x128xf32, #tpu.memory_space<hbm>>
      %dma_start3A_823 = arith.constant 0 : i32
      %dma_start3A_824 = arith.constant 0 : i32
      %dma_start3A_825 = tpu.memref_slice %arg14[%dma_start3A_809, %dma_start3A_823, %dma_start3A_824] : memref<8x8x128xf32, #tpu.memory_space<vmem>> -> memref<1x8x128xf32, #tpu.memory_space<vmem>>
      %dma_start3A_826 = tpu.memref_squeeze %dma_start3A_825 : memref<1x8x128xf32, #tpu.memory_space<vmem>> -> memref<8x128xf32, #tpu.memory_space<vmem>>
      tpu.enqueue_dma source(%dma_start3A_826 : memref<8x128xf32, #tpu.memory_space<vmem>>) target(%dma_start3A_822 : memref<8x128xf32, #tpu.memory_space<hbm>>) target_semaphore(%arg27 : memref<!tpu.dma_semaphore, #tpu.memory_space<semaphore_mem>>)
      %mul3A_827 = arith.constant 4 : i32
      %mul3A_828 = arith.muli %scan3A_658, %mul3A_827 : i32
      %add3A_829 = arith.constant 1 : i32
      %add3A_830 = arith.addi %mul3A_828, %add3A_829 : i32
      %add3A_831 = arith.constant 3 : i32
      %add3A_832 = arith.addi %add3A_830, %add3A_831 : i32
      %lt3A_833 = arith.constant 200 : i32
      %lt3A_834 = arith.cmpi slt, %add3A_832, %lt3A_833 : i32
      %convert_element_type3A_835 = arith.extui %lt3A_834 : i1 to i32
      %cond3A_836 = arith.constant 0 : i32
      %cond3A_837 = arith.cmpi ne, %convert_element_type3A_835, %cond3A_836 : i32
      scf.if %cond3A_837 {
        %add3A_1349 = arith.constant 3 : i32
        %add3A_1350 = arith.addi %add3A_830, %add3A_1349 : i32
        %jit3A = arith.constant 8 : i32
        %div3A = arith.divsi %add3A_1350, %jit3A : i32
        %sign3A = arith.constant 0 : i32
        %sign3A_1351 = arith.cmpi sgt, %add3A_1350, %sign3A : i32
        %sign3A_1352 = arith.extui %sign3A_1351 : i1 to i32
        %sign3A_1353 = arith.constant 0 : i32
        %sign3A_1354 = arith.cmpi slt, %add3A_1350, %sign3A_1353 : i32
        %sign3A_1355 = arith.extui %sign3A_1354 : i1 to i32
        %sign3A_1356 = arith.subi %sign3A_1352, %sign3A_1355 : i32
        %sign3A_1357 = arith.constant 0 : i32
        %sign3A_1358 = arith.cmpi sgt, %jit3A, %sign3A_1357 : i32
        %sign3A_1359 = arith.extui %sign3A_1358 : i1 to i32
        %sign3A_1360 = arith.constant 0 : i32
        %sign3A_1361 = arith.cmpi slt, %jit3A, %sign3A_1360 : i32
        %sign3A_1362 = arith.extui %sign3A_1361 : i1 to i32
        %sign3A_1363 = arith.subi %sign3A_1359, %sign3A_1362 : i32
        %ne3A = arith.cmpi ne, %sign3A_1356, %sign3A_1363 : i32
        %rem3A = arith.remsi %add3A_1350, %jit3A : i32
        %ne3A_1364 = arith.constant 0 : i32
        %ne3A_1365 = arith.cmpi ne, %rem3A, %ne3A_1364 : i32
        %and3A = arith.andi %ne3A, %ne3A_1365 : i1
        %sub3A = arith.constant 1 : i32
        %sub3A_1366 = arith.subi %div3A, %sub3A : i32
        %select_n3A = arith.select %and3A, %sub3A_1366, %div3A : i32
        %jit3A_1367 = arith.constant 8 : i32
        %eq3A = arith.constant 0 : i32
        %eq3A_1368 = arith.cmpi eq, %jit3A_1367, %eq3A : i32
        %jit3A_1369 = arith.constant 1 : i32
        %select_n3A_1370 = arith.select %eq3A_1368, %jit3A_1369, %jit3A_1367 : i32
        %rem3A_1371 = arith.remsi %add3A_1350, %select_n3A_1370 : i32
        %ne3A_1372 = arith.constant 0 : i32
        %ne3A_1373 = arith.cmpi ne, %rem3A_1371, %ne3A_1372 : i32
        %lt3A_1374 = arith.constant 0 : i32
        %lt3A_1375 = arith.cmpi slt, %rem3A_1371, %lt3A_1374 : i32
        %lt3A_1376 = arith.constant 0 : i32
        %lt3A_1377 = arith.cmpi slt, %select_n3A_1370, %lt3A_1376 : i32
        %ne3A_1378 = arith.xori %lt3A_1375, %lt3A_1377 : i1
        %and3A_1379 = arith.andi %ne3A_1378, %ne3A_1373 : i1
        %add3A_1380 = arith.addi %rem3A_1371, %select_n3A_1370 : i32
        %select_n3A_1381 = arith.select %and3A_1379, %add3A_1380, %rem3A_1371 : i32
        %dma_start3A_1382 = arith.constant 0 : i32
        %dma_start3A_1383 = tpu.memref_slice %arg2[%select_n3A, %add3A, %select_n3A_1381, %dma_start3A_1382] : memref<25x32x8x128xi32, #tpu.memory_space<hbm>> -> memref<1x1x1x128xi32, #tpu.memory_space<hbm>>
        %dma_start3A_1384 = tpu.memref_squeeze %dma_start3A_1383 : memref<1x1x1x128xi32, #tpu.memory_space<hbm>> -> memref<128xi32, #tpu.memory_space<hbm>>
        %dma_start3A_1385 = arith.constant 0 : i32
        %dma_start3A_1386 = tpu.memref_slice %arg2[%select_n3A, %add3A, %select_n3A_1381, %dma_start3A_1385] : memref<25x32x8x128xi32, #tpu.memory_space<hbm>> -> memref<1x1x1x128xi32, #tpu.memory_space<hbm>>
        %dma_start3A_1387 = tpu.memref_squeeze %dma_start3A_1386 : memref<1x1x1x128xi32, #tpu.memory_space<hbm>> -> memref<128xi32, #tpu.memory_space<hbm>>
        tpu.enqueue_dma source(%dma_start3A_1387 : memref<128xi32, #tpu.memory_space<hbm>>) target(%arg6 : memref<128xi32, #tpu.memory_space<vmem>>) target_semaphore(%arg19 : memref<!tpu.dma_semaphore, #tpu.memory_space<semaphore_mem>>)
      } else {
      }
      %add3A_838 = arith.constant 2 : i32
      %add3A_839 = arith.addi %add3A_830, %add3A_838 : i32
      %lt3A_840 = arith.constant 200 : i32
      %lt3A_841 = arith.cmpi slt, %add3A_839, %lt3A_840 : i32
      %convert_element_type3A_842 = arith.extui %lt3A_841 : i1 to i32
      %cond3A_843 = arith.constant 0 : i32
      %cond3A_844 = arith.cmpi ne, %convert_element_type3A_842, %cond3A_843 : i32
      scf.if %cond3A_844 {
        %add3A_1349 = arith.constant 2 : i32
        %add3A_1350 = arith.addi %add3A_830, %add3A_1349 : i32
        %jit3A = arith.constant 8 : i32
        %div3A = arith.divsi %add3A_1350, %jit3A : i32
        %sign3A = arith.constant 0 : i32
        %sign3A_1351 = arith.cmpi sgt, %add3A_1350, %sign3A : i32
        %sign3A_1352 = arith.extui %sign3A_1351 : i1 to i32
        %sign3A_1353 = arith.constant 0 : i32
        %sign3A_1354 = arith.cmpi slt, %add3A_1350, %sign3A_1353 : i32
        %sign3A_1355 = arith.extui %sign3A_1354 : i1 to i32
        %sign3A_1356 = arith.subi %sign3A_1352, %sign3A_1355 : i32
        %sign3A_1357 = arith.constant 0 : i32
        %sign3A_1358 = arith.cmpi sgt, %jit3A, %sign3A_1357 : i32
        %sign3A_1359 = arith.extui %sign3A_1358 : i1 to i32
        %sign3A_1360 = arith.constant 0 : i32
        %sign3A_1361 = arith.cmpi slt, %jit3A, %sign3A_1360 : i32
        %sign3A_1362 = arith.extui %sign3A_1361 : i1 to i32
        %sign3A_1363 = arith.subi %sign3A_1359, %sign3A_1362 : i32
        %ne3A = arith.cmpi ne, %sign3A_1356, %sign3A_1363 : i32
        %rem3A = arith.remsi %add3A_1350, %jit3A : i32
        %ne3A_1364 = arith.constant 0 : i32
        %ne3A_1365 = arith.cmpi ne, %rem3A, %ne3A_1364 : i32
        %and3A = arith.andi %ne3A, %ne3A_1365 : i1
        %sub3A = arith.constant 1 : i32
        %sub3A_1366 = arith.subi %div3A, %sub3A : i32
        %select_n3A = arith.select %and3A, %sub3A_1366, %div3A : i32
        %jit3A_1367 = arith.constant 8 : i32
        %eq3A = arith.constant 0 : i32
        %eq3A_1368 = arith.cmpi eq, %jit3A_1367, %eq3A : i32
        %jit3A_1369 = arith.constant 1 : i32
        %select_n3A_1370 = arith.select %eq3A_1368, %jit3A_1369, %jit3A_1367 : i32
        %rem3A_1371 = arith.remsi %add3A_1350, %select_n3A_1370 : i32
        %ne3A_1372 = arith.constant 0 : i32
        %ne3A_1373 = arith.cmpi ne, %rem3A_1371, %ne3A_1372 : i32
        %lt3A_1374 = arith.constant 0 : i32
        %lt3A_1375 = arith.cmpi slt, %rem3A_1371, %lt3A_1374 : i32
        %lt3A_1376 = arith.constant 0 : i32
        %lt3A_1377 = arith.cmpi slt, %select_n3A_1370, %lt3A_1376 : i32
        %ne3A_1378 = arith.xori %lt3A_1375, %lt3A_1377 : i1
        %and3A_1379 = arith.andi %ne3A_1378, %ne3A_1373 : i1
        %add3A_1380 = arith.addi %rem3A_1371, %select_n3A_1370 : i32
        %select_n3A_1381 = arith.select %and3A_1379, %add3A_1380, %rem3A_1371 : i32
        %dma_wait3A_1382 = arith.constant 0 : i32
        %dma_wait3A_1383 = tpu.memref_slice %arg2[%select_n3A, %add3A, %select_n3A_1381, %dma_wait3A_1382] : memref<25x32x8x128xi32, #tpu.memory_space<hbm>> -> memref<1x1x1x128xi32, #tpu.memory_space<hbm>>
        %dma_wait3A_1384 = tpu.memref_squeeze %dma_wait3A_1383 : memref<1x1x1x128xi32, #tpu.memory_space<hbm>> -> memref<128xi32, #tpu.memory_space<hbm>>
        %dma_wait3A_1385 = arith.constant 0 : i32
        %dma_wait3A_1386 = tpu.memref_slice %arg2[%select_n3A, %add3A, %select_n3A_1381, %dma_wait3A_1385] : memref<25x32x8x128xi32, #tpu.memory_space<hbm>> -> memref<1x1x1x128xi32, #tpu.memory_space<hbm>>
        %dma_wait3A_1387 = tpu.memref_squeeze %dma_wait3A_1386 : memref<1x1x1x128xi32, #tpu.memory_space<hbm>> -> memref<128xi32, #tpu.memory_space<hbm>>
        tpu.wait_dma2 semaphore(%arg22 : memref<!tpu.dma_semaphore, #tpu.memory_space<semaphore_mem>>) src(%dma_wait3A_1387 : memref<128xi32, #tpu.memory_space<hbm>>) dst(%arg9 : memref<128xi32, #tpu.memory_space<vmem>>)
        %dma_start3A_1388 = arith.constant 0 : i32
        %dma_start3A_1389 = arith.constant 0 : i32
        %dma_start3A_1390 = tpu.memref_slice %arg3[%dma_start3A_1388, %dma_start3A_1389] : memref<1000000x64xf32, #tpu.memory_space<hbm>> -> memref<1000000x64xf32, #tpu.memory_space<hbm>>
        tpu.enqueue_indirect_dma source(%dma_start3A_1390 : memref<1000000x64xf32, #tpu.memory_space<hbm>>) target(%arg13 : memref<128x64xf32, #tpu.memory_space<vmem>>) offsets(%arg9 : memref<128xi32, #tpu.memory_space<vmem>>) semaphore(%arg26 : memref<!tpu.dma_semaphore, #tpu.memory_space<semaphore_mem>>)
      } else {
      }
      %dma_wait3A_845 = arith.constant 0 : i32
      %dma_wait3A_846 = arith.constant 0 : i32
      %dma_wait3A_847 = tpu.memref_slice %arg3[%dma_wait3A_845, %dma_wait3A_846] : memref<1000000x64xf32, #tpu.memory_space<hbm>> -> memref<1000000x64xf32, #tpu.memory_space<hbm>>
      tpu.wait_indirect_dma semaphore(%arg24 : memref<!tpu.dma_semaphore, #tpu.memory_space<semaphore_mem>>) src(%dma_wait3A_847 : memref<1000000x64xf32, #tpu.memory_space<hbm>>) dst(%arg11 : memref<128x64xf32, #tpu.memory_space<vmem>>)
      %ge3A_848 = arith.constant 4 : i32
      %ge3A_849 = arith.cmpi sge, %add3A_830, %ge3A_848 : i32
      %convert_element_type3A_850 = arith.extui %ge3A_849 : i1 to i32
      %cond3A_851 = arith.constant 0 : i32
      %cond3A_852 = arith.cmpi ne, %convert_element_type3A_850, %cond3A_851 : i32
      scf.if %cond3A_852 {
        %sub3A = arith.constant 4 : i32
        %sub3A_1349 = arith.subi %add3A_830, %sub3A : i32
        %dma_wait3A_1350 = arith.constant 0 : i32
        %dma_wait3A_1351 = arith.constant 0 : i32
        %dma_wait3A_1352 = arith.constant 0 : i32
        %dma_wait3A_1353 = arith.constant 0 : i32
        %dma_wait3A_1354 = tpu.memref_slice %arg15[%dma_wait3A_1350, %dma_wait3A_1352, %dma_wait3A_1353] : memref<8x8x128xf32, #tpu.memory_space<vmem>> -> memref<1x8x128xf32, #tpu.memory_space<vmem>>
        %dma_wait3A_1355 = tpu.memref_squeeze %dma_wait3A_1354 : memref<1x8x128xf32, #tpu.memory_space<vmem>> -> memref<8x128xf32, #tpu.memory_space<vmem>>
        %dma_wait3A_1356 = arith.constant 0 : i32
        %dma_wait3A_1357 = arith.constant 0 : i32
        %dma_wait3A_1358 = tpu.memref_slice %arg5[%sub3A_1349, %dma_wait3A_1351, %add3A, %dma_wait3A_1356, %dma_wait3A_1357] : memref<200x8x32x8x128xf32, #tpu.memory_space<hbm>> -> memref<1x1x1x8x128xf32, #tpu.memory_space<hbm>>
        %dma_wait3A_1359 = tpu.memref_squeeze %dma_wait3A_1358 : memref<1x1x1x8x128xf32, #tpu.memory_space<hbm>> -> memref<8x128xf32, #tpu.memory_space<hbm>>
        %dma_wait3A_1360 = arith.constant 0 : i32
        %dma_wait3A_1361 = arith.constant 0 : i32
        %dma_wait3A_1362 = tpu.memref_slice %arg5[%sub3A_1349, %dma_wait3A_1351, %add3A, %dma_wait3A_1360, %dma_wait3A_1361] : memref<200x8x32x8x128xf32, #tpu.memory_space<hbm>> -> memref<1x1x1x8x128xf32, #tpu.memory_space<hbm>>
        %dma_wait3A_1363 = tpu.memref_squeeze %dma_wait3A_1362 : memref<1x1x1x8x128xf32, #tpu.memory_space<hbm>> -> memref<8x128xf32, #tpu.memory_space<hbm>>
        %dma_wait3A_1364 = arith.constant 0 : i32
        %dma_wait3A_1365 = arith.constant 0 : i32
        %dma_wait3A_1366 = tpu.memref_slice %arg15[%dma_wait3A_1350, %dma_wait3A_1364, %dma_wait3A_1365] : memref<8x8x128xf32, #tpu.memory_space<vmem>> -> memref<1x8x128xf32, #tpu.memory_space<vmem>>
        %dma_wait3A_1367 = tpu.memref_squeeze %dma_wait3A_1366 : memref<1x8x128xf32, #tpu.memory_space<vmem>> -> memref<8x128xf32, #tpu.memory_space<vmem>>
        tpu.wait_dma2 semaphore(%arg28 : memref<!tpu.dma_semaphore, #tpu.memory_space<semaphore_mem>>) src(%dma_wait3A_1367 : memref<8x128xf32, #tpu.memory_space<vmem>>) dst(%dma_wait3A_1363 : memref<8x128xf32, #tpu.memory_space<hbm>>)
        %dma_wait3A_1368 = arith.constant 1 : i32
        %dma_wait3A_1369 = arith.constant 1 : i32
        %dma_wait3A_1370 = arith.constant 0 : i32
        %dma_wait3A_1371 = arith.constant 0 : i32
        %dma_wait3A_1372 = tpu.memref_slice %arg15[%dma_wait3A_1368, %dma_wait3A_1370, %dma_wait3A_1371] : memref<8x8x128xf32, #tpu.memory_space<vmem>> -> memref<1x8x128xf32, #tpu.memory_space<vmem>>
        %dma_wait3A_1373 = tpu.memref_squeeze %dma_wait3A_1372 : memref<1x8x128xf32, #tpu.memory_space<vmem>> -> memref<8x128xf32, #tpu.memory_space<vmem>>
        %dma_wait3A_1374 = arith.constant 0 : i32
        %dma_wait3A_1375 = arith.constant 0 : i32
        %dma_wait3A_1376 = tpu.memref_slice %arg5[%sub3A_1349, %dma_wait3A_1369, %add3A, %dma_wait3A_1374, %dma_wait3A_1375] : memref<200x8x32x8x128xf32, #tpu.memory_space<hbm>> -> memref<1x1x1x8x128xf32, #tpu.memory_space<hbm>>
        %dma_wait3A_1377 = tpu.memref_squeeze %dma_wait3A_1376 : memref<1x1x1x8x128xf32, #tpu.memory_space<hbm>> -> memref<8x128xf32, #tpu.memory_space<hbm>>
        %dma_wait3A_1378 = arith.constant 0 : i32
        %dma_wait3A_1379 = arith.constant 0 : i32
        %dma_wait3A_1380 = tpu.memref_slice %arg5[%sub3A_1349, %dma_wait3A_1369, %add3A, %dma_wait3A_1378, %dma_wait3A_1379] : memref<200x8x32x8x128xf32, #tpu.memory_space<hbm>> -> memref<1x1x1x8x128xf32, #tpu.memory_space<hbm>>
        %dma_wait3A_1381 = tpu.memref_squeeze %dma_wait3A_1380 : memref<1x1x1x8x128xf32, #tpu.memory_space<hbm>> -> memref<8x128xf32, #tpu.memory_space<hbm>>
        %dma_wait3A_1382 = arith.constant 0 : i32
        %dma_wait3A_1383 = arith.constant 0 : i32
        %dma_wait3A_1384 = tpu.memref_slice %arg15[%dma_wait3A_1368, %dma_wait3A_1382, %dma_wait3A_1383] : memref<8x8x128xf32, #tpu.memory_space<vmem>> -> memref<1x8x128xf32, #tpu.memory_space<vmem>>
        %dma_wait3A_1385 = tpu.memref_squeeze %dma_wait3A_1384 : memref<1x8x128xf32, #tpu.memory_space<vmem>> -> memref<8x128xf32, #tpu.memory_space<vmem>>
        tpu.wait_dma2 semaphore(%arg28 : memref<!tpu.dma_semaphore, #tpu.memory_space<semaphore_mem>>) src(%dma_wait3A_1385 : memref<8x128xf32, #tpu.memory_space<vmem>>) dst(%dma_wait3A_1381 : memref<8x128xf32, #tpu.memory_space<hbm>>)
        %dma_wait3A_1386 = arith.constant 2 : i32
        %dma_wait3A_1387 = arith.constant 2 : i32
        %dma_wait3A_1388 = arith.constant 0 : i32
        %dma_wait3A_1389 = arith.constant 0 : i32
        %dma_wait3A_1390 = tpu.memref_slice %arg15[%dma_wait3A_1386, %dma_wait3A_1388, %dma_wait3A_1389] : memref<8x8x128xf32, #tpu.memory_space<vmem>> -> memref<1x8x128xf32, #tpu.memory_space<vmem>>
        %dma_wait3A_1391 = tpu.memref_squeeze %dma_wait3A_1390 : memref<1x8x128xf32, #tpu.memory_space<vmem>> -> memref<8x128xf32, #tpu.memory_space<vmem>>
        %dma_wait3A_1392 = arith.constant 0 : i32
        %dma_wait3A_1393 = arith.constant 0 : i32
        %dma_wait3A_1394 = tpu.memref_slice %arg5[%sub3A_1349, %dma_wait3A_1387, %add3A, %dma_wait3A_1392, %dma_wait3A_1393] : memref<200x8x32x8x128xf32, #tpu.memory_space<hbm>> -> memref<1x1x1x8x128xf32, #tpu.memory_space<hbm>>
        %dma_wait3A_1395 = tpu.memref_squeeze %dma_wait3A_1394 : memref<1x1x1x8x128xf32, #tpu.memory_space<hbm>> -> memref<8x128xf32, #tpu.memory_space<hbm>>
        %dma_wait3A_1396 = arith.constant 0 : i32
        %dma_wait3A_1397 = arith.constant 0 : i32
        %dma_wait3A_1398 = tpu.memref_slice %arg5[%sub3A_1349, %dma_wait3A_1387, %add3A, %dma_wait3A_1396, %dma_wait3A_1397] : memref<200x8x32x8x128xf32, #tpu.memory_space<hbm>> -> memref<1x1x1x8x128xf32, #tpu.memory_space<hbm>>
        %dma_wait3A_1399 = tpu.memref_squeeze %dma_wait3A_1398 : memref<1x1x1x8x128xf32, #tpu.memory_space<hbm>> -> memref<8x128xf32, #tpu.memory_space<hbm>>
        %dma_wait3A_1400 = arith.constant 0 : i32
        %dma_wait3A_1401 = arith.constant 0 : i32
        %dma_wait3A_1402 = tpu.memref_slice %arg15[%dma_wait3A_1386, %dma_wait3A_1400, %dma_wait3A_1401] : memref<8x8x128xf32, #tpu.memory_space<vmem>> -> memref<1x8x128xf32, #tpu.memory_space<vmem>>
        %dma_wait3A_1403 = tpu.memref_squeeze %dma_wait3A_1402 : memref<1x8x128xf32, #tpu.memory_space<vmem>> -> memref<8x128xf32, #tpu.memory_space<vmem>>
        tpu.wait_dma2 semaphore(%arg28 : memref<!tpu.dma_semaphore, #tpu.memory_space<semaphore_mem>>) src(%dma_wait3A_1403 : memref<8x128xf32, #tpu.memory_space<vmem>>) dst(%dma_wait3A_1399 : memref<8x128xf32, #tpu.memory_space<hbm>>)
        %dma_wait3A_1404 = arith.constant 3 : i32
        %dma_wait3A_1405 = arith.constant 3 : i32
        %dma_wait3A_1406 = arith.constant 0 : i32
        %dma_wait3A_1407 = arith.constant 0 : i32
        %dma_wait3A_1408 = tpu.memref_slice %arg15[%dma_wait3A_1404, %dma_wait3A_1406, %dma_wait3A_1407] : memref<8x8x128xf32, #tpu.memory_space<vmem>> -> memref<1x8x128xf32, #tpu.memory_space<vmem>>
        %dma_wait3A_1409 = tpu.memref_squeeze %dma_wait3A_1408 : memref<1x8x128xf32, #tpu.memory_space<vmem>> -> memref<8x128xf32, #tpu.memory_space<vmem>>
        %dma_wait3A_1410 = arith.constant 0 : i32
        %dma_wait3A_1411 = arith.constant 0 : i32
        %dma_wait3A_1412 = tpu.memref_slice %arg5[%sub3A_1349, %dma_wait3A_1405, %add3A, %dma_wait3A_1410, %dma_wait3A_1411] : memref<200x8x32x8x128xf32, #tpu.memory_space<hbm>> -> memref<1x1x1x8x128xf32, #tpu.memory_space<hbm>>
        %dma_wait3A_1413 = tpu.memref_squeeze %dma_wait3A_1412 : memref<1x1x1x8x128xf32, #tpu.memory_space<hbm>> -> memref<8x128xf32, #tpu.memory_space<hbm>>
        %dma_wait3A_1414 = arith.constant 0 : i32
        %dma_wait3A_1415 = arith.constant 0 : i32
        %dma_wait3A_1416 = tpu.memref_slice %arg5[%sub3A_1349, %dma_wait3A_1405, %add3A, %dma_wait3A_1414, %dma_wait3A_1415] : memref<200x8x32x8x128xf32, #tpu.memory_space<hbm>> -> memref<1x1x1x8x128xf32, #tpu.memory_space<hbm>>
        %dma_wait3A_1417 = tpu.memref_squeeze %dma_wait3A_1416 : memref<1x1x1x8x128xf32, #tpu.memory_space<hbm>> -> memref<8x128xf32, #tpu.memory_space<hbm>>
        %dma_wait3A_1418 = arith.constant 0 : i32
        %dma_wait3A_1419 = arith.constant 0 : i32
        %dma_wait3A_1420 = tpu.memref_slice %arg15[%dma_wait3A_1404, %dma_wait3A_1418, %dma_wait3A_1419] : memref<8x8x128xf32, #tpu.memory_space<vmem>> -> memref<1x8x128xf32, #tpu.memory_space<vmem>>
        %dma_wait3A_1421 = tpu.memref_squeeze %dma_wait3A_1420 : memref<1x8x128xf32, #tpu.memory_space<vmem>> -> memref<8x128xf32, #tpu.memory_space<vmem>>
        tpu.wait_dma2 semaphore(%arg28 : memref<!tpu.dma_semaphore, #tpu.memory_space<semaphore_mem>>) src(%dma_wait3A_1421 : memref<8x128xf32, #tpu.memory_space<vmem>>) dst(%dma_wait3A_1417 : memref<8x128xf32, #tpu.memory_space<hbm>>)
        %dma_wait3A_1422 = arith.constant 4 : i32
        %dma_wait3A_1423 = arith.constant 4 : i32
        %dma_wait3A_1424 = arith.constant 0 : i32
        %dma_wait3A_1425 = arith.constant 0 : i32
        %dma_wait3A_1426 = tpu.memref_slice %arg15[%dma_wait3A_1422, %dma_wait3A_1424, %dma_wait3A_1425] : memref<8x8x128xf32, #tpu.memory_space<vmem>> -> memref<1x8x128xf32, #tpu.memory_space<vmem>>
        %dma_wait3A_1427 = tpu.memref_squeeze %dma_wait3A_1426 : memref<1x8x128xf32, #tpu.memory_space<vmem>> -> memref<8x128xf32, #tpu.memory_space<vmem>>
        %dma_wait3A_1428 = arith.constant 0 : i32
        %dma_wait3A_1429 = arith.constant 0 : i32
        %dma_wait3A_1430 = tpu.memref_slice %arg5[%sub3A_1349, %dma_wait3A_1423, %add3A, %dma_wait3A_1428, %dma_wait3A_1429] : memref<200x8x32x8x128xf32, #tpu.memory_space<hbm>> -> memref<1x1x1x8x128xf32, #tpu.memory_space<hbm>>
        %dma_wait3A_1431 = tpu.memref_squeeze %dma_wait3A_1430 : memref<1x1x1x8x128xf32, #tpu.memory_space<hbm>> -> memref<8x128xf32, #tpu.memory_space<hbm>>
        %dma_wait3A_1432 = arith.constant 0 : i32
        %dma_wait3A_1433 = arith.constant 0 : i32
        %dma_wait3A_1434 = tpu.memref_slice %arg5[%sub3A_1349, %dma_wait3A_1423, %add3A, %dma_wait3A_1432, %dma_wait3A_1433] : memref<200x8x32x8x128xf32, #tpu.memory_space<hbm>> -> memref<1x1x1x8x128xf32, #tpu.memory_space<hbm>>
        %dma_wait3A_1435 = tpu.memref_squeeze %dma_wait3A_1434 : memref<1x1x1x8x128xf32, #tpu.memory_space<hbm>> -> memref<8x128xf32, #tpu.memory_space<hbm>>
        %dma_wait3A_1436 = arith.constant 0 : i32
        %dma_wait3A_1437 = arith.constant 0 : i32
        %dma_wait3A_1438 = tpu.memref_slice %arg15[%dma_wait3A_1422, %dma_wait3A_1436, %dma_wait3A_1437] : memref<8x8x128xf32, #tpu.memory_space<vmem>> -> memref<1x8x128xf32, #tpu.memory_space<vmem>>
        %dma_wait3A_1439 = tpu.memref_squeeze %dma_wait3A_1438 : memref<1x8x128xf32, #tpu.memory_space<vmem>> -> memref<8x128xf32, #tpu.memory_space<vmem>>
        tpu.wait_dma2 semaphore(%arg28 : memref<!tpu.dma_semaphore, #tpu.memory_space<semaphore_mem>>) src(%dma_wait3A_1439 : memref<8x128xf32, #tpu.memory_space<vmem>>) dst(%dma_wait3A_1435 : memref<8x128xf32, #tpu.memory_space<hbm>>)
        %dma_wait3A_1440 = arith.constant 5 : i32
        %dma_wait3A_1441 = arith.constant 5 : i32
        %dma_wait3A_1442 = arith.constant 0 : i32
        %dma_wait3A_1443 = arith.constant 0 : i32
        %dma_wait3A_1444 = tpu.memref_slice %arg15[%dma_wait3A_1440, %dma_wait3A_1442, %dma_wait3A_1443] : memref<8x8x128xf32, #tpu.memory_space<vmem>> -> memref<1x8x128xf32, #tpu.memory_space<vmem>>
        %dma_wait3A_1445 = tpu.memref_squeeze %dma_wait3A_1444 : memref<1x8x128xf32, #tpu.memory_space<vmem>> -> memref<8x128xf32, #tpu.memory_space<vmem>>
        %dma_wait3A_1446 = arith.constant 0 : i32
        %dma_wait3A_1447 = arith.constant 0 : i32
        %dma_wait3A_1448 = tpu.memref_slice %arg5[%sub3A_1349, %dma_wait3A_1441, %add3A, %dma_wait3A_1446, %dma_wait3A_1447] : memref<200x8x32x8x128xf32, #tpu.memory_space<hbm>> -> memref<1x1x1x8x128xf32, #tpu.memory_space<hbm>>
        %dma_wait3A_1449 = tpu.memref_squeeze %dma_wait3A_1448 : memref<1x1x1x8x128xf32, #tpu.memory_space<hbm>> -> memref<8x128xf32, #tpu.memory_space<hbm>>
        %dma_wait3A_1450 = arith.constant 0 : i32
        %dma_wait3A_1451 = arith.constant 0 : i32
        %dma_wait3A_1452 = tpu.memref_slice %arg5[%sub3A_1349, %dma_wait3A_1441, %add3A, %dma_wait3A_1450, %dma_wait3A_1451] : memref<200x8x32x8x128xf32, #tpu.memory_space<hbm>> -> memref<1x1x1x8x128xf32, #tpu.memory_space<hbm>>
        %dma_wait3A_1453 = tpu.memref_squeeze %dma_wait3A_1452 : memref<1x1x1x8x128xf32, #tpu.memory_space<hbm>> -> memref<8x128xf32, #tpu.memory_space<hbm>>
        %dma_wait3A_1454 = arith.constant 0 : i32
        %dma_wait3A_1455 = arith.constant 0 : i32
        %dma_wait3A_1456 = tpu.memref_slice %arg15[%dma_wait3A_1440, %dma_wait3A_1454, %dma_wait3A_1455] : memref<8x8x128xf32, #tpu.memory_space<vmem>> -> memref<1x8x128xf32, #tpu.memory_space<vmem>>
        %dma_wait3A_1457 = tpu.memref_squeeze %dma_wait3A_1456 : memref<1x8x128xf32, #tpu.memory_space<vmem>> -> memref<8x128xf32, #tpu.memory_space<vmem>>
        tpu.wait_dma2 semaphore(%arg28 : memref<!tpu.dma_semaphore, #tpu.memory_space<semaphore_mem>>) src(%dma_wait3A_1457 : memref<8x128xf32, #tpu.memory_space<vmem>>) dst(%dma_wait3A_1453 : memref<8x128xf32, #tpu.memory_space<hbm>>)
        %dma_wait3A_1458 = arith.constant 6 : i32
        %dma_wait3A_1459 = arith.constant 6 : i32
        %dma_wait3A_1460 = arith.constant 0 : i32
        %dma_wait3A_1461 = arith.constant 0 : i32
        %dma_wait3A_1462 = tpu.memref_slice %arg15[%dma_wait3A_1458, %dma_wait3A_1460, %dma_wait3A_1461] : memref<8x8x128xf32, #tpu.memory_space<vmem>> -> memref<1x8x128xf32, #tpu.memory_space<vmem>>
        %dma_wait3A_1463 = tpu.memref_squeeze %dma_wait3A_1462 : memref<1x8x128xf32, #tpu.memory_space<vmem>> -> memref<8x128xf32, #tpu.memory_space<vmem>>
        %dma_wait3A_1464 = arith.constant 0 : i32
        %dma_wait3A_1465 = arith.constant 0 : i32
        %dma_wait3A_1466 = tpu.memref_slice %arg5[%sub3A_1349, %dma_wait3A_1459, %add3A, %dma_wait3A_1464, %dma_wait3A_1465] : memref<200x8x32x8x128xf32, #tpu.memory_space<hbm>> -> memref<1x1x1x8x128xf32, #tpu.memory_space<hbm>>
        %dma_wait3A_1467 = tpu.memref_squeeze %dma_wait3A_1466 : memref<1x1x1x8x128xf32, #tpu.memory_space<hbm>> -> memref<8x128xf32, #tpu.memory_space<hbm>>
        %dma_wait3A_1468 = arith.constant 0 : i32
        %dma_wait3A_1469 = arith.constant 0 : i32
        %dma_wait3A_1470 = tpu.memref_slice %arg5[%sub3A_1349, %dma_wait3A_1459, %add3A, %dma_wait3A_1468, %dma_wait3A_1469] : memref<200x8x32x8x128xf32, #tpu.memory_space<hbm>> -> memref<1x1x1x8x128xf32, #tpu.memory_space<hbm>>
        %dma_wait3A_1471 = tpu.memref_squeeze %dma_wait3A_1470 : memref<1x1x1x8x128xf32, #tpu.memory_space<hbm>> -> memref<8x128xf32, #tpu.memory_space<hbm>>
        %dma_wait3A_1472 = arith.constant 0 : i32
        %dma_wait3A_1473 = arith.constant 0 : i32
        %dma_wait3A_1474 = tpu.memref_slice %arg15[%dma_wait3A_1458, %dma_wait3A_1472, %dma_wait3A_1473] : memref<8x8x128xf32, #tpu.memory_space<vmem>> -> memref<1x8x128xf32, #tpu.memory_space<vmem>>
        %dma_wait3A_1475 = tpu.memref_squeeze %dma_wait3A_1474 : memref<1x8x128xf32, #tpu.memory_space<vmem>> -> memref<8x128xf32, #tpu.memory_space<vmem>>
        tpu.wait_dma2 semaphore(%arg28 : memref<!tpu.dma_semaphore, #tpu.memory_space<semaphore_mem>>) src(%dma_wait3A_1475 : memref<8x128xf32, #tpu.memory_space<vmem>>) dst(%dma_wait3A_1471 : memref<8x128xf32, #tpu.memory_space<hbm>>)
        %dma_wait3A_1476 = arith.constant 7 : i32
        %dma_wait3A_1477 = arith.constant 7 : i32
        %dma_wait3A_1478 = arith.constant 0 : i32
        %dma_wait3A_1479 = arith.constant 0 : i32
        %dma_wait3A_1480 = tpu.memref_slice %arg15[%dma_wait3A_1476, %dma_wait3A_1478, %dma_wait3A_1479] : memref<8x8x128xf32, #tpu.memory_space<vmem>> -> memref<1x8x128xf32, #tpu.memory_space<vmem>>
        %dma_wait3A_1481 = tpu.memref_squeeze %dma_wait3A_1480 : memref<1x8x128xf32, #tpu.memory_space<vmem>> -> memref<8x128xf32, #tpu.memory_space<vmem>>
        %dma_wait3A_1482 = arith.constant 0 : i32
        %dma_wait3A_1483 = arith.constant 0 : i32
        %dma_wait3A_1484 = tpu.memref_slice %arg5[%sub3A_1349, %dma_wait3A_1477, %add3A, %dma_wait3A_1482, %dma_wait3A_1483] : memref<200x8x32x8x128xf32, #tpu.memory_space<hbm>> -> memref<1x1x1x8x128xf32, #tpu.memory_space<hbm>>
        %dma_wait3A_1485 = tpu.memref_squeeze %dma_wait3A_1484 : memref<1x1x1x8x128xf32, #tpu.memory_space<hbm>> -> memref<8x128xf32, #tpu.memory_space<hbm>>
        %dma_wait3A_1486 = arith.constant 0 : i32
        %dma_wait3A_1487 = arith.constant 0 : i32
        %dma_wait3A_1488 = tpu.memref_slice %arg5[%sub3A_1349, %dma_wait3A_1477, %add3A, %dma_wait3A_1486, %dma_wait3A_1487] : memref<200x8x32x8x128xf32, #tpu.memory_space<hbm>> -> memref<1x1x1x8x128xf32, #tpu.memory_space<hbm>>
        %dma_wait3A_1489 = tpu.memref_squeeze %dma_wait3A_1488 : memref<1x1x1x8x128xf32, #tpu.memory_space<hbm>> -> memref<8x128xf32, #tpu.memory_space<hbm>>
        %dma_wait3A_1490 = arith.constant 0 : i32
        %dma_wait3A_1491 = arith.constant 0 : i32
        %dma_wait3A_1492 = tpu.memref_slice %arg15[%dma_wait3A_1476, %dma_wait3A_1490, %dma_wait3A_1491] : memref<8x8x128xf32, #tpu.memory_space<vmem>> -> memref<1x8x128xf32, #tpu.memory_space<vmem>>
        %dma_wait3A_1493 = tpu.memref_squeeze %dma_wait3A_1492 : memref<1x8x128xf32, #tpu.memory_space<vmem>> -> memref<8x128xf32, #tpu.memory_space<vmem>>
        tpu.wait_dma2 semaphore(%arg28 : memref<!tpu.dma_semaphore, #tpu.memory_space<semaphore_mem>>) src(%dma_wait3A_1493 : memref<8x128xf32, #tpu.memory_space<vmem>>) dst(%dma_wait3A_1489 : memref<8x128xf32, #tpu.memory_space<hbm>>)
      } else {
      }
      %broadcast_in_dim3A_853 = vector.broadcast %add3A_830 : i32 to vector<16xi32>
      %parallel_loop3A_854 = arith.constant 0 : i32
      %parallel_loop3A_855 = arith.constant 64 : i32
      %parallel_loop3A_856 = arith.constant 1 : i32
      scf.for %parallel_loop3A_1349 = %parallel_loop3A_854 to %parallel_loop3A_855 step %parallel_loop3A_856  : i32 {
        %parallel_loop3A_1350 = vector.broadcast %parallel_loop3A_1349 : i32 to vector<16xi32>
        %parallel_loop3A_1351 = tpu.vector_load_idx %arg18[%broadcast_in_dim3A_853, %parallel_loop3A_1350] : memref<200x64xf32, #tpu.memory_space<vmem>>[vector<16xi32>, vector<16xi32>], vector<16xf32>,
        %parallel_loop3A_1352 = arith.constant 3 : i32
        %parallel_loop3A_1353 = arith.shrui %parallel_loop3A_1349, %parallel_loop3A_1352 : i32
        %parallel_loop3A_1354 = arith.constant 7 : i32
        %parallel_loop3A_1355 = arith.andi %parallel_loop3A_1349, %parallel_loop3A_1354 : i32
        %parallel_loop3A_1356 = arith.constant 0 : i32
        %parallel_loop3A_1357 = vector.broadcast %parallel_loop3A_1356 : i32 to vector<16xi32>
        %parallel_loop3A_1358 = arith.addi %iota3A, %parallel_loop3A_1357 : vector<16xi32>
        %parallel_loop3A_1359 = tpu.vector_load_idx %arg11[%parallel_loop3A_1358, %parallel_loop3A_1350] : memref<128x64xf32, #tpu.memory_space<vmem>>[vector<16xi32>, vector<16xi32>], vector<16xf32>,
        %parallel_loop3A_1360 = arith.constant 8.000000e+00 : f32
        %parallel_loop3A_1361 = vector.broadcast %parallel_loop3A_1360 : f32 to vector<16xf32>
        %parallel_loop3A_1362 = arith.mulf %parallel_loop3A_1359, %parallel_loop3A_1361 : vector<16xf32>
        %parallel_loop3A_1363 = arith.addf %parallel_loop3A_1362, %parallel_loop3A_1351 : vector<16xf32>
        %parallel_loop3A_1364 = arith.index_cast %parallel_loop3A_1353 : i32 to index
        %parallel_loop3A_1365 = arith.index_cast %parallel_loop3A_1355 : i32 to index
        %parallel_loop3A_1366 = arith.constant 0 : index
        %parallel_loop3A_1367 = tpu.vector_load %arg15[%parallel_loop3A_1364, %parallel_loop3A_1365, %parallel_loop3A_1366] {strides = array<i32>} : memref<8x8x128xf32, #tpu.memory_space<vmem>>, vector<16xf32>,
        tpu.vector_store %arg15[%parallel_loop3A_1364, %parallel_loop3A_1365, %parallel_loop3A_1366], %parallel_loop3A_1363 {strides = array<i32>} : memref<8x8x128xf32, #tpu.memory_space<vmem>>, vector<16xf32>,
        %parallel_loop3A_1368 = arith.constant 16 : i32
        %parallel_loop3A_1369 = vector.broadcast %parallel_loop3A_1368 : i32 to vector<16xi32>
        %parallel_loop3A_1370 = arith.addi %iota3A, %parallel_loop3A_1369 : vector<16xi32>
        %parallel_loop3A_1371 = tpu.vector_load_idx %arg11[%parallel_loop3A_1370, %parallel_loop3A_1350] : memref<128x64xf32, #tpu.memory_space<vmem>>[vector<16xi32>, vector<16xi32>], vector<16xf32>,
        %parallel_loop3A_1372 = arith.constant 8.000000e+00 : f32
        %parallel_loop3A_1373 = vector.broadcast %parallel_loop3A_1372 : f32 to vector<16xf32>
        %parallel_loop3A_1374 = arith.mulf %parallel_loop3A_1371, %parallel_loop3A_1373 : vector<16xf32>
        %parallel_loop3A_1375 = arith.addf %parallel_loop3A_1374, %parallel_loop3A_1351 : vector<16xf32>
        %parallel_loop3A_1376 = arith.index_cast %parallel_loop3A_1353 : i32 to index
        %parallel_loop3A_1377 = arith.index_cast %parallel_loop3A_1355 : i32 to index
        %parallel_loop3A_1378 = arith.constant 16 : index
        %parallel_loop3A_1379 = tpu.vector_load %arg15[%parallel_loop3A_1376, %parallel_loop3A_1377, %parallel_loop3A_1378] {strides = array<i32>} : memref<8x8x128xf32, #tpu.memory_space<vmem>>, vector<16xf32>,
        tpu.vector_store %arg15[%parallel_loop3A_1376, %parallel_loop3A_1377, %parallel_loop3A_1378], %parallel_loop3A_1375 {strides = array<i32>} : memref<8x8x128xf32, #tpu.memory_space<vmem>>, vector<16xf32>,
        %parallel_loop3A_1380 = arith.constant 32 : i32
        %parallel_loop3A_1381 = vector.broadcast %parallel_loop3A_1380 : i32 to vector<16xi32>
        %parallel_loop3A_1382 = arith.addi %iota3A, %parallel_loop3A_1381 : vector<16xi32>
        %parallel_loop3A_1383 = tpu.vector_load_idx %arg11[%parallel_loop3A_1382, %parallel_loop3A_1350] : memref<128x64xf32, #tpu.memory_space<vmem>>[vector<16xi32>, vector<16xi32>], vector<16xf32>,
        %parallel_loop3A_1384 = arith.constant 8.000000e+00 : f32
        %parallel_loop3A_1385 = vector.broadcast %parallel_loop3A_1384 : f32 to vector<16xf32>
        %parallel_loop3A_1386 = arith.mulf %parallel_loop3A_1383, %parallel_loop3A_1385 : vector<16xf32>
        %parallel_loop3A_1387 = arith.addf %parallel_loop3A_1386, %parallel_loop3A_1351 : vector<16xf32>
        %parallel_loop3A_1388 = arith.index_cast %parallel_loop3A_1353 : i32 to index
        %parallel_loop3A_1389 = arith.index_cast %parallel_loop3A_1355 : i32 to index
        %parallel_loop3A_1390 = arith.constant 32 : index
        %parallel_loop3A_1391 = tpu.vector_load %arg15[%parallel_loop3A_1388, %parallel_loop3A_1389, %parallel_loop3A_1390] {strides = array<i32>} : memref<8x8x128xf32, #tpu.memory_space<vmem>>, vector<16xf32>,
        tpu.vector_store %arg15[%parallel_loop3A_1388, %parallel_loop3A_1389, %parallel_loop3A_1390], %parallel_loop3A_1387 {strides = array<i32>} : memref<8x8x128xf32, #tpu.memory_space<vmem>>, vector<16xf32>,
        %parallel_loop3A_1392 = arith.constant 48 : i32
        %parallel_loop3A_1393 = vector.broadcast %parallel_loop3A_1392 : i32 to vector<16xi32>
        %parallel_loop3A_1394 = arith.addi %iota3A, %parallel_loop3A_1393 : vector<16xi32>
        %parallel_loop3A_1395 = tpu.vector_load_idx %arg11[%parallel_loop3A_1394, %parallel_loop3A_1350] : memref<128x64xf32, #tpu.memory_space<vmem>>[vector<16xi32>, vector<16xi32>], vector<16xf32>,
        %parallel_loop3A_1396 = arith.constant 8.000000e+00 : f32
        %parallel_loop3A_1397 = vector.broadcast %parallel_loop3A_1396 : f32 to vector<16xf32>
        %parallel_loop3A_1398 = arith.mulf %parallel_loop3A_1395, %parallel_loop3A_1397 : vector<16xf32>
        %parallel_loop3A_1399 = arith.addf %parallel_loop3A_1398, %parallel_loop3A_1351 : vector<16xf32>
        %parallel_loop3A_1400 = arith.index_cast %parallel_loop3A_1353 : i32 to index
        %parallel_loop3A_1401 = arith.index_cast %parallel_loop3A_1355 : i32 to index
        %parallel_loop3A_1402 = arith.constant 48 : index
        %parallel_loop3A_1403 = tpu.vector_load %arg15[%parallel_loop3A_1400, %parallel_loop3A_1401, %parallel_loop3A_1402] {strides = array<i32>} : memref<8x8x128xf32, #tpu.memory_space<vmem>>, vector<16xf32>,
        tpu.vector_store %arg15[%parallel_loop3A_1400, %parallel_loop3A_1401, %parallel_loop3A_1402], %parallel_loop3A_1399 {strides = array<i32>} : memref<8x8x128xf32, #tpu.memory_space<vmem>>, vector<16xf32>,
        %parallel_loop3A_1404 = arith.constant 64 : i32
        %parallel_loop3A_1405 = vector.broadcast %parallel_loop3A_1404 : i32 to vector<16xi32>
        %parallel_loop3A_1406 = arith.addi %iota3A, %parallel_loop3A_1405 : vector<16xi32>
        %parallel_loop3A_1407 = tpu.vector_load_idx %arg11[%parallel_loop3A_1406, %parallel_loop3A_1350] : memref<128x64xf32, #tpu.memory_space<vmem>>[vector<16xi32>, vector<16xi32>], vector<16xf32>,
        %parallel_loop3A_1408 = arith.constant 8.000000e+00 : f32
        %parallel_loop3A_1409 = vector.broadcast %parallel_loop3A_1408 : f32 to vector<16xf32>
        %parallel_loop3A_1410 = arith.mulf %parallel_loop3A_1407, %parallel_loop3A_1409 : vector<16xf32>
        %parallel_loop3A_1411 = arith.addf %parallel_loop3A_1410, %parallel_loop3A_1351 : vector<16xf32>
        %parallel_loop3A_1412 = arith.index_cast %parallel_loop3A_1353 : i32 to index
        %parallel_loop3A_1413 = arith.index_cast %parallel_loop3A_1355 : i32 to index
        %parallel_loop3A_1414 = arith.constant 64 : index
        %parallel_loop3A_1415 = tpu.vector_load %arg15[%parallel_loop3A_1412, %parallel_loop3A_1413, %parallel_loop3A_1414] {strides = array<i32>} : memref<8x8x128xf32, #tpu.memory_space<vmem>>, vector<16xf32>,
        tpu.vector_store %arg15[%parallel_loop3A_1412, %parallel_loop3A_1413, %parallel_loop3A_1414], %parallel_loop3A_1411 {strides = array<i32>} : memref<8x8x128xf32, #tpu.memory_space<vmem>>, vector<16xf32>,
        %parallel_loop3A_1416 = arith.constant 80 : i32
        %parallel_loop3A_1417 = vector.broadcast %parallel_loop3A_1416 : i32 to vector<16xi32>
        %parallel_loop3A_1418 = arith.addi %iota3A, %parallel_loop3A_1417 : vector<16xi32>
        %parallel_loop3A_1419 = tpu.vector_load_idx %arg11[%parallel_loop3A_1418, %parallel_loop3A_1350] : memref<128x64xf32, #tpu.memory_space<vmem>>[vector<16xi32>, vector<16xi32>], vector<16xf32>,
        %parallel_loop3A_1420 = arith.constant 8.000000e+00 : f32
        %parallel_loop3A_1421 = vector.broadcast %parallel_loop3A_1420 : f32 to vector<16xf32>
        %parallel_loop3A_1422 = arith.mulf %parallel_loop3A_1419, %parallel_loop3A_1421 : vector<16xf32>
        %parallel_loop3A_1423 = arith.addf %parallel_loop3A_1422, %parallel_loop3A_1351 : vector<16xf32>
        %parallel_loop3A_1424 = arith.index_cast %parallel_loop3A_1353 : i32 to index
        %parallel_loop3A_1425 = arith.index_cast %parallel_loop3A_1355 : i32 to index
        %parallel_loop3A_1426 = arith.constant 80 : index
        %parallel_loop3A_1427 = tpu.vector_load %arg15[%parallel_loop3A_1424, %parallel_loop3A_1425, %parallel_loop3A_1426] {strides = array<i32>} : memref<8x8x128xf32, #tpu.memory_space<vmem>>, vector<16xf32>,
        tpu.vector_store %arg15[%parallel_loop3A_1424, %parallel_loop3A_1425, %parallel_loop3A_1426], %parallel_loop3A_1423 {strides = array<i32>} : memref<8x8x128xf32, #tpu.memory_space<vmem>>, vector<16xf32>,
        %parallel_loop3A_1428 = arith.constant 96 : i32
        %parallel_loop3A_1429 = vector.broadcast %parallel_loop3A_1428 : i32 to vector<16xi32>
        %parallel_loop3A_1430 = arith.addi %iota3A, %parallel_loop3A_1429 : vector<16xi32>
        %parallel_loop3A_1431 = tpu.vector_load_idx %arg11[%parallel_loop3A_1430, %parallel_loop3A_1350] : memref<128x64xf32, #tpu.memory_space<vmem>>[vector<16xi32>, vector<16xi32>], vector<16xf32>,
        %parallel_loop3A_1432 = arith.constant 8.000000e+00 : f32
        %parallel_loop3A_1433 = vector.broadcast %parallel_loop3A_1432 : f32 to vector<16xf32>
        %parallel_loop3A_1434 = arith.mulf %parallel_loop3A_1431, %parallel_loop3A_1433 : vector<16xf32>
        %parallel_loop3A_1435 = arith.addf %parallel_loop3A_1434, %parallel_loop3A_1351 : vector<16xf32>
        %parallel_loop3A_1436 = arith.index_cast %parallel_loop3A_1353 : i32 to index
        %parallel_loop3A_1437 = arith.index_cast %parallel_loop3A_1355 : i32 to index
        %parallel_loop3A_1438 = arith.constant 96 : index
        %parallel_loop3A_1439 = tpu.vector_load %arg15[%parallel_loop3A_1436, %parallel_loop3A_1437, %parallel_loop3A_1438] {strides = array<i32>} : memref<8x8x128xf32, #tpu.memory_space<vmem>>, vector<16xf32>,
        tpu.vector_store %arg15[%parallel_loop3A_1436, %parallel_loop3A_1437, %parallel_loop3A_1438], %parallel_loop3A_1435 {strides = array<i32>} : memref<8x8x128xf32, #tpu.memory_space<vmem>>, vector<16xf32>,
        %parallel_loop3A_1440 = arith.constant 112 : i32
        %parallel_loop3A_1441 = vector.broadcast %parallel_loop3A_1440 : i32 to vector<16xi32>
        %parallel_loop3A_1442 = arith.addi %iota3A, %parallel_loop3A_1441 : vector<16xi32>
        %parallel_loop3A_1443 = tpu.vector_load_idx %arg11[%parallel_loop3A_1442, %parallel_loop3A_1350] : memref<128x64xf32, #tpu.memory_space<vmem>>[vector<16xi32>, vector<16xi32>], vector<16xf32>,
        %parallel_loop3A_1444 = arith.constant 8.000000e+00 : f32
        %parallel_loop3A_1445 = vector.broadcast %parallel_loop3A_1444 : f32 to vector<16xf32>
        %parallel_loop3A_1446 = arith.mulf %parallel_loop3A_1443, %parallel_loop3A_1445 : vector<16xf32>
        %parallel_loop3A_1447 = arith.addf %parallel_loop3A_1446, %parallel_loop3A_1351 : vector<16xf32>
        %parallel_loop3A_1448 = arith.index_cast %parallel_loop3A_1353 : i32 to index
        %parallel_loop3A_1449 = arith.index_cast %parallel_loop3A_1355 : i32 to index
        %parallel_loop3A_1450 = arith.constant 112 : index
        %parallel_loop3A_1451 = tpu.vector_load %arg15[%parallel_loop3A_1448, %parallel_loop3A_1449, %parallel_loop3A_1450] {strides = array<i32>} : memref<8x8x128xf32, #tpu.memory_space<vmem>>, vector<16xf32>,
        tpu.vector_store %arg15[%parallel_loop3A_1448, %parallel_loop3A_1449, %parallel_loop3A_1450], %parallel_loop3A_1447 {strides = array<i32>} : memref<8x8x128xf32, #tpu.memory_space<vmem>>, vector<16xf32>,
      } {sc.loop_unroll_factor = 4 : i64, sc.parallel_access}
      %dma_start3A_857 = arith.constant 0 : i32
      %dma_start3A_858 = arith.constant 0 : i32
      %dma_start3A_859 = arith.constant 0 : i32
      %dma_start3A_860 = arith.constant 0 : i32
      %dma_start3A_861 = tpu.memref_slice %arg15[%dma_start3A_857, %dma_start3A_859, %dma_start3A_860] : memref<8x8x128xf32, #tpu.memory_space<vmem>> -> memref<1x8x128xf32, #tpu.memory_space<vmem>>
      %dma_start3A_862 = tpu.memref_squeeze %dma_start3A_861 : memref<1x8x128xf32, #tpu.memory_space<vmem>> -> memref<8x128xf32, #tpu.memory_space<vmem>>
      %dma_start3A_863 = arith.constant 0 : i32
      %dma_start3A_864 = arith.constant 0 : i32
      %dma_start3A_865 = tpu.memref_slice %arg5[%add3A_830, %dma_start3A_858, %add3A, %dma_start3A_863, %dma_start3A_864] : memref<200x8x32x8x128xf32, #tpu.memory_space<hbm>> -> memref<1x1x1x8x128xf32, #tpu.memory_space<hbm>>
      %dma_start3A_866 = tpu.memref_squeeze %dma_start3A_865 : memref<1x1x1x8x128xf32, #tpu.memory_space<hbm>> -> memref<8x128xf32, #tpu.memory_space<hbm>>
      %dma_start3A_867 = arith.constant 0 : i32
      %dma_start3A_868 = arith.constant 0 : i32
      %dma_start3A_869 = tpu.memref_slice %arg5[%add3A_830, %dma_start3A_858, %add3A, %dma_start3A_867, %dma_start3A_868] : memref<200x8x32x8x128xf32, #tpu.memory_space<hbm>> -> memref<1x1x1x8x128xf32, #tpu.memory_space<hbm>>
      %dma_start3A_870 = tpu.memref_squeeze %dma_start3A_869 : memref<1x1x1x8x128xf32, #tpu.memory_space<hbm>> -> memref<8x128xf32, #tpu.memory_space<hbm>>
      %dma_start3A_871 = arith.constant 0 : i32
      %dma_start3A_872 = arith.constant 0 : i32
      %dma_start3A_873 = tpu.memref_slice %arg15[%dma_start3A_857, %dma_start3A_871, %dma_start3A_872] : memref<8x8x128xf32, #tpu.memory_space<vmem>> -> memref<1x8x128xf32, #tpu.memory_space<vmem>>
      %dma_start3A_874 = tpu.memref_squeeze %dma_start3A_873 : memref<1x8x128xf32, #tpu.memory_space<vmem>> -> memref<8x128xf32, #tpu.memory_space<vmem>>
      tpu.enqueue_dma source(%dma_start3A_874 : memref<8x128xf32, #tpu.memory_space<vmem>>) target(%dma_start3A_870 : memref<8x128xf32, #tpu.memory_space<hbm>>) target_semaphore(%arg28 : memref<!tpu.dma_semaphore, #tpu.memory_space<semaphore_mem>>)
      %dma_start3A_875 = arith.constant 1 : i32
      %dma_start3A_876 = arith.constant 1 : i32
      %dma_start3A_877 = arith.constant 0 : i32
      %dma_start3A_878 = arith.constant 0 : i32
      %dma_start3A_879 = tpu.memref_slice %arg15[%dma_start3A_875, %dma_start3A_877, %dma_start3A_878] : memref<8x8x128xf32, #tpu.memory_space<vmem>> -> memref<1x8x128xf32, #tpu.memory_space<vmem>>
      %dma_start3A_880 = tpu.memref_squeeze %dma_start3A_879 : memref<1x8x128xf32, #tpu.memory_space<vmem>> -> memref<8x128xf32, #tpu.memory_space<vmem>>
      %dma_start3A_881 = arith.constant 0 : i32
      %dma_start3A_882 = arith.constant 0 : i32
      %dma_start3A_883 = tpu.memref_slice %arg5[%add3A_830, %dma_start3A_876, %add3A, %dma_start3A_881, %dma_start3A_882] : memref<200x8x32x8x128xf32, #tpu.memory_space<hbm>> -> memref<1x1x1x8x128xf32, #tpu.memory_space<hbm>>
      %dma_start3A_884 = tpu.memref_squeeze %dma_start3A_883 : memref<1x1x1x8x128xf32, #tpu.memory_space<hbm>> -> memref<8x128xf32, #tpu.memory_space<hbm>>
      %dma_start3A_885 = arith.constant 0 : i32
      %dma_start3A_886 = arith.constant 0 : i32
      %dma_start3A_887 = tpu.memref_slice %arg5[%add3A_830, %dma_start3A_876, %add3A, %dma_start3A_885, %dma_start3A_886] : memref<200x8x32x8x128xf32, #tpu.memory_space<hbm>> -> memref<1x1x1x8x128xf32, #tpu.memory_space<hbm>>
      %dma_start3A_888 = tpu.memref_squeeze %dma_start3A_887 : memref<1x1x1x8x128xf32, #tpu.memory_space<hbm>> -> memref<8x128xf32, #tpu.memory_space<hbm>>
      %dma_start3A_889 = arith.constant 0 : i32
      %dma_start3A_890 = arith.constant 0 : i32
      %dma_start3A_891 = tpu.memref_slice %arg15[%dma_start3A_875, %dma_start3A_889, %dma_start3A_890] : memref<8x8x128xf32, #tpu.memory_space<vmem>> -> memref<1x8x128xf32, #tpu.memory_space<vmem>>
      %dma_start3A_892 = tpu.memref_squeeze %dma_start3A_891 : memref<1x8x128xf32, #tpu.memory_space<vmem>> -> memref<8x128xf32, #tpu.memory_space<vmem>>
      tpu.enqueue_dma source(%dma_start3A_892 : memref<8x128xf32, #tpu.memory_space<vmem>>) target(%dma_start3A_888 : memref<8x128xf32, #tpu.memory_space<hbm>>) target_semaphore(%arg28 : memref<!tpu.dma_semaphore, #tpu.memory_space<semaphore_mem>>)
      %dma_start3A_893 = arith.constant 2 : i32
      %dma_start3A_894 = arith.constant 2 : i32
      %dma_start3A_895 = arith.constant 0 : i32
      %dma_start3A_896 = arith.constant 0 : i32
      %dma_start3A_897 = tpu.memref_slice %arg15[%dma_start3A_893, %dma_start3A_895, %dma_start3A_896] : memref<8x8x128xf32, #tpu.memory_space<vmem>> -> memref<1x8x128xf32, #tpu.memory_space<vmem>>
      %dma_start3A_898 = tpu.memref_squeeze %dma_start3A_897 : memref<1x8x128xf32, #tpu.memory_space<vmem>> -> memref<8x128xf32, #tpu.memory_space<vmem>>
      %dma_start3A_899 = arith.constant 0 : i32
      %dma_start3A_900 = arith.constant 0 : i32
      %dma_start3A_901 = tpu.memref_slice %arg5[%add3A_830, %dma_start3A_894, %add3A, %dma_start3A_899, %dma_start3A_900] : memref<200x8x32x8x128xf32, #tpu.memory_space<hbm>> -> memref<1x1x1x8x128xf32, #tpu.memory_space<hbm>>
      %dma_start3A_902 = tpu.memref_squeeze %dma_start3A_901 : memref<1x1x1x8x128xf32, #tpu.memory_space<hbm>> -> memref<8x128xf32, #tpu.memory_space<hbm>>
      %dma_start3A_903 = arith.constant 0 : i32
      %dma_start3A_904 = arith.constant 0 : i32
      %dma_start3A_905 = tpu.memref_slice %arg5[%add3A_830, %dma_start3A_894, %add3A, %dma_start3A_903, %dma_start3A_904] : memref<200x8x32x8x128xf32, #tpu.memory_space<hbm>> -> memref<1x1x1x8x128xf32, #tpu.memory_space<hbm>>
      %dma_start3A_906 = tpu.memref_squeeze %dma_start3A_905 : memref<1x1x1x8x128xf32, #tpu.memory_space<hbm>> -> memref<8x128xf32, #tpu.memory_space<hbm>>
      %dma_start3A_907 = arith.constant 0 : i32
      %dma_start3A_908 = arith.constant 0 : i32
      %dma_start3A_909 = tpu.memref_slice %arg15[%dma_start3A_893, %dma_start3A_907, %dma_start3A_908] : memref<8x8x128xf32, #tpu.memory_space<vmem>> -> memref<1x8x128xf32, #tpu.memory_space<vmem>>
      %dma_start3A_910 = tpu.memref_squeeze %dma_start3A_909 : memref<1x8x128xf32, #tpu.memory_space<vmem>> -> memref<8x128xf32, #tpu.memory_space<vmem>>
      tpu.enqueue_dma source(%dma_start3A_910 : memref<8x128xf32, #tpu.memory_space<vmem>>) target(%dma_start3A_906 : memref<8x128xf32, #tpu.memory_space<hbm>>) target_semaphore(%arg28 : memref<!tpu.dma_semaphore, #tpu.memory_space<semaphore_mem>>)
      %dma_start3A_911 = arith.constant 3 : i32
      %dma_start3A_912 = arith.constant 3 : i32
      %dma_start3A_913 = arith.constant 0 : i32
      %dma_start3A_914 = arith.constant 0 : i32
      %dma_start3A_915 = tpu.memref_slice %arg15[%dma_start3A_911, %dma_start3A_913, %dma_start3A_914] : memref<8x8x128xf32, #tpu.memory_space<vmem>> -> memref<1x8x128xf32, #tpu.memory_space<vmem>>
      %dma_start3A_916 = tpu.memref_squeeze %dma_start3A_915 : memref<1x8x128xf32, #tpu.memory_space<vmem>> -> memref<8x128xf32, #tpu.memory_space<vmem>>
      %dma_start3A_917 = arith.constant 0 : i32
      %dma_start3A_918 = arith.constant 0 : i32
      %dma_start3A_919 = tpu.memref_slice %arg5[%add3A_830, %dma_start3A_912, %add3A, %dma_start3A_917, %dma_start3A_918] : memref<200x8x32x8x128xf32, #tpu.memory_space<hbm>> -> memref<1x1x1x8x128xf32, #tpu.memory_space<hbm>>
      %dma_start3A_920 = tpu.memref_squeeze %dma_start3A_919 : memref<1x1x1x8x128xf32, #tpu.memory_space<hbm>> -> memref<8x128xf32, #tpu.memory_space<hbm>>
      %dma_start3A_921 = arith.constant 0 : i32
      %dma_start3A_922 = arith.constant 0 : i32
      %dma_start3A_923 = tpu.memref_slice %arg5[%add3A_830, %dma_start3A_912, %add3A, %dma_start3A_921, %dma_start3A_922] : memref<200x8x32x8x128xf32, #tpu.memory_space<hbm>> -> memref<1x1x1x8x128xf32, #tpu.memory_space<hbm>>
      %dma_start3A_924 = tpu.memref_squeeze %dma_start3A_923 : memref<1x1x1x8x128xf32, #tpu.memory_space<hbm>> -> memref<8x128xf32, #tpu.memory_space<hbm>>
      %dma_start3A_925 = arith.constant 0 : i32
      %dma_start3A_926 = arith.constant 0 : i32
      %dma_start3A_927 = tpu.memref_slice %arg15[%dma_start3A_911, %dma_start3A_925, %dma_start3A_926] : memref<8x8x128xf32, #tpu.memory_space<vmem>> -> memref<1x8x128xf32, #tpu.memory_space<vmem>>
      %dma_start3A_928 = tpu.memref_squeeze %dma_start3A_927 : memref<1x8x128xf32, #tpu.memory_space<vmem>> -> memref<8x128xf32, #tpu.memory_space<vmem>>
      tpu.enqueue_dma source(%dma_start3A_928 : memref<8x128xf32, #tpu.memory_space<vmem>>) target(%dma_start3A_924 : memref<8x128xf32, #tpu.memory_space<hbm>>) target_semaphore(%arg28 : memref<!tpu.dma_semaphore, #tpu.memory_space<semaphore_mem>>)
      %dma_start3A_929 = arith.constant 4 : i32
      %dma_start3A_930 = arith.constant 4 : i32
      %dma_start3A_931 = arith.constant 0 : i32
      %dma_start3A_932 = arith.constant 0 : i32
      %dma_start3A_933 = tpu.memref_slice %arg15[%dma_start3A_929, %dma_start3A_931, %dma_start3A_932] : memref<8x8x128xf32, #tpu.memory_space<vmem>> -> memref<1x8x128xf32, #tpu.memory_space<vmem>>
      %dma_start3A_934 = tpu.memref_squeeze %dma_start3A_933 : memref<1x8x128xf32, #tpu.memory_space<vmem>> -> memref<8x128xf32, #tpu.memory_space<vmem>>
      %dma_start3A_935 = arith.constant 0 : i32
      %dma_start3A_936 = arith.constant 0 : i32
      %dma_start3A_937 = tpu.memref_slice %arg5[%add3A_830, %dma_start3A_930, %add3A, %dma_start3A_935, %dma_start3A_936] : memref<200x8x32x8x128xf32, #tpu.memory_space<hbm>> -> memref<1x1x1x8x128xf32, #tpu.memory_space<hbm>>
      %dma_start3A_938 = tpu.memref_squeeze %dma_start3A_937 : memref<1x1x1x8x128xf32, #tpu.memory_space<hbm>> -> memref<8x128xf32, #tpu.memory_space<hbm>>
      %dma_start3A_939 = arith.constant 0 : i32
      %dma_start3A_940 = arith.constant 0 : i32
      %dma_start3A_941 = tpu.memref_slice %arg5[%add3A_830, %dma_start3A_930, %add3A, %dma_start3A_939, %dma_start3A_940] : memref<200x8x32x8x128xf32, #tpu.memory_space<hbm>> -> memref<1x1x1x8x128xf32, #tpu.memory_space<hbm>>
      %dma_start3A_942 = tpu.memref_squeeze %dma_start3A_941 : memref<1x1x1x8x128xf32, #tpu.memory_space<hbm>> -> memref<8x128xf32, #tpu.memory_space<hbm>>
      %dma_start3A_943 = arith.constant 0 : i32
      %dma_start3A_944 = arith.constant 0 : i32
      %dma_start3A_945 = tpu.memref_slice %arg15[%dma_start3A_929, %dma_start3A_943, %dma_start3A_944] : memref<8x8x128xf32, #tpu.memory_space<vmem>> -> memref<1x8x128xf32, #tpu.memory_space<vmem>>
      %dma_start3A_946 = tpu.memref_squeeze %dma_start3A_945 : memref<1x8x128xf32, #tpu.memory_space<vmem>> -> memref<8x128xf32, #tpu.memory_space<vmem>>
      tpu.enqueue_dma source(%dma_start3A_946 : memref<8x128xf32, #tpu.memory_space<vmem>>) target(%dma_start3A_942 : memref<8x128xf32, #tpu.memory_space<hbm>>) target_semaphore(%arg28 : memref<!tpu.dma_semaphore, #tpu.memory_space<semaphore_mem>>)
      %dma_start3A_947 = arith.constant 5 : i32
      %dma_start3A_948 = arith.constant 5 : i32
      %dma_start3A_949 = arith.constant 0 : i32
      %dma_start3A_950 = arith.constant 0 : i32
      %dma_start3A_951 = tpu.memref_slice %arg15[%dma_start3A_947, %dma_start3A_949, %dma_start3A_950] : memref<8x8x128xf32, #tpu.memory_space<vmem>> -> memref<1x8x128xf32, #tpu.memory_space<vmem>>
      %dma_start3A_952 = tpu.memref_squeeze %dma_start3A_951 : memref<1x8x128xf32, #tpu.memory_space<vmem>> -> memref<8x128xf32, #tpu.memory_space<vmem>>
      %dma_start3A_953 = arith.constant 0 : i32
      %dma_start3A_954 = arith.constant 0 : i32
      %dma_start3A_955 = tpu.memref_slice %arg5[%add3A_830, %dma_start3A_948, %add3A, %dma_start3A_953, %dma_start3A_954] : memref<200x8x32x8x128xf32, #tpu.memory_space<hbm>> -> memref<1x1x1x8x128xf32, #tpu.memory_space<hbm>>
      %dma_start3A_956 = tpu.memref_squeeze %dma_start3A_955 : memref<1x1x1x8x128xf32, #tpu.memory_space<hbm>> -> memref<8x128xf32, #tpu.memory_space<hbm>>
      %dma_start3A_957 = arith.constant 0 : i32
      %dma_start3A_958 = arith.constant 0 : i32
      %dma_start3A_959 = tpu.memref_slice %arg5[%add3A_830, %dma_start3A_948, %add3A, %dma_start3A_957, %dma_start3A_958] : memref<200x8x32x8x128xf32, #tpu.memory_space<hbm>> -> memref<1x1x1x8x128xf32, #tpu.memory_space<hbm>>
      %dma_start3A_960 = tpu.memref_squeeze %dma_start3A_959 : memref<1x1x1x8x128xf32, #tpu.memory_space<hbm>> -> memref<8x128xf32, #tpu.memory_space<hbm>>
      %dma_start3A_961 = arith.constant 0 : i32
      %dma_start3A_962 = arith.constant 0 : i32
      %dma_start3A_963 = tpu.memref_slice %arg15[%dma_start3A_947, %dma_start3A_961, %dma_start3A_962] : memref<8x8x128xf32, #tpu.memory_space<vmem>> -> memref<1x8x128xf32, #tpu.memory_space<vmem>>
      %dma_start3A_964 = tpu.memref_squeeze %dma_start3A_963 : memref<1x8x128xf32, #tpu.memory_space<vmem>> -> memref<8x128xf32, #tpu.memory_space<vmem>>
      tpu.enqueue_dma source(%dma_start3A_964 : memref<8x128xf32, #tpu.memory_space<vmem>>) target(%dma_start3A_960 : memref<8x128xf32, #tpu.memory_space<hbm>>) target_semaphore(%arg28 : memref<!tpu.dma_semaphore, #tpu.memory_space<semaphore_mem>>)
      %dma_start3A_965 = arith.constant 6 : i32
      %dma_start3A_966 = arith.constant 6 : i32
      %dma_start3A_967 = arith.constant 0 : i32
      %dma_start3A_968 = arith.constant 0 : i32
      %dma_start3A_969 = tpu.memref_slice %arg15[%dma_start3A_965, %dma_start3A_967, %dma_start3A_968] : memref<8x8x128xf32, #tpu.memory_space<vmem>> -> memref<1x8x128xf32, #tpu.memory_space<vmem>>
      %dma_start3A_970 = tpu.memref_squeeze %dma_start3A_969 : memref<1x8x128xf32, #tpu.memory_space<vmem>> -> memref<8x128xf32, #tpu.memory_space<vmem>>
      %dma_start3A_971 = arith.constant 0 : i32
      %dma_start3A_972 = arith.constant 0 : i32
      %dma_start3A_973 = tpu.memref_slice %arg5[%add3A_830, %dma_start3A_966, %add3A, %dma_start3A_971, %dma_start3A_972] : memref<200x8x32x8x128xf32, #tpu.memory_space<hbm>> -> memref<1x1x1x8x128xf32, #tpu.memory_space<hbm>>
      %dma_start3A_974 = tpu.memref_squeeze %dma_start3A_973 : memref<1x1x1x8x128xf32, #tpu.memory_space<hbm>> -> memref<8x128xf32, #tpu.memory_space<hbm>>
      %dma_start3A_975 = arith.constant 0 : i32
      %dma_start3A_976 = arith.constant 0 : i32
      %dma_start3A_977 = tpu.memref_slice %arg5[%add3A_830, %dma_start3A_966, %add3A, %dma_start3A_975, %dma_start3A_976] : memref<200x8x32x8x128xf32, #tpu.memory_space<hbm>> -> memref<1x1x1x8x128xf32, #tpu.memory_space<hbm>>
      %dma_start3A_978 = tpu.memref_squeeze %dma_start3A_977 : memref<1x1x1x8x128xf32, #tpu.memory_space<hbm>> -> memref<8x128xf32, #tpu.memory_space<hbm>>
      %dma_start3A_979 = arith.constant 0 : i32
      %dma_start3A_980 = arith.constant 0 : i32
      %dma_start3A_981 = tpu.memref_slice %arg15[%dma_start3A_965, %dma_start3A_979, %dma_start3A_980] : memref<8x8x128xf32, #tpu.memory_space<vmem>> -> memref<1x8x128xf32, #tpu.memory_space<vmem>>
      %dma_start3A_982 = tpu.memref_squeeze %dma_start3A_981 : memref<1x8x128xf32, #tpu.memory_space<vmem>> -> memref<8x128xf32, #tpu.memory_space<vmem>>
      tpu.enqueue_dma source(%dma_start3A_982 : memref<8x128xf32, #tpu.memory_space<vmem>>) target(%dma_start3A_978 : memref<8x128xf32, #tpu.memory_space<hbm>>) target_semaphore(%arg28 : memref<!tpu.dma_semaphore, #tpu.memory_space<semaphore_mem>>)
      %dma_start3A_983 = arith.constant 7 : i32
      %dma_start3A_984 = arith.constant 7 : i32
      %dma_start3A_985 = arith.constant 0 : i32
      %dma_start3A_986 = arith.constant 0 : i32
      %dma_start3A_987 = tpu.memref_slice %arg15[%dma_start3A_983, %dma_start3A_985, %dma_start3A_986] : memref<8x8x128xf32, #tpu.memory_space<vmem>> -> memref<1x8x128xf32, #tpu.memory_space<vmem>>
      %dma_start3A_988 = tpu.memref_squeeze %dma_start3A_987 : memref<1x8x128xf32, #tpu.memory_space<vmem>> -> memref<8x128xf32, #tpu.memory_space<vmem>>
      %dma_start3A_989 = arith.constant 0 : i32
      %dma_start3A_990 = arith.constant 0 : i32
      %dma_start3A_991 = tpu.memref_slice %arg5[%add3A_830, %dma_start3A_984, %add3A, %dma_start3A_989, %dma_start3A_990] : memref<200x8x32x8x128xf32, #tpu.memory_space<hbm>> -> memref<1x1x1x8x128xf32, #tpu.memory_space<hbm>>
      %dma_start3A_992 = tpu.memref_squeeze %dma_start3A_991 : memref<1x1x1x8x128xf32, #tpu.memory_space<hbm>> -> memref<8x128xf32, #tpu.memory_space<hbm>>
      %dma_start3A_993 = arith.constant 0 : i32
      %dma_start3A_994 = arith.constant 0 : i32
      %dma_start3A_995 = tpu.memref_slice %arg5[%add3A_830, %dma_start3A_984, %add3A, %dma_start3A_993, %dma_start3A_994] : memref<200x8x32x8x128xf32, #tpu.memory_space<hbm>> -> memref<1x1x1x8x128xf32, #tpu.memory_space<hbm>>
      %dma_start3A_996 = tpu.memref_squeeze %dma_start3A_995 : memref<1x1x1x8x128xf32, #tpu.memory_space<hbm>> -> memref<8x128xf32, #tpu.memory_space<hbm>>
      %dma_start3A_997 = arith.constant 0 : i32
      %dma_start3A_998 = arith.constant 0 : i32
      %dma_start3A_999 = tpu.memref_slice %arg15[%dma_start3A_983, %dma_start3A_997, %dma_start3A_998] : memref<8x8x128xf32, #tpu.memory_space<vmem>> -> memref<1x8x128xf32, #tpu.memory_space<vmem>>
      %dma_start3A_1000 = tpu.memref_squeeze %dma_start3A_999 : memref<1x8x128xf32, #tpu.memory_space<vmem>> -> memref<8x128xf32, #tpu.memory_space<vmem>>
      tpu.enqueue_dma source(%dma_start3A_1000 : memref<8x128xf32, #tpu.memory_space<vmem>>) target(%dma_start3A_996 : memref<8x128xf32, #tpu.memory_space<hbm>>) target_semaphore(%arg28 : memref<!tpu.dma_semaphore, #tpu.memory_space<semaphore_mem>>)
      %mul3A_1001 = arith.constant 4 : i32
      %mul3A_1002 = arith.muli %scan3A_658, %mul3A_1001 : i32
      %add3A_1003 = arith.constant 2 : i32
      %add3A_1004 = arith.addi %mul3A_1002, %add3A_1003 : i32
      %add3A_1005 = arith.constant 3 : i32
      %add3A_1006 = arith.addi %add3A_1004, %add3A_1005 : i32
      %lt3A_1007 = arith.constant 200 : i32
      %lt3A_1008 = arith.cmpi slt, %add3A_1006, %lt3A_1007 : i32
      %convert_element_type3A_1009 = arith.extui %lt3A_1008 : i1 to i32
      %cond3A_1010 = arith.constant 0 : i32
      %cond3A_1011 = arith.cmpi ne, %convert_element_type3A_1009, %cond3A_1010 : i32
      scf.if %cond3A_1011 {
        %add3A_1349 = arith.constant 3 : i32
        %add3A_1350 = arith.addi %add3A_1004, %add3A_1349 : i32
        %jit3A = arith.constant 8 : i32
        %div3A = arith.divsi %add3A_1350, %jit3A : i32
        %sign3A = arith.constant 0 : i32
        %sign3A_1351 = arith.cmpi sgt, %add3A_1350, %sign3A : i32
        %sign3A_1352 = arith.extui %sign3A_1351 : i1 to i32
        %sign3A_1353 = arith.constant 0 : i32
        %sign3A_1354 = arith.cmpi slt, %add3A_1350, %sign3A_1353 : i32
        %sign3A_1355 = arith.extui %sign3A_1354 : i1 to i32
        %sign3A_1356 = arith.subi %sign3A_1352, %sign3A_1355 : i32
        %sign3A_1357 = arith.constant 0 : i32
        %sign3A_1358 = arith.cmpi sgt, %jit3A, %sign3A_1357 : i32
        %sign3A_1359 = arith.extui %sign3A_1358 : i1 to i32
        %sign3A_1360 = arith.constant 0 : i32
        %sign3A_1361 = arith.cmpi slt, %jit3A, %sign3A_1360 : i32
        %sign3A_1362 = arith.extui %sign3A_1361 : i1 to i32
        %sign3A_1363 = arith.subi %sign3A_1359, %sign3A_1362 : i32
        %ne3A = arith.cmpi ne, %sign3A_1356, %sign3A_1363 : i32
        %rem3A = arith.remsi %add3A_1350, %jit3A : i32
        %ne3A_1364 = arith.constant 0 : i32
        %ne3A_1365 = arith.cmpi ne, %rem3A, %ne3A_1364 : i32
        %and3A = arith.andi %ne3A, %ne3A_1365 : i1
        %sub3A = arith.constant 1 : i32
        %sub3A_1366 = arith.subi %div3A, %sub3A : i32
        %select_n3A = arith.select %and3A, %sub3A_1366, %div3A : i32
        %jit3A_1367 = arith.constant 8 : i32
        %eq3A = arith.constant 0 : i32
        %eq3A_1368 = arith.cmpi eq, %jit3A_1367, %eq3A : i32
        %jit3A_1369 = arith.constant 1 : i32
        %select_n3A_1370 = arith.select %eq3A_1368, %jit3A_1369, %jit3A_1367 : i32
        %rem3A_1371 = arith.remsi %add3A_1350, %select_n3A_1370 : i32
        %ne3A_1372 = arith.constant 0 : i32
        %ne3A_1373 = arith.cmpi ne, %rem3A_1371, %ne3A_1372 : i32
        %lt3A_1374 = arith.constant 0 : i32
        %lt3A_1375 = arith.cmpi slt, %rem3A_1371, %lt3A_1374 : i32
        %lt3A_1376 = arith.constant 0 : i32
        %lt3A_1377 = arith.cmpi slt, %select_n3A_1370, %lt3A_1376 : i32
        %ne3A_1378 = arith.xori %lt3A_1375, %lt3A_1377 : i1
        %and3A_1379 = arith.andi %ne3A_1378, %ne3A_1373 : i1
        %add3A_1380 = arith.addi %rem3A_1371, %select_n3A_1370 : i32
        %select_n3A_1381 = arith.select %and3A_1379, %add3A_1380, %rem3A_1371 : i32
        %dma_start3A_1382 = arith.constant 0 : i32
        %dma_start3A_1383 = tpu.memref_slice %arg2[%select_n3A, %add3A, %select_n3A_1381, %dma_start3A_1382] : memref<25x32x8x128xi32, #tpu.memory_space<hbm>> -> memref<1x1x1x128xi32, #tpu.memory_space<hbm>>
        %dma_start3A_1384 = tpu.memref_squeeze %dma_start3A_1383 : memref<1x1x1x128xi32, #tpu.memory_space<hbm>> -> memref<128xi32, #tpu.memory_space<hbm>>
        %dma_start3A_1385 = arith.constant 0 : i32
        %dma_start3A_1386 = tpu.memref_slice %arg2[%select_n3A, %add3A, %select_n3A_1381, %dma_start3A_1385] : memref<25x32x8x128xi32, #tpu.memory_space<hbm>> -> memref<1x1x1x128xi32, #tpu.memory_space<hbm>>
        %dma_start3A_1387 = tpu.memref_squeeze %dma_start3A_1386 : memref<1x1x1x128xi32, #tpu.memory_space<hbm>> -> memref<128xi32, #tpu.memory_space<hbm>>
        tpu.enqueue_dma source(%dma_start3A_1387 : memref<128xi32, #tpu.memory_space<hbm>>) target(%arg7 : memref<128xi32, #tpu.memory_space<vmem>>) target_semaphore(%arg20 : memref<!tpu.dma_semaphore, #tpu.memory_space<semaphore_mem>>)
      } else {
      }
      %add3A_1012 = arith.constant 2 : i32
      %add3A_1013 = arith.addi %add3A_1004, %add3A_1012 : i32
      %lt3A_1014 = arith.constant 200 : i32
      %lt3A_1015 = arith.cmpi slt, %add3A_1013, %lt3A_1014 : i32
      %convert_element_type3A_1016 = arith.extui %lt3A_1015 : i1 to i32
      %cond3A_1017 = arith.constant 0 : i32
      %cond3A_1018 = arith.cmpi ne, %convert_element_type3A_1016, %cond3A_1017 : i32
      scf.if %cond3A_1018 {
        %add3A_1349 = arith.constant 2 : i32
        %add3A_1350 = arith.addi %add3A_1004, %add3A_1349 : i32
        %jit3A = arith.constant 8 : i32
        %div3A = arith.divsi %add3A_1350, %jit3A : i32
        %sign3A = arith.constant 0 : i32
        %sign3A_1351 = arith.cmpi sgt, %add3A_1350, %sign3A : i32
        %sign3A_1352 = arith.extui %sign3A_1351 : i1 to i32
        %sign3A_1353 = arith.constant 0 : i32
        %sign3A_1354 = arith.cmpi slt, %add3A_1350, %sign3A_1353 : i32
        %sign3A_1355 = arith.extui %sign3A_1354 : i1 to i32
        %sign3A_1356 = arith.subi %sign3A_1352, %sign3A_1355 : i32
        %sign3A_1357 = arith.constant 0 : i32
        %sign3A_1358 = arith.cmpi sgt, %jit3A, %sign3A_1357 : i32
        %sign3A_1359 = arith.extui %sign3A_1358 : i1 to i32
        %sign3A_1360 = arith.constant 0 : i32
        %sign3A_1361 = arith.cmpi slt, %jit3A, %sign3A_1360 : i32
        %sign3A_1362 = arith.extui %sign3A_1361 : i1 to i32
        %sign3A_1363 = arith.subi %sign3A_1359, %sign3A_1362 : i32
        %ne3A = arith.cmpi ne, %sign3A_1356, %sign3A_1363 : i32
        %rem3A = arith.remsi %add3A_1350, %jit3A : i32
        %ne3A_1364 = arith.constant 0 : i32
        %ne3A_1365 = arith.cmpi ne, %rem3A, %ne3A_1364 : i32
        %and3A = arith.andi %ne3A, %ne3A_1365 : i1
        %sub3A = arith.constant 1 : i32
        %sub3A_1366 = arith.subi %div3A, %sub3A : i32
        %select_n3A = arith.select %and3A, %sub3A_1366, %div3A : i32
        %jit3A_1367 = arith.constant 8 : i32
        %eq3A = arith.constant 0 : i32
        %eq3A_1368 = arith.cmpi eq, %jit3A_1367, %eq3A : i32
        %jit3A_1369 = arith.constant 1 : i32
        %select_n3A_1370 = arith.select %eq3A_1368, %jit3A_1369, %jit3A_1367 : i32
        %rem3A_1371 = arith.remsi %add3A_1350, %select_n3A_1370 : i32
        %ne3A_1372 = arith.constant 0 : i32
        %ne3A_1373 = arith.cmpi ne, %rem3A_1371, %ne3A_1372 : i32
        %lt3A_1374 = arith.constant 0 : i32
        %lt3A_1375 = arith.cmpi slt, %rem3A_1371, %lt3A_1374 : i32
        %lt3A_1376 = arith.constant 0 : i32
        %lt3A_1377 = arith.cmpi slt, %select_n3A_1370, %lt3A_1376 : i32
        %ne3A_1378 = arith.xori %lt3A_1375, %lt3A_1377 : i1
        %and3A_1379 = arith.andi %ne3A_1378, %ne3A_1373 : i1
        %add3A_1380 = arith.addi %rem3A_1371, %select_n3A_1370 : i32
        %select_n3A_1381 = arith.select %and3A_1379, %add3A_1380, %rem3A_1371 : i32
        %dma_wait3A_1382 = arith.constant 0 : i32
        %dma_wait3A_1383 = tpu.memref_slice %arg2[%select_n3A, %add3A, %select_n3A_1381, %dma_wait3A_1382] : memref<25x32x8x128xi32, #tpu.memory_space<hbm>> -> memref<1x1x1x128xi32, #tpu.memory_space<hbm>>
        %dma_wait3A_1384 = tpu.memref_squeeze %dma_wait3A_1383 : memref<1x1x1x128xi32, #tpu.memory_space<hbm>> -> memref<128xi32, #tpu.memory_space<hbm>>
        %dma_wait3A_1385 = arith.constant 0 : i32
        %dma_wait3A_1386 = tpu.memref_slice %arg2[%select_n3A, %add3A, %select_n3A_1381, %dma_wait3A_1385] : memref<25x32x8x128xi32, #tpu.memory_space<hbm>> -> memref<1x1x1x128xi32, #tpu.memory_space<hbm>>
        %dma_wait3A_1387 = tpu.memref_squeeze %dma_wait3A_1386 : memref<1x1x1x128xi32, #tpu.memory_space<hbm>> -> memref<128xi32, #tpu.memory_space<hbm>>
        tpu.wait_dma2 semaphore(%arg19 : memref<!tpu.dma_semaphore, #tpu.memory_space<semaphore_mem>>) src(%dma_wait3A_1387 : memref<128xi32, #tpu.memory_space<hbm>>) dst(%arg6 : memref<128xi32, #tpu.memory_space<vmem>>)
        %dma_start3A_1388 = arith.constant 0 : i32
        %dma_start3A_1389 = arith.constant 0 : i32
        %dma_start3A_1390 = tpu.memref_slice %arg3[%dma_start3A_1388, %dma_start3A_1389] : memref<1000000x64xf32, #tpu.memory_space<hbm>> -> memref<1000000x64xf32, #tpu.memory_space<hbm>>
        tpu.enqueue_indirect_dma source(%dma_start3A_1390 : memref<1000000x64xf32, #tpu.memory_space<hbm>>) target(%arg10 : memref<128x64xf32, #tpu.memory_space<vmem>>) offsets(%arg6 : memref<128xi32, #tpu.memory_space<vmem>>) semaphore(%arg23 : memref<!tpu.dma_semaphore, #tpu.memory_space<semaphore_mem>>)
      } else {
      }
      %dma_wait3A_1019 = arith.constant 0 : i32
      %dma_wait3A_1020 = arith.constant 0 : i32
      %dma_wait3A_1021 = tpu.memref_slice %arg3[%dma_wait3A_1019, %dma_wait3A_1020] : memref<1000000x64xf32, #tpu.memory_space<hbm>> -> memref<1000000x64xf32, #tpu.memory_space<hbm>>
      tpu.wait_indirect_dma semaphore(%arg25 : memref<!tpu.dma_semaphore, #tpu.memory_space<semaphore_mem>>) src(%dma_wait3A_1021 : memref<1000000x64xf32, #tpu.memory_space<hbm>>) dst(%arg12 : memref<128x64xf32, #tpu.memory_space<vmem>>)
      %ge3A_1022 = arith.constant 4 : i32
      %ge3A_1023 = arith.cmpi sge, %add3A_1004, %ge3A_1022 : i32
      %convert_element_type3A_1024 = arith.extui %ge3A_1023 : i1 to i32
      %cond3A_1025 = arith.constant 0 : i32
      %cond3A_1026 = arith.cmpi ne, %convert_element_type3A_1024, %cond3A_1025 : i32
      scf.if %cond3A_1026 {
        %sub3A = arith.constant 4 : i32
        %sub3A_1349 = arith.subi %add3A_1004, %sub3A : i32
        %dma_wait3A_1350 = arith.constant 0 : i32
        %dma_wait3A_1351 = arith.constant 0 : i32
        %dma_wait3A_1352 = arith.constant 0 : i32
        %dma_wait3A_1353 = arith.constant 0 : i32
        %dma_wait3A_1354 = tpu.memref_slice %arg16[%dma_wait3A_1350, %dma_wait3A_1352, %dma_wait3A_1353] : memref<8x8x128xf32, #tpu.memory_space<vmem>> -> memref<1x8x128xf32, #tpu.memory_space<vmem>>
        %dma_wait3A_1355 = tpu.memref_squeeze %dma_wait3A_1354 : memref<1x8x128xf32, #tpu.memory_space<vmem>> -> memref<8x128xf32, #tpu.memory_space<vmem>>
        %dma_wait3A_1356 = arith.constant 0 : i32
        %dma_wait3A_1357 = arith.constant 0 : i32
        %dma_wait3A_1358 = tpu.memref_slice %arg5[%sub3A_1349, %dma_wait3A_1351, %add3A, %dma_wait3A_1356, %dma_wait3A_1357] : memref<200x8x32x8x128xf32, #tpu.memory_space<hbm>> -> memref<1x1x1x8x128xf32, #tpu.memory_space<hbm>>
        %dma_wait3A_1359 = tpu.memref_squeeze %dma_wait3A_1358 : memref<1x1x1x8x128xf32, #tpu.memory_space<hbm>> -> memref<8x128xf32, #tpu.memory_space<hbm>>
        %dma_wait3A_1360 = arith.constant 0 : i32
        %dma_wait3A_1361 = arith.constant 0 : i32
        %dma_wait3A_1362 = tpu.memref_slice %arg5[%sub3A_1349, %dma_wait3A_1351, %add3A, %dma_wait3A_1360, %dma_wait3A_1361] : memref<200x8x32x8x128xf32, #tpu.memory_space<hbm>> -> memref<1x1x1x8x128xf32, #tpu.memory_space<hbm>>
        %dma_wait3A_1363 = tpu.memref_squeeze %dma_wait3A_1362 : memref<1x1x1x8x128xf32, #tpu.memory_space<hbm>> -> memref<8x128xf32, #tpu.memory_space<hbm>>
        %dma_wait3A_1364 = arith.constant 0 : i32
        %dma_wait3A_1365 = arith.constant 0 : i32
        %dma_wait3A_1366 = tpu.memref_slice %arg16[%dma_wait3A_1350, %dma_wait3A_1364, %dma_wait3A_1365] : memref<8x8x128xf32, #tpu.memory_space<vmem>> -> memref<1x8x128xf32, #tpu.memory_space<vmem>>
        %dma_wait3A_1367 = tpu.memref_squeeze %dma_wait3A_1366 : memref<1x8x128xf32, #tpu.memory_space<vmem>> -> memref<8x128xf32, #tpu.memory_space<vmem>>
        tpu.wait_dma2 semaphore(%arg29 : memref<!tpu.dma_semaphore, #tpu.memory_space<semaphore_mem>>) src(%dma_wait3A_1367 : memref<8x128xf32, #tpu.memory_space<vmem>>) dst(%dma_wait3A_1363 : memref<8x128xf32, #tpu.memory_space<hbm>>)
        %dma_wait3A_1368 = arith.constant 1 : i32
        %dma_wait3A_1369 = arith.constant 1 : i32
        %dma_wait3A_1370 = arith.constant 0 : i32
        %dma_wait3A_1371 = arith.constant 0 : i32
        %dma_wait3A_1372 = tpu.memref_slice %arg16[%dma_wait3A_1368, %dma_wait3A_1370, %dma_wait3A_1371] : memref<8x8x128xf32, #tpu.memory_space<vmem>> -> memref<1x8x128xf32, #tpu.memory_space<vmem>>
        %dma_wait3A_1373 = tpu.memref_squeeze %dma_wait3A_1372 : memref<1x8x128xf32, #tpu.memory_space<vmem>> -> memref<8x128xf32, #tpu.memory_space<vmem>>
        %dma_wait3A_1374 = arith.constant 0 : i32
        %dma_wait3A_1375 = arith.constant 0 : i32
        %dma_wait3A_1376 = tpu.memref_slice %arg5[%sub3A_1349, %dma_wait3A_1369, %add3A, %dma_wait3A_1374, %dma_wait3A_1375] : memref<200x8x32x8x128xf32, #tpu.memory_space<hbm>> -> memref<1x1x1x8x128xf32, #tpu.memory_space<hbm>>
        %dma_wait3A_1377 = tpu.memref_squeeze %dma_wait3A_1376 : memref<1x1x1x8x128xf32, #tpu.memory_space<hbm>> -> memref<8x128xf32, #tpu.memory_space<hbm>>
        %dma_wait3A_1378 = arith.constant 0 : i32
        %dma_wait3A_1379 = arith.constant 0 : i32
        %dma_wait3A_1380 = tpu.memref_slice %arg5[%sub3A_1349, %dma_wait3A_1369, %add3A, %dma_wait3A_1378, %dma_wait3A_1379] : memref<200x8x32x8x128xf32, #tpu.memory_space<hbm>> -> memref<1x1x1x8x128xf32, #tpu.memory_space<hbm>>
        %dma_wait3A_1381 = tpu.memref_squeeze %dma_wait3A_1380 : memref<1x1x1x8x128xf32, #tpu.memory_space<hbm>> -> memref<8x128xf32, #tpu.memory_space<hbm>>
        %dma_wait3A_1382 = arith.constant 0 : i32
        %dma_wait3A_1383 = arith.constant 0 : i32
        %dma_wait3A_1384 = tpu.memref_slice %arg16[%dma_wait3A_1368, %dma_wait3A_1382, %dma_wait3A_1383] : memref<8x8x128xf32, #tpu.memory_space<vmem>> -> memref<1x8x128xf32, #tpu.memory_space<vmem>>
        %dma_wait3A_1385 = tpu.memref_squeeze %dma_wait3A_1384 : memref<1x8x128xf32, #tpu.memory_space<vmem>> -> memref<8x128xf32, #tpu.memory_space<vmem>>
        tpu.wait_dma2 semaphore(%arg29 : memref<!tpu.dma_semaphore, #tpu.memory_space<semaphore_mem>>) src(%dma_wait3A_1385 : memref<8x128xf32, #tpu.memory_space<vmem>>) dst(%dma_wait3A_1381 : memref<8x128xf32, #tpu.memory_space<hbm>>)
        %dma_wait3A_1386 = arith.constant 2 : i32
        %dma_wait3A_1387 = arith.constant 2 : i32
        %dma_wait3A_1388 = arith.constant 0 : i32
        %dma_wait3A_1389 = arith.constant 0 : i32
        %dma_wait3A_1390 = tpu.memref_slice %arg16[%dma_wait3A_1386, %dma_wait3A_1388, %dma_wait3A_1389] : memref<8x8x128xf32, #tpu.memory_space<vmem>> -> memref<1x8x128xf32, #tpu.memory_space<vmem>>
        %dma_wait3A_1391 = tpu.memref_squeeze %dma_wait3A_1390 : memref<1x8x128xf32, #tpu.memory_space<vmem>> -> memref<8x128xf32, #tpu.memory_space<vmem>>
        %dma_wait3A_1392 = arith.constant 0 : i32
        %dma_wait3A_1393 = arith.constant 0 : i32
        %dma_wait3A_1394 = tpu.memref_slice %arg5[%sub3A_1349, %dma_wait3A_1387, %add3A, %dma_wait3A_1392, %dma_wait3A_1393] : memref<200x8x32x8x128xf32, #tpu.memory_space<hbm>> -> memref<1x1x1x8x128xf32, #tpu.memory_space<hbm>>
        %dma_wait3A_1395 = tpu.memref_squeeze %dma_wait3A_1394 : memref<1x1x1x8x128xf32, #tpu.memory_space<hbm>> -> memref<8x128xf32, #tpu.memory_space<hbm>>
        %dma_wait3A_1396 = arith.constant 0 : i32
        %dma_wait3A_1397 = arith.constant 0 : i32
        %dma_wait3A_1398 = tpu.memref_slice %arg5[%sub3A_1349, %dma_wait3A_1387, %add3A, %dma_wait3A_1396, %dma_wait3A_1397] : memref<200x8x32x8x128xf32, #tpu.memory_space<hbm>> -> memref<1x1x1x8x128xf32, #tpu.memory_space<hbm>>
        %dma_wait3A_1399 = tpu.memref_squeeze %dma_wait3A_1398 : memref<1x1x1x8x128xf32, #tpu.memory_space<hbm>> -> memref<8x128xf32, #tpu.memory_space<hbm>>
        %dma_wait3A_1400 = arith.constant 0 : i32
        %dma_wait3A_1401 = arith.constant 0 : i32
        %dma_wait3A_1402 = tpu.memref_slice %arg16[%dma_wait3A_1386, %dma_wait3A_1400, %dma_wait3A_1401] : memref<8x8x128xf32, #tpu.memory_space<vmem>> -> memref<1x8x128xf32, #tpu.memory_space<vmem>>
        %dma_wait3A_1403 = tpu.memref_squeeze %dma_wait3A_1402 : memref<1x8x128xf32, #tpu.memory_space<vmem>> -> memref<8x128xf32, #tpu.memory_space<vmem>>
        tpu.wait_dma2 semaphore(%arg29 : memref<!tpu.dma_semaphore, #tpu.memory_space<semaphore_mem>>) src(%dma_wait3A_1403 : memref<8x128xf32, #tpu.memory_space<vmem>>) dst(%dma_wait3A_1399 : memref<8x128xf32, #tpu.memory_space<hbm>>)
        %dma_wait3A_1404 = arith.constant 3 : i32
        %dma_wait3A_1405 = arith.constant 3 : i32
        %dma_wait3A_1406 = arith.constant 0 : i32
        %dma_wait3A_1407 = arith.constant 0 : i32
        %dma_wait3A_1408 = tpu.memref_slice %arg16[%dma_wait3A_1404, %dma_wait3A_1406, %dma_wait3A_1407] : memref<8x8x128xf32, #tpu.memory_space<vmem>> -> memref<1x8x128xf32, #tpu.memory_space<vmem>>
        %dma_wait3A_1409 = tpu.memref_squeeze %dma_wait3A_1408 : memref<1x8x128xf32, #tpu.memory_space<vmem>> -> memref<8x128xf32, #tpu.memory_space<vmem>>
        %dma_wait3A_1410 = arith.constant 0 : i32
        %dma_wait3A_1411 = arith.constant 0 : i32
        %dma_wait3A_1412 = tpu.memref_slice %arg5[%sub3A_1349, %dma_wait3A_1405, %add3A, %dma_wait3A_1410, %dma_wait3A_1411] : memref<200x8x32x8x128xf32, #tpu.memory_space<hbm>> -> memref<1x1x1x8x128xf32, #tpu.memory_space<hbm>>
        %dma_wait3A_1413 = tpu.memref_squeeze %dma_wait3A_1412 : memref<1x1x1x8x128xf32, #tpu.memory_space<hbm>> -> memref<8x128xf32, #tpu.memory_space<hbm>>
        %dma_wait3A_1414 = arith.constant 0 : i32
        %dma_wait3A_1415 = arith.constant 0 : i32
        %dma_wait3A_1416 = tpu.memref_slice %arg5[%sub3A_1349, %dma_wait3A_1405, %add3A, %dma_wait3A_1414, %dma_wait3A_1415] : memref<200x8x32x8x128xf32, #tpu.memory_space<hbm>> -> memref<1x1x1x8x128xf32, #tpu.memory_space<hbm>>
        %dma_wait3A_1417 = tpu.memref_squeeze %dma_wait3A_1416 : memref<1x1x1x8x128xf32, #tpu.memory_space<hbm>> -> memref<8x128xf32, #tpu.memory_space<hbm>>
        %dma_wait3A_1418 = arith.constant 0 : i32
        %dma_wait3A_1419 = arith.constant 0 : i32
        %dma_wait3A_1420 = tpu.memref_slice %arg16[%dma_wait3A_1404, %dma_wait3A_1418, %dma_wait3A_1419] : memref<8x8x128xf32, #tpu.memory_space<vmem>> -> memref<1x8x128xf32, #tpu.memory_space<vmem>>
        %dma_wait3A_1421 = tpu.memref_squeeze %dma_wait3A_1420 : memref<1x8x128xf32, #tpu.memory_space<vmem>> -> memref<8x128xf32, #tpu.memory_space<vmem>>
        tpu.wait_dma2 semaphore(%arg29 : memref<!tpu.dma_semaphore, #tpu.memory_space<semaphore_mem>>) src(%dma_wait3A_1421 : memref<8x128xf32, #tpu.memory_space<vmem>>) dst(%dma_wait3A_1417 : memref<8x128xf32, #tpu.memory_space<hbm>>)
        %dma_wait3A_1422 = arith.constant 4 : i32
        %dma_wait3A_1423 = arith.constant 4 : i32
        %dma_wait3A_1424 = arith.constant 0 : i32
        %dma_wait3A_1425 = arith.constant 0 : i32
        %dma_wait3A_1426 = tpu.memref_slice %arg16[%dma_wait3A_1422, %dma_wait3A_1424, %dma_wait3A_1425] : memref<8x8x128xf32, #tpu.memory_space<vmem>> -> memref<1x8x128xf32, #tpu.memory_space<vmem>>
        %dma_wait3A_1427 = tpu.memref_squeeze %dma_wait3A_1426 : memref<1x8x128xf32, #tpu.memory_space<vmem>> -> memref<8x128xf32, #tpu.memory_space<vmem>>
        %dma_wait3A_1428 = arith.constant 0 : i32
        %dma_wait3A_1429 = arith.constant 0 : i32
        %dma_wait3A_1430 = tpu.memref_slice %arg5[%sub3A_1349, %dma_wait3A_1423, %add3A, %dma_wait3A_1428, %dma_wait3A_1429] : memref<200x8x32x8x128xf32, #tpu.memory_space<hbm>> -> memref<1x1x1x8x128xf32, #tpu.memory_space<hbm>>
        %dma_wait3A_1431 = tpu.memref_squeeze %dma_wait3A_1430 : memref<1x1x1x8x128xf32, #tpu.memory_space<hbm>> -> memref<8x128xf32, #tpu.memory_space<hbm>>
        %dma_wait3A_1432 = arith.constant 0 : i32
        %dma_wait3A_1433 = arith.constant 0 : i32
        %dma_wait3A_1434 = tpu.memref_slice %arg5[%sub3A_1349, %dma_wait3A_1423, %add3A, %dma_wait3A_1432, %dma_wait3A_1433] : memref<200x8x32x8x128xf32, #tpu.memory_space<hbm>> -> memref<1x1x1x8x128xf32, #tpu.memory_space<hbm>>
        %dma_wait3A_1435 = tpu.memref_squeeze %dma_wait3A_1434 : memref<1x1x1x8x128xf32, #tpu.memory_space<hbm>> -> memref<8x128xf32, #tpu.memory_space<hbm>>
        %dma_wait3A_1436 = arith.constant 0 : i32
        %dma_wait3A_1437 = arith.constant 0 : i32
        %dma_wait3A_1438 = tpu.memref_slice %arg16[%dma_wait3A_1422, %dma_wait3A_1436, %dma_wait3A_1437] : memref<8x8x128xf32, #tpu.memory_space<vmem>> -> memref<1x8x128xf32, #tpu.memory_space<vmem>>
        %dma_wait3A_1439 = tpu.memref_squeeze %dma_wait3A_1438 : memref<1x8x128xf32, #tpu.memory_space<vmem>> -> memref<8x128xf32, #tpu.memory_space<vmem>>
        tpu.wait_dma2 semaphore(%arg29 : memref<!tpu.dma_semaphore, #tpu.memory_space<semaphore_mem>>) src(%dma_wait3A_1439 : memref<8x128xf32, #tpu.memory_space<vmem>>) dst(%dma_wait3A_1435 : memref<8x128xf32, #tpu.memory_space<hbm>>)
        %dma_wait3A_1440 = arith.constant 5 : i32
        %dma_wait3A_1441 = arith.constant 5 : i32
        %dma_wait3A_1442 = arith.constant 0 : i32
        %dma_wait3A_1443 = arith.constant 0 : i32
        %dma_wait3A_1444 = tpu.memref_slice %arg16[%dma_wait3A_1440, %dma_wait3A_1442, %dma_wait3A_1443] : memref<8x8x128xf32, #tpu.memory_space<vmem>> -> memref<1x8x128xf32, #tpu.memory_space<vmem>>
        %dma_wait3A_1445 = tpu.memref_squeeze %dma_wait3A_1444 : memref<1x8x128xf32, #tpu.memory_space<vmem>> -> memref<8x128xf32, #tpu.memory_space<vmem>>
        %dma_wait3A_1446 = arith.constant 0 : i32
        %dma_wait3A_1447 = arith.constant 0 : i32
        %dma_wait3A_1448 = tpu.memref_slice %arg5[%sub3A_1349, %dma_wait3A_1441, %add3A, %dma_wait3A_1446, %dma_wait3A_1447] : memref<200x8x32x8x128xf32, #tpu.memory_space<hbm>> -> memref<1x1x1x8x128xf32, #tpu.memory_space<hbm>>
        %dma_wait3A_1449 = tpu.memref_squeeze %dma_wait3A_1448 : memref<1x1x1x8x128xf32, #tpu.memory_space<hbm>> -> memref<8x128xf32, #tpu.memory_space<hbm>>
        %dma_wait3A_1450 = arith.constant 0 : i32
        %dma_wait3A_1451 = arith.constant 0 : i32
        %dma_wait3A_1452 = tpu.memref_slice %arg5[%sub3A_1349, %dma_wait3A_1441, %add3A, %dma_wait3A_1450, %dma_wait3A_1451] : memref<200x8x32x8x128xf32, #tpu.memory_space<hbm>> -> memref<1x1x1x8x128xf32, #tpu.memory_space<hbm>>
        %dma_wait3A_1453 = tpu.memref_squeeze %dma_wait3A_1452 : memref<1x1x1x8x128xf32, #tpu.memory_space<hbm>> -> memref<8x128xf32, #tpu.memory_space<hbm>>
        %dma_wait3A_1454 = arith.constant 0 : i32
        %dma_wait3A_1455 = arith.constant 0 : i32
        %dma_wait3A_1456 = tpu.memref_slice %arg16[%dma_wait3A_1440, %dma_wait3A_1454, %dma_wait3A_1455] : memref<8x8x128xf32, #tpu.memory_space<vmem>> -> memref<1x8x128xf32, #tpu.memory_space<vmem>>
        %dma_wait3A_1457 = tpu.memref_squeeze %dma_wait3A_1456 : memref<1x8x128xf32, #tpu.memory_space<vmem>> -> memref<8x128xf32, #tpu.memory_space<vmem>>
        tpu.wait_dma2 semaphore(%arg29 : memref<!tpu.dma_semaphore, #tpu.memory_space<semaphore_mem>>) src(%dma_wait3A_1457 : memref<8x128xf32, #tpu.memory_space<vmem>>) dst(%dma_wait3A_1453 : memref<8x128xf32, #tpu.memory_space<hbm>>)
        %dma_wait3A_1458 = arith.constant 6 : i32
        %dma_wait3A_1459 = arith.constant 6 : i32
        %dma_wait3A_1460 = arith.constant 0 : i32
        %dma_wait3A_1461 = arith.constant 0 : i32
        %dma_wait3A_1462 = tpu.memref_slice %arg16[%dma_wait3A_1458, %dma_wait3A_1460, %dma_wait3A_1461] : memref<8x8x128xf32, #tpu.memory_space<vmem>> -> memref<1x8x128xf32, #tpu.memory_space<vmem>>
        %dma_wait3A_1463 = tpu.memref_squeeze %dma_wait3A_1462 : memref<1x8x128xf32, #tpu.memory_space<vmem>> -> memref<8x128xf32, #tpu.memory_space<vmem>>
        %dma_wait3A_1464 = arith.constant 0 : i32
        %dma_wait3A_1465 = arith.constant 0 : i32
        %dma_wait3A_1466 = tpu.memref_slice %arg5[%sub3A_1349, %dma_wait3A_1459, %add3A, %dma_wait3A_1464, %dma_wait3A_1465] : memref<200x8x32x8x128xf32, #tpu.memory_space<hbm>> -> memref<1x1x1x8x128xf32, #tpu.memory_space<hbm>>
        %dma_wait3A_1467 = tpu.memref_squeeze %dma_wait3A_1466 : memref<1x1x1x8x128xf32, #tpu.memory_space<hbm>> -> memref<8x128xf32, #tpu.memory_space<hbm>>
        %dma_wait3A_1468 = arith.constant 0 : i32
        %dma_wait3A_1469 = arith.constant 0 : i32
        %dma_wait3A_1470 = tpu.memref_slice %arg5[%sub3A_1349, %dma_wait3A_1459, %add3A, %dma_wait3A_1468, %dma_wait3A_1469] : memref<200x8x32x8x128xf32, #tpu.memory_space<hbm>> -> memref<1x1x1x8x128xf32, #tpu.memory_space<hbm>>
        %dma_wait3A_1471 = tpu.memref_squeeze %dma_wait3A_1470 : memref<1x1x1x8x128xf32, #tpu.memory_space<hbm>> -> memref<8x128xf32, #tpu.memory_space<hbm>>
        %dma_wait3A_1472 = arith.constant 0 : i32
        %dma_wait3A_1473 = arith.constant 0 : i32
        %dma_wait3A_1474 = tpu.memref_slice %arg16[%dma_wait3A_1458, %dma_wait3A_1472, %dma_wait3A_1473] : memref<8x8x128xf32, #tpu.memory_space<vmem>> -> memref<1x8x128xf32, #tpu.memory_space<vmem>>
        %dma_wait3A_1475 = tpu.memref_squeeze %dma_wait3A_1474 : memref<1x8x128xf32, #tpu.memory_space<vmem>> -> memref<8x128xf32, #tpu.memory_space<vmem>>
        tpu.wait_dma2 semaphore(%arg29 : memref<!tpu.dma_semaphore, #tpu.memory_space<semaphore_mem>>) src(%dma_wait3A_1475 : memref<8x128xf32, #tpu.memory_space<vmem>>) dst(%dma_wait3A_1471 : memref<8x128xf32, #tpu.memory_space<hbm>>)
        %dma_wait3A_1476 = arith.constant 7 : i32
        %dma_wait3A_1477 = arith.constant 7 : i32
        %dma_wait3A_1478 = arith.constant 0 : i32
        %dma_wait3A_1479 = arith.constant 0 : i32
        %dma_wait3A_1480 = tpu.memref_slice %arg16[%dma_wait3A_1476, %dma_wait3A_1478, %dma_wait3A_1479] : memref<8x8x128xf32, #tpu.memory_space<vmem>> -> memref<1x8x128xf32, #tpu.memory_space<vmem>>
        %dma_wait3A_1481 = tpu.memref_squeeze %dma_wait3A_1480 : memref<1x8x128xf32, #tpu.memory_space<vmem>> -> memref<8x128xf32, #tpu.memory_space<vmem>>
        %dma_wait3A_1482 = arith.constant 0 : i32
        %dma_wait3A_1483 = arith.constant 0 : i32
        %dma_wait3A_1484 = tpu.memref_slice %arg5[%sub3A_1349, %dma_wait3A_1477, %add3A, %dma_wait3A_1482, %dma_wait3A_1483] : memref<200x8x32x8x128xf32, #tpu.memory_space<hbm>> -> memref<1x1x1x8x128xf32, #tpu.memory_space<hbm>>
        %dma_wait3A_1485 = tpu.memref_squeeze %dma_wait3A_1484 : memref<1x1x1x8x128xf32, #tpu.memory_space<hbm>> -> memref<8x128xf32, #tpu.memory_space<hbm>>
        %dma_wait3A_1486 = arith.constant 0 : i32
        %dma_wait3A_1487 = arith.constant 0 : i32
        %dma_wait3A_1488 = tpu.memref_slice %arg5[%sub3A_1349, %dma_wait3A_1477, %add3A, %dma_wait3A_1486, %dma_wait3A_1487] : memref<200x8x32x8x128xf32, #tpu.memory_space<hbm>> -> memref<1x1x1x8x128xf32, #tpu.memory_space<hbm>>
        %dma_wait3A_1489 = tpu.memref_squeeze %dma_wait3A_1488 : memref<1x1x1x8x128xf32, #tpu.memory_space<hbm>> -> memref<8x128xf32, #tpu.memory_space<hbm>>
        %dma_wait3A_1490 = arith.constant 0 : i32
        %dma_wait3A_1491 = arith.constant 0 : i32
        %dma_wait3A_1492 = tpu.memref_slice %arg16[%dma_wait3A_1476, %dma_wait3A_1490, %dma_wait3A_1491] : memref<8x8x128xf32, #tpu.memory_space<vmem>> -> memref<1x8x128xf32, #tpu.memory_space<vmem>>
        %dma_wait3A_1493 = tpu.memref_squeeze %dma_wait3A_1492 : memref<1x8x128xf32, #tpu.memory_space<vmem>> -> memref<8x128xf32, #tpu.memory_space<vmem>>
        tpu.wait_dma2 semaphore(%arg29 : memref<!tpu.dma_semaphore, #tpu.memory_space<semaphore_mem>>) src(%dma_wait3A_1493 : memref<8x128xf32, #tpu.memory_space<vmem>>) dst(%dma_wait3A_1489 : memref<8x128xf32, #tpu.memory_space<hbm>>)
      } else {
      }
      %broadcast_in_dim3A_1027 = vector.broadcast %add3A_1004 : i32 to vector<16xi32>
      %parallel_loop3A_1028 = arith.constant 0 : i32
      %parallel_loop3A_1029 = arith.constant 64 : i32
      %parallel_loop3A_1030 = arith.constant 1 : i32
      scf.for %parallel_loop3A_1349 = %parallel_loop3A_1028 to %parallel_loop3A_1029 step %parallel_loop3A_1030  : i32 {
        %parallel_loop3A_1350 = vector.broadcast %parallel_loop3A_1349 : i32 to vector<16xi32>
        %parallel_loop3A_1351 = tpu.vector_load_idx %arg18[%broadcast_in_dim3A_1027, %parallel_loop3A_1350] : memref<200x64xf32, #tpu.memory_space<vmem>>[vector<16xi32>, vector<16xi32>], vector<16xf32>,
        %parallel_loop3A_1352 = arith.constant 3 : i32
        %parallel_loop3A_1353 = arith.shrui %parallel_loop3A_1349, %parallel_loop3A_1352 : i32
        %parallel_loop3A_1354 = arith.constant 7 : i32
        %parallel_loop3A_1355 = arith.andi %parallel_loop3A_1349, %parallel_loop3A_1354 : i32
        %parallel_loop3A_1356 = arith.constant 0 : i32
        %parallel_loop3A_1357 = vector.broadcast %parallel_loop3A_1356 : i32 to vector<16xi32>
        %parallel_loop3A_1358 = arith.addi %iota3A, %parallel_loop3A_1357 : vector<16xi32>
        %parallel_loop3A_1359 = tpu.vector_load_idx %arg12[%parallel_loop3A_1358, %parallel_loop3A_1350] : memref<128x64xf32, #tpu.memory_space<vmem>>[vector<16xi32>, vector<16xi32>], vector<16xf32>,
        %parallel_loop3A_1360 = arith.constant 8.000000e+00 : f32
        %parallel_loop3A_1361 = vector.broadcast %parallel_loop3A_1360 : f32 to vector<16xf32>
        %parallel_loop3A_1362 = arith.mulf %parallel_loop3A_1359, %parallel_loop3A_1361 : vector<16xf32>
        %parallel_loop3A_1363 = arith.addf %parallel_loop3A_1362, %parallel_loop3A_1351 : vector<16xf32>
        %parallel_loop3A_1364 = arith.index_cast %parallel_loop3A_1353 : i32 to index
        %parallel_loop3A_1365 = arith.index_cast %parallel_loop3A_1355 : i32 to index
        %parallel_loop3A_1366 = arith.constant 0 : index
        %parallel_loop3A_1367 = tpu.vector_load %arg16[%parallel_loop3A_1364, %parallel_loop3A_1365, %parallel_loop3A_1366] {strides = array<i32>} : memref<8x8x128xf32, #tpu.memory_space<vmem>>, vector<16xf32>,
        tpu.vector_store %arg16[%parallel_loop3A_1364, %parallel_loop3A_1365, %parallel_loop3A_1366], %parallel_loop3A_1363 {strides = array<i32>} : memref<8x8x128xf32, #tpu.memory_space<vmem>>, vector<16xf32>,
        %parallel_loop3A_1368 = arith.constant 16 : i32
        %parallel_loop3A_1369 = vector.broadcast %parallel_loop3A_1368 : i32 to vector<16xi32>
        %parallel_loop3A_1370 = arith.addi %iota3A, %parallel_loop3A_1369 : vector<16xi32>
        %parallel_loop3A_1371 = tpu.vector_load_idx %arg12[%parallel_loop3A_1370, %parallel_loop3A_1350] : memref<128x64xf32, #tpu.memory_space<vmem>>[vector<16xi32>, vector<16xi32>], vector<16xf32>,
        %parallel_loop3A_1372 = arith.constant 8.000000e+00 : f32
        %parallel_loop3A_1373 = vector.broadcast %parallel_loop3A_1372 : f32 to vector<16xf32>
        %parallel_loop3A_1374 = arith.mulf %parallel_loop3A_1371, %parallel_loop3A_1373 : vector<16xf32>
        %parallel_loop3A_1375 = arith.addf %parallel_loop3A_1374, %parallel_loop3A_1351 : vector<16xf32>
        %parallel_loop3A_1376 = arith.index_cast %parallel_loop3A_1353 : i32 to index
        %parallel_loop3A_1377 = arith.index_cast %parallel_loop3A_1355 : i32 to index
        %parallel_loop3A_1378 = arith.constant 16 : index
        %parallel_loop3A_1379 = tpu.vector_load %arg16[%parallel_loop3A_1376, %parallel_loop3A_1377, %parallel_loop3A_1378] {strides = array<i32>} : memref<8x8x128xf32, #tpu.memory_space<vmem>>, vector<16xf32>,
        tpu.vector_store %arg16[%parallel_loop3A_1376, %parallel_loop3A_1377, %parallel_loop3A_1378], %parallel_loop3A_1375 {strides = array<i32>} : memref<8x8x128xf32, #tpu.memory_space<vmem>>, vector<16xf32>,
        %parallel_loop3A_1380 = arith.constant 32 : i32
        %parallel_loop3A_1381 = vector.broadcast %parallel_loop3A_1380 : i32 to vector<16xi32>
        %parallel_loop3A_1382 = arith.addi %iota3A, %parallel_loop3A_1381 : vector<16xi32>
        %parallel_loop3A_1383 = tpu.vector_load_idx %arg12[%parallel_loop3A_1382, %parallel_loop3A_1350] : memref<128x64xf32, #tpu.memory_space<vmem>>[vector<16xi32>, vector<16xi32>], vector<16xf32>,
        %parallel_loop3A_1384 = arith.constant 8.000000e+00 : f32
        %parallel_loop3A_1385 = vector.broadcast %parallel_loop3A_1384 : f32 to vector<16xf32>
        %parallel_loop3A_1386 = arith.mulf %parallel_loop3A_1383, %parallel_loop3A_1385 : vector<16xf32>
        %parallel_loop3A_1387 = arith.addf %parallel_loop3A_1386, %parallel_loop3A_1351 : vector<16xf32>
        %parallel_loop3A_1388 = arith.index_cast %parallel_loop3A_1353 : i32 to index
        %parallel_loop3A_1389 = arith.index_cast %parallel_loop3A_1355 : i32 to index
        %parallel_loop3A_1390 = arith.constant 32 : index
        %parallel_loop3A_1391 = tpu.vector_load %arg16[%parallel_loop3A_1388, %parallel_loop3A_1389, %parallel_loop3A_1390] {strides = array<i32>} : memref<8x8x128xf32, #tpu.memory_space<vmem>>, vector<16xf32>,
        tpu.vector_store %arg16[%parallel_loop3A_1388, %parallel_loop3A_1389, %parallel_loop3A_1390], %parallel_loop3A_1387 {strides = array<i32>} : memref<8x8x128xf32, #tpu.memory_space<vmem>>, vector<16xf32>,
        %parallel_loop3A_1392 = arith.constant 48 : i32
        %parallel_loop3A_1393 = vector.broadcast %parallel_loop3A_1392 : i32 to vector<16xi32>
        %parallel_loop3A_1394 = arith.addi %iota3A, %parallel_loop3A_1393 : vector<16xi32>
        %parallel_loop3A_1395 = tpu.vector_load_idx %arg12[%parallel_loop3A_1394, %parallel_loop3A_1350] : memref<128x64xf32, #tpu.memory_space<vmem>>[vector<16xi32>, vector<16xi32>], vector<16xf32>,
        %parallel_loop3A_1396 = arith.constant 8.000000e+00 : f32
        %parallel_loop3A_1397 = vector.broadcast %parallel_loop3A_1396 : f32 to vector<16xf32>
        %parallel_loop3A_1398 = arith.mulf %parallel_loop3A_1395, %parallel_loop3A_1397 : vector<16xf32>
        %parallel_loop3A_1399 = arith.addf %parallel_loop3A_1398, %parallel_loop3A_1351 : vector<16xf32>
        %parallel_loop3A_1400 = arith.index_cast %parallel_loop3A_1353 : i32 to index
        %parallel_loop3A_1401 = arith.index_cast %parallel_loop3A_1355 : i32 to index
        %parallel_loop3A_1402 = arith.constant 48 : index
        %parallel_loop3A_1403 = tpu.vector_load %arg16[%parallel_loop3A_1400, %parallel_loop3A_1401, %parallel_loop3A_1402] {strides = array<i32>} : memref<8x8x128xf32, #tpu.memory_space<vmem>>, vector<16xf32>,
        tpu.vector_store %arg16[%parallel_loop3A_1400, %parallel_loop3A_1401, %parallel_loop3A_1402], %parallel_loop3A_1399 {strides = array<i32>} : memref<8x8x128xf32, #tpu.memory_space<vmem>>, vector<16xf32>,
        %parallel_loop3A_1404 = arith.constant 64 : i32
        %parallel_loop3A_1405 = vector.broadcast %parallel_loop3A_1404 : i32 to vector<16xi32>
        %parallel_loop3A_1406 = arith.addi %iota3A, %parallel_loop3A_1405 : vector<16xi32>
        %parallel_loop3A_1407 = tpu.vector_load_idx %arg12[%parallel_loop3A_1406, %parallel_loop3A_1350] : memref<128x64xf32, #tpu.memory_space<vmem>>[vector<16xi32>, vector<16xi32>], vector<16xf32>,
        %parallel_loop3A_1408 = arith.constant 8.000000e+00 : f32
        %parallel_loop3A_1409 = vector.broadcast %parallel_loop3A_1408 : f32 to vector<16xf32>
        %parallel_loop3A_1410 = arith.mulf %parallel_loop3A_1407, %parallel_loop3A_1409 : vector<16xf32>
        %parallel_loop3A_1411 = arith.addf %parallel_loop3A_1410, %parallel_loop3A_1351 : vector<16xf32>
        %parallel_loop3A_1412 = arith.index_cast %parallel_loop3A_1353 : i32 to index
        %parallel_loop3A_1413 = arith.index_cast %parallel_loop3A_1355 : i32 to index
        %parallel_loop3A_1414 = arith.constant 64 : index
        %parallel_loop3A_1415 = tpu.vector_load %arg16[%parallel_loop3A_1412, %parallel_loop3A_1413, %parallel_loop3A_1414] {strides = array<i32>} : memref<8x8x128xf32, #tpu.memory_space<vmem>>, vector<16xf32>,
        tpu.vector_store %arg16[%parallel_loop3A_1412, %parallel_loop3A_1413, %parallel_loop3A_1414], %parallel_loop3A_1411 {strides = array<i32>} : memref<8x8x128xf32, #tpu.memory_space<vmem>>, vector<16xf32>,
        %parallel_loop3A_1416 = arith.constant 80 : i32
        %parallel_loop3A_1417 = vector.broadcast %parallel_loop3A_1416 : i32 to vector<16xi32>
        %parallel_loop3A_1418 = arith.addi %iota3A, %parallel_loop3A_1417 : vector<16xi32>
        %parallel_loop3A_1419 = tpu.vector_load_idx %arg12[%parallel_loop3A_1418, %parallel_loop3A_1350] : memref<128x64xf32, #tpu.memory_space<vmem>>[vector<16xi32>, vector<16xi32>], vector<16xf32>,
        %parallel_loop3A_1420 = arith.constant 8.000000e+00 : f32
        %parallel_loop3A_1421 = vector.broadcast %parallel_loop3A_1420 : f32 to vector<16xf32>
        %parallel_loop3A_1422 = arith.mulf %parallel_loop3A_1419, %parallel_loop3A_1421 : vector<16xf32>
        %parallel_loop3A_1423 = arith.addf %parallel_loop3A_1422, %parallel_loop3A_1351 : vector<16xf32>
        %parallel_loop3A_1424 = arith.index_cast %parallel_loop3A_1353 : i32 to index
        %parallel_loop3A_1425 = arith.index_cast %parallel_loop3A_1355 : i32 to index
        %parallel_loop3A_1426 = arith.constant 80 : index
        %parallel_loop3A_1427 = tpu.vector_load %arg16[%parallel_loop3A_1424, %parallel_loop3A_1425, %parallel_loop3A_1426] {strides = array<i32>} : memref<8x8x128xf32, #tpu.memory_space<vmem>>, vector<16xf32>,
        tpu.vector_store %arg16[%parallel_loop3A_1424, %parallel_loop3A_1425, %parallel_loop3A_1426], %parallel_loop3A_1423 {strides = array<i32>} : memref<8x8x128xf32, #tpu.memory_space<vmem>>, vector<16xf32>,
        %parallel_loop3A_1428 = arith.constant 96 : i32
        %parallel_loop3A_1429 = vector.broadcast %parallel_loop3A_1428 : i32 to vector<16xi32>
        %parallel_loop3A_1430 = arith.addi %iota3A, %parallel_loop3A_1429 : vector<16xi32>
        %parallel_loop3A_1431 = tpu.vector_load_idx %arg12[%parallel_loop3A_1430, %parallel_loop3A_1350] : memref<128x64xf32, #tpu.memory_space<vmem>>[vector<16xi32>, vector<16xi32>], vector<16xf32>,
        %parallel_loop3A_1432 = arith.constant 8.000000e+00 : f32
        %parallel_loop3A_1433 = vector.broadcast %parallel_loop3A_1432 : f32 to vector<16xf32>
        %parallel_loop3A_1434 = arith.mulf %parallel_loop3A_1431, %parallel_loop3A_1433 : vector<16xf32>
        %parallel_loop3A_1435 = arith.addf %parallel_loop3A_1434, %parallel_loop3A_1351 : vector<16xf32>
        %parallel_loop3A_1436 = arith.index_cast %parallel_loop3A_1353 : i32 to index
        %parallel_loop3A_1437 = arith.index_cast %parallel_loop3A_1355 : i32 to index
        %parallel_loop3A_1438 = arith.constant 96 : index
        %parallel_loop3A_1439 = tpu.vector_load %arg16[%parallel_loop3A_1436, %parallel_loop3A_1437, %parallel_loop3A_1438] {strides = array<i32>} : memref<8x8x128xf32, #tpu.memory_space<vmem>>, vector<16xf32>,
        tpu.vector_store %arg16[%parallel_loop3A_1436, %parallel_loop3A_1437, %parallel_loop3A_1438], %parallel_loop3A_1435 {strides = array<i32>} : memref<8x8x128xf32, #tpu.memory_space<vmem>>, vector<16xf32>,
        %parallel_loop3A_1440 = arith.constant 112 : i32
        %parallel_loop3A_1441 = vector.broadcast %parallel_loop3A_1440 : i32 to vector<16xi32>
        %parallel_loop3A_1442 = arith.addi %iota3A, %parallel_loop3A_1441 : vector<16xi32>
        %parallel_loop3A_1443 = tpu.vector_load_idx %arg12[%parallel_loop3A_1442, %parallel_loop3A_1350] : memref<128x64xf32, #tpu.memory_space<vmem>>[vector<16xi32>, vector<16xi32>], vector<16xf32>,
        %parallel_loop3A_1444 = arith.constant 8.000000e+00 : f32
        %parallel_loop3A_1445 = vector.broadcast %parallel_loop3A_1444 : f32 to vector<16xf32>
        %parallel_loop3A_1446 = arith.mulf %parallel_loop3A_1443, %parallel_loop3A_1445 : vector<16xf32>
        %parallel_loop3A_1447 = arith.addf %parallel_loop3A_1446, %parallel_loop3A_1351 : vector<16xf32>
        %parallel_loop3A_1448 = arith.index_cast %parallel_loop3A_1353 : i32 to index
        %parallel_loop3A_1449 = arith.index_cast %parallel_loop3A_1355 : i32 to index
        %parallel_loop3A_1450 = arith.constant 112 : index
        %parallel_loop3A_1451 = tpu.vector_load %arg16[%parallel_loop3A_1448, %parallel_loop3A_1449, %parallel_loop3A_1450] {strides = array<i32>} : memref<8x8x128xf32, #tpu.memory_space<vmem>>, vector<16xf32>,
        tpu.vector_store %arg16[%parallel_loop3A_1448, %parallel_loop3A_1449, %parallel_loop3A_1450], %parallel_loop3A_1447 {strides = array<i32>} : memref<8x8x128xf32, #tpu.memory_space<vmem>>, vector<16xf32>,
      } {sc.loop_unroll_factor = 4 : i64, sc.parallel_access}
      %dma_start3A_1031 = arith.constant 0 : i32
      %dma_start3A_1032 = arith.constant 0 : i32
      %dma_start3A_1033 = arith.constant 0 : i32
      %dma_start3A_1034 = arith.constant 0 : i32
      %dma_start3A_1035 = tpu.memref_slice %arg16[%dma_start3A_1031, %dma_start3A_1033, %dma_start3A_1034] : memref<8x8x128xf32, #tpu.memory_space<vmem>> -> memref<1x8x128xf32, #tpu.memory_space<vmem>>
      %dma_start3A_1036 = tpu.memref_squeeze %dma_start3A_1035 : memref<1x8x128xf32, #tpu.memory_space<vmem>> -> memref<8x128xf32, #tpu.memory_space<vmem>>
      %dma_start3A_1037 = arith.constant 0 : i32
      %dma_start3A_1038 = arith.constant 0 : i32
      %dma_start3A_1039 = tpu.memref_slice %arg5[%add3A_1004, %dma_start3A_1032, %add3A, %dma_start3A_1037, %dma_start3A_1038] : memref<200x8x32x8x128xf32, #tpu.memory_space<hbm>> -> memref<1x1x1x8x128xf32, #tpu.memory_space<hbm>>
      %dma_start3A_1040 = tpu.memref_squeeze %dma_start3A_1039 : memref<1x1x1x8x128xf32, #tpu.memory_space<hbm>> -> memref<8x128xf32, #tpu.memory_space<hbm>>
      %dma_start3A_1041 = arith.constant 0 : i32
      %dma_start3A_1042 = arith.constant 0 : i32
      %dma_start3A_1043 = tpu.memref_slice %arg5[%add3A_1004, %dma_start3A_1032, %add3A, %dma_start3A_1041, %dma_start3A_1042] : memref<200x8x32x8x128xf32, #tpu.memory_space<hbm>> -> memref<1x1x1x8x128xf32, #tpu.memory_space<hbm>>
      %dma_start3A_1044 = tpu.memref_squeeze %dma_start3A_1043 : memref<1x1x1x8x128xf32, #tpu.memory_space<hbm>> -> memref<8x128xf32, #tpu.memory_space<hbm>>
      %dma_start3A_1045 = arith.constant 0 : i32
      %dma_start3A_1046 = arith.constant 0 : i32
      %dma_start3A_1047 = tpu.memref_slice %arg16[%dma_start3A_1031, %dma_start3A_1045, %dma_start3A_1046] : memref<8x8x128xf32, #tpu.memory_space<vmem>> -> memref<1x8x128xf32, #tpu.memory_space<vmem>>
      %dma_start3A_1048 = tpu.memref_squeeze %dma_start3A_1047 : memref<1x8x128xf32, #tpu.memory_space<vmem>> -> memref<8x128xf32, #tpu.memory_space<vmem>>
      tpu.enqueue_dma source(%dma_start3A_1048 : memref<8x128xf32, #tpu.memory_space<vmem>>) target(%dma_start3A_1044 : memref<8x128xf32, #tpu.memory_space<hbm>>) target_semaphore(%arg29 : memref<!tpu.dma_semaphore, #tpu.memory_space<semaphore_mem>>)
      %dma_start3A_1049 = arith.constant 1 : i32
      %dma_start3A_1050 = arith.constant 1 : i32
      %dma_start3A_1051 = arith.constant 0 : i32
      %dma_start3A_1052 = arith.constant 0 : i32
      %dma_start3A_1053 = tpu.memref_slice %arg16[%dma_start3A_1049, %dma_start3A_1051, %dma_start3A_1052] : memref<8x8x128xf32, #tpu.memory_space<vmem>> -> memref<1x8x128xf32, #tpu.memory_space<vmem>>
      %dma_start3A_1054 = tpu.memref_squeeze %dma_start3A_1053 : memref<1x8x128xf32, #tpu.memory_space<vmem>> -> memref<8x128xf32, #tpu.memory_space<vmem>>
      %dma_start3A_1055 = arith.constant 0 : i32
      %dma_start3A_1056 = arith.constant 0 : i32
      %dma_start3A_1057 = tpu.memref_slice %arg5[%add3A_1004, %dma_start3A_1050, %add3A, %dma_start3A_1055, %dma_start3A_1056] : memref<200x8x32x8x128xf32, #tpu.memory_space<hbm>> -> memref<1x1x1x8x128xf32, #tpu.memory_space<hbm>>
      %dma_start3A_1058 = tpu.memref_squeeze %dma_start3A_1057 : memref<1x1x1x8x128xf32, #tpu.memory_space<hbm>> -> memref<8x128xf32, #tpu.memory_space<hbm>>
      %dma_start3A_1059 = arith.constant 0 : i32
      %dma_start3A_1060 = arith.constant 0 : i32
      %dma_start3A_1061 = tpu.memref_slice %arg5[%add3A_1004, %dma_start3A_1050, %add3A, %dma_start3A_1059, %dma_start3A_1060] : memref<200x8x32x8x128xf32, #tpu.memory_space<hbm>> -> memref<1x1x1x8x128xf32, #tpu.memory_space<hbm>>
      %dma_start3A_1062 = tpu.memref_squeeze %dma_start3A_1061 : memref<1x1x1x8x128xf32, #tpu.memory_space<hbm>> -> memref<8x128xf32, #tpu.memory_space<hbm>>
      %dma_start3A_1063 = arith.constant 0 : i32
      %dma_start3A_1064 = arith.constant 0 : i32
      %dma_start3A_1065 = tpu.memref_slice %arg16[%dma_start3A_1049, %dma_start3A_1063, %dma_start3A_1064] : memref<8x8x128xf32, #tpu.memory_space<vmem>> -> memref<1x8x128xf32, #tpu.memory_space<vmem>>
      %dma_start3A_1066 = tpu.memref_squeeze %dma_start3A_1065 : memref<1x8x128xf32, #tpu.memory_space<vmem>> -> memref<8x128xf32, #tpu.memory_space<vmem>>
      tpu.enqueue_dma source(%dma_start3A_1066 : memref<8x128xf32, #tpu.memory_space<vmem>>) target(%dma_start3A_1062 : memref<8x128xf32, #tpu.memory_space<hbm>>) target_semaphore(%arg29 : memref<!tpu.dma_semaphore, #tpu.memory_space<semaphore_mem>>)
      %dma_start3A_1067 = arith.constant 2 : i32
      %dma_start3A_1068 = arith.constant 2 : i32
      %dma_start3A_1069 = arith.constant 0 : i32
      %dma_start3A_1070 = arith.constant 0 : i32
      %dma_start3A_1071 = tpu.memref_slice %arg16[%dma_start3A_1067, %dma_start3A_1069, %dma_start3A_1070] : memref<8x8x128xf32, #tpu.memory_space<vmem>> -> memref<1x8x128xf32, #tpu.memory_space<vmem>>
      %dma_start3A_1072 = tpu.memref_squeeze %dma_start3A_1071 : memref<1x8x128xf32, #tpu.memory_space<vmem>> -> memref<8x128xf32, #tpu.memory_space<vmem>>
      %dma_start3A_1073 = arith.constant 0 : i32
      %dma_start3A_1074 = arith.constant 0 : i32
      %dma_start3A_1075 = tpu.memref_slice %arg5[%add3A_1004, %dma_start3A_1068, %add3A, %dma_start3A_1073, %dma_start3A_1074] : memref<200x8x32x8x128xf32, #tpu.memory_space<hbm>> -> memref<1x1x1x8x128xf32, #tpu.memory_space<hbm>>
      %dma_start3A_1076 = tpu.memref_squeeze %dma_start3A_1075 : memref<1x1x1x8x128xf32, #tpu.memory_space<hbm>> -> memref<8x128xf32, #tpu.memory_space<hbm>>
      %dma_start3A_1077 = arith.constant 0 : i32
      %dma_start3A_1078 = arith.constant 0 : i32
      %dma_start3A_1079 = tpu.memref_slice %arg5[%add3A_1004, %dma_start3A_1068, %add3A, %dma_start3A_1077, %dma_start3A_1078] : memref<200x8x32x8x128xf32, #tpu.memory_space<hbm>> -> memref<1x1x1x8x128xf32, #tpu.memory_space<hbm>>
      %dma_start3A_1080 = tpu.memref_squeeze %dma_start3A_1079 : memref<1x1x1x8x128xf32, #tpu.memory_space<hbm>> -> memref<8x128xf32, #tpu.memory_space<hbm>>
      %dma_start3A_1081 = arith.constant 0 : i32
      %dma_start3A_1082 = arith.constant 0 : i32
      %dma_start3A_1083 = tpu.memref_slice %arg16[%dma_start3A_1067, %dma_start3A_1081, %dma_start3A_1082] : memref<8x8x128xf32, #tpu.memory_space<vmem>> -> memref<1x8x128xf32, #tpu.memory_space<vmem>>
      %dma_start3A_1084 = tpu.memref_squeeze %dma_start3A_1083 : memref<1x8x128xf32, #tpu.memory_space<vmem>> -> memref<8x128xf32, #tpu.memory_space<vmem>>
      tpu.enqueue_dma source(%dma_start3A_1084 : memref<8x128xf32, #tpu.memory_space<vmem>>) target(%dma_start3A_1080 : memref<8x128xf32, #tpu.memory_space<hbm>>) target_semaphore(%arg29 : memref<!tpu.dma_semaphore, #tpu.memory_space<semaphore_mem>>)
      %dma_start3A_1085 = arith.constant 3 : i32
      %dma_start3A_1086 = arith.constant 3 : i32
      %dma_start3A_1087 = arith.constant 0 : i32
      %dma_start3A_1088 = arith.constant 0 : i32
      %dma_start3A_1089 = tpu.memref_slice %arg16[%dma_start3A_1085, %dma_start3A_1087, %dma_start3A_1088] : memref<8x8x128xf32, #tpu.memory_space<vmem>> -> memref<1x8x128xf32, #tpu.memory_space<vmem>>
      %dma_start3A_1090 = tpu.memref_squeeze %dma_start3A_1089 : memref<1x8x128xf32, #tpu.memory_space<vmem>> -> memref<8x128xf32, #tpu.memory_space<vmem>>
      %dma_start3A_1091 = arith.constant 0 : i32
      %dma_start3A_1092 = arith.constant 0 : i32
      %dma_start3A_1093 = tpu.memref_slice %arg5[%add3A_1004, %dma_start3A_1086, %add3A, %dma_start3A_1091, %dma_start3A_1092] : memref<200x8x32x8x128xf32, #tpu.memory_space<hbm>> -> memref<1x1x1x8x128xf32, #tpu.memory_space<hbm>>
      %dma_start3A_1094 = tpu.memref_squeeze %dma_start3A_1093 : memref<1x1x1x8x128xf32, #tpu.memory_space<hbm>> -> memref<8x128xf32, #tpu.memory_space<hbm>>
      %dma_start3A_1095 = arith.constant 0 : i32
      %dma_start3A_1096 = arith.constant 0 : i32
      %dma_start3A_1097 = tpu.memref_slice %arg5[%add3A_1004, %dma_start3A_1086, %add3A, %dma_start3A_1095, %dma_start3A_1096] : memref<200x8x32x8x128xf32, #tpu.memory_space<hbm>> -> memref<1x1x1x8x128xf32, #tpu.memory_space<hbm>>
      %dma_start3A_1098 = tpu.memref_squeeze %dma_start3A_1097 : memref<1x1x1x8x128xf32, #tpu.memory_space<hbm>> -> memref<8x128xf32, #tpu.memory_space<hbm>>
      %dma_start3A_1099 = arith.constant 0 : i32
      %dma_start3A_1100 = arith.constant 0 : i32
      %dma_start3A_1101 = tpu.memref_slice %arg16[%dma_start3A_1085, %dma_start3A_1099, %dma_start3A_1100] : memref<8x8x128xf32, #tpu.memory_space<vmem>> -> memref<1x8x128xf32, #tpu.memory_space<vmem>>
      %dma_start3A_1102 = tpu.memref_squeeze %dma_start3A_1101 : memref<1x8x128xf32, #tpu.memory_space<vmem>> -> memref<8x128xf32, #tpu.memory_space<vmem>>
      tpu.enqueue_dma source(%dma_start3A_1102 : memref<8x128xf32, #tpu.memory_space<vmem>>) target(%dma_start3A_1098 : memref<8x128xf32, #tpu.memory_space<hbm>>) target_semaphore(%arg29 : memref<!tpu.dma_semaphore, #tpu.memory_space<semaphore_mem>>)
      %dma_start3A_1103 = arith.constant 4 : i32
      %dma_start3A_1104 = arith.constant 4 : i32
      %dma_start3A_1105 = arith.constant 0 : i32
      %dma_start3A_1106 = arith.constant 0 : i32
      %dma_start3A_1107 = tpu.memref_slice %arg16[%dma_start3A_1103, %dma_start3A_1105, %dma_start3A_1106] : memref<8x8x128xf32, #tpu.memory_space<vmem>> -> memref<1x8x128xf32, #tpu.memory_space<vmem>>
      %dma_start3A_1108 = tpu.memref_squeeze %dma_start3A_1107 : memref<1x8x128xf32, #tpu.memory_space<vmem>> -> memref<8x128xf32, #tpu.memory_space<vmem>>
      %dma_start3A_1109 = arith.constant 0 : i32
      %dma_start3A_1110 = arith.constant 0 : i32
      %dma_start3A_1111 = tpu.memref_slice %arg5[%add3A_1004, %dma_start3A_1104, %add3A, %dma_start3A_1109, %dma_start3A_1110] : memref<200x8x32x8x128xf32, #tpu.memory_space<hbm>> -> memref<1x1x1x8x128xf32, #tpu.memory_space<hbm>>
      %dma_start3A_1112 = tpu.memref_squeeze %dma_start3A_1111 : memref<1x1x1x8x128xf32, #tpu.memory_space<hbm>> -> memref<8x128xf32, #tpu.memory_space<hbm>>
      %dma_start3A_1113 = arith.constant 0 : i32
      %dma_start3A_1114 = arith.constant 0 : i32
      %dma_start3A_1115 = tpu.memref_slice %arg5[%add3A_1004, %dma_start3A_1104, %add3A, %dma_start3A_1113, %dma_start3A_1114] : memref<200x8x32x8x128xf32, #tpu.memory_space<hbm>> -> memref<1x1x1x8x128xf32, #tpu.memory_space<hbm>>
      %dma_start3A_1116 = tpu.memref_squeeze %dma_start3A_1115 : memref<1x1x1x8x128xf32, #tpu.memory_space<hbm>> -> memref<8x128xf32, #tpu.memory_space<hbm>>
      %dma_start3A_1117 = arith.constant 0 : i32
      %dma_start3A_1118 = arith.constant 0 : i32
      %dma_start3A_1119 = tpu.memref_slice %arg16[%dma_start3A_1103, %dma_start3A_1117, %dma_start3A_1118] : memref<8x8x128xf32, #tpu.memory_space<vmem>> -> memref<1x8x128xf32, #tpu.memory_space<vmem>>
      %dma_start3A_1120 = tpu.memref_squeeze %dma_start3A_1119 : memref<1x8x128xf32, #tpu.memory_space<vmem>> -> memref<8x128xf32, #tpu.memory_space<vmem>>
      tpu.enqueue_dma source(%dma_start3A_1120 : memref<8x128xf32, #tpu.memory_space<vmem>>) target(%dma_start3A_1116 : memref<8x128xf32, #tpu.memory_space<hbm>>) target_semaphore(%arg29 : memref<!tpu.dma_semaphore, #tpu.memory_space<semaphore_mem>>)
      %dma_start3A_1121 = arith.constant 5 : i32
      %dma_start3A_1122 = arith.constant 5 : i32
      %dma_start3A_1123 = arith.constant 0 : i32
      %dma_start3A_1124 = arith.constant 0 : i32
      %dma_start3A_1125 = tpu.memref_slice %arg16[%dma_start3A_1121, %dma_start3A_1123, %dma_start3A_1124] : memref<8x8x128xf32, #tpu.memory_space<vmem>> -> memref<1x8x128xf32, #tpu.memory_space<vmem>>
      %dma_start3A_1126 = tpu.memref_squeeze %dma_start3A_1125 : memref<1x8x128xf32, #tpu.memory_space<vmem>> -> memref<8x128xf32, #tpu.memory_space<vmem>>
      %dma_start3A_1127 = arith.constant 0 : i32
      %dma_start3A_1128 = arith.constant 0 : i32
      %dma_start3A_1129 = tpu.memref_slice %arg5[%add3A_1004, %dma_start3A_1122, %add3A, %dma_start3A_1127, %dma_start3A_1128] : memref<200x8x32x8x128xf32, #tpu.memory_space<hbm>> -> memref<1x1x1x8x128xf32, #tpu.memory_space<hbm>>
      %dma_start3A_1130 = tpu.memref_squeeze %dma_start3A_1129 : memref<1x1x1x8x128xf32, #tpu.memory_space<hbm>> -> memref<8x128xf32, #tpu.memory_space<hbm>>
      %dma_start3A_1131 = arith.constant 0 : i32
      %dma_start3A_1132 = arith.constant 0 : i32
      %dma_start3A_1133 = tpu.memref_slice %arg5[%add3A_1004, %dma_start3A_1122, %add3A, %dma_start3A_1131, %dma_start3A_1132] : memref<200x8x32x8x128xf32, #tpu.memory_space<hbm>> -> memref<1x1x1x8x128xf32, #tpu.memory_space<hbm>>
      %dma_start3A_1134 = tpu.memref_squeeze %dma_start3A_1133 : memref<1x1x1x8x128xf32, #tpu.memory_space<hbm>> -> memref<8x128xf32, #tpu.memory_space<hbm>>
      %dma_start3A_1135 = arith.constant 0 : i32
      %dma_start3A_1136 = arith.constant 0 : i32
      %dma_start3A_1137 = tpu.memref_slice %arg16[%dma_start3A_1121, %dma_start3A_1135, %dma_start3A_1136] : memref<8x8x128xf32, #tpu.memory_space<vmem>> -> memref<1x8x128xf32, #tpu.memory_space<vmem>>
      %dma_start3A_1138 = tpu.memref_squeeze %dma_start3A_1137 : memref<1x8x128xf32, #tpu.memory_space<vmem>> -> memref<8x128xf32, #tpu.memory_space<vmem>>
      tpu.enqueue_dma source(%dma_start3A_1138 : memref<8x128xf32, #tpu.memory_space<vmem>>) target(%dma_start3A_1134 : memref<8x128xf32, #tpu.memory_space<hbm>>) target_semaphore(%arg29 : memref<!tpu.dma_semaphore, #tpu.memory_space<semaphore_mem>>)
      %dma_start3A_1139 = arith.constant 6 : i32
      %dma_start3A_1140 = arith.constant 6 : i32
      %dma_start3A_1141 = arith.constant 0 : i32
      %dma_start3A_1142 = arith.constant 0 : i32
      %dma_start3A_1143 = tpu.memref_slice %arg16[%dma_start3A_1139, %dma_start3A_1141, %dma_start3A_1142] : memref<8x8x128xf32, #tpu.memory_space<vmem>> -> memref<1x8x128xf32, #tpu.memory_space<vmem>>
      %dma_start3A_1144 = tpu.memref_squeeze %dma_start3A_1143 : memref<1x8x128xf32, #tpu.memory_space<vmem>> -> memref<8x128xf32, #tpu.memory_space<vmem>>
      %dma_start3A_1145 = arith.constant 0 : i32
      %dma_start3A_1146 = arith.constant 0 : i32
      %dma_start3A_1147 = tpu.memref_slice %arg5[%add3A_1004, %dma_start3A_1140, %add3A, %dma_start3A_1145, %dma_start3A_1146] : memref<200x8x32x8x128xf32, #tpu.memory_space<hbm>> -> memref<1x1x1x8x128xf32, #tpu.memory_space<hbm>>
      %dma_start3A_1148 = tpu.memref_squeeze %dma_start3A_1147 : memref<1x1x1x8x128xf32, #tpu.memory_space<hbm>> -> memref<8x128xf32, #tpu.memory_space<hbm>>
      %dma_start3A_1149 = arith.constant 0 : i32
      %dma_start3A_1150 = arith.constant 0 : i32
      %dma_start3A_1151 = tpu.memref_slice %arg5[%add3A_1004, %dma_start3A_1140, %add3A, %dma_start3A_1149, %dma_start3A_1150] : memref<200x8x32x8x128xf32, #tpu.memory_space<hbm>> -> memref<1x1x1x8x128xf32, #tpu.memory_space<hbm>>
      %dma_start3A_1152 = tpu.memref_squeeze %dma_start3A_1151 : memref<1x1x1x8x128xf32, #tpu.memory_space<hbm>> -> memref<8x128xf32, #tpu.memory_space<hbm>>
      %dma_start3A_1153 = arith.constant 0 : i32
      %dma_start3A_1154 = arith.constant 0 : i32
      %dma_start3A_1155 = tpu.memref_slice %arg16[%dma_start3A_1139, %dma_start3A_1153, %dma_start3A_1154] : memref<8x8x128xf32, #tpu.memory_space<vmem>> -> memref<1x8x128xf32, #tpu.memory_space<vmem>>
      %dma_start3A_1156 = tpu.memref_squeeze %dma_start3A_1155 : memref<1x8x128xf32, #tpu.memory_space<vmem>> -> memref<8x128xf32, #tpu.memory_space<vmem>>
      tpu.enqueue_dma source(%dma_start3A_1156 : memref<8x128xf32, #tpu.memory_space<vmem>>) target(%dma_start3A_1152 : memref<8x128xf32, #tpu.memory_space<hbm>>) target_semaphore(%arg29 : memref<!tpu.dma_semaphore, #tpu.memory_space<semaphore_mem>>)
      %dma_start3A_1157 = arith.constant 7 : i32
      %dma_start3A_1158 = arith.constant 7 : i32
      %dma_start3A_1159 = arith.constant 0 : i32
      %dma_start3A_1160 = arith.constant 0 : i32
      %dma_start3A_1161 = tpu.memref_slice %arg16[%dma_start3A_1157, %dma_start3A_1159, %dma_start3A_1160] : memref<8x8x128xf32, #tpu.memory_space<vmem>> -> memref<1x8x128xf32, #tpu.memory_space<vmem>>
      %dma_start3A_1162 = tpu.memref_squeeze %dma_start3A_1161 : memref<1x8x128xf32, #tpu.memory_space<vmem>> -> memref<8x128xf32, #tpu.memory_space<vmem>>
      %dma_start3A_1163 = arith.constant 0 : i32
      %dma_start3A_1164 = arith.constant 0 : i32
      %dma_start3A_1165 = tpu.memref_slice %arg5[%add3A_1004, %dma_start3A_1158, %add3A, %dma_start3A_1163, %dma_start3A_1164] : memref<200x8x32x8x128xf32, #tpu.memory_space<hbm>> -> memref<1x1x1x8x128xf32, #tpu.memory_space<hbm>>
      %dma_start3A_1166 = tpu.memref_squeeze %dma_start3A_1165 : memref<1x1x1x8x128xf32, #tpu.memory_space<hbm>> -> memref<8x128xf32, #tpu.memory_space<hbm>>
      %dma_start3A_1167 = arith.constant 0 : i32
      %dma_start3A_1168 = arith.constant 0 : i32
      %dma_start3A_1169 = tpu.memref_slice %arg5[%add3A_1004, %dma_start3A_1158, %add3A, %dma_start3A_1167, %dma_start3A_1168] : memref<200x8x32x8x128xf32, #tpu.memory_space<hbm>> -> memref<1x1x1x8x128xf32, #tpu.memory_space<hbm>>
      %dma_start3A_1170 = tpu.memref_squeeze %dma_start3A_1169 : memref<1x1x1x8x128xf32, #tpu.memory_space<hbm>> -> memref<8x128xf32, #tpu.memory_space<hbm>>
      %dma_start3A_1171 = arith.constant 0 : i32
      %dma_start3A_1172 = arith.constant 0 : i32
      %dma_start3A_1173 = tpu.memref_slice %arg16[%dma_start3A_1157, %dma_start3A_1171, %dma_start3A_1172] : memref<8x8x128xf32, #tpu.memory_space<vmem>> -> memref<1x8x128xf32, #tpu.memory_space<vmem>>
      %dma_start3A_1174 = tpu.memref_squeeze %dma_start3A_1173 : memref<1x8x128xf32, #tpu.memory_space<vmem>> -> memref<8x128xf32, #tpu.memory_space<vmem>>
      tpu.enqueue_dma source(%dma_start3A_1174 : memref<8x128xf32, #tpu.memory_space<vmem>>) target(%dma_start3A_1170 : memref<8x128xf32, #tpu.memory_space<hbm>>) target_semaphore(%arg29 : memref<!tpu.dma_semaphore, #tpu.memory_space<semaphore_mem>>)
      %mul3A_1175 = arith.constant 4 : i32
      %mul3A_1176 = arith.muli %scan3A_658, %mul3A_1175 : i32
      %add3A_1177 = arith.constant 3 : i32
      %add3A_1178 = arith.addi %mul3A_1176, %add3A_1177 : i32
      %add3A_1179 = arith.constant 3 : i32
      %add3A_1180 = arith.addi %add3A_1178, %add3A_1179 : i32
      %lt3A_1181 = arith.constant 200 : i32
      %lt3A_1182 = arith.cmpi slt, %add3A_1180, %lt3A_1181 : i32
      %convert_element_type3A_1183 = arith.extui %lt3A_1182 : i1 to i32
      %cond3A_1184 = arith.constant 0 : i32
      %cond3A_1185 = arith.cmpi ne, %convert_element_type3A_1183, %cond3A_1184 : i32
      scf.if %cond3A_1185 {
        %add3A_1349 = arith.constant 3 : i32
        %add3A_1350 = arith.addi %add3A_1178, %add3A_1349 : i32
        %jit3A = arith.constant 8 : i32
        %div3A = arith.divsi %add3A_1350, %jit3A : i32
        %sign3A = arith.constant 0 : i32
        %sign3A_1351 = arith.cmpi sgt, %add3A_1350, %sign3A : i32
        %sign3A_1352 = arith.extui %sign3A_1351 : i1 to i32
        %sign3A_1353 = arith.constant 0 : i32
        %sign3A_1354 = arith.cmpi slt, %add3A_1350, %sign3A_1353 : i32
        %sign3A_1355 = arith.extui %sign3A_1354 : i1 to i32
        %sign3A_1356 = arith.subi %sign3A_1352, %sign3A_1355 : i32
        %sign3A_1357 = arith.constant 0 : i32
        %sign3A_1358 = arith.cmpi sgt, %jit3A, %sign3A_1357 : i32
        %sign3A_1359 = arith.extui %sign3A_1358 : i1 to i32
        %sign3A_1360 = arith.constant 0 : i32
        %sign3A_1361 = arith.cmpi slt, %jit3A, %sign3A_1360 : i32
        %sign3A_1362 = arith.extui %sign3A_1361 : i1 to i32
        %sign3A_1363 = arith.subi %sign3A_1359, %sign3A_1362 : i32
        %ne3A = arith.cmpi ne, %sign3A_1356, %sign3A_1363 : i32
        %rem3A = arith.remsi %add3A_1350, %jit3A : i32
        %ne3A_1364 = arith.constant 0 : i32
        %ne3A_1365 = arith.cmpi ne, %rem3A, %ne3A_1364 : i32
        %and3A = arith.andi %ne3A, %ne3A_1365 : i1
        %sub3A = arith.constant 1 : i32
        %sub3A_1366 = arith.subi %div3A, %sub3A : i32
        %select_n3A = arith.select %and3A, %sub3A_1366, %div3A : i32
        %jit3A_1367 = arith.constant 8 : i32
        %eq3A = arith.constant 0 : i32
        %eq3A_1368 = arith.cmpi eq, %jit3A_1367, %eq3A : i32
        %jit3A_1369 = arith.constant 1 : i32
        %select_n3A_1370 = arith.select %eq3A_1368, %jit3A_1369, %jit3A_1367 : i32
        %rem3A_1371 = arith.remsi %add3A_1350, %select_n3A_1370 : i32
        %ne3A_1372 = arith.constant 0 : i32
        %ne3A_1373 = arith.cmpi ne, %rem3A_1371, %ne3A_1372 : i32
        %lt3A_1374 = arith.constant 0 : i32
        %lt3A_1375 = arith.cmpi slt, %rem3A_1371, %lt3A_1374 : i32
        %lt3A_1376 = arith.constant 0 : i32
        %lt3A_1377 = arith.cmpi slt, %select_n3A_1370, %lt3A_1376 : i32
        %ne3A_1378 = arith.xori %lt3A_1375, %lt3A_1377 : i1
        %and3A_1379 = arith.andi %ne3A_1378, %ne3A_1373 : i1
        %add3A_1380 = arith.addi %rem3A_1371, %select_n3A_1370 : i32
        %select_n3A_1381 = arith.select %and3A_1379, %add3A_1380, %rem3A_1371 : i32
        %dma_start3A_1382 = arith.constant 0 : i32
        %dma_start3A_1383 = tpu.memref_slice %arg2[%select_n3A, %add3A, %select_n3A_1381, %dma_start3A_1382] : memref<25x32x8x128xi32, #tpu.memory_space<hbm>> -> memref<1x1x1x128xi32, #tpu.memory_space<hbm>>
        %dma_start3A_1384 = tpu.memref_squeeze %dma_start3A_1383 : memref<1x1x1x128xi32, #tpu.memory_space<hbm>> -> memref<128xi32, #tpu.memory_space<hbm>>
        %dma_start3A_1385 = arith.constant 0 : i32
        %dma_start3A_1386 = tpu.memref_slice %arg2[%select_n3A, %add3A, %select_n3A_1381, %dma_start3A_1385] : memref<25x32x8x128xi32, #tpu.memory_space<hbm>> -> memref<1x1x1x128xi32, #tpu.memory_space<hbm>>
        %dma_start3A_1387 = tpu.memref_squeeze %dma_start3A_1386 : memref<1x1x1x128xi32, #tpu.memory_space<hbm>> -> memref<128xi32, #tpu.memory_space<hbm>>
        tpu.enqueue_dma source(%dma_start3A_1387 : memref<128xi32, #tpu.memory_space<hbm>>) target(%arg8 : memref<128xi32, #tpu.memory_space<vmem>>) target_semaphore(%arg21 : memref<!tpu.dma_semaphore, #tpu.memory_space<semaphore_mem>>)
      } else {
      }
      %add3A_1186 = arith.constant 2 : i32
      %add3A_1187 = arith.addi %add3A_1178, %add3A_1186 : i32
      %lt3A_1188 = arith.constant 200 : i32
      %lt3A_1189 = arith.cmpi slt, %add3A_1187, %lt3A_1188 : i32
      %convert_element_type3A_1190 = arith.extui %lt3A_1189 : i1 to i32
      %cond3A_1191 = arith.constant 0 : i32
      %cond3A_1192 = arith.cmpi ne, %convert_element_type3A_1190, %cond3A_1191 : i32
      scf.if %cond3A_1192 {
        %add3A_1349 = arith.constant 2 : i32
        %add3A_1350 = arith.addi %add3A_1178, %add3A_1349 : i32
        %jit3A = arith.constant 8 : i32
        %div3A = arith.divsi %add3A_1350, %jit3A : i32
        %sign3A = arith.constant 0 : i32
        %sign3A_1351 = arith.cmpi sgt, %add3A_1350, %sign3A : i32
        %sign3A_1352 = arith.extui %sign3A_1351 : i1 to i32
        %sign3A_1353 = arith.constant 0 : i32
        %sign3A_1354 = arith.cmpi slt, %add3A_1350, %sign3A_1353 : i32
        %sign3A_1355 = arith.extui %sign3A_1354 : i1 to i32
        %sign3A_1356 = arith.subi %sign3A_1352, %sign3A_1355 : i32
        %sign3A_1357 = arith.constant 0 : i32
        %sign3A_1358 = arith.cmpi sgt, %jit3A, %sign3A_1357 : i32
        %sign3A_1359 = arith.extui %sign3A_1358 : i1 to i32
        %sign3A_1360 = arith.constant 0 : i32
        %sign3A_1361 = arith.cmpi slt, %jit3A, %sign3A_1360 : i32
        %sign3A_1362 = arith.extui %sign3A_1361 : i1 to i32
        %sign3A_1363 = arith.subi %sign3A_1359, %sign3A_1362 : i32
        %ne3A = arith.cmpi ne, %sign3A_1356, %sign3A_1363 : i32
        %rem3A = arith.remsi %add3A_1350, %jit3A : i32
        %ne3A_1364 = arith.constant 0 : i32
        %ne3A_1365 = arith.cmpi ne, %rem3A, %ne3A_1364 : i32
        %and3A = arith.andi %ne3A, %ne3A_1365 : i1
        %sub3A = arith.constant 1 : i32
        %sub3A_1366 = arith.subi %div3A, %sub3A : i32
        %select_n3A = arith.select %and3A, %sub3A_1366, %div3A : i32
        %jit3A_1367 = arith.constant 8 : i32
        %eq3A = arith.constant 0 : i32
        %eq3A_1368 = arith.cmpi eq, %jit3A_1367, %eq3A : i32
        %jit3A_1369 = arith.constant 1 : i32
        %select_n3A_1370 = arith.select %eq3A_1368, %jit3A_1369, %jit3A_1367 : i32
        %rem3A_1371 = arith.remsi %add3A_1350, %select_n3A_1370 : i32
        %ne3A_1372 = arith.constant 0 : i32
        %ne3A_1373 = arith.cmpi ne, %rem3A_1371, %ne3A_1372 : i32
        %lt3A_1374 = arith.constant 0 : i32
        %lt3A_1375 = arith.cmpi slt, %rem3A_1371, %lt3A_1374 : i32
        %lt3A_1376 = arith.constant 0 : i32
        %lt3A_1377 = arith.cmpi slt, %select_n3A_1370, %lt3A_1376 : i32
        %ne3A_1378 = arith.xori %lt3A_1375, %lt3A_1377 : i1
        %and3A_1379 = arith.andi %ne3A_1378, %ne3A_1373 : i1
        %add3A_1380 = arith.addi %rem3A_1371, %select_n3A_1370 : i32
        %select_n3A_1381 = arith.select %and3A_1379, %add3A_1380, %rem3A_1371 : i32
        %dma_wait3A_1382 = arith.constant 0 : i32
        %dma_wait3A_1383 = tpu.memref_slice %arg2[%select_n3A, %add3A, %select_n3A_1381, %dma_wait3A_1382] : memref<25x32x8x128xi32, #tpu.memory_space<hbm>> -> memref<1x1x1x128xi32, #tpu.memory_space<hbm>>
        %dma_wait3A_1384 = tpu.memref_squeeze %dma_wait3A_1383 : memref<1x1x1x128xi32, #tpu.memory_space<hbm>> -> memref<128xi32, #tpu.memory_space<hbm>>
        %dma_wait3A_1385 = arith.constant 0 : i32
        %dma_wait3A_1386 = tpu.memref_slice %arg2[%select_n3A, %add3A, %select_n3A_1381, %dma_wait3A_1385] : memref<25x32x8x128xi32, #tpu.memory_space<hbm>> -> memref<1x1x1x128xi32, #tpu.memory_space<hbm>>
        %dma_wait3A_1387 = tpu.memref_squeeze %dma_wait3A_1386 : memref<1x1x1x128xi32, #tpu.memory_space<hbm>> -> memref<128xi32, #tpu.memory_space<hbm>>
        tpu.wait_dma2 semaphore(%arg20 : memref<!tpu.dma_semaphore, #tpu.memory_space<semaphore_mem>>) src(%dma_wait3A_1387 : memref<128xi32, #tpu.memory_space<hbm>>) dst(%arg7 : memref<128xi32, #tpu.memory_space<vmem>>)
        %dma_start3A_1388 = arith.constant 0 : i32
        %dma_start3A_1389 = arith.constant 0 : i32
        %dma_start3A_1390 = tpu.memref_slice %arg3[%dma_start3A_1388, %dma_start3A_1389] : memref<1000000x64xf32, #tpu.memory_space<hbm>> -> memref<1000000x64xf32, #tpu.memory_space<hbm>>
        tpu.enqueue_indirect_dma source(%dma_start3A_1390 : memref<1000000x64xf32, #tpu.memory_space<hbm>>) target(%arg11 : memref<128x64xf32, #tpu.memory_space<vmem>>) offsets(%arg7 : memref<128xi32, #tpu.memory_space<vmem>>) semaphore(%arg24 : memref<!tpu.dma_semaphore, #tpu.memory_space<semaphore_mem>>)
      } else {
      }
      %dma_wait3A_1193 = arith.constant 0 : i32
      %dma_wait3A_1194 = arith.constant 0 : i32
      %dma_wait3A_1195 = tpu.memref_slice %arg3[%dma_wait3A_1193, %dma_wait3A_1194] : memref<1000000x64xf32, #tpu.memory_space<hbm>> -> memref<1000000x64xf32, #tpu.memory_space<hbm>>
      tpu.wait_indirect_dma semaphore(%arg26 : memref<!tpu.dma_semaphore, #tpu.memory_space<semaphore_mem>>) src(%dma_wait3A_1195 : memref<1000000x64xf32, #tpu.memory_space<hbm>>) dst(%arg13 : memref<128x64xf32, #tpu.memory_space<vmem>>)
      %ge3A_1196 = arith.constant 4 : i32
      %ge3A_1197 = arith.cmpi sge, %add3A_1178, %ge3A_1196 : i32
      %convert_element_type3A_1198 = arith.extui %ge3A_1197 : i1 to i32
      %cond3A_1199 = arith.constant 0 : i32
      %cond3A_1200 = arith.cmpi ne, %convert_element_type3A_1198, %cond3A_1199 : i32
      scf.if %cond3A_1200 {
        %sub3A = arith.constant 4 : i32
        %sub3A_1349 = arith.subi %add3A_1178, %sub3A : i32
        %dma_wait3A_1350 = arith.constant 0 : i32
        %dma_wait3A_1351 = arith.constant 0 : i32
        %dma_wait3A_1352 = arith.constant 0 : i32
        %dma_wait3A_1353 = arith.constant 0 : i32
        %dma_wait3A_1354 = tpu.memref_slice %arg17[%dma_wait3A_1350, %dma_wait3A_1352, %dma_wait3A_1353] : memref<8x8x128xf32, #tpu.memory_space<vmem>> -> memref<1x8x128xf32, #tpu.memory_space<vmem>>
        %dma_wait3A_1355 = tpu.memref_squeeze %dma_wait3A_1354 : memref<1x8x128xf32, #tpu.memory_space<vmem>> -> memref<8x128xf32, #tpu.memory_space<vmem>>
        %dma_wait3A_1356 = arith.constant 0 : i32
        %dma_wait3A_1357 = arith.constant 0 : i32
        %dma_wait3A_1358 = tpu.memref_slice %arg5[%sub3A_1349, %dma_wait3A_1351, %add3A, %dma_wait3A_1356, %dma_wait3A_1357] : memref<200x8x32x8x128xf32, #tpu.memory_space<hbm>> -> memref<1x1x1x8x128xf32, #tpu.memory_space<hbm>>
        %dma_wait3A_1359 = tpu.memref_squeeze %dma_wait3A_1358 : memref<1x1x1x8x128xf32, #tpu.memory_space<hbm>> -> memref<8x128xf32, #tpu.memory_space<hbm>>
        %dma_wait3A_1360 = arith.constant 0 : i32
        %dma_wait3A_1361 = arith.constant 0 : i32
        %dma_wait3A_1362 = tpu.memref_slice %arg5[%sub3A_1349, %dma_wait3A_1351, %add3A, %dma_wait3A_1360, %dma_wait3A_1361] : memref<200x8x32x8x128xf32, #tpu.memory_space<hbm>> -> memref<1x1x1x8x128xf32, #tpu.memory_space<hbm>>
        %dma_wait3A_1363 = tpu.memref_squeeze %dma_wait3A_1362 : memref<1x1x1x8x128xf32, #tpu.memory_space<hbm>> -> memref<8x128xf32, #tpu.memory_space<hbm>>
        %dma_wait3A_1364 = arith.constant 0 : i32
        %dma_wait3A_1365 = arith.constant 0 : i32
        %dma_wait3A_1366 = tpu.memref_slice %arg17[%dma_wait3A_1350, %dma_wait3A_1364, %dma_wait3A_1365] : memref<8x8x128xf32, #tpu.memory_space<vmem>> -> memref<1x8x128xf32, #tpu.memory_space<vmem>>
        %dma_wait3A_1367 = tpu.memref_squeeze %dma_wait3A_1366 : memref<1x8x128xf32, #tpu.memory_space<vmem>> -> memref<8x128xf32, #tpu.memory_space<vmem>>
        tpu.wait_dma2 semaphore(%arg30 : memref<!tpu.dma_semaphore, #tpu.memory_space<semaphore_mem>>) src(%dma_wait3A_1367 : memref<8x128xf32, #tpu.memory_space<vmem>>) dst(%dma_wait3A_1363 : memref<8x128xf32, #tpu.memory_space<hbm>>)
        %dma_wait3A_1368 = arith.constant 1 : i32
        %dma_wait3A_1369 = arith.constant 1 : i32
        %dma_wait3A_1370 = arith.constant 0 : i32
        %dma_wait3A_1371 = arith.constant 0 : i32
        %dma_wait3A_1372 = tpu.memref_slice %arg17[%dma_wait3A_1368, %dma_wait3A_1370, %dma_wait3A_1371] : memref<8x8x128xf32, #tpu.memory_space<vmem>> -> memref<1x8x128xf32, #tpu.memory_space<vmem>>
        %dma_wait3A_1373 = tpu.memref_squeeze %dma_wait3A_1372 : memref<1x8x128xf32, #tpu.memory_space<vmem>> -> memref<8x128xf32, #tpu.memory_space<vmem>>
        %dma_wait3A_1374 = arith.constant 0 : i32
        %dma_wait3A_1375 = arith.constant 0 : i32
        %dma_wait3A_1376 = tpu.memref_slice %arg5[%sub3A_1349, %dma_wait3A_1369, %add3A, %dma_wait3A_1374, %dma_wait3A_1375] : memref<200x8x32x8x128xf32, #tpu.memory_space<hbm>> -> memref<1x1x1x8x128xf32, #tpu.memory_space<hbm>>
        %dma_wait3A_1377 = tpu.memref_squeeze %dma_wait3A_1376 : memref<1x1x1x8x128xf32, #tpu.memory_space<hbm>> -> memref<8x128xf32, #tpu.memory_space<hbm>>
        %dma_wait3A_1378 = arith.constant 0 : i32
        %dma_wait3A_1379 = arith.constant 0 : i32
        %dma_wait3A_1380 = tpu.memref_slice %arg5[%sub3A_1349, %dma_wait3A_1369, %add3A, %dma_wait3A_1378, %dma_wait3A_1379] : memref<200x8x32x8x128xf32, #tpu.memory_space<hbm>> -> memref<1x1x1x8x128xf32, #tpu.memory_space<hbm>>
        %dma_wait3A_1381 = tpu.memref_squeeze %dma_wait3A_1380 : memref<1x1x1x8x128xf32, #tpu.memory_space<hbm>> -> memref<8x128xf32, #tpu.memory_space<hbm>>
        %dma_wait3A_1382 = arith.constant 0 : i32
        %dma_wait3A_1383 = arith.constant 0 : i32
        %dma_wait3A_1384 = tpu.memref_slice %arg17[%dma_wait3A_1368, %dma_wait3A_1382, %dma_wait3A_1383] : memref<8x8x128xf32, #tpu.memory_space<vmem>> -> memref<1x8x128xf32, #tpu.memory_space<vmem>>
        %dma_wait3A_1385 = tpu.memref_squeeze %dma_wait3A_1384 : memref<1x8x128xf32, #tpu.memory_space<vmem>> -> memref<8x128xf32, #tpu.memory_space<vmem>>
        tpu.wait_dma2 semaphore(%arg30 : memref<!tpu.dma_semaphore, #tpu.memory_space<semaphore_mem>>) src(%dma_wait3A_1385 : memref<8x128xf32, #tpu.memory_space<vmem>>) dst(%dma_wait3A_1381 : memref<8x128xf32, #tpu.memory_space<hbm>>)
        %dma_wait3A_1386 = arith.constant 2 : i32
        %dma_wait3A_1387 = arith.constant 2 : i32
        %dma_wait3A_1388 = arith.constant 0 : i32
        %dma_wait3A_1389 = arith.constant 0 : i32
        %dma_wait3A_1390 = tpu.memref_slice %arg17[%dma_wait3A_1386, %dma_wait3A_1388, %dma_wait3A_1389] : memref<8x8x128xf32, #tpu.memory_space<vmem>> -> memref<1x8x128xf32, #tpu.memory_space<vmem>>
        %dma_wait3A_1391 = tpu.memref_squeeze %dma_wait3A_1390 : memref<1x8x128xf32, #tpu.memory_space<vmem>> -> memref<8x128xf32, #tpu.memory_space<vmem>>
        %dma_wait3A_1392 = arith.constant 0 : i32
        %dma_wait3A_1393 = arith.constant 0 : i32
        %dma_wait3A_1394 = tpu.memref_slice %arg5[%sub3A_1349, %dma_wait3A_1387, %add3A, %dma_wait3A_1392, %dma_wait3A_1393] : memref<200x8x32x8x128xf32, #tpu.memory_space<hbm>> -> memref<1x1x1x8x128xf32, #tpu.memory_space<hbm>>
        %dma_wait3A_1395 = tpu.memref_squeeze %dma_wait3A_1394 : memref<1x1x1x8x128xf32, #tpu.memory_space<hbm>> -> memref<8x128xf32, #tpu.memory_space<hbm>>
        %dma_wait3A_1396 = arith.constant 0 : i32
        %dma_wait3A_1397 = arith.constant 0 : i32
        %dma_wait3A_1398 = tpu.memref_slice %arg5[%sub3A_1349, %dma_wait3A_1387, %add3A, %dma_wait3A_1396, %dma_wait3A_1397] : memref<200x8x32x8x128xf32, #tpu.memory_space<hbm>> -> memref<1x1x1x8x128xf32, #tpu.memory_space<hbm>>
        %dma_wait3A_1399 = tpu.memref_squeeze %dma_wait3A_1398 : memref<1x1x1x8x128xf32, #tpu.memory_space<hbm>> -> memref<8x128xf32, #tpu.memory_space<hbm>>
        %dma_wait3A_1400 = arith.constant 0 : i32
        %dma_wait3A_1401 = arith.constant 0 : i32
        %dma_wait3A_1402 = tpu.memref_slice %arg17[%dma_wait3A_1386, %dma_wait3A_1400, %dma_wait3A_1401] : memref<8x8x128xf32, #tpu.memory_space<vmem>> -> memref<1x8x128xf32, #tpu.memory_space<vmem>>
        %dma_wait3A_1403 = tpu.memref_squeeze %dma_wait3A_1402 : memref<1x8x128xf32, #tpu.memory_space<vmem>> -> memref<8x128xf32, #tpu.memory_space<vmem>>
        tpu.wait_dma2 semaphore(%arg30 : memref<!tpu.dma_semaphore, #tpu.memory_space<semaphore_mem>>) src(%dma_wait3A_1403 : memref<8x128xf32, #tpu.memory_space<vmem>>) dst(%dma_wait3A_1399 : memref<8x128xf32, #tpu.memory_space<hbm>>)
        %dma_wait3A_1404 = arith.constant 3 : i32
        %dma_wait3A_1405 = arith.constant 3 : i32
        %dma_wait3A_1406 = arith.constant 0 : i32
        %dma_wait3A_1407 = arith.constant 0 : i32
        %dma_wait3A_1408 = tpu.memref_slice %arg17[%dma_wait3A_1404, %dma_wait3A_1406, %dma_wait3A_1407] : memref<8x8x128xf32, #tpu.memory_space<vmem>> -> memref<1x8x128xf32, #tpu.memory_space<vmem>>
        %dma_wait3A_1409 = tpu.memref_squeeze %dma_wait3A_1408 : memref<1x8x128xf32, #tpu.memory_space<vmem>> -> memref<8x128xf32, #tpu.memory_space<vmem>>
        %dma_wait3A_1410 = arith.constant 0 : i32
        %dma_wait3A_1411 = arith.constant 0 : i32
        %dma_wait3A_1412 = tpu.memref_slice %arg5[%sub3A_1349, %dma_wait3A_1405, %add3A, %dma_wait3A_1410, %dma_wait3A_1411] : memref<200x8x32x8x128xf32, #tpu.memory_space<hbm>> -> memref<1x1x1x8x128xf32, #tpu.memory_space<hbm>>
        %dma_wait3A_1413 = tpu.memref_squeeze %dma_wait3A_1412 : memref<1x1x1x8x128xf32, #tpu.memory_space<hbm>> -> memref<8x128xf32, #tpu.memory_space<hbm>>
        %dma_wait3A_1414 = arith.constant 0 : i32
        %dma_wait3A_1415 = arith.constant 0 : i32
        %dma_wait3A_1416 = tpu.memref_slice %arg5[%sub3A_1349, %dma_wait3A_1405, %add3A, %dma_wait3A_1414, %dma_wait3A_1415] : memref<200x8x32x8x128xf32, #tpu.memory_space<hbm>> -> memref<1x1x1x8x128xf32, #tpu.memory_space<hbm>>
        %dma_wait3A_1417 = tpu.memref_squeeze %dma_wait3A_1416 : memref<1x1x1x8x128xf32, #tpu.memory_space<hbm>> -> memref<8x128xf32, #tpu.memory_space<hbm>>
        %dma_wait3A_1418 = arith.constant 0 : i32
        %dma_wait3A_1419 = arith.constant 0 : i32
        %dma_wait3A_1420 = tpu.memref_slice %arg17[%dma_wait3A_1404, %dma_wait3A_1418, %dma_wait3A_1419] : memref<8x8x128xf32, #tpu.memory_space<vmem>> -> memref<1x8x128xf32, #tpu.memory_space<vmem>>
        %dma_wait3A_1421 = tpu.memref_squeeze %dma_wait3A_1420 : memref<1x8x128xf32, #tpu.memory_space<vmem>> -> memref<8x128xf32, #tpu.memory_space<vmem>>
        tpu.wait_dma2 semaphore(%arg30 : memref<!tpu.dma_semaphore, #tpu.memory_space<semaphore_mem>>) src(%dma_wait3A_1421 : memref<8x128xf32, #tpu.memory_space<vmem>>) dst(%dma_wait3A_1417 : memref<8x128xf32, #tpu.memory_space<hbm>>)
        %dma_wait3A_1422 = arith.constant 4 : i32
        %dma_wait3A_1423 = arith.constant 4 : i32
        %dma_wait3A_1424 = arith.constant 0 : i32
        %dma_wait3A_1425 = arith.constant 0 : i32
        %dma_wait3A_1426 = tpu.memref_slice %arg17[%dma_wait3A_1422, %dma_wait3A_1424, %dma_wait3A_1425] : memref<8x8x128xf32, #tpu.memory_space<vmem>> -> memref<1x8x128xf32, #tpu.memory_space<vmem>>
        %dma_wait3A_1427 = tpu.memref_squeeze %dma_wait3A_1426 : memref<1x8x128xf32, #tpu.memory_space<vmem>> -> memref<8x128xf32, #tpu.memory_space<vmem>>
        %dma_wait3A_1428 = arith.constant 0 : i32
        %dma_wait3A_1429 = arith.constant 0 : i32
        %dma_wait3A_1430 = tpu.memref_slice %arg5[%sub3A_1349, %dma_wait3A_1423, %add3A, %dma_wait3A_1428, %dma_wait3A_1429] : memref<200x8x32x8x128xf32, #tpu.memory_space<hbm>> -> memref<1x1x1x8x128xf32, #tpu.memory_space<hbm>>
        %dma_wait3A_1431 = tpu.memref_squeeze %dma_wait3A_1430 : memref<1x1x1x8x128xf32, #tpu.memory_space<hbm>> -> memref<8x128xf32, #tpu.memory_space<hbm>>
        %dma_wait3A_1432 = arith.constant 0 : i32
        %dma_wait3A_1433 = arith.constant 0 : i32
        %dma_wait3A_1434 = tpu.memref_slice %arg5[%sub3A_1349, %dma_wait3A_1423, %add3A, %dma_wait3A_1432, %dma_wait3A_1433] : memref<200x8x32x8x128xf32, #tpu.memory_space<hbm>> -> memref<1x1x1x8x128xf32, #tpu.memory_space<hbm>>
        %dma_wait3A_1435 = tpu.memref_squeeze %dma_wait3A_1434 : memref<1x1x1x8x128xf32, #tpu.memory_space<hbm>> -> memref<8x128xf32, #tpu.memory_space<hbm>>
        %dma_wait3A_1436 = arith.constant 0 : i32
        %dma_wait3A_1437 = arith.constant 0 : i32
        %dma_wait3A_1438 = tpu.memref_slice %arg17[%dma_wait3A_1422, %dma_wait3A_1436, %dma_wait3A_1437] : memref<8x8x128xf32, #tpu.memory_space<vmem>> -> memref<1x8x128xf32, #tpu.memory_space<vmem>>
        %dma_wait3A_1439 = tpu.memref_squeeze %dma_wait3A_1438 : memref<1x8x128xf32, #tpu.memory_space<vmem>> -> memref<8x128xf32, #tpu.memory_space<vmem>>
        tpu.wait_dma2 semaphore(%arg30 : memref<!tpu.dma_semaphore, #tpu.memory_space<semaphore_mem>>) src(%dma_wait3A_1439 : memref<8x128xf32, #tpu.memory_space<vmem>>) dst(%dma_wait3A_1435 : memref<8x128xf32, #tpu.memory_space<hbm>>)
        %dma_wait3A_1440 = arith.constant 5 : i32
        %dma_wait3A_1441 = arith.constant 5 : i32
        %dma_wait3A_1442 = arith.constant 0 : i32
        %dma_wait3A_1443 = arith.constant 0 : i32
        %dma_wait3A_1444 = tpu.memref_slice %arg17[%dma_wait3A_1440, %dma_wait3A_1442, %dma_wait3A_1443] : memref<8x8x128xf32, #tpu.memory_space<vmem>> -> memref<1x8x128xf32, #tpu.memory_space<vmem>>
        %dma_wait3A_1445 = tpu.memref_squeeze %dma_wait3A_1444 : memref<1x8x128xf32, #tpu.memory_space<vmem>> -> memref<8x128xf32, #tpu.memory_space<vmem>>
        %dma_wait3A_1446 = arith.constant 0 : i32
        %dma_wait3A_1447 = arith.constant 0 : i32
        %dma_wait3A_1448 = tpu.memref_slice %arg5[%sub3A_1349, %dma_wait3A_1441, %add3A, %dma_wait3A_1446, %dma_wait3A_1447] : memref<200x8x32x8x128xf32, #tpu.memory_space<hbm>> -> memref<1x1x1x8x128xf32, #tpu.memory_space<hbm>>
        %dma_wait3A_1449 = tpu.memref_squeeze %dma_wait3A_1448 : memref<1x1x1x8x128xf32, #tpu.memory_space<hbm>> -> memref<8x128xf32, #tpu.memory_space<hbm>>
        %dma_wait3A_1450 = arith.constant 0 : i32
        %dma_wait3A_1451 = arith.constant 0 : i32
        %dma_wait3A_1452 = tpu.memref_slice %arg5[%sub3A_1349, %dma_wait3A_1441, %add3A, %dma_wait3A_1450, %dma_wait3A_1451] : memref<200x8x32x8x128xf32, #tpu.memory_space<hbm>> -> memref<1x1x1x8x128xf32, #tpu.memory_space<hbm>>
        %dma_wait3A_1453 = tpu.memref_squeeze %dma_wait3A_1452 : memref<1x1x1x8x128xf32, #tpu.memory_space<hbm>> -> memref<8x128xf32, #tpu.memory_space<hbm>>
        %dma_wait3A_1454 = arith.constant 0 : i32
        %dma_wait3A_1455 = arith.constant 0 : i32
        %dma_wait3A_1456 = tpu.memref_slice %arg17[%dma_wait3A_1440, %dma_wait3A_1454, %dma_wait3A_1455] : memref<8x8x128xf32, #tpu.memory_space<vmem>> -> memref<1x8x128xf32, #tpu.memory_space<vmem>>
        %dma_wait3A_1457 = tpu.memref_squeeze %dma_wait3A_1456 : memref<1x8x128xf32, #tpu.memory_space<vmem>> -> memref<8x128xf32, #tpu.memory_space<vmem>>
        tpu.wait_dma2 semaphore(%arg30 : memref<!tpu.dma_semaphore, #tpu.memory_space<semaphore_mem>>) src(%dma_wait3A_1457 : memref<8x128xf32, #tpu.memory_space<vmem>>) dst(%dma_wait3A_1453 : memref<8x128xf32, #tpu.memory_space<hbm>>)
        %dma_wait3A_1458 = arith.constant 6 : i32
        %dma_wait3A_1459 = arith.constant 6 : i32
        %dma_wait3A_1460 = arith.constant 0 : i32
        %dma_wait3A_1461 = arith.constant 0 : i32
        %dma_wait3A_1462 = tpu.memref_slice %arg17[%dma_wait3A_1458, %dma_wait3A_1460, %dma_wait3A_1461] : memref<8x8x128xf32, #tpu.memory_space<vmem>> -> memref<1x8x128xf32, #tpu.memory_space<vmem>>
        %dma_wait3A_1463 = tpu.memref_squeeze %dma_wait3A_1462 : memref<1x8x128xf32, #tpu.memory_space<vmem>> -> memref<8x128xf32, #tpu.memory_space<vmem>>
        %dma_wait3A_1464 = arith.constant 0 : i32
        %dma_wait3A_1465 = arith.constant 0 : i32
        %dma_wait3A_1466 = tpu.memref_slice %arg5[%sub3A_1349, %dma_wait3A_1459, %add3A, %dma_wait3A_1464, %dma_wait3A_1465] : memref<200x8x32x8x128xf32, #tpu.memory_space<hbm>> -> memref<1x1x1x8x128xf32, #tpu.memory_space<hbm>>
        %dma_wait3A_1467 = tpu.memref_squeeze %dma_wait3A_1466 : memref<1x1x1x8x128xf32, #tpu.memory_space<hbm>> -> memref<8x128xf32, #tpu.memory_space<hbm>>
        %dma_wait3A_1468 = arith.constant 0 : i32
        %dma_wait3A_1469 = arith.constant 0 : i32
        %dma_wait3A_1470 = tpu.memref_slice %arg5[%sub3A_1349, %dma_wait3A_1459, %add3A, %dma_wait3A_1468, %dma_wait3A_1469] : memref<200x8x32x8x128xf32, #tpu.memory_space<hbm>> -> memref<1x1x1x8x128xf32, #tpu.memory_space<hbm>>
        %dma_wait3A_1471 = tpu.memref_squeeze %dma_wait3A_1470 : memref<1x1x1x8x128xf32, #tpu.memory_space<hbm>> -> memref<8x128xf32, #tpu.memory_space<hbm>>
        %dma_wait3A_1472 = arith.constant 0 : i32
        %dma_wait3A_1473 = arith.constant 0 : i32
        %dma_wait3A_1474 = tpu.memref_slice %arg17[%dma_wait3A_1458, %dma_wait3A_1472, %dma_wait3A_1473] : memref<8x8x128xf32, #tpu.memory_space<vmem>> -> memref<1x8x128xf32, #tpu.memory_space<vmem>>
        %dma_wait3A_1475 = tpu.memref_squeeze %dma_wait3A_1474 : memref<1x8x128xf32, #tpu.memory_space<vmem>> -> memref<8x128xf32, #tpu.memory_space<vmem>>
        tpu.wait_dma2 semaphore(%arg30 : memref<!tpu.dma_semaphore, #tpu.memory_space<semaphore_mem>>) src(%dma_wait3A_1475 : memref<8x128xf32, #tpu.memory_space<vmem>>) dst(%dma_wait3A_1471 : memref<8x128xf32, #tpu.memory_space<hbm>>)
        %dma_wait3A_1476 = arith.constant 7 : i32
        %dma_wait3A_1477 = arith.constant 7 : i32
        %dma_wait3A_1478 = arith.constant 0 : i32
        %dma_wait3A_1479 = arith.constant 0 : i32
        %dma_wait3A_1480 = tpu.memref_slice %arg17[%dma_wait3A_1476, %dma_wait3A_1478, %dma_wait3A_1479] : memref<8x8x128xf32, #tpu.memory_space<vmem>> -> memref<1x8x128xf32, #tpu.memory_space<vmem>>
        %dma_wait3A_1481 = tpu.memref_squeeze %dma_wait3A_1480 : memref<1x8x128xf32, #tpu.memory_space<vmem>> -> memref<8x128xf32, #tpu.memory_space<vmem>>
        %dma_wait3A_1482 = arith.constant 0 : i32
        %dma_wait3A_1483 = arith.constant 0 : i32
        %dma_wait3A_1484 = tpu.memref_slice %arg5[%sub3A_1349, %dma_wait3A_1477, %add3A, %dma_wait3A_1482, %dma_wait3A_1483] : memref<200x8x32x8x128xf32, #tpu.memory_space<hbm>> -> memref<1x1x1x8x128xf32, #tpu.memory_space<hbm>>
        %dma_wait3A_1485 = tpu.memref_squeeze %dma_wait3A_1484 : memref<1x1x1x8x128xf32, #tpu.memory_space<hbm>> -> memref<8x128xf32, #tpu.memory_space<hbm>>
        %dma_wait3A_1486 = arith.constant 0 : i32
        %dma_wait3A_1487 = arith.constant 0 : i32
        %dma_wait3A_1488 = tpu.memref_slice %arg5[%sub3A_1349, %dma_wait3A_1477, %add3A, %dma_wait3A_1486, %dma_wait3A_1487] : memref<200x8x32x8x128xf32, #tpu.memory_space<hbm>> -> memref<1x1x1x8x128xf32, #tpu.memory_space<hbm>>
        %dma_wait3A_1489 = tpu.memref_squeeze %dma_wait3A_1488 : memref<1x1x1x8x128xf32, #tpu.memory_space<hbm>> -> memref<8x128xf32, #tpu.memory_space<hbm>>
        %dma_wait3A_1490 = arith.constant 0 : i32
        %dma_wait3A_1491 = arith.constant 0 : i32
        %dma_wait3A_1492 = tpu.memref_slice %arg17[%dma_wait3A_1476, %dma_wait3A_1490, %dma_wait3A_1491] : memref<8x8x128xf32, #tpu.memory_space<vmem>> -> memref<1x8x128xf32, #tpu.memory_space<vmem>>
        %dma_wait3A_1493 = tpu.memref_squeeze %dma_wait3A_1492 : memref<1x8x128xf32, #tpu.memory_space<vmem>> -> memref<8x128xf32, #tpu.memory_space<vmem>>
        tpu.wait_dma2 semaphore(%arg30 : memref<!tpu.dma_semaphore, #tpu.memory_space<semaphore_mem>>) src(%dma_wait3A_1493 : memref<8x128xf32, #tpu.memory_space<vmem>>) dst(%dma_wait3A_1489 : memref<8x128xf32, #tpu.memory_space<hbm>>)
      } else {
      }
      %broadcast_in_dim3A_1201 = vector.broadcast %add3A_1178 : i32 to vector<16xi32>
      %parallel_loop3A_1202 = arith.constant 0 : i32
      %parallel_loop3A_1203 = arith.constant 64 : i32
      %parallel_loop3A_1204 = arith.constant 1 : i32
      scf.for %parallel_loop3A_1349 = %parallel_loop3A_1202 to %parallel_loop3A_1203 step %parallel_loop3A_1204  : i32 {
        %parallel_loop3A_1350 = vector.broadcast %parallel_loop3A_1349 : i32 to vector<16xi32>
        %parallel_loop3A_1351 = tpu.vector_load_idx %arg18[%broadcast_in_dim3A_1201, %parallel_loop3A_1350] : memref<200x64xf32, #tpu.memory_space<vmem>>[vector<16xi32>, vector<16xi32>], vector<16xf32>,
        %parallel_loop3A_1352 = arith.constant 3 : i32
        %parallel_loop3A_1353 = arith.shrui %parallel_loop3A_1349, %parallel_loop3A_1352 : i32
        %parallel_loop3A_1354 = arith.constant 7 : i32
        %parallel_loop3A_1355 = arith.andi %parallel_loop3A_1349, %parallel_loop3A_1354 : i32
        %parallel_loop3A_1356 = arith.constant 0 : i32
        %parallel_loop3A_1357 = vector.broadcast %parallel_loop3A_1356 : i32 to vector<16xi32>
        %parallel_loop3A_1358 = arith.addi %iota3A, %parallel_loop3A_1357 : vector<16xi32>
        %parallel_loop3A_1359 = tpu.vector_load_idx %arg13[%parallel_loop3A_1358, %parallel_loop3A_1350] : memref<128x64xf32, #tpu.memory_space<vmem>>[vector<16xi32>, vector<16xi32>], vector<16xf32>,
        %parallel_loop3A_1360 = arith.constant 8.000000e+00 : f32
        %parallel_loop3A_1361 = vector.broadcast %parallel_loop3A_1360 : f32 to vector<16xf32>
        %parallel_loop3A_1362 = arith.mulf %parallel_loop3A_1359, %parallel_loop3A_1361 : vector<16xf32>
        %parallel_loop3A_1363 = arith.addf %parallel_loop3A_1362, %parallel_loop3A_1351 : vector<16xf32>
        %parallel_loop3A_1364 = arith.index_cast %parallel_loop3A_1353 : i32 to index
        %parallel_loop3A_1365 = arith.index_cast %parallel_loop3A_1355 : i32 to index
        %parallel_loop3A_1366 = arith.constant 0 : index
        %parallel_loop3A_1367 = tpu.vector_load %arg17[%parallel_loop3A_1364, %parallel_loop3A_1365, %parallel_loop3A_1366] {strides = array<i32>} : memref<8x8x128xf32, #tpu.memory_space<vmem>>, vector<16xf32>,
        tpu.vector_store %arg17[%parallel_loop3A_1364, %parallel_loop3A_1365, %parallel_loop3A_1366], %parallel_loop3A_1363 {strides = array<i32>} : memref<8x8x128xf32, #tpu.memory_space<vmem>>, vector<16xf32>,
        %parallel_loop3A_1368 = arith.constant 16 : i32
        %parallel_loop3A_1369 = vector.broadcast %parallel_loop3A_1368 : i32 to vector<16xi32>
        %parallel_loop3A_1370 = arith.addi %iota3A, %parallel_loop3A_1369 : vector<16xi32>
        %parallel_loop3A_1371 = tpu.vector_load_idx %arg13[%parallel_loop3A_1370, %parallel_loop3A_1350] : memref<128x64xf32, #tpu.memory_space<vmem>>[vector<16xi32>, vector<16xi32>], vector<16xf32>,
        %parallel_loop3A_1372 = arith.constant 8.000000e+00 : f32
        %parallel_loop3A_1373 = vector.broadcast %parallel_loop3A_1372 : f32 to vector<16xf32>
        %parallel_loop3A_1374 = arith.mulf %parallel_loop3A_1371, %parallel_loop3A_1373 : vector<16xf32>
        %parallel_loop3A_1375 = arith.addf %parallel_loop3A_1374, %parallel_loop3A_1351 : vector<16xf32>
        %parallel_loop3A_1376 = arith.index_cast %parallel_loop3A_1353 : i32 to index
        %parallel_loop3A_1377 = arith.index_cast %parallel_loop3A_1355 : i32 to index
        %parallel_loop3A_1378 = arith.constant 16 : index
        %parallel_loop3A_1379 = tpu.vector_load %arg17[%parallel_loop3A_1376, %parallel_loop3A_1377, %parallel_loop3A_1378] {strides = array<i32>} : memref<8x8x128xf32, #tpu.memory_space<vmem>>, vector<16xf32>,
        tpu.vector_store %arg17[%parallel_loop3A_1376, %parallel_loop3A_1377, %parallel_loop3A_1378], %parallel_loop3A_1375 {strides = array<i32>} : memref<8x8x128xf32, #tpu.memory_space<vmem>>, vector<16xf32>,
        %parallel_loop3A_1380 = arith.constant 32 : i32
        %parallel_loop3A_1381 = vector.broadcast %parallel_loop3A_1380 : i32 to vector<16xi32>
        %parallel_loop3A_1382 = arith.addi %iota3A, %parallel_loop3A_1381 : vector<16xi32>
        %parallel_loop3A_1383 = tpu.vector_load_idx %arg13[%parallel_loop3A_1382, %parallel_loop3A_1350] : memref<128x64xf32, #tpu.memory_space<vmem>>[vector<16xi32>, vector<16xi32>], vector<16xf32>,
        %parallel_loop3A_1384 = arith.constant 8.000000e+00 : f32
        %parallel_loop3A_1385 = vector.broadcast %parallel_loop3A_1384 : f32 to vector<16xf32>
        %parallel_loop3A_1386 = arith.mulf %parallel_loop3A_1383, %parallel_loop3A_1385 : vector<16xf32>
        %parallel_loop3A_1387 = arith.addf %parallel_loop3A_1386, %parallel_loop3A_1351 : vector<16xf32>
        %parallel_loop3A_1388 = arith.index_cast %parallel_loop3A_1353 : i32 to index
        %parallel_loop3A_1389 = arith.index_cast %parallel_loop3A_1355 : i32 to index
        %parallel_loop3A_1390 = arith.constant 32 : index
        %parallel_loop3A_1391 = tpu.vector_load %arg17[%parallel_loop3A_1388, %parallel_loop3A_1389, %parallel_loop3A_1390] {strides = array<i32>} : memref<8x8x128xf32, #tpu.memory_space<vmem>>, vector<16xf32>,
        tpu.vector_store %arg17[%parallel_loop3A_1388, %parallel_loop3A_1389, %parallel_loop3A_1390], %parallel_loop3A_1387 {strides = array<i32>} : memref<8x8x128xf32, #tpu.memory_space<vmem>>, vector<16xf32>,
        %parallel_loop3A_1392 = arith.constant 48 : i32
        %parallel_loop3A_1393 = vector.broadcast %parallel_loop3A_1392 : i32 to vector<16xi32>
        %parallel_loop3A_1394 = arith.addi %iota3A, %parallel_loop3A_1393 : vector<16xi32>
        %parallel_loop3A_1395 = tpu.vector_load_idx %arg13[%parallel_loop3A_1394, %parallel_loop3A_1350] : memref<128x64xf32, #tpu.memory_space<vmem>>[vector<16xi32>, vector<16xi32>], vector<16xf32>,
        %parallel_loop3A_1396 = arith.constant 8.000000e+00 : f32
        %parallel_loop3A_1397 = vector.broadcast %parallel_loop3A_1396 : f32 to vector<16xf32>
        %parallel_loop3A_1398 = arith.mulf %parallel_loop3A_1395, %parallel_loop3A_1397 : vector<16xf32>
        %parallel_loop3A_1399 = arith.addf %parallel_loop3A_1398, %parallel_loop3A_1351 : vector<16xf32>
        %parallel_loop3A_1400 = arith.index_cast %parallel_loop3A_1353 : i32 to index
        %parallel_loop3A_1401 = arith.index_cast %parallel_loop3A_1355 : i32 to index
        %parallel_loop3A_1402 = arith.constant 48 : index
        %parallel_loop3A_1403 = tpu.vector_load %arg17[%parallel_loop3A_1400, %parallel_loop3A_1401, %parallel_loop3A_1402] {strides = array<i32>} : memref<8x8x128xf32, #tpu.memory_space<vmem>>, vector<16xf32>,
        tpu.vector_store %arg17[%parallel_loop3A_1400, %parallel_loop3A_1401, %parallel_loop3A_1402], %parallel_loop3A_1399 {strides = array<i32>} : memref<8x8x128xf32, #tpu.memory_space<vmem>>, vector<16xf32>,
        %parallel_loop3A_1404 = arith.constant 64 : i32
        %parallel_loop3A_1405 = vector.broadcast %parallel_loop3A_1404 : i32 to vector<16xi32>
        %parallel_loop3A_1406 = arith.addi %iota3A, %parallel_loop3A_1405 : vector<16xi32>
        %parallel_loop3A_1407 = tpu.vector_load_idx %arg13[%parallel_loop3A_1406, %parallel_loop3A_1350] : memref<128x64xf32, #tpu.memory_space<vmem>>[vector<16xi32>, vector<16xi32>], vector<16xf32>,
        %parallel_loop3A_1408 = arith.constant 8.000000e+00 : f32
        %parallel_loop3A_1409 = vector.broadcast %parallel_loop3A_1408 : f32 to vector<16xf32>
        %parallel_loop3A_1410 = arith.mulf %parallel_loop3A_1407, %parallel_loop3A_1409 : vector<16xf32>
        %parallel_loop3A_1411 = arith.addf %parallel_loop3A_1410, %parallel_loop3A_1351 : vector<16xf32>
        %parallel_loop3A_1412 = arith.index_cast %parallel_loop3A_1353 : i32 to index
        %parallel_loop3A_1413 = arith.index_cast %parallel_loop3A_1355 : i32 to index
        %parallel_loop3A_1414 = arith.constant 64 : index
        %parallel_loop3A_1415 = tpu.vector_load %arg17[%parallel_loop3A_1412, %parallel_loop3A_1413, %parallel_loop3A_1414] {strides = array<i32>} : memref<8x8x128xf32, #tpu.memory_space<vmem>>, vector<16xf32>,
        tpu.vector_store %arg17[%parallel_loop3A_1412, %parallel_loop3A_1413, %parallel_loop3A_1414], %parallel_loop3A_1411 {strides = array<i32>} : memref<8x8x128xf32, #tpu.memory_space<vmem>>, vector<16xf32>,
        %parallel_loop3A_1416 = arith.constant 80 : i32
        %parallel_loop3A_1417 = vector.broadcast %parallel_loop3A_1416 : i32 to vector<16xi32>
        %parallel_loop3A_1418 = arith.addi %iota3A, %parallel_loop3A_1417 : vector<16xi32>
        %parallel_loop3A_1419 = tpu.vector_load_idx %arg13[%parallel_loop3A_1418, %parallel_loop3A_1350] : memref<128x64xf32, #tpu.memory_space<vmem>>[vector<16xi32>, vector<16xi32>], vector<16xf32>,
        %parallel_loop3A_1420 = arith.constant 8.000000e+00 : f32
        %parallel_loop3A_1421 = vector.broadcast %parallel_loop3A_1420 : f32 to vector<16xf32>
        %parallel_loop3A_1422 = arith.mulf %parallel_loop3A_1419, %parallel_loop3A_1421 : vector<16xf32>
        %parallel_loop3A_1423 = arith.addf %parallel_loop3A_1422, %parallel_loop3A_1351 : vector<16xf32>
        %parallel_loop3A_1424 = arith.index_cast %parallel_loop3A_1353 : i32 to index
        %parallel_loop3A_1425 = arith.index_cast %parallel_loop3A_1355 : i32 to index
        %parallel_loop3A_1426 = arith.constant 80 : index
        %parallel_loop3A_1427 = tpu.vector_load %arg17[%parallel_loop3A_1424, %parallel_loop3A_1425, %parallel_loop3A_1426] {strides = array<i32>} : memref<8x8x128xf32, #tpu.memory_space<vmem>>, vector<16xf32>,
        tpu.vector_store %arg17[%parallel_loop3A_1424, %parallel_loop3A_1425, %parallel_loop3A_1426], %parallel_loop3A_1423 {strides = array<i32>} : memref<8x8x128xf32, #tpu.memory_space<vmem>>, vector<16xf32>,
        %parallel_loop3A_1428 = arith.constant 96 : i32
        %parallel_loop3A_1429 = vector.broadcast %parallel_loop3A_1428 : i32 to vector<16xi32>
        %parallel_loop3A_1430 = arith.addi %iota3A, %parallel_loop3A_1429 : vector<16xi32>
        %parallel_loop3A_1431 = tpu.vector_load_idx %arg13[%parallel_loop3A_1430, %parallel_loop3A_1350] : memref<128x64xf32, #tpu.memory_space<vmem>>[vector<16xi32>, vector<16xi32>], vector<16xf32>,
        %parallel_loop3A_1432 = arith.constant 8.000000e+00 : f32
        %parallel_loop3A_1433 = vector.broadcast %parallel_loop3A_1432 : f32 to vector<16xf32>
        %parallel_loop3A_1434 = arith.mulf %parallel_loop3A_1431, %parallel_loop3A_1433 : vector<16xf32>
        %parallel_loop3A_1435 = arith.addf %parallel_loop3A_1434, %parallel_loop3A_1351 : vector<16xf32>
        %parallel_loop3A_1436 = arith.index_cast %parallel_loop3A_1353 : i32 to index
        %parallel_loop3A_1437 = arith.index_cast %parallel_loop3A_1355 : i32 to index
        %parallel_loop3A_1438 = arith.constant 96 : index
        %parallel_loop3A_1439 = tpu.vector_load %arg17[%parallel_loop3A_1436, %parallel_loop3A_1437, %parallel_loop3A_1438] {strides = array<i32>} : memref<8x8x128xf32, #tpu.memory_space<vmem>>, vector<16xf32>,
        tpu.vector_store %arg17[%parallel_loop3A_1436, %parallel_loop3A_1437, %parallel_loop3A_1438], %parallel_loop3A_1435 {strides = array<i32>} : memref<8x8x128xf32, #tpu.memory_space<vmem>>, vector<16xf32>,
        %parallel_loop3A_1440 = arith.constant 112 : i32
        %parallel_loop3A_1441 = vector.broadcast %parallel_loop3A_1440 : i32 to vector<16xi32>
        %parallel_loop3A_1442 = arith.addi %iota3A, %parallel_loop3A_1441 : vector<16xi32>
        %parallel_loop3A_1443 = tpu.vector_load_idx %arg13[%parallel_loop3A_1442, %parallel_loop3A_1350] : memref<128x64xf32, #tpu.memory_space<vmem>>[vector<16xi32>, vector<16xi32>], vector<16xf32>,
        %parallel_loop3A_1444 = arith.constant 8.000000e+00 : f32
        %parallel_loop3A_1445 = vector.broadcast %parallel_loop3A_1444 : f32 to vector<16xf32>
        %parallel_loop3A_1446 = arith.mulf %parallel_loop3A_1443, %parallel_loop3A_1445 : vector<16xf32>
        %parallel_loop3A_1447 = arith.addf %parallel_loop3A_1446, %parallel_loop3A_1351 : vector<16xf32>
        %parallel_loop3A_1448 = arith.index_cast %parallel_loop3A_1353 : i32 to index
        %parallel_loop3A_1449 = arith.index_cast %parallel_loop3A_1355 : i32 to index
        %parallel_loop3A_1450 = arith.constant 112 : index
        %parallel_loop3A_1451 = tpu.vector_load %arg17[%parallel_loop3A_1448, %parallel_loop3A_1449, %parallel_loop3A_1450] {strides = array<i32>} : memref<8x8x128xf32, #tpu.memory_space<vmem>>, vector<16xf32>,
        tpu.vector_store %arg17[%parallel_loop3A_1448, %parallel_loop3A_1449, %parallel_loop3A_1450], %parallel_loop3A_1447 {strides = array<i32>} : memref<8x8x128xf32, #tpu.memory_space<vmem>>, vector<16xf32>,
      } {sc.loop_unroll_factor = 4 : i64, sc.parallel_access}
      %dma_start3A_1205 = arith.constant 0 : i32
      %dma_start3A_1206 = arith.constant 0 : i32
      %dma_start3A_1207 = arith.constant 0 : i32
      %dma_start3A_1208 = arith.constant 0 : i32
      %dma_start3A_1209 = tpu.memref_slice %arg17[%dma_start3A_1205, %dma_start3A_1207, %dma_start3A_1208] : memref<8x8x128xf32, #tpu.memory_space<vmem>> -> memref<1x8x128xf32, #tpu.memory_space<vmem>>
      %dma_start3A_1210 = tpu.memref_squeeze %dma_start3A_1209 : memref<1x8x128xf32, #tpu.memory_space<vmem>> -> memref<8x128xf32, #tpu.memory_space<vmem>>
      %dma_start3A_1211 = arith.constant 0 : i32
      %dma_start3A_1212 = arith.constant 0 : i32
      %dma_start3A_1213 = tpu.memref_slice %arg5[%add3A_1178, %dma_start3A_1206, %add3A, %dma_start3A_1211, %dma_start3A_1212] : memref<200x8x32x8x128xf32, #tpu.memory_space<hbm>> -> memref<1x1x1x8x128xf32, #tpu.memory_space<hbm>>
      %dma_start3A_1214 = tpu.memref_squeeze %dma_start3A_1213 : memref<1x1x1x8x128xf32, #tpu.memory_space<hbm>> -> memref<8x128xf32, #tpu.memory_space<hbm>>
      %dma_start3A_1215 = arith.constant 0 : i32
      %dma_start3A_1216 = arith.constant 0 : i32
      %dma_start3A_1217 = tpu.memref_slice %arg5[%add3A_1178, %dma_start3A_1206, %add3A, %dma_start3A_1215, %dma_start3A_1216] : memref<200x8x32x8x128xf32, #tpu.memory_space<hbm>> -> memref<1x1x1x8x128xf32, #tpu.memory_space<hbm>>
      %dma_start3A_1218 = tpu.memref_squeeze %dma_start3A_1217 : memref<1x1x1x8x128xf32, #tpu.memory_space<hbm>> -> memref<8x128xf32, #tpu.memory_space<hbm>>
      %dma_start3A_1219 = arith.constant 0 : i32
      %dma_start3A_1220 = arith.constant 0 : i32
      %dma_start3A_1221 = tpu.memref_slice %arg17[%dma_start3A_1205, %dma_start3A_1219, %dma_start3A_1220] : memref<8x8x128xf32, #tpu.memory_space<vmem>> -> memref<1x8x128xf32, #tpu.memory_space<vmem>>
      %dma_start3A_1222 = tpu.memref_squeeze %dma_start3A_1221 : memref<1x8x128xf32, #tpu.memory_space<vmem>> -> memref<8x128xf32, #tpu.memory_space<vmem>>
      tpu.enqueue_dma source(%dma_start3A_1222 : memref<8x128xf32, #tpu.memory_space<vmem>>) target(%dma_start3A_1218 : memref<8x128xf32, #tpu.memory_space<hbm>>) target_semaphore(%arg30 : memref<!tpu.dma_semaphore, #tpu.memory_space<semaphore_mem>>)
      %dma_start3A_1223 = arith.constant 1 : i32
      %dma_start3A_1224 = arith.constant 1 : i32
      %dma_start3A_1225 = arith.constant 0 : i32
      %dma_start3A_1226 = arith.constant 0 : i32
      %dma_start3A_1227 = tpu.memref_slice %arg17[%dma_start3A_1223, %dma_start3A_1225, %dma_start3A_1226] : memref<8x8x128xf32, #tpu.memory_space<vmem>> -> memref<1x8x128xf32, #tpu.memory_space<vmem>>
      %dma_start3A_1228 = tpu.memref_squeeze %dma_start3A_1227 : memref<1x8x128xf32, #tpu.memory_space<vmem>> -> memref<8x128xf32, #tpu.memory_space<vmem>>
      %dma_start3A_1229 = arith.constant 0 : i32
      %dma_start3A_1230 = arith.constant 0 : i32
      %dma_start3A_1231 = tpu.memref_slice %arg5[%add3A_1178, %dma_start3A_1224, %add3A, %dma_start3A_1229, %dma_start3A_1230] : memref<200x8x32x8x128xf32, #tpu.memory_space<hbm>> -> memref<1x1x1x8x128xf32, #tpu.memory_space<hbm>>
      %dma_start3A_1232 = tpu.memref_squeeze %dma_start3A_1231 : memref<1x1x1x8x128xf32, #tpu.memory_space<hbm>> -> memref<8x128xf32, #tpu.memory_space<hbm>>
      %dma_start3A_1233 = arith.constant 0 : i32
      %dma_start3A_1234 = arith.constant 0 : i32
      %dma_start3A_1235 = tpu.memref_slice %arg5[%add3A_1178, %dma_start3A_1224, %add3A, %dma_start3A_1233, %dma_start3A_1234] : memref<200x8x32x8x128xf32, #tpu.memory_space<hbm>> -> memref<1x1x1x8x128xf32, #tpu.memory_space<hbm>>
      %dma_start3A_1236 = tpu.memref_squeeze %dma_start3A_1235 : memref<1x1x1x8x128xf32, #tpu.memory_space<hbm>> -> memref<8x128xf32, #tpu.memory_space<hbm>>
      %dma_start3A_1237 = arith.constant 0 : i32
      %dma_start3A_1238 = arith.constant 0 : i32
      %dma_start3A_1239 = tpu.memref_slice %arg17[%dma_start3A_1223, %dma_start3A_1237, %dma_start3A_1238] : memref<8x8x128xf32, #tpu.memory_space<vmem>> -> memref<1x8x128xf32, #tpu.memory_space<vmem>>
      %dma_start3A_1240 = tpu.memref_squeeze %dma_start3A_1239 : memref<1x8x128xf32, #tpu.memory_space<vmem>> -> memref<8x128xf32, #tpu.memory_space<vmem>>
      tpu.enqueue_dma source(%dma_start3A_1240 : memref<8x128xf32, #tpu.memory_space<vmem>>) target(%dma_start3A_1236 : memref<8x128xf32, #tpu.memory_space<hbm>>) target_semaphore(%arg30 : memref<!tpu.dma_semaphore, #tpu.memory_space<semaphore_mem>>)
      %dma_start3A_1241 = arith.constant 2 : i32
      %dma_start3A_1242 = arith.constant 2 : i32
      %dma_start3A_1243 = arith.constant 0 : i32
      %dma_start3A_1244 = arith.constant 0 : i32
      %dma_start3A_1245 = tpu.memref_slice %arg17[%dma_start3A_1241, %dma_start3A_1243, %dma_start3A_1244] : memref<8x8x128xf32, #tpu.memory_space<vmem>> -> memref<1x8x128xf32, #tpu.memory_space<vmem>>
      %dma_start3A_1246 = tpu.memref_squeeze %dma_start3A_1245 : memref<1x8x128xf32, #tpu.memory_space<vmem>> -> memref<8x128xf32, #tpu.memory_space<vmem>>
      %dma_start3A_1247 = arith.constant 0 : i32
      %dma_start3A_1248 = arith.constant 0 : i32
      %dma_start3A_1249 = tpu.memref_slice %arg5[%add3A_1178, %dma_start3A_1242, %add3A, %dma_start3A_1247, %dma_start3A_1248] : memref<200x8x32x8x128xf32, #tpu.memory_space<hbm>> -> memref<1x1x1x8x128xf32, #tpu.memory_space<hbm>>
      %dma_start3A_1250 = tpu.memref_squeeze %dma_start3A_1249 : memref<1x1x1x8x128xf32, #tpu.memory_space<hbm>> -> memref<8x128xf32, #tpu.memory_space<hbm>>
      %dma_start3A_1251 = arith.constant 0 : i32
      %dma_start3A_1252 = arith.constant 0 : i32
      %dma_start3A_1253 = tpu.memref_slice %arg5[%add3A_1178, %dma_start3A_1242, %add3A, %dma_start3A_1251, %dma_start3A_1252] : memref<200x8x32x8x128xf32, #tpu.memory_space<hbm>> -> memref<1x1x1x8x128xf32, #tpu.memory_space<hbm>>
      %dma_start3A_1254 = tpu.memref_squeeze %dma_start3A_1253 : memref<1x1x1x8x128xf32, #tpu.memory_space<hbm>> -> memref<8x128xf32, #tpu.memory_space<hbm>>
      %dma_start3A_1255 = arith.constant 0 : i32
      %dma_start3A_1256 = arith.constant 0 : i32
      %dma_start3A_1257 = tpu.memref_slice %arg17[%dma_start3A_1241, %dma_start3A_1255, %dma_start3A_1256] : memref<8x8x128xf32, #tpu.memory_space<vmem>> -> memref<1x8x128xf32, #tpu.memory_space<vmem>>
      %dma_start3A_1258 = tpu.memref_squeeze %dma_start3A_1257 : memref<1x8x128xf32, #tpu.memory_space<vmem>> -> memref<8x128xf32, #tpu.memory_space<vmem>>
      tpu.enqueue_dma source(%dma_start3A_1258 : memref<8x128xf32, #tpu.memory_space<vmem>>) target(%dma_start3A_1254 : memref<8x128xf32, #tpu.memory_space<hbm>>) target_semaphore(%arg30 : memref<!tpu.dma_semaphore, #tpu.memory_space<semaphore_mem>>)
      %dma_start3A_1259 = arith.constant 3 : i32
      %dma_start3A_1260 = arith.constant 3 : i32
      %dma_start3A_1261 = arith.constant 0 : i32
      %dma_start3A_1262 = arith.constant 0 : i32
      %dma_start3A_1263 = tpu.memref_slice %arg17[%dma_start3A_1259, %dma_start3A_1261, %dma_start3A_1262] : memref<8x8x128xf32, #tpu.memory_space<vmem>> -> memref<1x8x128xf32, #tpu.memory_space<vmem>>
      %dma_start3A_1264 = tpu.memref_squeeze %dma_start3A_1263 : memref<1x8x128xf32, #tpu.memory_space<vmem>> -> memref<8x128xf32, #tpu.memory_space<vmem>>
      %dma_start3A_1265 = arith.constant 0 : i32
      %dma_start3A_1266 = arith.constant 0 : i32
      %dma_start3A_1267 = tpu.memref_slice %arg5[%add3A_1178, %dma_start3A_1260, %add3A, %dma_start3A_1265, %dma_start3A_1266] : memref<200x8x32x8x128xf32, #tpu.memory_space<hbm>> -> memref<1x1x1x8x128xf32, #tpu.memory_space<hbm>>
      %dma_start3A_1268 = tpu.memref_squeeze %dma_start3A_1267 : memref<1x1x1x8x128xf32, #tpu.memory_space<hbm>> -> memref<8x128xf32, #tpu.memory_space<hbm>>
      %dma_start3A_1269 = arith.constant 0 : i32
      %dma_start3A_1270 = arith.constant 0 : i32
      %dma_start3A_1271 = tpu.memref_slice %arg5[%add3A_1178, %dma_start3A_1260, %add3A, %dma_start3A_1269, %dma_start3A_1270] : memref<200x8x32x8x128xf32, #tpu.memory_space<hbm>> -> memref<1x1x1x8x128xf32, #tpu.memory_space<hbm>>
      %dma_start3A_1272 = tpu.memref_squeeze %dma_start3A_1271 : memref<1x1x1x8x128xf32, #tpu.memory_space<hbm>> -> memref<8x128xf32, #tpu.memory_space<hbm>>
      %dma_start3A_1273 = arith.constant 0 : i32
      %dma_start3A_1274 = arith.constant 0 : i32
      %dma_start3A_1275 = tpu.memref_slice %arg17[%dma_start3A_1259, %dma_start3A_1273, %dma_start3A_1274] : memref<8x8x128xf32, #tpu.memory_space<vmem>> -> memref<1x8x128xf32, #tpu.memory_space<vmem>>
      %dma_start3A_1276 = tpu.memref_squeeze %dma_start3A_1275 : memref<1x8x128xf32, #tpu.memory_space<vmem>> -> memref<8x128xf32, #tpu.memory_space<vmem>>
      tpu.enqueue_dma source(%dma_start3A_1276 : memref<8x128xf32, #tpu.memory_space<vmem>>) target(%dma_start3A_1272 : memref<8x128xf32, #tpu.memory_space<hbm>>) target_semaphore(%arg30 : memref<!tpu.dma_semaphore, #tpu.memory_space<semaphore_mem>>)
      %dma_start3A_1277 = arith.constant 4 : i32
      %dma_start3A_1278 = arith.constant 4 : i32
      %dma_start3A_1279 = arith.constant 0 : i32
      %dma_start3A_1280 = arith.constant 0 : i32
      %dma_start3A_1281 = tpu.memref_slice %arg17[%dma_start3A_1277, %dma_start3A_1279, %dma_start3A_1280] : memref<8x8x128xf32, #tpu.memory_space<vmem>> -> memref<1x8x128xf32, #tpu.memory_space<vmem>>
      %dma_start3A_1282 = tpu.memref_squeeze %dma_start3A_1281 : memref<1x8x128xf32, #tpu.memory_space<vmem>> -> memref<8x128xf32, #tpu.memory_space<vmem>>
      %dma_start3A_1283 = arith.constant 0 : i32
      %dma_start3A_1284 = arith.constant 0 : i32
      %dma_start3A_1285 = tpu.memref_slice %arg5[%add3A_1178, %dma_start3A_1278, %add3A, %dma_start3A_1283, %dma_start3A_1284] : memref<200x8x32x8x128xf32, #tpu.memory_space<hbm>> -> memref<1x1x1x8x128xf32, #tpu.memory_space<hbm>>
      %dma_start3A_1286 = tpu.memref_squeeze %dma_start3A_1285 : memref<1x1x1x8x128xf32, #tpu.memory_space<hbm>> -> memref<8x128xf32, #tpu.memory_space<hbm>>
      %dma_start3A_1287 = arith.constant 0 : i32
      %dma_start3A_1288 = arith.constant 0 : i32
      %dma_start3A_1289 = tpu.memref_slice %arg5[%add3A_1178, %dma_start3A_1278, %add3A, %dma_start3A_1287, %dma_start3A_1288] : memref<200x8x32x8x128xf32, #tpu.memory_space<hbm>> -> memref<1x1x1x8x128xf32, #tpu.memory_space<hbm>>
      %dma_start3A_1290 = tpu.memref_squeeze %dma_start3A_1289 : memref<1x1x1x8x128xf32, #tpu.memory_space<hbm>> -> memref<8x128xf32, #tpu.memory_space<hbm>>
      %dma_start3A_1291 = arith.constant 0 : i32
      %dma_start3A_1292 = arith.constant 0 : i32
      %dma_start3A_1293 = tpu.memref_slice %arg17[%dma_start3A_1277, %dma_start3A_1291, %dma_start3A_1292] : memref<8x8x128xf32, #tpu.memory_space<vmem>> -> memref<1x8x128xf32, #tpu.memory_space<vmem>>
      %dma_start3A_1294 = tpu.memref_squeeze %dma_start3A_1293 : memref<1x8x128xf32, #tpu.memory_space<vmem>> -> memref<8x128xf32, #tpu.memory_space<vmem>>
      tpu.enqueue_dma source(%dma_start3A_1294 : memref<8x128xf32, #tpu.memory_space<vmem>>) target(%dma_start3A_1290 : memref<8x128xf32, #tpu.memory_space<hbm>>) target_semaphore(%arg30 : memref<!tpu.dma_semaphore, #tpu.memory_space<semaphore_mem>>)
      %dma_start3A_1295 = arith.constant 5 : i32
      %dma_start3A_1296 = arith.constant 5 : i32
      %dma_start3A_1297 = arith.constant 0 : i32
      %dma_start3A_1298 = arith.constant 0 : i32
      %dma_start3A_1299 = tpu.memref_slice %arg17[%dma_start3A_1295, %dma_start3A_1297, %dma_start3A_1298] : memref<8x8x128xf32, #tpu.memory_space<vmem>> -> memref<1x8x128xf32, #tpu.memory_space<vmem>>
      %dma_start3A_1300 = tpu.memref_squeeze %dma_start3A_1299 : memref<1x8x128xf32, #tpu.memory_space<vmem>> -> memref<8x128xf32, #tpu.memory_space<vmem>>
      %dma_start3A_1301 = arith.constant 0 : i32
      %dma_start3A_1302 = arith.constant 0 : i32
      %dma_start3A_1303 = tpu.memref_slice %arg5[%add3A_1178, %dma_start3A_1296, %add3A, %dma_start3A_1301, %dma_start3A_1302] : memref<200x8x32x8x128xf32, #tpu.memory_space<hbm>> -> memref<1x1x1x8x128xf32, #tpu.memory_space<hbm>>
      %dma_start3A_1304 = tpu.memref_squeeze %dma_start3A_1303 : memref<1x1x1x8x128xf32, #tpu.memory_space<hbm>> -> memref<8x128xf32, #tpu.memory_space<hbm>>
      %dma_start3A_1305 = arith.constant 0 : i32
      %dma_start3A_1306 = arith.constant 0 : i32
      %dma_start3A_1307 = tpu.memref_slice %arg5[%add3A_1178, %dma_start3A_1296, %add3A, %dma_start3A_1305, %dma_start3A_1306] : memref<200x8x32x8x128xf32, #tpu.memory_space<hbm>> -> memref<1x1x1x8x128xf32, #tpu.memory_space<hbm>>
      %dma_start3A_1308 = tpu.memref_squeeze %dma_start3A_1307 : memref<1x1x1x8x128xf32, #tpu.memory_space<hbm>> -> memref<8x128xf32, #tpu.memory_space<hbm>>
      %dma_start3A_1309 = arith.constant 0 : i32
      %dma_start3A_1310 = arith.constant 0 : i32
      %dma_start3A_1311 = tpu.memref_slice %arg17[%dma_start3A_1295, %dma_start3A_1309, %dma_start3A_1310] : memref<8x8x128xf32, #tpu.memory_space<vmem>> -> memref<1x8x128xf32, #tpu.memory_space<vmem>>
      %dma_start3A_1312 = tpu.memref_squeeze %dma_start3A_1311 : memref<1x8x128xf32, #tpu.memory_space<vmem>> -> memref<8x128xf32, #tpu.memory_space<vmem>>
      tpu.enqueue_dma source(%dma_start3A_1312 : memref<8x128xf32, #tpu.memory_space<vmem>>) target(%dma_start3A_1308 : memref<8x128xf32, #tpu.memory_space<hbm>>) target_semaphore(%arg30 : memref<!tpu.dma_semaphore, #tpu.memory_space<semaphore_mem>>)
      %dma_start3A_1313 = arith.constant 6 : i32
      %dma_start3A_1314 = arith.constant 6 : i32
      %dma_start3A_1315 = arith.constant 0 : i32
      %dma_start3A_1316 = arith.constant 0 : i32
      %dma_start3A_1317 = tpu.memref_slice %arg17[%dma_start3A_1313, %dma_start3A_1315, %dma_start3A_1316] : memref<8x8x128xf32, #tpu.memory_space<vmem>> -> memref<1x8x128xf32, #tpu.memory_space<vmem>>
      %dma_start3A_1318 = tpu.memref_squeeze %dma_start3A_1317 : memref<1x8x128xf32, #tpu.memory_space<vmem>> -> memref<8x128xf32, #tpu.memory_space<vmem>>
      %dma_start3A_1319 = arith.constant 0 : i32
      %dma_start3A_1320 = arith.constant 0 : i32
      %dma_start3A_1321 = tpu.memref_slice %arg5[%add3A_1178, %dma_start3A_1314, %add3A, %dma_start3A_1319, %dma_start3A_1320] : memref<200x8x32x8x128xf32, #tpu.memory_space<hbm>> -> memref<1x1x1x8x128xf32, #tpu.memory_space<hbm>>
      %dma_start3A_1322 = tpu.memref_squeeze %dma_start3A_1321 : memref<1x1x1x8x128xf32, #tpu.memory_space<hbm>> -> memref<8x128xf32, #tpu.memory_space<hbm>>
      %dma_start3A_1323 = arith.constant 0 : i32
      %dma_start3A_1324 = arith.constant 0 : i32
      %dma_start3A_1325 = tpu.memref_slice %arg5[%add3A_1178, %dma_start3A_1314, %add3A, %dma_start3A_1323, %dma_start3A_1324] : memref<200x8x32x8x128xf32, #tpu.memory_space<hbm>> -> memref<1x1x1x8x128xf32, #tpu.memory_space<hbm>>
      %dma_start3A_1326 = tpu.memref_squeeze %dma_start3A_1325 : memref<1x1x1x8x128xf32, #tpu.memory_space<hbm>> -> memref<8x128xf32, #tpu.memory_space<hbm>>
      %dma_start3A_1327 = arith.constant 0 : i32
      %dma_start3A_1328 = arith.constant 0 : i32
      %dma_start3A_1329 = tpu.memref_slice %arg17[%dma_start3A_1313, %dma_start3A_1327, %dma_start3A_1328] : memref<8x8x128xf32, #tpu.memory_space<vmem>> -> memref<1x8x128xf32, #tpu.memory_space<vmem>>
      %dma_start3A_1330 = tpu.memref_squeeze %dma_start3A_1329 : memref<1x8x128xf32, #tpu.memory_space<vmem>> -> memref<8x128xf32, #tpu.memory_space<vmem>>
      tpu.enqueue_dma source(%dma_start3A_1330 : memref<8x128xf32, #tpu.memory_space<vmem>>) target(%dma_start3A_1326 : memref<8x128xf32, #tpu.memory_space<hbm>>) target_semaphore(%arg30 : memref<!tpu.dma_semaphore, #tpu.memory_space<semaphore_mem>>)
      %dma_start3A_1331 = arith.constant 7 : i32
      %dma_start3A_1332 = arith.constant 7 : i32
      %dma_start3A_1333 = arith.constant 0 : i32
      %dma_start3A_1334 = arith.constant 0 : i32
      %dma_start3A_1335 = tpu.memref_slice %arg17[%dma_start3A_1331, %dma_start3A_1333, %dma_start3A_1334] : memref<8x8x128xf32, #tpu.memory_space<vmem>> -> memref<1x8x128xf32, #tpu.memory_space<vmem>>
      %dma_start3A_1336 = tpu.memref_squeeze %dma_start3A_1335 : memref<1x8x128xf32, #tpu.memory_space<vmem>> -> memref<8x128xf32, #tpu.memory_space<vmem>>
      %dma_start3A_1337 = arith.constant 0 : i32
      %dma_start3A_1338 = arith.constant 0 : i32
      %dma_start3A_1339 = tpu.memref_slice %arg5[%add3A_1178, %dma_start3A_1332, %add3A, %dma_start3A_1337, %dma_start3A_1338] : memref<200x8x32x8x128xf32, #tpu.memory_space<hbm>> -> memref<1x1x1x8x128xf32, #tpu.memory_space<hbm>>
      %dma_start3A_1340 = tpu.memref_squeeze %dma_start3A_1339 : memref<1x1x1x8x128xf32, #tpu.memory_space<hbm>> -> memref<8x128xf32, #tpu.memory_space<hbm>>
      %dma_start3A_1341 = arith.constant 0 : i32
      %dma_start3A_1342 = arith.constant 0 : i32
      %dma_start3A_1343 = tpu.memref_slice %arg5[%add3A_1178, %dma_start3A_1332, %add3A, %dma_start3A_1341, %dma_start3A_1342] : memref<200x8x32x8x128xf32, #tpu.memory_space<hbm>> -> memref<1x1x1x8x128xf32, #tpu.memory_space<hbm>>
      %dma_start3A_1344 = tpu.memref_squeeze %dma_start3A_1343 : memref<1x1x1x8x128xf32, #tpu.memory_space<hbm>> -> memref<8x128xf32, #tpu.memory_space<hbm>>
      %dma_start3A_1345 = arith.constant 0 : i32
      %dma_start3A_1346 = arith.constant 0 : i32
      %dma_start3A_1347 = tpu.memref_slice %arg17[%dma_start3A_1331, %dma_start3A_1345, %dma_start3A_1346] : memref<8x8x128xf32, #tpu.memory_space<vmem>> -> memref<1x8x128xf32, #tpu.memory_space<vmem>>
      %dma_start3A_1348 = tpu.memref_squeeze %dma_start3A_1347 : memref<1x8x128xf32, #tpu.memory_space<vmem>> -> memref<8x128xf32, #tpu.memory_space<vmem>>
      tpu.enqueue_dma source(%dma_start3A_1348 : memref<8x128xf32, #tpu.memory_space<vmem>>) target(%dma_start3A_1344 : memref<8x128xf32, #tpu.memory_space<hbm>>) target_semaphore(%arg30 : memref<!tpu.dma_semaphore, #tpu.memory_space<semaphore_mem>>)
    }
    %scan3A_49 = arith.constant 50 : i32
    %dma_wait3A_50 = arith.constant 0 : i32
    %dma_wait3A_51 = arith.constant 196 : i32
    %dma_wait3A_52 = arith.constant 0 : i32
    %dma_wait3A_53 = arith.constant 0 : i32
    %dma_wait3A_54 = arith.constant 0 : i32
    %dma_wait3A_55 = tpu.memref_slice %arg14[%dma_wait3A_50, %dma_wait3A_53, %dma_wait3A_54] : memref<8x8x128xf32, #tpu.memory_space<vmem>> -> memref<1x8x128xf32, #tpu.memory_space<vmem>>
    %dma_wait3A_56 = tpu.memref_squeeze %dma_wait3A_55 : memref<1x8x128xf32, #tpu.memory_space<vmem>> -> memref<8x128xf32, #tpu.memory_space<vmem>>
    %dma_wait3A_57 = arith.constant 0 : i32
    %dma_wait3A_58 = arith.constant 0 : i32
    %dma_wait3A_59 = tpu.memref_slice %arg5[%dma_wait3A_51, %dma_wait3A_52, %add3A, %dma_wait3A_57, %dma_wait3A_58] : memref<200x8x32x8x128xf32, #tpu.memory_space<hbm>> -> memref<1x1x1x8x128xf32, #tpu.memory_space<hbm>>
    %dma_wait3A_60 = tpu.memref_squeeze %dma_wait3A_59 : memref<1x1x1x8x128xf32, #tpu.memory_space<hbm>> -> memref<8x128xf32, #tpu.memory_space<hbm>>
    %dma_wait3A_61 = arith.constant 0 : i32
    %dma_wait3A_62 = arith.constant 0 : i32
    %dma_wait3A_63 = tpu.memref_slice %arg5[%dma_wait3A_51, %dma_wait3A_52, %add3A, %dma_wait3A_61, %dma_wait3A_62] : memref<200x8x32x8x128xf32, #tpu.memory_space<hbm>> -> memref<1x1x1x8x128xf32, #tpu.memory_space<hbm>>
    %dma_wait3A_64 = tpu.memref_squeeze %dma_wait3A_63 : memref<1x1x1x8x128xf32, #tpu.memory_space<hbm>> -> memref<8x128xf32, #tpu.memory_space<hbm>>
    %dma_wait3A_65 = arith.constant 0 : i32
    %dma_wait3A_66 = arith.constant 0 : i32
    %dma_wait3A_67 = tpu.memref_slice %arg14[%dma_wait3A_50, %dma_wait3A_65, %dma_wait3A_66] : memref<8x8x128xf32, #tpu.memory_space<vmem>> -> memref<1x8x128xf32, #tpu.memory_space<vmem>>
    %dma_wait3A_68 = tpu.memref_squeeze %dma_wait3A_67 : memref<1x8x128xf32, #tpu.memory_space<vmem>> -> memref<8x128xf32, #tpu.memory_space<vmem>>
    tpu.wait_dma2 semaphore(%arg27 : memref<!tpu.dma_semaphore, #tpu.memory_space<semaphore_mem>>) src(%dma_wait3A_68 : memref<8x128xf32, #tpu.memory_space<vmem>>) dst(%dma_wait3A_64 : memref<8x128xf32, #tpu.memory_space<hbm>>)
    %dma_wait3A_69 = arith.constant 1 : i32
    %dma_wait3A_70 = arith.constant 196 : i32
    %dma_wait3A_71 = arith.constant 1 : i32
    %dma_wait3A_72 = arith.constant 0 : i32
    %dma_wait3A_73 = arith.constant 0 : i32
    %dma_wait3A_74 = tpu.memref_slice %arg14[%dma_wait3A_69, %dma_wait3A_72, %dma_wait3A_73] : memref<8x8x128xf32, #tpu.memory_space<vmem>> -> memref<1x8x128xf32, #tpu.memory_space<vmem>>
    %dma_wait3A_75 = tpu.memref_squeeze %dma_wait3A_74 : memref<1x8x128xf32, #tpu.memory_space<vmem>> -> memref<8x128xf32, #tpu.memory_space<vmem>>
    %dma_wait3A_76 = arith.constant 0 : i32
    %dma_wait3A_77 = arith.constant 0 : i32
    %dma_wait3A_78 = tpu.memref_slice %arg5[%dma_wait3A_70, %dma_wait3A_71, %add3A, %dma_wait3A_76, %dma_wait3A_77] : memref<200x8x32x8x128xf32, #tpu.memory_space<hbm>> -> memref<1x1x1x8x128xf32, #tpu.memory_space<hbm>>
    %dma_wait3A_79 = tpu.memref_squeeze %dma_wait3A_78 : memref<1x1x1x8x128xf32, #tpu.memory_space<hbm>> -> memref<8x128xf32, #tpu.memory_space<hbm>>
    %dma_wait3A_80 = arith.constant 0 : i32
    %dma_wait3A_81 = arith.constant 0 : i32
    %dma_wait3A_82 = tpu.memref_slice %arg5[%dma_wait3A_70, %dma_wait3A_71, %add3A, %dma_wait3A_80, %dma_wait3A_81] : memref<200x8x32x8x128xf32, #tpu.memory_space<hbm>> -> memref<1x1x1x8x128xf32, #tpu.memory_space<hbm>>
    %dma_wait3A_83 = tpu.memref_squeeze %dma_wait3A_82 : memref<1x1x1x8x128xf32, #tpu.memory_space<hbm>> -> memref<8x128xf32, #tpu.memory_space<hbm>>
    %dma_wait3A_84 = arith.constant 0 : i32
    %dma_wait3A_85 = arith.constant 0 : i32
    %dma_wait3A_86 = tpu.memref_slice %arg14[%dma_wait3A_69, %dma_wait3A_84, %dma_wait3A_85] : memref<8x8x128xf32, #tpu.memory_space<vmem>> -> memref<1x8x128xf32, #tpu.memory_space<vmem>>
    %dma_wait3A_87 = tpu.memref_squeeze %dma_wait3A_86 : memref<1x8x128xf32, #tpu.memory_space<vmem>> -> memref<8x128xf32, #tpu.memory_space<vmem>>
    tpu.wait_dma2 semaphore(%arg27 : memref<!tpu.dma_semaphore, #tpu.memory_space<semaphore_mem>>) src(%dma_wait3A_87 : memref<8x128xf32, #tpu.memory_space<vmem>>) dst(%dma_wait3A_83 : memref<8x128xf32, #tpu.memory_space<hbm>>)
    %dma_wait3A_88 = arith.constant 2 : i32
    %dma_wait3A_89 = arith.constant 196 : i32
    %dma_wait3A_90 = arith.constant 2 : i32
    %dma_wait3A_91 = arith.constant 0 : i32
    %dma_wait3A_92 = arith.constant 0 : i32
    %dma_wait3A_93 = tpu.memref_slice %arg14[%dma_wait3A_88, %dma_wait3A_91, %dma_wait3A_92] : memref<8x8x128xf32, #tpu.memory_space<vmem>> -> memref<1x8x128xf32, #tpu.memory_space<vmem>>
    %dma_wait3A_94 = tpu.memref_squeeze %dma_wait3A_93 : memref<1x8x128xf32, #tpu.memory_space<vmem>> -> memref<8x128xf32, #tpu.memory_space<vmem>>
    %dma_wait3A_95 = arith.constant 0 : i32
    %dma_wait3A_96 = arith.constant 0 : i32
    %dma_wait3A_97 = tpu.memref_slice %arg5[%dma_wait3A_89, %dma_wait3A_90, %add3A, %dma_wait3A_95, %dma_wait3A_96] : memref<200x8x32x8x128xf32, #tpu.memory_space<hbm>> -> memref<1x1x1x8x128xf32, #tpu.memory_space<hbm>>
    %dma_wait3A_98 = tpu.memref_squeeze %dma_wait3A_97 : memref<1x1x1x8x128xf32, #tpu.memory_space<hbm>> -> memref<8x128xf32, #tpu.memory_space<hbm>>
    %dma_wait3A_99 = arith.constant 0 : i32
    %dma_wait3A_100 = arith.constant 0 : i32
    %dma_wait3A_101 = tpu.memref_slice %arg5[%dma_wait3A_89, %dma_wait3A_90, %add3A, %dma_wait3A_99, %dma_wait3A_100] : memref<200x8x32x8x128xf32, #tpu.memory_space<hbm>> -> memref<1x1x1x8x128xf32, #tpu.memory_space<hbm>>
    %dma_wait3A_102 = tpu.memref_squeeze %dma_wait3A_101 : memref<1x1x1x8x128xf32, #tpu.memory_space<hbm>> -> memref<8x128xf32, #tpu.memory_space<hbm>>
    %dma_wait3A_103 = arith.constant 0 : i32
    %dma_wait3A_104 = arith.constant 0 : i32
    %dma_wait3A_105 = tpu.memref_slice %arg14[%dma_wait3A_88, %dma_wait3A_103, %dma_wait3A_104] : memref<8x8x128xf32, #tpu.memory_space<vmem>> -> memref<1x8x128xf32, #tpu.memory_space<vmem>>
    %dma_wait3A_106 = tpu.memref_squeeze %dma_wait3A_105 : memref<1x8x128xf32, #tpu.memory_space<vmem>> -> memref<8x128xf32, #tpu.memory_space<vmem>>
    tpu.wait_dma2 semaphore(%arg27 : memref<!tpu.dma_semaphore, #tpu.memory_space<semaphore_mem>>) src(%dma_wait3A_106 : memref<8x128xf32, #tpu.memory_space<vmem>>) dst(%dma_wait3A_102 : memref<8x128xf32, #tpu.memory_space<hbm>>)
    %dma_wait3A_107 = arith.constant 3 : i32
    %dma_wait3A_108 = arith.constant 196 : i32
    %dma_wait3A_109 = arith.constant 3 : i32
    %dma_wait3A_110 = arith.constant 0 : i32
    %dma_wait3A_111 = arith.constant 0 : i32
    %dma_wait3A_112 = tpu.memref_slice %arg14[%dma_wait3A_107, %dma_wait3A_110, %dma_wait3A_111] : memref<8x8x128xf32, #tpu.memory_space<vmem>> -> memref<1x8x128xf32, #tpu.memory_space<vmem>>
    %dma_wait3A_113 = tpu.memref_squeeze %dma_wait3A_112 : memref<1x8x128xf32, #tpu.memory_space<vmem>> -> memref<8x128xf32, #tpu.memory_space<vmem>>
    %dma_wait3A_114 = arith.constant 0 : i32
    %dma_wait3A_115 = arith.constant 0 : i32
    %dma_wait3A_116 = tpu.memref_slice %arg5[%dma_wait3A_108, %dma_wait3A_109, %add3A, %dma_wait3A_114, %dma_wait3A_115] : memref<200x8x32x8x128xf32, #tpu.memory_space<hbm>> -> memref<1x1x1x8x128xf32, #tpu.memory_space<hbm>>
    %dma_wait3A_117 = tpu.memref_squeeze %dma_wait3A_116 : memref<1x1x1x8x128xf32, #tpu.memory_space<hbm>> -> memref<8x128xf32, #tpu.memory_space<hbm>>
    %dma_wait3A_118 = arith.constant 0 : i32
    %dma_wait3A_119 = arith.constant 0 : i32
    %dma_wait3A_120 = tpu.memref_slice %arg5[%dma_wait3A_108, %dma_wait3A_109, %add3A, %dma_wait3A_118, %dma_wait3A_119] : memref<200x8x32x8x128xf32, #tpu.memory_space<hbm>> -> memref<1x1x1x8x128xf32, #tpu.memory_space<hbm>>
    %dma_wait3A_121 = tpu.memref_squeeze %dma_wait3A_120 : memref<1x1x1x8x128xf32, #tpu.memory_space<hbm>> -> memref<8x128xf32, #tpu.memory_space<hbm>>
    %dma_wait3A_122 = arith.constant 0 : i32
    %dma_wait3A_123 = arith.constant 0 : i32
    %dma_wait3A_124 = tpu.memref_slice %arg14[%dma_wait3A_107, %dma_wait3A_122, %dma_wait3A_123] : memref<8x8x128xf32, #tpu.memory_space<vmem>> -> memref<1x8x128xf32, #tpu.memory_space<vmem>>
    %dma_wait3A_125 = tpu.memref_squeeze %dma_wait3A_124 : memref<1x8x128xf32, #tpu.memory_space<vmem>> -> memref<8x128xf32, #tpu.memory_space<vmem>>
    tpu.wait_dma2 semaphore(%arg27 : memref<!tpu.dma_semaphore, #tpu.memory_space<semaphore_mem>>) src(%dma_wait3A_125 : memref<8x128xf32, #tpu.memory_space<vmem>>) dst(%dma_wait3A_121 : memref<8x128xf32, #tpu.memory_space<hbm>>)
    %dma_wait3A_126 = arith.constant 4 : i32
    %dma_wait3A_127 = arith.constant 196 : i32
    %dma_wait3A_128 = arith.constant 4 : i32
    %dma_wait3A_129 = arith.constant 0 : i32
    %dma_wait3A_130 = arith.constant 0 : i32
    %dma_wait3A_131 = tpu.memref_slice %arg14[%dma_wait3A_126, %dma_wait3A_129, %dma_wait3A_130] : memref<8x8x128xf32, #tpu.memory_space<vmem>> -> memref<1x8x128xf32, #tpu.memory_space<vmem>>
    %dma_wait3A_132 = tpu.memref_squeeze %dma_wait3A_131 : memref<1x8x128xf32, #tpu.memory_space<vmem>> -> memref<8x128xf32, #tpu.memory_space<vmem>>
    %dma_wait3A_133 = arith.constant 0 : i32
    %dma_wait3A_134 = arith.constant 0 : i32
    %dma_wait3A_135 = tpu.memref_slice %arg5[%dma_wait3A_127, %dma_wait3A_128, %add3A, %dma_wait3A_133, %dma_wait3A_134] : memref<200x8x32x8x128xf32, #tpu.memory_space<hbm>> -> memref<1x1x1x8x128xf32, #tpu.memory_space<hbm>>
    %dma_wait3A_136 = tpu.memref_squeeze %dma_wait3A_135 : memref<1x1x1x8x128xf32, #tpu.memory_space<hbm>> -> memref<8x128xf32, #tpu.memory_space<hbm>>
    %dma_wait3A_137 = arith.constant 0 : i32
    %dma_wait3A_138 = arith.constant 0 : i32
    %dma_wait3A_139 = tpu.memref_slice %arg5[%dma_wait3A_127, %dma_wait3A_128, %add3A, %dma_wait3A_137, %dma_wait3A_138] : memref<200x8x32x8x128xf32, #tpu.memory_space<hbm>> -> memref<1x1x1x8x128xf32, #tpu.memory_space<hbm>>
    %dma_wait3A_140 = tpu.memref_squeeze %dma_wait3A_139 : memref<1x1x1x8x128xf32, #tpu.memory_space<hbm>> -> memref<8x128xf32, #tpu.memory_space<hbm>>
    %dma_wait3A_141 = arith.constant 0 : i32
    %dma_wait3A_142 = arith.constant 0 : i32
    %dma_wait3A_143 = tpu.memref_slice %arg14[%dma_wait3A_126, %dma_wait3A_141, %dma_wait3A_142] : memref<8x8x128xf32, #tpu.memory_space<vmem>> -> memref<1x8x128xf32, #tpu.memory_space<vmem>>
    %dma_wait3A_144 = tpu.memref_squeeze %dma_wait3A_143 : memref<1x8x128xf32, #tpu.memory_space<vmem>> -> memref<8x128xf32, #tpu.memory_space<vmem>>
    tpu.wait_dma2 semaphore(%arg27 : memref<!tpu.dma_semaphore, #tpu.memory_space<semaphore_mem>>) src(%dma_wait3A_144 : memref<8x128xf32, #tpu.memory_space<vmem>>) dst(%dma_wait3A_140 : memref<8x128xf32, #tpu.memory_space<hbm>>)
    %dma_wait3A_145 = arith.constant 5 : i32
    %dma_wait3A_146 = arith.constant 196 : i32
    %dma_wait3A_147 = arith.constant 5 : i32
    %dma_wait3A_148 = arith.constant 0 : i32
    %dma_wait3A_149 = arith.constant 0 : i32
    %dma_wait3A_150 = tpu.memref_slice %arg14[%dma_wait3A_145, %dma_wait3A_148, %dma_wait3A_149] : memref<8x8x128xf32, #tpu.memory_space<vmem>> -> memref<1x8x128xf32, #tpu.memory_space<vmem>>
    %dma_wait3A_151 = tpu.memref_squeeze %dma_wait3A_150 : memref<1x8x128xf32, #tpu.memory_space<vmem>> -> memref<8x128xf32, #tpu.memory_space<vmem>>
    %dma_wait3A_152 = arith.constant 0 : i32
    %dma_wait3A_153 = arith.constant 0 : i32
    %dma_wait3A_154 = tpu.memref_slice %arg5[%dma_wait3A_146, %dma_wait3A_147, %add3A, %dma_wait3A_152, %dma_wait3A_153] : memref<200x8x32x8x128xf32, #tpu.memory_space<hbm>> -> memref<1x1x1x8x128xf32, #tpu.memory_space<hbm>>
    %dma_wait3A_155 = tpu.memref_squeeze %dma_wait3A_154 : memref<1x1x1x8x128xf32, #tpu.memory_space<hbm>> -> memref<8x128xf32, #tpu.memory_space<hbm>>
    %dma_wait3A_156 = arith.constant 0 : i32
    %dma_wait3A_157 = arith.constant 0 : i32
    %dma_wait3A_158 = tpu.memref_slice %arg5[%dma_wait3A_146, %dma_wait3A_147, %add3A, %dma_wait3A_156, %dma_wait3A_157] : memref<200x8x32x8x128xf32, #tpu.memory_space<hbm>> -> memref<1x1x1x8x128xf32, #tpu.memory_space<hbm>>
    %dma_wait3A_159 = tpu.memref_squeeze %dma_wait3A_158 : memref<1x1x1x8x128xf32, #tpu.memory_space<hbm>> -> memref<8x128xf32, #tpu.memory_space<hbm>>
    %dma_wait3A_160 = arith.constant 0 : i32
    %dma_wait3A_161 = arith.constant 0 : i32
    %dma_wait3A_162 = tpu.memref_slice %arg14[%dma_wait3A_145, %dma_wait3A_160, %dma_wait3A_161] : memref<8x8x128xf32, #tpu.memory_space<vmem>> -> memref<1x8x128xf32, #tpu.memory_space<vmem>>
    %dma_wait3A_163 = tpu.memref_squeeze %dma_wait3A_162 : memref<1x8x128xf32, #tpu.memory_space<vmem>> -> memref<8x128xf32, #tpu.memory_space<vmem>>
    tpu.wait_dma2 semaphore(%arg27 : memref<!tpu.dma_semaphore, #tpu.memory_space<semaphore_mem>>) src(%dma_wait3A_163 : memref<8x128xf32, #tpu.memory_space<vmem>>) dst(%dma_wait3A_159 : memref<8x128xf32, #tpu.memory_space<hbm>>)
    %dma_wait3A_164 = arith.constant 6 : i32
    %dma_wait3A_165 = arith.constant 196 : i32
    %dma_wait3A_166 = arith.constant 6 : i32
    %dma_wait3A_167 = arith.constant 0 : i32
    %dma_wait3A_168 = arith.constant 0 : i32
    %dma_wait3A_169 = tpu.memref_slice %arg14[%dma_wait3A_164, %dma_wait3A_167, %dma_wait3A_168] : memref<8x8x128xf32, #tpu.memory_space<vmem>> -> memref<1x8x128xf32, #tpu.memory_space<vmem>>
    %dma_wait3A_170 = tpu.memref_squeeze %dma_wait3A_169 : memref<1x8x128xf32, #tpu.memory_space<vmem>> -> memref<8x128xf32, #tpu.memory_space<vmem>>
    %dma_wait3A_171 = arith.constant 0 : i32
    %dma_wait3A_172 = arith.constant 0 : i32
    %dma_wait3A_173 = tpu.memref_slice %arg5[%dma_wait3A_165, %dma_wait3A_166, %add3A, %dma_wait3A_171, %dma_wait3A_172] : memref<200x8x32x8x128xf32, #tpu.memory_space<hbm>> -> memref<1x1x1x8x128xf32, #tpu.memory_space<hbm>>
    %dma_wait3A_174 = tpu.memref_squeeze %dma_wait3A_173 : memref<1x1x1x8x128xf32, #tpu.memory_space<hbm>> -> memref<8x128xf32, #tpu.memory_space<hbm>>
    %dma_wait3A_175 = arith.constant 0 : i32
    %dma_wait3A_176 = arith.constant 0 : i32
    %dma_wait3A_177 = tpu.memref_slice %arg5[%dma_wait3A_165, %dma_wait3A_166, %add3A, %dma_wait3A_175, %dma_wait3A_176] : memref<200x8x32x8x128xf32, #tpu.memory_space<hbm>> -> memref<1x1x1x8x128xf32, #tpu.memory_space<hbm>>
    %dma_wait3A_178 = tpu.memref_squeeze %dma_wait3A_177 : memref<1x1x1x8x128xf32, #tpu.memory_space<hbm>> -> memref<8x128xf32, #tpu.memory_space<hbm>>
    %dma_wait3A_179 = arith.constant 0 : i32
    %dma_wait3A_180 = arith.constant 0 : i32
    %dma_wait3A_181 = tpu.memref_slice %arg14[%dma_wait3A_164, %dma_wait3A_179, %dma_wait3A_180] : memref<8x8x128xf32, #tpu.memory_space<vmem>> -> memref<1x8x128xf32, #tpu.memory_space<vmem>>
    %dma_wait3A_182 = tpu.memref_squeeze %dma_wait3A_181 : memref<1x8x128xf32, #tpu.memory_space<vmem>> -> memref<8x128xf32, #tpu.memory_space<vmem>>
    tpu.wait_dma2 semaphore(%arg27 : memref<!tpu.dma_semaphore, #tpu.memory_space<semaphore_mem>>) src(%dma_wait3A_182 : memref<8x128xf32, #tpu.memory_space<vmem>>) dst(%dma_wait3A_178 : memref<8x128xf32, #tpu.memory_space<hbm>>)
    %dma_wait3A_183 = arith.constant 7 : i32
    %dma_wait3A_184 = arith.constant 196 : i32
    %dma_wait3A_185 = arith.constant 7 : i32
    %dma_wait3A_186 = arith.constant 0 : i32
    %dma_wait3A_187 = arith.constant 0 : i32
    %dma_wait3A_188 = tpu.memref_slice %arg14[%dma_wait3A_183, %dma_wait3A_186, %dma_wait3A_187] : memref<8x8x128xf32, #tpu.memory_space<vmem>> -> memref<1x8x128xf32, #tpu.memory_space<vmem>>
    %dma_wait3A_189 = tpu.memref_squeeze %dma_wait3A_188 : memref<1x8x128xf32, #tpu.memory_space<vmem>> -> memref<8x128xf32, #tpu.memory_space<vmem>>
    %dma_wait3A_190 = arith.constant 0 : i32
    %dma_wait3A_191 = arith.constant 0 : i32
    %dma_wait3A_192 = tpu.memref_slice %arg5[%dma_wait3A_184, %dma_wait3A_185, %add3A, %dma_wait3A_190, %dma_wait3A_191] : memref<200x8x32x8x128xf32, #tpu.memory_space<hbm>> -> memref<1x1x1x8x128xf32, #tpu.memory_space<hbm>>
    %dma_wait3A_193 = tpu.memref_squeeze %dma_wait3A_192 : memref<1x1x1x8x128xf32, #tpu.memory_space<hbm>> -> memref<8x128xf32, #tpu.memory_space<hbm>>
    %dma_wait3A_194 = arith.constant 0 : i32
    %dma_wait3A_195 = arith.constant 0 : i32
    %dma_wait3A_196 = tpu.memref_slice %arg5[%dma_wait3A_184, %dma_wait3A_185, %add3A, %dma_wait3A_194, %dma_wait3A_195] : memref<200x8x32x8x128xf32, #tpu.memory_space<hbm>> -> memref<1x1x1x8x128xf32, #tpu.memory_space<hbm>>
    %dma_wait3A_197 = tpu.memref_squeeze %dma_wait3A_196 : memref<1x1x1x8x128xf32, #tpu.memory_space<hbm>> -> memref<8x128xf32, #tpu.memory_space<hbm>>
    %dma_wait3A_198 = arith.constant 0 : i32
    %dma_wait3A_199 = arith.constant 0 : i32
    %dma_wait3A_200 = tpu.memref_slice %arg14[%dma_wait3A_183, %dma_wait3A_198, %dma_wait3A_199] : memref<8x8x128xf32, #tpu.memory_space<vmem>> -> memref<1x8x128xf32, #tpu.memory_space<vmem>>
    %dma_wait3A_201 = tpu.memref_squeeze %dma_wait3A_200 : memref<1x8x128xf32, #tpu.memory_space<vmem>> -> memref<8x128xf32, #tpu.memory_space<vmem>>
    tpu.wait_dma2 semaphore(%arg27 : memref<!tpu.dma_semaphore, #tpu.memory_space<semaphore_mem>>) src(%dma_wait3A_201 : memref<8x128xf32, #tpu.memory_space<vmem>>) dst(%dma_wait3A_197 : memref<8x128xf32, #tpu.memory_space<hbm>>)
    %dma_wait3A_202 = arith.constant 0 : i32
    %dma_wait3A_203 = arith.constant 197 : i32
    %dma_wait3A_204 = arith.constant 0 : i32
    %dma_wait3A_205 = arith.constant 0 : i32
    %dma_wait3A_206 = arith.constant 0 : i32
    %dma_wait3A_207 = tpu.memref_slice %arg15[%dma_wait3A_202, %dma_wait3A_205, %dma_wait3A_206] : memref<8x8x128xf32, #tpu.memory_space<vmem>> -> memref<1x8x128xf32, #tpu.memory_space<vmem>>
    %dma_wait3A_208 = tpu.memref_squeeze %dma_wait3A_207 : memref<1x8x128xf32, #tpu.memory_space<vmem>> -> memref<8x128xf32, #tpu.memory_space<vmem>>
    %dma_wait3A_209 = arith.constant 0 : i32
    %dma_wait3A_210 = arith.constant 0 : i32
    %dma_wait3A_211 = tpu.memref_slice %arg5[%dma_wait3A_203, %dma_wait3A_204, %add3A, %dma_wait3A_209, %dma_wait3A_210] : memref<200x8x32x8x128xf32, #tpu.memory_space<hbm>> -> memref<1x1x1x8x128xf32, #tpu.memory_space<hbm>>
    %dma_wait3A_212 = tpu.memref_squeeze %dma_wait3A_211 : memref<1x1x1x8x128xf32, #tpu.memory_space<hbm>> -> memref<8x128xf32, #tpu.memory_space<hbm>>
    %dma_wait3A_213 = arith.constant 0 : i32
    %dma_wait3A_214 = arith.constant 0 : i32
    %dma_wait3A_215 = tpu.memref_slice %arg5[%dma_wait3A_203, %dma_wait3A_204, %add3A, %dma_wait3A_213, %dma_wait3A_214] : memref<200x8x32x8x128xf32, #tpu.memory_space<hbm>> -> memref<1x1x1x8x128xf32, #tpu.memory_space<hbm>>
    %dma_wait3A_216 = tpu.memref_squeeze %dma_wait3A_215 : memref<1x1x1x8x128xf32, #tpu.memory_space<hbm>> -> memref<8x128xf32, #tpu.memory_space<hbm>>
    %dma_wait3A_217 = arith.constant 0 : i32
    %dma_wait3A_218 = arith.constant 0 : i32
    %dma_wait3A_219 = tpu.memref_slice %arg15[%dma_wait3A_202, %dma_wait3A_217, %dma_wait3A_218] : memref<8x8x128xf32, #tpu.memory_space<vmem>> -> memref<1x8x128xf32, #tpu.memory_space<vmem>>
    %dma_wait3A_220 = tpu.memref_squeeze %dma_wait3A_219 : memref<1x8x128xf32, #tpu.memory_space<vmem>> -> memref<8x128xf32, #tpu.memory_space<vmem>>
    tpu.wait_dma2 semaphore(%arg28 : memref<!tpu.dma_semaphore, #tpu.memory_space<semaphore_mem>>) src(%dma_wait3A_220 : memref<8x128xf32, #tpu.memory_space<vmem>>) dst(%dma_wait3A_216 : memref<8x128xf32, #tpu.memory_space<hbm>>)
    %dma_wait3A_221 = arith.constant 1 : i32
    %dma_wait3A_222 = arith.constant 197 : i32
    %dma_wait3A_223 = arith.constant 1 : i32
    %dma_wait3A_224 = arith.constant 0 : i32
    %dma_wait3A_225 = arith.constant 0 : i32
    %dma_wait3A_226 = tpu.memref_slice %arg15[%dma_wait3A_221, %dma_wait3A_224, %dma_wait3A_225] : memref<8x8x128xf32, #tpu.memory_space<vmem>> -> memref<1x8x128xf32, #tpu.memory_space<vmem>>
    %dma_wait3A_227 = tpu.memref_squeeze %dma_wait3A_226 : memref<1x8x128xf32, #tpu.memory_space<vmem>> -> memref<8x128xf32, #tpu.memory_space<vmem>>
    %dma_wait3A_228 = arith.constant 0 : i32
    %dma_wait3A_229 = arith.constant 0 : i32
    %dma_wait3A_230 = tpu.memref_slice %arg5[%dma_wait3A_222, %dma_wait3A_223, %add3A, %dma_wait3A_228, %dma_wait3A_229] : memref<200x8x32x8x128xf32, #tpu.memory_space<hbm>> -> memref<1x1x1x8x128xf32, #tpu.memory_space<hbm>>
    %dma_wait3A_231 = tpu.memref_squeeze %dma_wait3A_230 : memref<1x1x1x8x128xf32, #tpu.memory_space<hbm>> -> memref<8x128xf32, #tpu.memory_space<hbm>>
    %dma_wait3A_232 = arith.constant 0 : i32
    %dma_wait3A_233 = arith.constant 0 : i32
    %dma_wait3A_234 = tpu.memref_slice %arg5[%dma_wait3A_222, %dma_wait3A_223, %add3A, %dma_wait3A_232, %dma_wait3A_233] : memref<200x8x32x8x128xf32, #tpu.memory_space<hbm>> -> memref<1x1x1x8x128xf32, #tpu.memory_space<hbm>>
    %dma_wait3A_235 = tpu.memref_squeeze %dma_wait3A_234 : memref<1x1x1x8x128xf32, #tpu.memory_space<hbm>> -> memref<8x128xf32, #tpu.memory_space<hbm>>
    %dma_wait3A_236 = arith.constant 0 : i32
    %dma_wait3A_237 = arith.constant 0 : i32
    %dma_wait3A_238 = tpu.memref_slice %arg15[%dma_wait3A_221, %dma_wait3A_236, %dma_wait3A_237] : memref<8x8x128xf32, #tpu.memory_space<vmem>> -> memref<1x8x128xf32, #tpu.memory_space<vmem>>
    %dma_wait3A_239 = tpu.memref_squeeze %dma_wait3A_238 : memref<1x8x128xf32, #tpu.memory_space<vmem>> -> memref<8x128xf32, #tpu.memory_space<vmem>>
    tpu.wait_dma2 semaphore(%arg28 : memref<!tpu.dma_semaphore, #tpu.memory_space<semaphore_mem>>) src(%dma_wait3A_239 : memref<8x128xf32, #tpu.memory_space<vmem>>) dst(%dma_wait3A_235 : memref<8x128xf32, #tpu.memory_space<hbm>>)
    %dma_wait3A_240 = arith.constant 2 : i32
    %dma_wait3A_241 = arith.constant 197 : i32
    %dma_wait3A_242 = arith.constant 2 : i32
    %dma_wait3A_243 = arith.constant 0 : i32
    %dma_wait3A_244 = arith.constant 0 : i32
    %dma_wait3A_245 = tpu.memref_slice %arg15[%dma_wait3A_240, %dma_wait3A_243, %dma_wait3A_244] : memref<8x8x128xf32, #tpu.memory_space<vmem>> -> memref<1x8x128xf32, #tpu.memory_space<vmem>>
    %dma_wait3A_246 = tpu.memref_squeeze %dma_wait3A_245 : memref<1x8x128xf32, #tpu.memory_space<vmem>> -> memref<8x128xf32, #tpu.memory_space<vmem>>
    %dma_wait3A_247 = arith.constant 0 : i32
    %dma_wait3A_248 = arith.constant 0 : i32
    %dma_wait3A_249 = tpu.memref_slice %arg5[%dma_wait3A_241, %dma_wait3A_242, %add3A, %dma_wait3A_247, %dma_wait3A_248] : memref<200x8x32x8x128xf32, #tpu.memory_space<hbm>> -> memref<1x1x1x8x128xf32, #tpu.memory_space<hbm>>
    %dma_wait3A_250 = tpu.memref_squeeze %dma_wait3A_249 : memref<1x1x1x8x128xf32, #tpu.memory_space<hbm>> -> memref<8x128xf32, #tpu.memory_space<hbm>>
    %dma_wait3A_251 = arith.constant 0 : i32
    %dma_wait3A_252 = arith.constant 0 : i32
    %dma_wait3A_253 = tpu.memref_slice %arg5[%dma_wait3A_241, %dma_wait3A_242, %add3A, %dma_wait3A_251, %dma_wait3A_252] : memref<200x8x32x8x128xf32, #tpu.memory_space<hbm>> -> memref<1x1x1x8x128xf32, #tpu.memory_space<hbm>>
    %dma_wait3A_254 = tpu.memref_squeeze %dma_wait3A_253 : memref<1x1x1x8x128xf32, #tpu.memory_space<hbm>> -> memref<8x128xf32, #tpu.memory_space<hbm>>
    %dma_wait3A_255 = arith.constant 0 : i32
    %dma_wait3A_256 = arith.constant 0 : i32
    %dma_wait3A_257 = tpu.memref_slice %arg15[%dma_wait3A_240, %dma_wait3A_255, %dma_wait3A_256] : memref<8x8x128xf32, #tpu.memory_space<vmem>> -> memref<1x8x128xf32, #tpu.memory_space<vmem>>
    %dma_wait3A_258 = tpu.memref_squeeze %dma_wait3A_257 : memref<1x8x128xf32, #tpu.memory_space<vmem>> -> memref<8x128xf32, #tpu.memory_space<vmem>>
    tpu.wait_dma2 semaphore(%arg28 : memref<!tpu.dma_semaphore, #tpu.memory_space<semaphore_mem>>) src(%dma_wait3A_258 : memref<8x128xf32, #tpu.memory_space<vmem>>) dst(%dma_wait3A_254 : memref<8x128xf32, #tpu.memory_space<hbm>>)
    %dma_wait3A_259 = arith.constant 3 : i32
    %dma_wait3A_260 = arith.constant 197 : i32
    %dma_wait3A_261 = arith.constant 3 : i32
    %dma_wait3A_262 = arith.constant 0 : i32
    %dma_wait3A_263 = arith.constant 0 : i32
    %dma_wait3A_264 = tpu.memref_slice %arg15[%dma_wait3A_259, %dma_wait3A_262, %dma_wait3A_263] : memref<8x8x128xf32, #tpu.memory_space<vmem>> -> memref<1x8x128xf32, #tpu.memory_space<vmem>>
    %dma_wait3A_265 = tpu.memref_squeeze %dma_wait3A_264 : memref<1x8x128xf32, #tpu.memory_space<vmem>> -> memref<8x128xf32, #tpu.memory_space<vmem>>
    %dma_wait3A_266 = arith.constant 0 : i32
    %dma_wait3A_267 = arith.constant 0 : i32
    %dma_wait3A_268 = tpu.memref_slice %arg5[%dma_wait3A_260, %dma_wait3A_261, %add3A, %dma_wait3A_266, %dma_wait3A_267] : memref<200x8x32x8x128xf32, #tpu.memory_space<hbm>> -> memref<1x1x1x8x128xf32, #tpu.memory_space<hbm>>
    %dma_wait3A_269 = tpu.memref_squeeze %dma_wait3A_268 : memref<1x1x1x8x128xf32, #tpu.memory_space<hbm>> -> memref<8x128xf32, #tpu.memory_space<hbm>>
    %dma_wait3A_270 = arith.constant 0 : i32
    %dma_wait3A_271 = arith.constant 0 : i32
    %dma_wait3A_272 = tpu.memref_slice %arg5[%dma_wait3A_260, %dma_wait3A_261, %add3A, %dma_wait3A_270, %dma_wait3A_271] : memref<200x8x32x8x128xf32, #tpu.memory_space<hbm>> -> memref<1x1x1x8x128xf32, #tpu.memory_space<hbm>>
    %dma_wait3A_273 = tpu.memref_squeeze %dma_wait3A_272 : memref<1x1x1x8x128xf32, #tpu.memory_space<hbm>> -> memref<8x128xf32, #tpu.memory_space<hbm>>
    %dma_wait3A_274 = arith.constant 0 : i32
    %dma_wait3A_275 = arith.constant 0 : i32
    %dma_wait3A_276 = tpu.memref_slice %arg15[%dma_wait3A_259, %dma_wait3A_274, %dma_wait3A_275] : memref<8x8x128xf32, #tpu.memory_space<vmem>> -> memref<1x8x128xf32, #tpu.memory_space<vmem>>
    %dma_wait3A_277 = tpu.memref_squeeze %dma_wait3A_276 : memref<1x8x128xf32, #tpu.memory_space<vmem>> -> memref<8x128xf32, #tpu.memory_space<vmem>>
    tpu.wait_dma2 semaphore(%arg28 : memref<!tpu.dma_semaphore, #tpu.memory_space<semaphore_mem>>) src(%dma_wait3A_277 : memref<8x128xf32, #tpu.memory_space<vmem>>) dst(%dma_wait3A_273 : memref<8x128xf32, #tpu.memory_space<hbm>>)
    %dma_wait3A_278 = arith.constant 4 : i32
    %dma_wait3A_279 = arith.constant 197 : i32
    %dma_wait3A_280 = arith.constant 4 : i32
    %dma_wait3A_281 = arith.constant 0 : i32
    %dma_wait3A_282 = arith.constant 0 : i32
    %dma_wait3A_283 = tpu.memref_slice %arg15[%dma_wait3A_278, %dma_wait3A_281, %dma_wait3A_282] : memref<8x8x128xf32, #tpu.memory_space<vmem>> -> memref<1x8x128xf32, #tpu.memory_space<vmem>>
    %dma_wait3A_284 = tpu.memref_squeeze %dma_wait3A_283 : memref<1x8x128xf32, #tpu.memory_space<vmem>> -> memref<8x128xf32, #tpu.memory_space<vmem>>
    %dma_wait3A_285 = arith.constant 0 : i32
    %dma_wait3A_286 = arith.constant 0 : i32
    %dma_wait3A_287 = tpu.memref_slice %arg5[%dma_wait3A_279, %dma_wait3A_280, %add3A, %dma_wait3A_285, %dma_wait3A_286] : memref<200x8x32x8x128xf32, #tpu.memory_space<hbm>> -> memref<1x1x1x8x128xf32, #tpu.memory_space<hbm>>
    %dma_wait3A_288 = tpu.memref_squeeze %dma_wait3A_287 : memref<1x1x1x8x128xf32, #tpu.memory_space<hbm>> -> memref<8x128xf32, #tpu.memory_space<hbm>>
    %dma_wait3A_289 = arith.constant 0 : i32
    %dma_wait3A_290 = arith.constant 0 : i32
    %dma_wait3A_291 = tpu.memref_slice %arg5[%dma_wait3A_279, %dma_wait3A_280, %add3A, %dma_wait3A_289, %dma_wait3A_290] : memref<200x8x32x8x128xf32, #tpu.memory_space<hbm>> -> memref<1x1x1x8x128xf32, #tpu.memory_space<hbm>>
    %dma_wait3A_292 = tpu.memref_squeeze %dma_wait3A_291 : memref<1x1x1x8x128xf32, #tpu.memory_space<hbm>> -> memref<8x128xf32, #tpu.memory_space<hbm>>
    %dma_wait3A_293 = arith.constant 0 : i32
    %dma_wait3A_294 = arith.constant 0 : i32
    %dma_wait3A_295 = tpu.memref_slice %arg15[%dma_wait3A_278, %dma_wait3A_293, %dma_wait3A_294] : memref<8x8x128xf32, #tpu.memory_space<vmem>> -> memref<1x8x128xf32, #tpu.memory_space<vmem>>
    %dma_wait3A_296 = tpu.memref_squeeze %dma_wait3A_295 : memref<1x8x128xf32, #tpu.memory_space<vmem>> -> memref<8x128xf32, #tpu.memory_space<vmem>>
    tpu.wait_dma2 semaphore(%arg28 : memref<!tpu.dma_semaphore, #tpu.memory_space<semaphore_mem>>) src(%dma_wait3A_296 : memref<8x128xf32, #tpu.memory_space<vmem>>) dst(%dma_wait3A_292 : memref<8x128xf32, #tpu.memory_space<hbm>>)
    %dma_wait3A_297 = arith.constant 5 : i32
    %dma_wait3A_298 = arith.constant 197 : i32
    %dma_wait3A_299 = arith.constant 5 : i32
    %dma_wait3A_300 = arith.constant 0 : i32
    %dma_wait3A_301 = arith.constant 0 : i32
    %dma_wait3A_302 = tpu.memref_slice %arg15[%dma_wait3A_297, %dma_wait3A_300, %dma_wait3A_301] : memref<8x8x128xf32, #tpu.memory_space<vmem>> -> memref<1x8x128xf32, #tpu.memory_space<vmem>>
    %dma_wait3A_303 = tpu.memref_squeeze %dma_wait3A_302 : memref<1x8x128xf32, #tpu.memory_space<vmem>> -> memref<8x128xf32, #tpu.memory_space<vmem>>
    %dma_wait3A_304 = arith.constant 0 : i32
    %dma_wait3A_305 = arith.constant 0 : i32
    %dma_wait3A_306 = tpu.memref_slice %arg5[%dma_wait3A_298, %dma_wait3A_299, %add3A, %dma_wait3A_304, %dma_wait3A_305] : memref<200x8x32x8x128xf32, #tpu.memory_space<hbm>> -> memref<1x1x1x8x128xf32, #tpu.memory_space<hbm>>
    %dma_wait3A_307 = tpu.memref_squeeze %dma_wait3A_306 : memref<1x1x1x8x128xf32, #tpu.memory_space<hbm>> -> memref<8x128xf32, #tpu.memory_space<hbm>>
    %dma_wait3A_308 = arith.constant 0 : i32
    %dma_wait3A_309 = arith.constant 0 : i32
    %dma_wait3A_310 = tpu.memref_slice %arg5[%dma_wait3A_298, %dma_wait3A_299, %add3A, %dma_wait3A_308, %dma_wait3A_309] : memref<200x8x32x8x128xf32, #tpu.memory_space<hbm>> -> memref<1x1x1x8x128xf32, #tpu.memory_space<hbm>>
    %dma_wait3A_311 = tpu.memref_squeeze %dma_wait3A_310 : memref<1x1x1x8x128xf32, #tpu.memory_space<hbm>> -> memref<8x128xf32, #tpu.memory_space<hbm>>
    %dma_wait3A_312 = arith.constant 0 : i32
    %dma_wait3A_313 = arith.constant 0 : i32
    %dma_wait3A_314 = tpu.memref_slice %arg15[%dma_wait3A_297, %dma_wait3A_312, %dma_wait3A_313] : memref<8x8x128xf32, #tpu.memory_space<vmem>> -> memref<1x8x128xf32, #tpu.memory_space<vmem>>
    %dma_wait3A_315 = tpu.memref_squeeze %dma_wait3A_314 : memref<1x8x128xf32, #tpu.memory_space<vmem>> -> memref<8x128xf32, #tpu.memory_space<vmem>>
    tpu.wait_dma2 semaphore(%arg28 : memref<!tpu.dma_semaphore, #tpu.memory_space<semaphore_mem>>) src(%dma_wait3A_315 : memref<8x128xf32, #tpu.memory_space<vmem>>) dst(%dma_wait3A_311 : memref<8x128xf32, #tpu.memory_space<hbm>>)
    %dma_wait3A_316 = arith.constant 6 : i32
    %dma_wait3A_317 = arith.constant 197 : i32
    %dma_wait3A_318 = arith.constant 6 : i32
    %dma_wait3A_319 = arith.constant 0 : i32
    %dma_wait3A_320 = arith.constant 0 : i32
    %dma_wait3A_321 = tpu.memref_slice %arg15[%dma_wait3A_316, %dma_wait3A_319, %dma_wait3A_320] : memref<8x8x128xf32, #tpu.memory_space<vmem>> -> memref<1x8x128xf32, #tpu.memory_space<vmem>>
    %dma_wait3A_322 = tpu.memref_squeeze %dma_wait3A_321 : memref<1x8x128xf32, #tpu.memory_space<vmem>> -> memref<8x128xf32, #tpu.memory_space<vmem>>
    %dma_wait3A_323 = arith.constant 0 : i32
    %dma_wait3A_324 = arith.constant 0 : i32
    %dma_wait3A_325 = tpu.memref_slice %arg5[%dma_wait3A_317, %dma_wait3A_318, %add3A, %dma_wait3A_323, %dma_wait3A_324] : memref<200x8x32x8x128xf32, #tpu.memory_space<hbm>> -> memref<1x1x1x8x128xf32, #tpu.memory_space<hbm>>
    %dma_wait3A_326 = tpu.memref_squeeze %dma_wait3A_325 : memref<1x1x1x8x128xf32, #tpu.memory_space<hbm>> -> memref<8x128xf32, #tpu.memory_space<hbm>>
    %dma_wait3A_327 = arith.constant 0 : i32
    %dma_wait3A_328 = arith.constant 0 : i32
    %dma_wait3A_329 = tpu.memref_slice %arg5[%dma_wait3A_317, %dma_wait3A_318, %add3A, %dma_wait3A_327, %dma_wait3A_328] : memref<200x8x32x8x128xf32, #tpu.memory_space<hbm>> -> memref<1x1x1x8x128xf32, #tpu.memory_space<hbm>>
    %dma_wait3A_330 = tpu.memref_squeeze %dma_wait3A_329 : memref<1x1x1x8x128xf32, #tpu.memory_space<hbm>> -> memref<8x128xf32, #tpu.memory_space<hbm>>
    %dma_wait3A_331 = arith.constant 0 : i32
    %dma_wait3A_332 = arith.constant 0 : i32
    %dma_wait3A_333 = tpu.memref_slice %arg15[%dma_wait3A_316, %dma_wait3A_331, %dma_wait3A_332] : memref<8x8x128xf32, #tpu.memory_space<vmem>> -> memref<1x8x128xf32, #tpu.memory_space<vmem>>
    %dma_wait3A_334 = tpu.memref_squeeze %dma_wait3A_333 : memref<1x8x128xf32, #tpu.memory_space<vmem>> -> memref<8x128xf32, #tpu.memory_space<vmem>>
    tpu.wait_dma2 semaphore(%arg28 : memref<!tpu.dma_semaphore, #tpu.memory_space<semaphore_mem>>) src(%dma_wait3A_334 : memref<8x128xf32, #tpu.memory_space<vmem>>) dst(%dma_wait3A_330 : memref<8x128xf32, #tpu.memory_space<hbm>>)
    %dma_wait3A_335 = arith.constant 7 : i32
    %dma_wait3A_336 = arith.constant 197 : i32
    %dma_wait3A_337 = arith.constant 7 : i32
    %dma_wait3A_338 = arith.constant 0 : i32
    %dma_wait3A_339 = arith.constant 0 : i32
    %dma_wait3A_340 = tpu.memref_slice %arg15[%dma_wait3A_335, %dma_wait3A_338, %dma_wait3A_339] : memref<8x8x128xf32, #tpu.memory_space<vmem>> -> memref<1x8x128xf32, #tpu.memory_space<vmem>>
    %dma_wait3A_341 = tpu.memref_squeeze %dma_wait3A_340 : memref<1x8x128xf32, #tpu.memory_space<vmem>> -> memref<8x128xf32, #tpu.memory_space<vmem>>
    %dma_wait3A_342 = arith.constant 0 : i32
    %dma_wait3A_343 = arith.constant 0 : i32
    %dma_wait3A_344 = tpu.memref_slice %arg5[%dma_wait3A_336, %dma_wait3A_337, %add3A, %dma_wait3A_342, %dma_wait3A_343] : memref<200x8x32x8x128xf32, #tpu.memory_space<hbm>> -> memref<1x1x1x8x128xf32, #tpu.memory_space<hbm>>
    %dma_wait3A_345 = tpu.memref_squeeze %dma_wait3A_344 : memref<1x1x1x8x128xf32, #tpu.memory_space<hbm>> -> memref<8x128xf32, #tpu.memory_space<hbm>>
    %dma_wait3A_346 = arith.constant 0 : i32
    %dma_wait3A_347 = arith.constant 0 : i32
    %dma_wait3A_348 = tpu.memref_slice %arg5[%dma_wait3A_336, %dma_wait3A_337, %add3A, %dma_wait3A_346, %dma_wait3A_347] : memref<200x8x32x8x128xf32, #tpu.memory_space<hbm>> -> memref<1x1x1x8x128xf32, #tpu.memory_space<hbm>>
    %dma_wait3A_349 = tpu.memref_squeeze %dma_wait3A_348 : memref<1x1x1x8x128xf32, #tpu.memory_space<hbm>> -> memref<8x128xf32, #tpu.memory_space<hbm>>
    %dma_wait3A_350 = arith.constant 0 : i32
    %dma_wait3A_351 = arith.constant 0 : i32
    %dma_wait3A_352 = tpu.memref_slice %arg15[%dma_wait3A_335, %dma_wait3A_350, %dma_wait3A_351] : memref<8x8x128xf32, #tpu.memory_space<vmem>> -> memref<1x8x128xf32, #tpu.memory_space<vmem>>
    %dma_wait3A_353 = tpu.memref_squeeze %dma_wait3A_352 : memref<1x8x128xf32, #tpu.memory_space<vmem>> -> memref<8x128xf32, #tpu.memory_space<vmem>>
    tpu.wait_dma2 semaphore(%arg28 : memref<!tpu.dma_semaphore, #tpu.memory_space<semaphore_mem>>) src(%dma_wait3A_353 : memref<8x128xf32, #tpu.memory_space<vmem>>) dst(%dma_wait3A_349 : memref<8x128xf32, #tpu.memory_space<hbm>>)
    %dma_wait3A_354 = arith.constant 0 : i32
    %dma_wait3A_355 = arith.constant 198 : i32
    %dma_wait3A_356 = arith.constant 0 : i32
    %dma_wait3A_357 = arith.constant 0 : i32
    %dma_wait3A_358 = arith.constant 0 : i32
    %dma_wait3A_359 = tpu.memref_slice %arg16[%dma_wait3A_354, %dma_wait3A_357, %dma_wait3A_358] : memref<8x8x128xf32, #tpu.memory_space<vmem>> -> memref<1x8x128xf32, #tpu.memory_space<vmem>>
    %dma_wait3A_360 = tpu.memref_squeeze %dma_wait3A_359 : memref<1x8x128xf32, #tpu.memory_space<vmem>> -> memref<8x128xf32, #tpu.memory_space<vmem>>
    %dma_wait3A_361 = arith.constant 0 : i32
    %dma_wait3A_362 = arith.constant 0 : i32
    %dma_wait3A_363 = tpu.memref_slice %arg5[%dma_wait3A_355, %dma_wait3A_356, %add3A, %dma_wait3A_361, %dma_wait3A_362] : memref<200x8x32x8x128xf32, #tpu.memory_space<hbm>> -> memref<1x1x1x8x128xf32, #tpu.memory_space<hbm>>
    %dma_wait3A_364 = tpu.memref_squeeze %dma_wait3A_363 : memref<1x1x1x8x128xf32, #tpu.memory_space<hbm>> -> memref<8x128xf32, #tpu.memory_space<hbm>>
    %dma_wait3A_365 = arith.constant 0 : i32
    %dma_wait3A_366 = arith.constant 0 : i32
    %dma_wait3A_367 = tpu.memref_slice %arg5[%dma_wait3A_355, %dma_wait3A_356, %add3A, %dma_wait3A_365, %dma_wait3A_366] : memref<200x8x32x8x128xf32, #tpu.memory_space<hbm>> -> memref<1x1x1x8x128xf32, #tpu.memory_space<hbm>>
    %dma_wait3A_368 = tpu.memref_squeeze %dma_wait3A_367 : memref<1x1x1x8x128xf32, #tpu.memory_space<hbm>> -> memref<8x128xf32, #tpu.memory_space<hbm>>
    %dma_wait3A_369 = arith.constant 0 : i32
    %dma_wait3A_370 = arith.constant 0 : i32
    %dma_wait3A_371 = tpu.memref_slice %arg16[%dma_wait3A_354, %dma_wait3A_369, %dma_wait3A_370] : memref<8x8x128xf32, #tpu.memory_space<vmem>> -> memref<1x8x128xf32, #tpu.memory_space<vmem>>
    %dma_wait3A_372 = tpu.memref_squeeze %dma_wait3A_371 : memref<1x8x128xf32, #tpu.memory_space<vmem>> -> memref<8x128xf32, #tpu.memory_space<vmem>>
    tpu.wait_dma2 semaphore(%arg29 : memref<!tpu.dma_semaphore, #tpu.memory_space<semaphore_mem>>) src(%dma_wait3A_372 : memref<8x128xf32, #tpu.memory_space<vmem>>) dst(%dma_wait3A_368 : memref<8x128xf32, #tpu.memory_space<hbm>>)
    %dma_wait3A_373 = arith.constant 1 : i32
    %dma_wait3A_374 = arith.constant 198 : i32
    %dma_wait3A_375 = arith.constant 1 : i32
    %dma_wait3A_376 = arith.constant 0 : i32
    %dma_wait3A_377 = arith.constant 0 : i32
    %dma_wait3A_378 = tpu.memref_slice %arg16[%dma_wait3A_373, %dma_wait3A_376, %dma_wait3A_377] : memref<8x8x128xf32, #tpu.memory_space<vmem>> -> memref<1x8x128xf32, #tpu.memory_space<vmem>>
    %dma_wait3A_379 = tpu.memref_squeeze %dma_wait3A_378 : memref<1x8x128xf32, #tpu.memory_space<vmem>> -> memref<8x128xf32, #tpu.memory_space<vmem>>
    %dma_wait3A_380 = arith.constant 0 : i32
    %dma_wait3A_381 = arith.constant 0 : i32
    %dma_wait3A_382 = tpu.memref_slice %arg5[%dma_wait3A_374, %dma_wait3A_375, %add3A, %dma_wait3A_380, %dma_wait3A_381] : memref<200x8x32x8x128xf32, #tpu.memory_space<hbm>> -> memref<1x1x1x8x128xf32, #tpu.memory_space<hbm>>
    %dma_wait3A_383 = tpu.memref_squeeze %dma_wait3A_382 : memref<1x1x1x8x128xf32, #tpu.memory_space<hbm>> -> memref<8x128xf32, #tpu.memory_space<hbm>>
    %dma_wait3A_384 = arith.constant 0 : i32
    %dma_wait3A_385 = arith.constant 0 : i32
    %dma_wait3A_386 = tpu.memref_slice %arg5[%dma_wait3A_374, %dma_wait3A_375, %add3A, %dma_wait3A_384, %dma_wait3A_385] : memref<200x8x32x8x128xf32, #tpu.memory_space<hbm>> -> memref<1x1x1x8x128xf32, #tpu.memory_space<hbm>>
    %dma_wait3A_387 = tpu.memref_squeeze %dma_wait3A_386 : memref<1x1x1x8x128xf32, #tpu.memory_space<hbm>> -> memref<8x128xf32, #tpu.memory_space<hbm>>
    %dma_wait3A_388 = arith.constant 0 : i32
    %dma_wait3A_389 = arith.constant 0 : i32
    %dma_wait3A_390 = tpu.memref_slice %arg16[%dma_wait3A_373, %dma_wait3A_388, %dma_wait3A_389] : memref<8x8x128xf32, #tpu.memory_space<vmem>> -> memref<1x8x128xf32, #tpu.memory_space<vmem>>
    %dma_wait3A_391 = tpu.memref_squeeze %dma_wait3A_390 : memref<1x8x128xf32, #tpu.memory_space<vmem>> -> memref<8x128xf32, #tpu.memory_space<vmem>>
    tpu.wait_dma2 semaphore(%arg29 : memref<!tpu.dma_semaphore, #tpu.memory_space<semaphore_mem>>) src(%dma_wait3A_391 : memref<8x128xf32, #tpu.memory_space<vmem>>) dst(%dma_wait3A_387 : memref<8x128xf32, #tpu.memory_space<hbm>>)
    %dma_wait3A_392 = arith.constant 2 : i32
    %dma_wait3A_393 = arith.constant 198 : i32
    %dma_wait3A_394 = arith.constant 2 : i32
    %dma_wait3A_395 = arith.constant 0 : i32
    %dma_wait3A_396 = arith.constant 0 : i32
    %dma_wait3A_397 = tpu.memref_slice %arg16[%dma_wait3A_392, %dma_wait3A_395, %dma_wait3A_396] : memref<8x8x128xf32, #tpu.memory_space<vmem>> -> memref<1x8x128xf32, #tpu.memory_space<vmem>>
    %dma_wait3A_398 = tpu.memref_squeeze %dma_wait3A_397 : memref<1x8x128xf32, #tpu.memory_space<vmem>> -> memref<8x128xf32, #tpu.memory_space<vmem>>
    %dma_wait3A_399 = arith.constant 0 : i32
    %dma_wait3A_400 = arith.constant 0 : i32
    %dma_wait3A_401 = tpu.memref_slice %arg5[%dma_wait3A_393, %dma_wait3A_394, %add3A, %dma_wait3A_399, %dma_wait3A_400] : memref<200x8x32x8x128xf32, #tpu.memory_space<hbm>> -> memref<1x1x1x8x128xf32, #tpu.memory_space<hbm>>
    %dma_wait3A_402 = tpu.memref_squeeze %dma_wait3A_401 : memref<1x1x1x8x128xf32, #tpu.memory_space<hbm>> -> memref<8x128xf32, #tpu.memory_space<hbm>>
    %dma_wait3A_403 = arith.constant 0 : i32
    %dma_wait3A_404 = arith.constant 0 : i32
    %dma_wait3A_405 = tpu.memref_slice %arg5[%dma_wait3A_393, %dma_wait3A_394, %add3A, %dma_wait3A_403, %dma_wait3A_404] : memref<200x8x32x8x128xf32, #tpu.memory_space<hbm>> -> memref<1x1x1x8x128xf32, #tpu.memory_space<hbm>>
    %dma_wait3A_406 = tpu.memref_squeeze %dma_wait3A_405 : memref<1x1x1x8x128xf32, #tpu.memory_space<hbm>> -> memref<8x128xf32, #tpu.memory_space<hbm>>
    %dma_wait3A_407 = arith.constant 0 : i32
    %dma_wait3A_408 = arith.constant 0 : i32
    %dma_wait3A_409 = tpu.memref_slice %arg16[%dma_wait3A_392, %dma_wait3A_407, %dma_wait3A_408] : memref<8x8x128xf32, #tpu.memory_space<vmem>> -> memref<1x8x128xf32, #tpu.memory_space<vmem>>
    %dma_wait3A_410 = tpu.memref_squeeze %dma_wait3A_409 : memref<1x8x128xf32, #tpu.memory_space<vmem>> -> memref<8x128xf32, #tpu.memory_space<vmem>>
    tpu.wait_dma2 semaphore(%arg29 : memref<!tpu.dma_semaphore, #tpu.memory_space<semaphore_mem>>) src(%dma_wait3A_410 : memref<8x128xf32, #tpu.memory_space<vmem>>) dst(%dma_wait3A_406 : memref<8x128xf32, #tpu.memory_space<hbm>>)
    %dma_wait3A_411 = arith.constant 3 : i32
    %dma_wait3A_412 = arith.constant 198 : i32
    %dma_wait3A_413 = arith.constant 3 : i32
    %dma_wait3A_414 = arith.constant 0 : i32
    %dma_wait3A_415 = arith.constant 0 : i32
    %dma_wait3A_416 = tpu.memref_slice %arg16[%dma_wait3A_411, %dma_wait3A_414, %dma_wait3A_415] : memref<8x8x128xf32, #tpu.memory_space<vmem>> -> memref<1x8x128xf32, #tpu.memory_space<vmem>>
    %dma_wait3A_417 = tpu.memref_squeeze %dma_wait3A_416 : memref<1x8x128xf32, #tpu.memory_space<vmem>> -> memref<8x128xf32, #tpu.memory_space<vmem>>
    %dma_wait3A_418 = arith.constant 0 : i32
    %dma_wait3A_419 = arith.constant 0 : i32
    %dma_wait3A_420 = tpu.memref_slice %arg5[%dma_wait3A_412, %dma_wait3A_413, %add3A, %dma_wait3A_418, %dma_wait3A_419] : memref<200x8x32x8x128xf32, #tpu.memory_space<hbm>> -> memref<1x1x1x8x128xf32, #tpu.memory_space<hbm>>
    %dma_wait3A_421 = tpu.memref_squeeze %dma_wait3A_420 : memref<1x1x1x8x128xf32, #tpu.memory_space<hbm>> -> memref<8x128xf32, #tpu.memory_space<hbm>>
    %dma_wait3A_422 = arith.constant 0 : i32
    %dma_wait3A_423 = arith.constant 0 : i32
    %dma_wait3A_424 = tpu.memref_slice %arg5[%dma_wait3A_412, %dma_wait3A_413, %add3A, %dma_wait3A_422, %dma_wait3A_423] : memref<200x8x32x8x128xf32, #tpu.memory_space<hbm>> -> memref<1x1x1x8x128xf32, #tpu.memory_space<hbm>>
    %dma_wait3A_425 = tpu.memref_squeeze %dma_wait3A_424 : memref<1x1x1x8x128xf32, #tpu.memory_space<hbm>> -> memref<8x128xf32, #tpu.memory_space<hbm>>
    %dma_wait3A_426 = arith.constant 0 : i32
    %dma_wait3A_427 = arith.constant 0 : i32
    %dma_wait3A_428 = tpu.memref_slice %arg16[%dma_wait3A_411, %dma_wait3A_426, %dma_wait3A_427] : memref<8x8x128xf32, #tpu.memory_space<vmem>> -> memref<1x8x128xf32, #tpu.memory_space<vmem>>
    %dma_wait3A_429 = tpu.memref_squeeze %dma_wait3A_428 : memref<1x8x128xf32, #tpu.memory_space<vmem>> -> memref<8x128xf32, #tpu.memory_space<vmem>>
    tpu.wait_dma2 semaphore(%arg29 : memref<!tpu.dma_semaphore, #tpu.memory_space<semaphore_mem>>) src(%dma_wait3A_429 : memref<8x128xf32, #tpu.memory_space<vmem>>) dst(%dma_wait3A_425 : memref<8x128xf32, #tpu.memory_space<hbm>>)
    %dma_wait3A_430 = arith.constant 4 : i32
    %dma_wait3A_431 = arith.constant 198 : i32
    %dma_wait3A_432 = arith.constant 4 : i32
    %dma_wait3A_433 = arith.constant 0 : i32
    %dma_wait3A_434 = arith.constant 0 : i32
    %dma_wait3A_435 = tpu.memref_slice %arg16[%dma_wait3A_430, %dma_wait3A_433, %dma_wait3A_434] : memref<8x8x128xf32, #tpu.memory_space<vmem>> -> memref<1x8x128xf32, #tpu.memory_space<vmem>>
    %dma_wait3A_436 = tpu.memref_squeeze %dma_wait3A_435 : memref<1x8x128xf32, #tpu.memory_space<vmem>> -> memref<8x128xf32, #tpu.memory_space<vmem>>
    %dma_wait3A_437 = arith.constant 0 : i32
    %dma_wait3A_438 = arith.constant 0 : i32
    %dma_wait3A_439 = tpu.memref_slice %arg5[%dma_wait3A_431, %dma_wait3A_432, %add3A, %dma_wait3A_437, %dma_wait3A_438] : memref<200x8x32x8x128xf32, #tpu.memory_space<hbm>> -> memref<1x1x1x8x128xf32, #tpu.memory_space<hbm>>
    %dma_wait3A_440 = tpu.memref_squeeze %dma_wait3A_439 : memref<1x1x1x8x128xf32, #tpu.memory_space<hbm>> -> memref<8x128xf32, #tpu.memory_space<hbm>>
    %dma_wait3A_441 = arith.constant 0 : i32
    %dma_wait3A_442 = arith.constant 0 : i32
    %dma_wait3A_443 = tpu.memref_slice %arg5[%dma_wait3A_431, %dma_wait3A_432, %add3A, %dma_wait3A_441, %dma_wait3A_442] : memref<200x8x32x8x128xf32, #tpu.memory_space<hbm>> -> memref<1x1x1x8x128xf32, #tpu.memory_space<hbm>>
    %dma_wait3A_444 = tpu.memref_squeeze %dma_wait3A_443 : memref<1x1x1x8x128xf32, #tpu.memory_space<hbm>> -> memref<8x128xf32, #tpu.memory_space<hbm>>
    %dma_wait3A_445 = arith.constant 0 : i32
    %dma_wait3A_446 = arith.constant 0 : i32
    %dma_wait3A_447 = tpu.memref_slice %arg16[%dma_wait3A_430, %dma_wait3A_445, %dma_wait3A_446] : memref<8x8x128xf32, #tpu.memory_space<vmem>> -> memref<1x8x128xf32, #tpu.memory_space<vmem>>
    %dma_wait3A_448 = tpu.memref_squeeze %dma_wait3A_447 : memref<1x8x128xf32, #tpu.memory_space<vmem>> -> memref<8x128xf32, #tpu.memory_space<vmem>>
    tpu.wait_dma2 semaphore(%arg29 : memref<!tpu.dma_semaphore, #tpu.memory_space<semaphore_mem>>) src(%dma_wait3A_448 : memref<8x128xf32, #tpu.memory_space<vmem>>) dst(%dma_wait3A_444 : memref<8x128xf32, #tpu.memory_space<hbm>>)
    %dma_wait3A_449 = arith.constant 5 : i32
    %dma_wait3A_450 = arith.constant 198 : i32
    %dma_wait3A_451 = arith.constant 5 : i32
    %dma_wait3A_452 = arith.constant 0 : i32
    %dma_wait3A_453 = arith.constant 0 : i32
    %dma_wait3A_454 = tpu.memref_slice %arg16[%dma_wait3A_449, %dma_wait3A_452, %dma_wait3A_453] : memref<8x8x128xf32, #tpu.memory_space<vmem>> -> memref<1x8x128xf32, #tpu.memory_space<vmem>>
    %dma_wait3A_455 = tpu.memref_squeeze %dma_wait3A_454 : memref<1x8x128xf32, #tpu.memory_space<vmem>> -> memref<8x128xf32, #tpu.memory_space<vmem>>
    %dma_wait3A_456 = arith.constant 0 : i32
    %dma_wait3A_457 = arith.constant 0 : i32
    %dma_wait3A_458 = tpu.memref_slice %arg5[%dma_wait3A_450, %dma_wait3A_451, %add3A, %dma_wait3A_456, %dma_wait3A_457] : memref<200x8x32x8x128xf32, #tpu.memory_space<hbm>> -> memref<1x1x1x8x128xf32, #tpu.memory_space<hbm>>
    %dma_wait3A_459 = tpu.memref_squeeze %dma_wait3A_458 : memref<1x1x1x8x128xf32, #tpu.memory_space<hbm>> -> memref<8x128xf32, #tpu.memory_space<hbm>>
    %dma_wait3A_460 = arith.constant 0 : i32
    %dma_wait3A_461 = arith.constant 0 : i32
    %dma_wait3A_462 = tpu.memref_slice %arg5[%dma_wait3A_450, %dma_wait3A_451, %add3A, %dma_wait3A_460, %dma_wait3A_461] : memref<200x8x32x8x128xf32, #tpu.memory_space<hbm>> -> memref<1x1x1x8x128xf32, #tpu.memory_space<hbm>>
    %dma_wait3A_463 = tpu.memref_squeeze %dma_wait3A_462 : memref<1x1x1x8x128xf32, #tpu.memory_space<hbm>> -> memref<8x128xf32, #tpu.memory_space<hbm>>
    %dma_wait3A_464 = arith.constant 0 : i32
    %dma_wait3A_465 = arith.constant 0 : i32
    %dma_wait3A_466 = tpu.memref_slice %arg16[%dma_wait3A_449, %dma_wait3A_464, %dma_wait3A_465] : memref<8x8x128xf32, #tpu.memory_space<vmem>> -> memref<1x8x128xf32, #tpu.memory_space<vmem>>
    %dma_wait3A_467 = tpu.memref_squeeze %dma_wait3A_466 : memref<1x8x128xf32, #tpu.memory_space<vmem>> -> memref<8x128xf32, #tpu.memory_space<vmem>>
    tpu.wait_dma2 semaphore(%arg29 : memref<!tpu.dma_semaphore, #tpu.memory_space<semaphore_mem>>) src(%dma_wait3A_467 : memref<8x128xf32, #tpu.memory_space<vmem>>) dst(%dma_wait3A_463 : memref<8x128xf32, #tpu.memory_space<hbm>>)
    %dma_wait3A_468 = arith.constant 6 : i32
    %dma_wait3A_469 = arith.constant 198 : i32
    %dma_wait3A_470 = arith.constant 6 : i32
    %dma_wait3A_471 = arith.constant 0 : i32
    %dma_wait3A_472 = arith.constant 0 : i32
    %dma_wait3A_473 = tpu.memref_slice %arg16[%dma_wait3A_468, %dma_wait3A_471, %dma_wait3A_472] : memref<8x8x128xf32, #tpu.memory_space<vmem>> -> memref<1x8x128xf32, #tpu.memory_space<vmem>>
    %dma_wait3A_474 = tpu.memref_squeeze %dma_wait3A_473 : memref<1x8x128xf32, #tpu.memory_space<vmem>> -> memref<8x128xf32, #tpu.memory_space<vmem>>
    %dma_wait3A_475 = arith.constant 0 : i32
    %dma_wait3A_476 = arith.constant 0 : i32
    %dma_wait3A_477 = tpu.memref_slice %arg5[%dma_wait3A_469, %dma_wait3A_470, %add3A, %dma_wait3A_475, %dma_wait3A_476] : memref<200x8x32x8x128xf32, #tpu.memory_space<hbm>> -> memref<1x1x1x8x128xf32, #tpu.memory_space<hbm>>
    %dma_wait3A_478 = tpu.memref_squeeze %dma_wait3A_477 : memref<1x1x1x8x128xf32, #tpu.memory_space<hbm>> -> memref<8x128xf32, #tpu.memory_space<hbm>>
    %dma_wait3A_479 = arith.constant 0 : i32
    %dma_wait3A_480 = arith.constant 0 : i32
    %dma_wait3A_481 = tpu.memref_slice %arg5[%dma_wait3A_469, %dma_wait3A_470, %add3A, %dma_wait3A_479, %dma_wait3A_480] : memref<200x8x32x8x128xf32, #tpu.memory_space<hbm>> -> memref<1x1x1x8x128xf32, #tpu.memory_space<hbm>>
    %dma_wait3A_482 = tpu.memref_squeeze %dma_wait3A_481 : memref<1x1x1x8x128xf32, #tpu.memory_space<hbm>> -> memref<8x128xf32, #tpu.memory_space<hbm>>
    %dma_wait3A_483 = arith.constant 0 : i32
    %dma_wait3A_484 = arith.constant 0 : i32
    %dma_wait3A_485 = tpu.memref_slice %arg16[%dma_wait3A_468, %dma_wait3A_483, %dma_wait3A_484] : memref<8x8x128xf32, #tpu.memory_space<vmem>> -> memref<1x8x128xf32, #tpu.memory_space<vmem>>
    %dma_wait3A_486 = tpu.memref_squeeze %dma_wait3A_485 : memref<1x8x128xf32, #tpu.memory_space<vmem>> -> memref<8x128xf32, #tpu.memory_space<vmem>>
    tpu.wait_dma2 semaphore(%arg29 : memref<!tpu.dma_semaphore, #tpu.memory_space<semaphore_mem>>) src(%dma_wait3A_486 : memref<8x128xf32, #tpu.memory_space<vmem>>) dst(%dma_wait3A_482 : memref<8x128xf32, #tpu.memory_space<hbm>>)
    %dma_wait3A_487 = arith.constant 7 : i32
    %dma_wait3A_488 = arith.constant 198 : i32
    %dma_wait3A_489 = arith.constant 7 : i32
    %dma_wait3A_490 = arith.constant 0 : i32
    %dma_wait3A_491 = arith.constant 0 : i32
    %dma_wait3A_492 = tpu.memref_slice %arg16[%dma_wait3A_487, %dma_wait3A_490, %dma_wait3A_491] : memref<8x8x128xf32, #tpu.memory_space<vmem>> -> memref<1x8x128xf32, #tpu.memory_space<vmem>>
    %dma_wait3A_493 = tpu.memref_squeeze %dma_wait3A_492 : memref<1x8x128xf32, #tpu.memory_space<vmem>> -> memref<8x128xf32, #tpu.memory_space<vmem>>
    %dma_wait3A_494 = arith.constant 0 : i32
    %dma_wait3A_495 = arith.constant 0 : i32
    %dma_wait3A_496 = tpu.memref_slice %arg5[%dma_wait3A_488, %dma_wait3A_489, %add3A, %dma_wait3A_494, %dma_wait3A_495] : memref<200x8x32x8x128xf32, #tpu.memory_space<hbm>> -> memref<1x1x1x8x128xf32, #tpu.memory_space<hbm>>
    %dma_wait3A_497 = tpu.memref_squeeze %dma_wait3A_496 : memref<1x1x1x8x128xf32, #tpu.memory_space<hbm>> -> memref<8x128xf32, #tpu.memory_space<hbm>>
    %dma_wait3A_498 = arith.constant 0 : i32
    %dma_wait3A_499 = arith.constant 0 : i32
    %dma_wait3A_500 = tpu.memref_slice %arg5[%dma_wait3A_488, %dma_wait3A_489, %add3A, %dma_wait3A_498, %dma_wait3A_499] : memref<200x8x32x8x128xf32, #tpu.memory_space<hbm>> -> memref<1x1x1x8x128xf32, #tpu.memory_space<hbm>>
    %dma_wait3A_501 = tpu.memref_squeeze %dma_wait3A_500 : memref<1x1x1x8x128xf32, #tpu.memory_space<hbm>> -> memref<8x128xf32, #tpu.memory_space<hbm>>
    %dma_wait3A_502 = arith.constant 0 : i32
    %dma_wait3A_503 = arith.constant 0 : i32
    %dma_wait3A_504 = tpu.memref_slice %arg16[%dma_wait3A_487, %dma_wait3A_502, %dma_wait3A_503] : memref<8x8x128xf32, #tpu.memory_space<vmem>> -> memref<1x8x128xf32, #tpu.memory_space<vmem>>
    %dma_wait3A_505 = tpu.memref_squeeze %dma_wait3A_504 : memref<1x8x128xf32, #tpu.memory_space<vmem>> -> memref<8x128xf32, #tpu.memory_space<vmem>>
    tpu.wait_dma2 semaphore(%arg29 : memref<!tpu.dma_semaphore, #tpu.memory_space<semaphore_mem>>) src(%dma_wait3A_505 : memref<8x128xf32, #tpu.memory_space<vmem>>) dst(%dma_wait3A_501 : memref<8x128xf32, #tpu.memory_space<hbm>>)
    %dma_wait3A_506 = arith.constant 0 : i32
    %dma_wait3A_507 = arith.constant 199 : i32
    %dma_wait3A_508 = arith.constant 0 : i32
    %dma_wait3A_509 = arith.constant 0 : i32
    %dma_wait3A_510 = arith.constant 0 : i32
    %dma_wait3A_511 = tpu.memref_slice %arg17[%dma_wait3A_506, %dma_wait3A_509, %dma_wait3A_510] : memref<8x8x128xf32, #tpu.memory_space<vmem>> -> memref<1x8x128xf32, #tpu.memory_space<vmem>>
    %dma_wait3A_512 = tpu.memref_squeeze %dma_wait3A_511 : memref<1x8x128xf32, #tpu.memory_space<vmem>> -> memref<8x128xf32, #tpu.memory_space<vmem>>
    %dma_wait3A_513 = arith.constant 0 : i32
    %dma_wait3A_514 = arith.constant 0 : i32
    %dma_wait3A_515 = tpu.memref_slice %arg5[%dma_wait3A_507, %dma_wait3A_508, %add3A, %dma_wait3A_513, %dma_wait3A_514] : memref<200x8x32x8x128xf32, #tpu.memory_space<hbm>> -> memref<1x1x1x8x128xf32, #tpu.memory_space<hbm>>
    %dma_wait3A_516 = tpu.memref_squeeze %dma_wait3A_515 : memref<1x1x1x8x128xf32, #tpu.memory_space<hbm>> -> memref<8x128xf32, #tpu.memory_space<hbm>>
    %dma_wait3A_517 = arith.constant 0 : i32
    %dma_wait3A_518 = arith.constant 0 : i32
    %dma_wait3A_519 = tpu.memref_slice %arg5[%dma_wait3A_507, %dma_wait3A_508, %add3A, %dma_wait3A_517, %dma_wait3A_518] : memref<200x8x32x8x128xf32, #tpu.memory_space<hbm>> -> memref<1x1x1x8x128xf32, #tpu.memory_space<hbm>>
    %dma_wait3A_520 = tpu.memref_squeeze %dma_wait3A_519 : memref<1x1x1x8x128xf32, #tpu.memory_space<hbm>> -> memref<8x128xf32, #tpu.memory_space<hbm>>
    %dma_wait3A_521 = arith.constant 0 : i32
    %dma_wait3A_522 = arith.constant 0 : i32
    %dma_wait3A_523 = tpu.memref_slice %arg17[%dma_wait3A_506, %dma_wait3A_521, %dma_wait3A_522] : memref<8x8x128xf32, #tpu.memory_space<vmem>> -> memref<1x8x128xf32, #tpu.memory_space<vmem>>
    %dma_wait3A_524 = tpu.memref_squeeze %dma_wait3A_523 : memref<1x8x128xf32, #tpu.memory_space<vmem>> -> memref<8x128xf32, #tpu.memory_space<vmem>>
    tpu.wait_dma2 semaphore(%arg30 : memref<!tpu.dma_semaphore, #tpu.memory_space<semaphore_mem>>) src(%dma_wait3A_524 : memref<8x128xf32, #tpu.memory_space<vmem>>) dst(%dma_wait3A_520 : memref<8x128xf32, #tpu.memory_space<hbm>>)
    %dma_wait3A_525 = arith.constant 1 : i32
    %dma_wait3A_526 = arith.constant 199 : i32
    %dma_wait3A_527 = arith.constant 1 : i32
    %dma_wait3A_528 = arith.constant 0 : i32
    %dma_wait3A_529 = arith.constant 0 : i32
    %dma_wait3A_530 = tpu.memref_slice %arg17[%dma_wait3A_525, %dma_wait3A_528, %dma_wait3A_529] : memref<8x8x128xf32, #tpu.memory_space<vmem>> -> memref<1x8x128xf32, #tpu.memory_space<vmem>>
    %dma_wait3A_531 = tpu.memref_squeeze %dma_wait3A_530 : memref<1x8x128xf32, #tpu.memory_space<vmem>> -> memref<8x128xf32, #tpu.memory_space<vmem>>
    %dma_wait3A_532 = arith.constant 0 : i32
    %dma_wait3A_533 = arith.constant 0 : i32
    %dma_wait3A_534 = tpu.memref_slice %arg5[%dma_wait3A_526, %dma_wait3A_527, %add3A, %dma_wait3A_532, %dma_wait3A_533] : memref<200x8x32x8x128xf32, #tpu.memory_space<hbm>> -> memref<1x1x1x8x128xf32, #tpu.memory_space<hbm>>
    %dma_wait3A_535 = tpu.memref_squeeze %dma_wait3A_534 : memref<1x1x1x8x128xf32, #tpu.memory_space<hbm>> -> memref<8x128xf32, #tpu.memory_space<hbm>>
    %dma_wait3A_536 = arith.constant 0 : i32
    %dma_wait3A_537 = arith.constant 0 : i32
    %dma_wait3A_538 = tpu.memref_slice %arg5[%dma_wait3A_526, %dma_wait3A_527, %add3A, %dma_wait3A_536, %dma_wait3A_537] : memref<200x8x32x8x128xf32, #tpu.memory_space<hbm>> -> memref<1x1x1x8x128xf32, #tpu.memory_space<hbm>>
    %dma_wait3A_539 = tpu.memref_squeeze %dma_wait3A_538 : memref<1x1x1x8x128xf32, #tpu.memory_space<hbm>> -> memref<8x128xf32, #tpu.memory_space<hbm>>
    %dma_wait3A_540 = arith.constant 0 : i32
    %dma_wait3A_541 = arith.constant 0 : i32
    %dma_wait3A_542 = tpu.memref_slice %arg17[%dma_wait3A_525, %dma_wait3A_540, %dma_wait3A_541] : memref<8x8x128xf32, #tpu.memory_space<vmem>> -> memref<1x8x128xf32, #tpu.memory_space<vmem>>
    %dma_wait3A_543 = tpu.memref_squeeze %dma_wait3A_542 : memref<1x8x128xf32, #tpu.memory_space<vmem>> -> memref<8x128xf32, #tpu.memory_space<vmem>>
    tpu.wait_dma2 semaphore(%arg30 : memref<!tpu.dma_semaphore, #tpu.memory_space<semaphore_mem>>) src(%dma_wait3A_543 : memref<8x128xf32, #tpu.memory_space<vmem>>) dst(%dma_wait3A_539 : memref<8x128xf32, #tpu.memory_space<hbm>>)
    %dma_wait3A_544 = arith.constant 2 : i32
    %dma_wait3A_545 = arith.constant 199 : i32
    %dma_wait3A_546 = arith.constant 2 : i32
    %dma_wait3A_547 = arith.constant 0 : i32
    %dma_wait3A_548 = arith.constant 0 : i32
    %dma_wait3A_549 = tpu.memref_slice %arg17[%dma_wait3A_544, %dma_wait3A_547, %dma_wait3A_548] : memref<8x8x128xf32, #tpu.memory_space<vmem>> -> memref<1x8x128xf32, #tpu.memory_space<vmem>>
    %dma_wait3A_550 = tpu.memref_squeeze %dma_wait3A_549 : memref<1x8x128xf32, #tpu.memory_space<vmem>> -> memref<8x128xf32, #tpu.memory_space<vmem>>
    %dma_wait3A_551 = arith.constant 0 : i32
    %dma_wait3A_552 = arith.constant 0 : i32
    %dma_wait3A_553 = tpu.memref_slice %arg5[%dma_wait3A_545, %dma_wait3A_546, %add3A, %dma_wait3A_551, %dma_wait3A_552] : memref<200x8x32x8x128xf32, #tpu.memory_space<hbm>> -> memref<1x1x1x8x128xf32, #tpu.memory_space<hbm>>
    %dma_wait3A_554 = tpu.memref_squeeze %dma_wait3A_553 : memref<1x1x1x8x128xf32, #tpu.memory_space<hbm>> -> memref<8x128xf32, #tpu.memory_space<hbm>>
    %dma_wait3A_555 = arith.constant 0 : i32
    %dma_wait3A_556 = arith.constant 0 : i32
    %dma_wait3A_557 = tpu.memref_slice %arg5[%dma_wait3A_545, %dma_wait3A_546, %add3A, %dma_wait3A_555, %dma_wait3A_556] : memref<200x8x32x8x128xf32, #tpu.memory_space<hbm>> -> memref<1x1x1x8x128xf32, #tpu.memory_space<hbm>>
    %dma_wait3A_558 = tpu.memref_squeeze %dma_wait3A_557 : memref<1x1x1x8x128xf32, #tpu.memory_space<hbm>> -> memref<8x128xf32, #tpu.memory_space<hbm>>
    %dma_wait3A_559 = arith.constant 0 : i32
    %dma_wait3A_560 = arith.constant 0 : i32
    %dma_wait3A_561 = tpu.memref_slice %arg17[%dma_wait3A_544, %dma_wait3A_559, %dma_wait3A_560] : memref<8x8x128xf32, #tpu.memory_space<vmem>> -> memref<1x8x128xf32, #tpu.memory_space<vmem>>
    %dma_wait3A_562 = tpu.memref_squeeze %dma_wait3A_561 : memref<1x8x128xf32, #tpu.memory_space<vmem>> -> memref<8x128xf32, #tpu.memory_space<vmem>>
    tpu.wait_dma2 semaphore(%arg30 : memref<!tpu.dma_semaphore, #tpu.memory_space<semaphore_mem>>) src(%dma_wait3A_562 : memref<8x128xf32, #tpu.memory_space<vmem>>) dst(%dma_wait3A_558 : memref<8x128xf32, #tpu.memory_space<hbm>>)
    %dma_wait3A_563 = arith.constant 3 : i32
    %dma_wait3A_564 = arith.constant 199 : i32
    %dma_wait3A_565 = arith.constant 3 : i32
    %dma_wait3A_566 = arith.constant 0 : i32
    %dma_wait3A_567 = arith.constant 0 : i32
    %dma_wait3A_568 = tpu.memref_slice %arg17[%dma_wait3A_563, %dma_wait3A_566, %dma_wait3A_567] : memref<8x8x128xf32, #tpu.memory_space<vmem>> -> memref<1x8x128xf32, #tpu.memory_space<vmem>>
    %dma_wait3A_569 = tpu.memref_squeeze %dma_wait3A_568 : memref<1x8x128xf32, #tpu.memory_space<vmem>> -> memref<8x128xf32, #tpu.memory_space<vmem>>
    %dma_wait3A_570 = arith.constant 0 : i32
    %dma_wait3A_571 = arith.constant 0 : i32
    %dma_wait3A_572 = tpu.memref_slice %arg5[%dma_wait3A_564, %dma_wait3A_565, %add3A, %dma_wait3A_570, %dma_wait3A_571] : memref<200x8x32x8x128xf32, #tpu.memory_space<hbm>> -> memref<1x1x1x8x128xf32, #tpu.memory_space<hbm>>
    %dma_wait3A_573 = tpu.memref_squeeze %dma_wait3A_572 : memref<1x1x1x8x128xf32, #tpu.memory_space<hbm>> -> memref<8x128xf32, #tpu.memory_space<hbm>>
    %dma_wait3A_574 = arith.constant 0 : i32
    %dma_wait3A_575 = arith.constant 0 : i32
    %dma_wait3A_576 = tpu.memref_slice %arg5[%dma_wait3A_564, %dma_wait3A_565, %add3A, %dma_wait3A_574, %dma_wait3A_575] : memref<200x8x32x8x128xf32, #tpu.memory_space<hbm>> -> memref<1x1x1x8x128xf32, #tpu.memory_space<hbm>>
    %dma_wait3A_577 = tpu.memref_squeeze %dma_wait3A_576 : memref<1x1x1x8x128xf32, #tpu.memory_space<hbm>> -> memref<8x128xf32, #tpu.memory_space<hbm>>
    %dma_wait3A_578 = arith.constant 0 : i32
    %dma_wait3A_579 = arith.constant 0 : i32
    %dma_wait3A_580 = tpu.memref_slice %arg17[%dma_wait3A_563, %dma_wait3A_578, %dma_wait3A_579] : memref<8x8x128xf32, #tpu.memory_space<vmem>> -> memref<1x8x128xf32, #tpu.memory_space<vmem>>
    %dma_wait3A_581 = tpu.memref_squeeze %dma_wait3A_580 : memref<1x8x128xf32, #tpu.memory_space<vmem>> -> memref<8x128xf32, #tpu.memory_space<vmem>>
    tpu.wait_dma2 semaphore(%arg30 : memref<!tpu.dma_semaphore, #tpu.memory_space<semaphore_mem>>) src(%dma_wait3A_581 : memref<8x128xf32, #tpu.memory_space<vmem>>) dst(%dma_wait3A_577 : memref<8x128xf32, #tpu.memory_space<hbm>>)
    %dma_wait3A_582 = arith.constant 4 : i32
    %dma_wait3A_583 = arith.constant 199 : i32
    %dma_wait3A_584 = arith.constant 4 : i32
    %dma_wait3A_585 = arith.constant 0 : i32
    %dma_wait3A_586 = arith.constant 0 : i32
    %dma_wait3A_587 = tpu.memref_slice %arg17[%dma_wait3A_582, %dma_wait3A_585, %dma_wait3A_586] : memref<8x8x128xf32, #tpu.memory_space<vmem>> -> memref<1x8x128xf32, #tpu.memory_space<vmem>>
    %dma_wait3A_588 = tpu.memref_squeeze %dma_wait3A_587 : memref<1x8x128xf32, #tpu.memory_space<vmem>> -> memref<8x128xf32, #tpu.memory_space<vmem>>
    %dma_wait3A_589 = arith.constant 0 : i32
    %dma_wait3A_590 = arith.constant 0 : i32
    %dma_wait3A_591 = tpu.memref_slice %arg5[%dma_wait3A_583, %dma_wait3A_584, %add3A, %dma_wait3A_589, %dma_wait3A_590] : memref<200x8x32x8x128xf32, #tpu.memory_space<hbm>> -> memref<1x1x1x8x128xf32, #tpu.memory_space<hbm>>
    %dma_wait3A_592 = tpu.memref_squeeze %dma_wait3A_591 : memref<1x1x1x8x128xf32, #tpu.memory_space<hbm>> -> memref<8x128xf32, #tpu.memory_space<hbm>>
    %dma_wait3A_593 = arith.constant 0 : i32
    %dma_wait3A_594 = arith.constant 0 : i32
    %dma_wait3A_595 = tpu.memref_slice %arg5[%dma_wait3A_583, %dma_wait3A_584, %add3A, %dma_wait3A_593, %dma_wait3A_594] : memref<200x8x32x8x128xf32, #tpu.memory_space<hbm>> -> memref<1x1x1x8x128xf32, #tpu.memory_space<hbm>>
    %dma_wait3A_596 = tpu.memref_squeeze %dma_wait3A_595 : memref<1x1x1x8x128xf32, #tpu.memory_space<hbm>> -> memref<8x128xf32, #tpu.memory_space<hbm>>
    %dma_wait3A_597 = arith.constant 0 : i32
    %dma_wait3A_598 = arith.constant 0 : i32
    %dma_wait3A_599 = tpu.memref_slice %arg17[%dma_wait3A_582, %dma_wait3A_597, %dma_wait3A_598] : memref<8x8x128xf32, #tpu.memory_space<vmem>> -> memref<1x8x128xf32, #tpu.memory_space<vmem>>
    %dma_wait3A_600 = tpu.memref_squeeze %dma_wait3A_599 : memref<1x8x128xf32, #tpu.memory_space<vmem>> -> memref<8x128xf32, #tpu.memory_space<vmem>>
    tpu.wait_dma2 semaphore(%arg30 : memref<!tpu.dma_semaphore, #tpu.memory_space<semaphore_mem>>) src(%dma_wait3A_600 : memref<8x128xf32, #tpu.memory_space<vmem>>) dst(%dma_wait3A_596 : memref<8x128xf32, #tpu.memory_space<hbm>>)
    %dma_wait3A_601 = arith.constant 5 : i32
    %dma_wait3A_602 = arith.constant 199 : i32
    %dma_wait3A_603 = arith.constant 5 : i32
    %dma_wait3A_604 = arith.constant 0 : i32
    %dma_wait3A_605 = arith.constant 0 : i32
    %dma_wait3A_606 = tpu.memref_slice %arg17[%dma_wait3A_601, %dma_wait3A_604, %dma_wait3A_605] : memref<8x8x128xf32, #tpu.memory_space<vmem>> -> memref<1x8x128xf32, #tpu.memory_space<vmem>>
    %dma_wait3A_607 = tpu.memref_squeeze %dma_wait3A_606 : memref<1x8x128xf32, #tpu.memory_space<vmem>> -> memref<8x128xf32, #tpu.memory_space<vmem>>
    %dma_wait3A_608 = arith.constant 0 : i32
    %dma_wait3A_609 = arith.constant 0 : i32
    %dma_wait3A_610 = tpu.memref_slice %arg5[%dma_wait3A_602, %dma_wait3A_603, %add3A, %dma_wait3A_608, %dma_wait3A_609] : memref<200x8x32x8x128xf32, #tpu.memory_space<hbm>> -> memref<1x1x1x8x128xf32, #tpu.memory_space<hbm>>
    %dma_wait3A_611 = tpu.memref_squeeze %dma_wait3A_610 : memref<1x1x1x8x128xf32, #tpu.memory_space<hbm>> -> memref<8x128xf32, #tpu.memory_space<hbm>>
    %dma_wait3A_612 = arith.constant 0 : i32
    %dma_wait3A_613 = arith.constant 0 : i32
    %dma_wait3A_614 = tpu.memref_slice %arg5[%dma_wait3A_602, %dma_wait3A_603, %add3A, %dma_wait3A_612, %dma_wait3A_613] : memref<200x8x32x8x128xf32, #tpu.memory_space<hbm>> -> memref<1x1x1x8x128xf32, #tpu.memory_space<hbm>>
    %dma_wait3A_615 = tpu.memref_squeeze %dma_wait3A_614 : memref<1x1x1x8x128xf32, #tpu.memory_space<hbm>> -> memref<8x128xf32, #tpu.memory_space<hbm>>
    %dma_wait3A_616 = arith.constant 0 : i32
    %dma_wait3A_617 = arith.constant 0 : i32
    %dma_wait3A_618 = tpu.memref_slice %arg17[%dma_wait3A_601, %dma_wait3A_616, %dma_wait3A_617] : memref<8x8x128xf32, #tpu.memory_space<vmem>> -> memref<1x8x128xf32, #tpu.memory_space<vmem>>
    %dma_wait3A_619 = tpu.memref_squeeze %dma_wait3A_618 : memref<1x8x128xf32, #tpu.memory_space<vmem>> -> memref<8x128xf32, #tpu.memory_space<vmem>>
    tpu.wait_dma2 semaphore(%arg30 : memref<!tpu.dma_semaphore, #tpu.memory_space<semaphore_mem>>) src(%dma_wait3A_619 : memref<8x128xf32, #tpu.memory_space<vmem>>) dst(%dma_wait3A_615 : memref<8x128xf32, #tpu.memory_space<hbm>>)
    %dma_wait3A_620 = arith.constant 6 : i32
    %dma_wait3A_621 = arith.constant 199 : i32
    %dma_wait3A_622 = arith.constant 6 : i32
    %dma_wait3A_623 = arith.constant 0 : i32
    %dma_wait3A_624 = arith.constant 0 : i32
    %dma_wait3A_625 = tpu.memref_slice %arg17[%dma_wait3A_620, %dma_wait3A_623, %dma_wait3A_624] : memref<8x8x128xf32, #tpu.memory_space<vmem>> -> memref<1x8x128xf32, #tpu.memory_space<vmem>>
    %dma_wait3A_626 = tpu.memref_squeeze %dma_wait3A_625 : memref<1x8x128xf32, #tpu.memory_space<vmem>> -> memref<8x128xf32, #tpu.memory_space<vmem>>
    %dma_wait3A_627 = arith.constant 0 : i32
    %dma_wait3A_628 = arith.constant 0 : i32
    %dma_wait3A_629 = tpu.memref_slice %arg5[%dma_wait3A_621, %dma_wait3A_622, %add3A, %dma_wait3A_627, %dma_wait3A_628] : memref<200x8x32x8x128xf32, #tpu.memory_space<hbm>> -> memref<1x1x1x8x128xf32, #tpu.memory_space<hbm>>
    %dma_wait3A_630 = tpu.memref_squeeze %dma_wait3A_629 : memref<1x1x1x8x128xf32, #tpu.memory_space<hbm>> -> memref<8x128xf32, #tpu.memory_space<hbm>>
    %dma_wait3A_631 = arith.constant 0 : i32
    %dma_wait3A_632 = arith.constant 0 : i32
    %dma_wait3A_633 = tpu.memref_slice %arg5[%dma_wait3A_621, %dma_wait3A_622, %add3A, %dma_wait3A_631, %dma_wait3A_632] : memref<200x8x32x8x128xf32, #tpu.memory_space<hbm>> -> memref<1x1x1x8x128xf32, #tpu.memory_space<hbm>>
    %dma_wait3A_634 = tpu.memref_squeeze %dma_wait3A_633 : memref<1x1x1x8x128xf32, #tpu.memory_space<hbm>> -> memref<8x128xf32, #tpu.memory_space<hbm>>
    %dma_wait3A_635 = arith.constant 0 : i32
    %dma_wait3A_636 = arith.constant 0 : i32
    %dma_wait3A_637 = tpu.memref_slice %arg17[%dma_wait3A_620, %dma_wait3A_635, %dma_wait3A_636] : memref<8x8x128xf32, #tpu.memory_space<vmem>> -> memref<1x8x128xf32, #tpu.memory_space<vmem>>
    %dma_wait3A_638 = tpu.memref_squeeze %dma_wait3A_637 : memref<1x8x128xf32, #tpu.memory_space<vmem>> -> memref<8x128xf32, #tpu.memory_space<vmem>>
    tpu.wait_dma2 semaphore(%arg30 : memref<!tpu.dma_semaphore, #tpu.memory_space<semaphore_mem>>) src(%dma_wait3A_638 : memref<8x128xf32, #tpu.memory_space<vmem>>) dst(%dma_wait3A_634 : memref<8x128xf32, #tpu.memory_space<hbm>>)
    %dma_wait3A_639 = arith.constant 7 : i32
    %dma_wait3A_640 = arith.constant 199 : i32
    %dma_wait3A_641 = arith.constant 7 : i32
    %dma_wait3A_642 = arith.constant 0 : i32
    %dma_wait3A_643 = arith.constant 0 : i32
    %dma_wait3A_644 = tpu.memref_slice %arg17[%dma_wait3A_639, %dma_wait3A_642, %dma_wait3A_643] : memref<8x8x128xf32, #tpu.memory_space<vmem>> -> memref<1x8x128xf32, #tpu.memory_space<vmem>>
    %dma_wait3A_645 = tpu.memref_squeeze %dma_wait3A_644 : memref<1x8x128xf32, #tpu.memory_space<vmem>> -> memref<8x128xf32, #tpu.memory_space<vmem>>
    %dma_wait3A_646 = arith.constant 0 : i32
    %dma_wait3A_647 = arith.constant 0 : i32
    %dma_wait3A_648 = tpu.memref_slice %arg5[%dma_wait3A_640, %dma_wait3A_641, %add3A, %dma_wait3A_646, %dma_wait3A_647] : memref<200x8x32x8x128xf32, #tpu.memory_space<hbm>> -> memref<1x1x1x8x128xf32, #tpu.memory_space<hbm>>
    %dma_wait3A_649 = tpu.memref_squeeze %dma_wait3A_648 : memref<1x1x1x8x128xf32, #tpu.memory_space<hbm>> -> memref<8x128xf32, #tpu.memory_space<hbm>>
    %dma_wait3A_650 = arith.constant 0 : i32
    %dma_wait3A_651 = arith.constant 0 : i32
    %dma_wait3A_652 = tpu.memref_slice %arg5[%dma_wait3A_640, %dma_wait3A_641, %add3A, %dma_wait3A_650, %dma_wait3A_651] : memref<200x8x32x8x128xf32, #tpu.memory_space<hbm>> -> memref<1x1x1x8x128xf32, #tpu.memory_space<hbm>>
    %dma_wait3A_653 = tpu.memref_squeeze %dma_wait3A_652 : memref<1x1x1x8x128xf32, #tpu.memory_space<hbm>> -> memref<8x128xf32, #tpu.memory_space<hbm>>
    %dma_wait3A_654 = arith.constant 0 : i32
    %dma_wait3A_655 = arith.constant 0 : i32
    %dma_wait3A_656 = tpu.memref_slice %arg17[%dma_wait3A_639, %dma_wait3A_654, %dma_wait3A_655] : memref<8x8x128xf32, #tpu.memory_space<vmem>> -> memref<1x8x128xf32, #tpu.memory_space<vmem>>
    %dma_wait3A_657 = tpu.memref_squeeze %dma_wait3A_656 : memref<1x8x128xf32, #tpu.memory_space<vmem>> -> memref<8x128xf32, #tpu.memory_space<vmem>>
    tpu.wait_dma2 semaphore(%arg30 : memref<!tpu.dma_semaphore, #tpu.memory_space<semaphore_mem>>) src(%dma_wait3A_657 : memref<8x128xf32, #tpu.memory_space<vmem>>) dst(%dma_wait3A_653 : memref<8x128xf32, #tpu.memory_space<hbm>>)
    return
  }
}

</mosaic_0001>

<sc_bundles>
// kernel: kernel.3.cloned.1.call-start
scs
__scs_entry_jumppad:
0x0: {  	(pc) =	sbr.rel $0x88, $3  }
0x1: {  	(tag) =	ssettag $0x0;
	lr =	simm.s32 $0x1  }
0x2: {  	[smem:$0x3F9E] =	sst lr;
	_ =	strace $0xD0000000  }
0x3: {  	_ = 	snop  }
0x4: {  	_ = 	snop  }
0x5: {  	_ = 	snop  }
0x6: {  	_ = 	snop  }
0x7: {  	_ = 	snop  }
__scs_overlays_trampoline_lowered:
0x8: {  	[smem:$0x3FAD] =	sst s0  }
0x9: {  	[smem:$0x3FAE] =	sst s1  }
0xa: {  	[smem:$0x3FAF] =	sst s2  }
0xb: {  	[smem:$0x3FB0] =	sst s3  }
0xc: {  	[smem:$0x3FB1] =	sst s4  }
0xd: {  	[smem:$0x3FB2] =	sst s5  }
0xe: {  	[smem:$0x3FB3] =	sst s6  }
0xf: {  	[smem:$0x3FB4] =	sst s7  }
0x10: {  	[smem:$0x3FB5] =	sst s8  }
0x11: {  	[smem:$0x3FB6] =	sst s9;
	s0 =	simm.s32 @!p0 $0x0  }
0x12: {  	s1 =	sld [smem:$0x3F9C];
	s0 =	simm.s32 @p0 $0x1  }
0x13: {  	[smem:$0x3FB7] =	sst s0;
	s0 =	simm.s32 @!p1 $0x0  }
0x14: {  	s2 =	sld [smem:$0x3F9B];
	s0 =	simm.s32 @p1 $0x1  }
0x15: {  	[smem:$0x3FB8] =	sst s0;
	s0 =	simm.s32 @!p2 $0x0  }
0x16: {  	s3 =	sld [smem:$0x3FDB];
	s0 =	simm.s32 @p2 $0x1  }
0x17: {  	s4 =	simm.s32 $0x1BF5;
	[smem:$0x3FBA] =	sst s0  }
0x18: {  	s0 =	sld [smem:$0x3F9D];
	_ =	swait.ge [sflag:s4], $0x0  }
0x19: {  	s7 =	sld [smem:$0x3F9E]  }
0x1a: {  	s8 =	sadd.s32 $0xFFFFE003, lr  }
0x1b: {  	s9 =	sadd.s32 $0xFFFFFEF7, lr;
	s5 =	simm.s32 $0xFFFFFFFF;
	p2 =	slt.u32 s8, $0xFFFFF086  }
0x1c: {  	p1 =	slt.u32 s9, $0xF7A;
	s5 =	simm.s32 @!p2 $0x0  }
0x1d: {  	s5 =	simm.s32 @p1 $0x1;
	p0 =	seq.s32 s7, s2  }
0x1e: {  	s7 =	smul.u32 @!p0 $0xF7A, s2;
	p2 =	seq.s32 @!p0 s5, $0x0  }
0x1f: {  	s9 =	smul.u32 $0xF7A, s1;
	s8 =	simm.s32 @!p0 $0x1BF5;
	p2 =	por !p2, p0  }
0x20: {  	[sflag:s8] =	ssyncset.s32 @!p0 $0xFFFFF086;
	s6 =	sadd.s32 @!p0 s3, s7;
	s7 =	simm.s32 @!p0 $0x108  }
0x21: {  	s3 =	sadd.s32 s3, s9;
	s6 =	sadd.s32 @!p0 $0x88, s6;
	s7 =	simm.s32 @p2 $0x1082  }
0x22: {  	[simem:s7], [sflag:s8] =	dma.local @!p0 [hbm:s6], $0xF7A  }
0x23: {  	s9 =	sor.u32 $0xD0000000, s2;
	s6 =	simm.s32 $0x108;
	_ =	swait.ge @!p0 [sflag:s8], $0x0  }
0x24: {  	s3 =	sadd.s32 $0x88, s3;
	s6 =	simm.s32 @!p1 $0x1082;
	[sflag:s4] =	ssyncset.s32 $0xFFFFF086  }
0x25: {  	[simem:s6], [sflag:s4] =	dma.local [hbm:s3], $0xF7A  }
0x26: {  	[smem:$0x3F9E] =	sst s1;
	(tag) =	ssettag s2;
	_ =	strace s9  }
0x27: {  	s1 =	sld [smem:$0x3FAE]  }
0x28: {  	s2 =	sld [smem:$0x3FAF]  }
0x29: {  	s4 =	sld [smem:$0x3FB1]  }
0x2a: {  	p0 =	seq.s32 s5, $0x0;
	s5 =	sld [smem:$0x3FB2]  }
0x2b: {  	s6 =	sld [smem:$0x3FB3]  }
0x2c: {  	s7 =	sld [smem:$0x3FB4]  }
0x2d: {  	s3 =	simm.s32 $0x108;
	s8 =	sld [smem:$0x3FB5]  }
0x2e: {  	s3 =	simm.s32 @!p0 $0x1082;
	s9 =	sld [smem:$0x3FB6]  }
0x2f: {  	lr =	sadd.s32 s0, s3;
	s0 =	sld [smem:$0x3FAD]  }
0x30: {  	s3 =	sld [smem:$0x3FB0]  }
0x31: {  	[smem:$0x3FB9] =	sst s10  }
0x32: {  	s10 =	sld [smem:$0x3FB7];
	_ =	sdelay $0x3  }
0x33: {  	p0 =	seq.s32 s10, $0x1;
	s10 =	sld [smem:$0x3FB9];
	_ =	sdelay $0x3  }
0x34: {  	[smem:$0x3FB9] =	sst s10  }
0x35: {  	s10 =	sld [smem:$0x3FB8];
	_ =	sdelay $0x3  }
0x36: {  	p1 =	seq.s32 s10, $0x1;
	s10 =	sld [smem:$0x3FB9];
	_ =	sdelay $0x3  }
0x37: {  	[smem:$0x3FB9] =	sst s10  }
0x38: {  	s10 =	sld [smem:$0x3FBA]  }
0x39: {  	_ = 	snop;
	(pc) =	sbr.ind lr, $3  }
0x3a: {  	_ = 	snop  }
0x3b: {  	_ = 	snop  }
0x3c: {  	p2 =	seq.s32 s10, $0x1;
	s10 =	sld [smem:$0x3FB9]  }
0x3d: {  	_ =	shalt  }
0x3e: {  	_ =	shalt  }
0x3f: {  	_ =	shalt  }
0x40: {  	_ =	shalt  }
0x41: {  	_ =	shalt  }
0x42: {  	_ =	shalt  }
0x43: {  	_ =	shalt  }
0x44: {  	_ =	shalt  }
0x45: {  	_ =	shalt  }
0x46: {  	_ =	shalt  }
0x47: {  	_ =	shalt  }
0x48: {  	_ =	shalt  }
0x49: {  	_ =	shalt  }
0x4a: {  	_ =	shalt  }
0x4b: {  	_ =	shalt  }
0x4c: {  	_ =	shalt  }
0x4d: {  	_ =	shalt  }
0x4e: {  	_ =	shalt  }
0x4f: {  	_ =	shalt  }
0x50: {  	_ =	shalt  }
0x51: {  	_ =	shalt  }
0x52: {  	_ =	shalt  }
0x53: {  	_ =	shalt  }
0x54: {  	_ =	shalt  }
0x55: {  	_ =	shalt  }
0x56: {  	_ =	shalt  }
0x57: {  	_ =	shalt  }
0x58: {  	_ =	shalt  }
0x59: {  	_ =	shalt  }
0x5a: {  	_ =	shalt  }
0x5b: {  	_ =	shalt  }
0x5c: {  	_ =	shalt  }
0x5d: {  	_ =	shalt  }
0x5e: {  	_ =	shalt  }
0x5f: {  	_ =	shalt  }
0x60: {  	_ =	shalt  }
0x61: {  	_ =	shalt  }
0x62: {  	_ =	shalt  }
0x63: {  	_ =	shalt  }
0x64: {  	_ =	shalt  }
0x65: {  	_ =	shalt  }
0x66: {  	_ =	shalt  }
0x67: {  	_ =	shalt  }
0x68: {  	_ =	shalt  }
0x69: {  	_ =	shalt  }
0x6a: {  	_ =	shalt  }
0x6b: {  	_ =	shalt  }
0x6c: {  	_ =	shalt  }
0x6d: {  	_ =	shalt  }
0x6e: {  	_ =	shalt  }
0x6f: {  	_ =	shalt  }
0x70: {  	_ =	shalt  }
0x71: {  	_ =	shalt  }
0x72: {  	_ =	shalt  }
0x73: {  	_ =	shalt  }
0x74: {  	_ =	shalt  }
0x75: {  	_ =	shalt  }
0x76: {  	_ =	shalt  }
0x77: {  	_ =	shalt  }
0x78: {  	_ =	shalt  }
0x79: {  	_ =	shalt  }
0x7a: {  	_ =	shalt  }
0x7b: {  	_ =	shalt  }
0x7c: {  	_ =	shalt  }
0x7d: {  	_ =	shalt  }
0x7e: {  	_ =	shalt  }
0x7f: {  	_ =	shalt  }
0x80: {  	_ =	shalt  }
0x81: {  	_ =	shalt  }
0x82: {  	_ =	shalt  }
0x83: {  	_ =	shalt  }
0x84: {  	_ =	shalt  }
0x85: {  	_ =	shalt  }
0x86: {  	_ =	shalt  }
0x87: {  	_ =	shalt  }
.Lfunc_end0:
.L_simem_size_0:
called_computation_lowered:
.L_overlay_start_0:
0x88: {  	s2 =	sld [smem:$0x3FD9]  }
0x89: {  	s3 =	sld [smem:$0x3FFE];
	_ =	sdelay $0x1  }
0x8a: {  	s1 =	srdreg.scid  }
0x8b: {  	s0 =	sand.u32 $0x1, s1  }
0x8c: {  	s17 =	sshll.u32 s0, $0xA;
	s2 =	sadd.s32 s3, s2  }
0x8d: {  	s2 =	sadd.s32 s2, s17  }
0x8e: {  	[smem:$0x3FC5] =	sst s2  }
0x8f: {  	_ = 	snop  }
0x90: {  	s2 =	sld [smem:$0x3FC9]  }
0x91: {  	s18 =	sld [smem:$0x3FD0];
	(tm) =	ssettm $0x1  }
0x92: {  	s4 =	sld [smem:$0x3FFB];
	_ =	sdelay $0x3  }
0x93: {  	_ =	strace s4  }
0x94: {  	s4 =	sld [smem:$0x3FFC];
	_ =	sdelay $0x3  }
0x95: {  	_ =	strace s4  }
0x96: {  	s4 =	sld [smem:$0x3FFD];
	_ =	sdelay $0x3  }
0x97: {  	_ =	strace s4  }
0x98: {  	_ =	strace $0x8FFFFFFF  }
0x99: {  	s19 =	sld [smem:$0x3FDB];
	_ =	sdelay $0x1  }
0x9a: {  	s5 =	simm.s32 $_scs_section_size  }
0x9b: {  	s6 =	simm.s32 $_size__tile_overlayer_lowered;
	s7 =	simm.s32 $_tile_overlayer_lowered  }
0x9c: {  	s22 =	simm.s32 $0x1BFF;
	s21 =	sshll.u32 s7, $0x1;
	s4 =	sadd.s32 s5, s19  }
0x9d: {  	s8 =	simm.s32 $0x0;
	s20 =	sshll.u32 s6, $0x1;
	s6 =	sadd.s32 s21, s4  }
0x9e: {  	[timem:s8], [sflag:s22] =	dma.local [hbm:s6], s20  }
0x9f: {  	_ =	swait.ge [sflag:s22], s20  }
0xa0: {  	s5 =	ssub.s32 $0x0, s20;
	[sflag:s22] =	ssyncset.done $0x0  }
0xa1: {  	[sflag:s22] =	ssyncadd.s32 s5;
	_ =	sdelay $0x1  }
0xa2: {  	s23 =	simm.s32 $0x1B8B  }
0xa3: {  	_ =	swait.ge [sflag:s23], $0x1  }
0xa4: {  	[sflag:s23] =	ssyncset.done $0x0  }
0xa5: {  	s25 =	simm.s32 $0x1B8E;
	s24 =	sld [smem:$0x3FFE];
	[sflag:s23] =	ssyncadd.s32 $0xFFFFFFFF  }
0xa6: {  	s26 =	simm.s32 $execute0_lowered;
	[smem:$0x3FD2] =	sst s25  }
0xa7: {  	s6 =	sshll.u32 s26, $0x1;
	_ =	strace $0x80000046;
	[dreg:$0x1] =	wrdreg $0xFFFFFFFF  }
0xa8: {  	s28 =	simm.s32 $_size_execute0_lowered;
	s4 =	sadd.s32 s4, s6;
	[dreg:$0x0] =	wrdreg $0x0  }
0xa9: {  	s6 =	sshll.u32 s28, $0x1;
	[dreg:$0x2] =	wrdreg s4  }
0xaa: {  	[dreg:$0x3] =	wrdreg s6  }
0xab: {  	[dreg:$0x4] =	wrdreg $0xC0  }
0xac: {  	_ =	task [dreg:s8], $0x5FFFF  }
0xad: {  	[dreg:$0x1] =	wrdreg $0xFFFFFFFF  }
0xae: {  	[dreg:$0x0] =	wrdreg $0x60  }
0xaf: {  	[dreg:$0x2] =	wrdreg s2  }
0xb0: {  	[dreg:$0x3] =	wrdreg s24  }
0xb1: {  	[dreg:$0x4] =	wrdreg s18  }
0xb2: {  	[dreg:$0x5] =	wrdreg $0x9  }
0xb3: {  	_ =	task.clear_ibuf [dreg:s8], $0x6FFFF;
	_ =	strace $0x90000046  }
0xb4: {  	s29 =	simm.s32 $0x9;
	_ =	strace $0x80000048  }
0xb5: {  	_ =	swait.ge [sflag:s29], $0x1  }
0xb6: {  	[sflag:s29] =	ssyncadd.s32 $0xFFFFFFFF  }
0xb7: {  	_ =	strace $0x90000048  }
0xb8: {  	_ =	sfence  }
0xb9: {  	s30 =	sld [smem:$0x0];
	_ =	sdelay $0x2  }
0xba: {  	s31 =	sshll.u32 s1, $0xD;
	s1 =	sshrl.u32 s1, $0x2  }
0xbb: {  	s3 =	sand.u32 $0x4000, s31;
	s1 =	sadd.s32 s1, s30  }
0xbc: {  	s0 =	sor.u32 s3, s0;
	s1 =	sshll.u32 s1, $0x11  }
0xbd: {  	s0 =	sor.u32 s1, s0  }
0xbe: {  	s0 =	sadd.s32 $0x8F2B, s0  }
0xbf: {  	[sflag:s0] =	ssyncadd.remote.s32 $0x1  }
0xc0: {  	_ =	sfence.sel $0xFFFF  }
0xc1: {  	[dreg:$0x0] =	wrdreg $0xFFFFFFFF;
	(pc) =	sbr.abs _section_cstart, $3  }
0xc2: {  	[dreg:$0x1] =	wrdreg $0xFFFFFFFF  }
0xc3: {  	_ =	task.clear_ibuf [dreg:s8], $0x2FFFF;
	_ =	strace $0x9FFFFFFF  }
0xc4: {  	(tm) =	ssettm $0x7FFFFFFF  }
0xc5: {  	_ =	shalt  }
tec
execute0_lowered:
.L_overlay_start_1:
0x0: {  	(tag) =	ssettag $0x1  }
0x1: {  	s6 =	rddreg [dreg:$0x0]  }
0x2: {  	s0 =	rddreg [dreg:$0x1]  }
0x3: {  	s31 =	rddreg [dreg:$0x2];
	s1 =	srdreg.scid;
	s4 =	simm.s32 $0x0  }
0x4: {  	s2 =	stileid.u32;
	[smem:$0x7FF] =	sst s4;
	s18 =	sadd.s32 $0xF42A00, s0  }
0x5: {  	s0 =	sadd.s32 $0x600, s0;
	_ =	strace $0x80000047;
	[dreg:$0x4] =	wrdreg s18  }
0x6: {  	s17 =	simm.s32 $0x180;
	s23 =	sadd.s32 $0x2000, s31;
	[dreg:$0x6] =	wrdreg s0  }
0x7: {  	s30 =	simm.s32 $0x4200;
	s24 =	sadd.s32 $0x3000, s31;
	[dreg:$0x9] =	wrdreg s23  }
0x8: {  	s9 =	simm.s32 $0xC;
	s25 =	sadd.s32 $0x4000, s31;
	[dreg:$0xa] =	wrdreg s24  }
0x9: {  	s1 =	sand.u32 $0x1, s1;
	s26 =	sadd.s32 $0x5000, s31;
	[dreg:$0xb] =	wrdreg s25  }
0xa: {  	s2 =	sshll.u32 s2, $0xB;
	s28 =	sadd.s32 $0x6000, s31;
	[dreg:$0xc] =	wrdreg s26  }
0xb: {  	s29 =	sadd.s32 $0x7000, s31;
	s3 =	sshll.u32 s1, $0xA;
	[dreg:$0xd] =	wrdreg s28  }
0xc: {  	s1 =	ssub.s32 $0x2, s1;
	[dreg:$0xe] =	wrdreg s29;
	s5 =	sor.u32 s3, s2  }
0xd: {  	v0 =	vlaneseq.u32;
	s24 =	simm.s32 $0x200;
	s19 =	sshrl.u32 s1, $0x1;
	s2 =	sshrl.u32 s5, $0x3  }
0xe: {  	v0 =	vmul.u32 $0x40, v0;
	s26 =	simm.s32 $0x2200;
	s20 =	ssub.s32 s1, s19;
	s2 =	sadd.s32 s6, s2  }
0xf: {  	s19 =	simm.s32 $0x10200;
	s0 =	smax.u32 s20, $0x1;
	[dreg:$0x5] =	wrdreg s2  }
0x10: {  	v1 =	vor.u32 $0x400, v0;
	s1 =	simm.s32 $0x0;
	s21 =	sadd.s32 $0x10, s2;
	[dreg:$0xf] =	wrdreg s0  }
0x11: {  	v2 =	vor.u32 $0x800, v0;
	v3 =	vor.u32 $0xC00, v0;
	v4 =	vor.u32 $0x1000, v0;
	s20 =	simm.s32 $0xB;
	s22 =	sadd.s32 $0x20, s2;
	[dreg:$0x7] =	wrdreg s21  }
0x12: {  	v5 =	vor.u32 $0x1400, v0;
	v6 =	vor.u32 $0x1800, v0;
	v7 =	vor.u32 $0x1C00, v0;
	s2 =	simm.s32 $0x6200;
	[dreg:$0x8] =	wrdreg s22;
	s22 =	sadd.s32 $0x1000, s31  }
.LBB2_1:
0x13: {  	[dreg:$0x10] =	wrdreg s1  }
0x14: {  	s0 =	rddreg [dreg:$0x6];
	s15 =	simm.s32 $0xD  }
0x15: {  	[tilespmem:s19], [sflag:$0xD] =	stream.linear.gather [hbm4b:s0+s4], $0x3200, $0x38;
	[tilespmem:$0x13400] =	vst v63  }
0x16: {  	_ =	swait.ge [sflag:s15], $0x3200  }
0x17: {  	[sflag:s15] =	ssyncset.done $0x0  }
0x18: {  	s16 =	rddreg [dreg:$0x5];
	[sflag:s15] =	ssyncadd.s32 $0xFFFFCE00  }
0x19: {  	[tilespmem:s4], [sflag:$0x1] =	stream.linear.gather [hbm4b:s16+s4], $0x80, $0x38;
	[tilespmem:$0x13400] =	vst v63  }
0x1a: {  	s21 =	simm.s32 $0x80;
	s18 =	rddreg [dreg:$0x7]  }
0x1b: {  	[tilespmem:s21], [sflag:$0x2] =	stream.linear.gather [hbm4b:s18+s4], $0x80, $0x38;
	[tilespmem:$0x13400] =	vst v63  }
0x1c: {  	s3 =	simm.s32 $0x100;
	s25 =	simm.s32 $0x1;
	s23 =	rddreg [dreg:$0x8]  }
0x1d: {  	[tilespmem:s3], [sflag:$0x3] =	stream.linear.gather [hbm4b:s23+s4], $0x80, $0x38;
	[tilespmem:$0x13400] =	vst v63  }
0x1e: {  	_ =	swait.ge [sflag:s25], $0x80  }
0x1f: {  	[sflag:s25] =	ssyncset.done $0x0  }
0x20: {  	s29 =	simm.s32 $0x2;
	s28 =	rddreg [dreg:$0x4];
	[sflag:s25] =	ssyncadd.s32 $0xFFFFFF80  }
0x21: {  	[tilespmem:s24], [sflag:$0x5] =	stream.indirect.gather [hbm4b:s28+s21], $0x40, s4, s21, $0xb8;
	[tilespmem:$0x13400] =	vst v63  }
0x22: {  	_ =	swait.ge [sflag:s29], $0x80  }
0x23: {  	[sflag:s29] =	ssyncset.done $0x0  }
0x24: {  	s10 =	simm.s32 $0x0;
	[sflag:s29] =	ssyncadd.s32 $0xFFFFFF80  }
0x25: {  	[tilespmem:s26], [sflag:$0x6] =	stream.indirect.gather [hbm4b:s28+s21], $0x40, s21, s21, $0xb8;
	[tilespmem:$0x13400] =	vst v63  }
.LBB2_2:
0x26: {  	s0 =	sshllo.u32 s10, $0x2  }
0x27: {  	s1 =	sshll.u32 s10, $0xE;
	[dreg:$0x11] =	wrdreg s0;
	s0 =	sshll.u32 s0, $0x7  }
0x28: {  	s1 =	sand.u32 $0xF8000, s1;
	s0 =	sand.u32 $0x380, s0  }
0x29: {  	s0 =	sor.u32 s0, s1  }
0x2a: {  	s0 =	sor.u32 s5, s0  }
0x2b: {  	s7 =	rddreg [dreg:$0x0];
	s0 =	sshrl.u32 s0, $0x3  }
0x2c: {  	s8 =	simm.s32 $0x3;
	s0 =	sadd.s32 s7, s0  }
0x2d: {  	[tilespmem:s17], [sflag:$0x4] =	stream.linear.gather [hbm4b:s0+s4], $0x80, $0x38;
	[tilespmem:$0x13400] =	vst v63  }
0x2e: {  	_ =	swait.ge [sflag:s8], $0x80  }
0x2f: {  	s12 =	simm.s32 $0x80;
	s3 =	simm.s32 $0x100;
	[sflag:s8] =	ssyncset.done $0x0  }
0x30: {  	s13 =	simm.s32 $0x5;
	s11 =	rddreg [dreg:$0x4];
	[sflag:s8] =	ssyncadd.s32 $0xFFFFFF80  }
0x31: {  	[tilespmem:s30], [sflag:$0x7] =	stream.indirect.gather [hbm4b:s11+s12], $0x40, s3, s12, $0xb8;
	[tilespmem:$0x13400] =	vst v63  }
0x32: {  	_ =	swait.ge [sflag:s13], $0x2000  }
0x33: {  	p0 =	seq.s32 s10, $0x0;
	[sflag:s13] =	ssyncset.done $0x0  }
0x34: {  	s0 =	simm.s32 @!p0 $0x9;
	[sflag:s13] =	ssyncadd.s32 $0xFFFFE000  }
0x35: {  	_ =	swait.ge @!p0 [sflag:s0], $0x400  }
0x36: {  	[sflag:s0] =	ssyncset.done @!p0 $0x0  }
0x37: {  	[sflag:s0] =	ssyncadd.s32 @!p0 $0xFFFFFC00  }
0x38: {  	_ =	swait.ge @!p0 [sflag:s0], $0x400  }
0x39: {  	[sflag:s0] =	ssyncset.done @!p0 $0x0  }
0x3a: {  	[sflag:s0] =	ssyncadd.s32 @!p0 $0xFFFFFC00  }
0x3b: {  	_ =	swait.ge @!p0 [sflag:s0], $0x400  }
0x3c: {  	[sflag:s0] =	ssyncset.done @!p0 $0x0  }
0x3d: {  	[sflag:s0] =	ssyncadd.s32 @!p0 $0xFFFFFC00  }
0x3e: {  	_ =	swait.ge @!p0 [sflag:s0], $0x400  }
0x3f: {  	[sflag:s0] =	ssyncset.done @!p0 $0x0  }
0x40: {  	[sflag:s0] =	ssyncadd.s32 @!p0 $0xFFFFFC00  }
0x41: {  	_ =	swait.ge @!p0 [sflag:s0], $0x400  }
0x42: {  	[sflag:s0] =	ssyncset.done @!p0 $0x0  }
0x43: {  	s14 =	simm.s32 $0x1;
	[sflag:s0] =	ssyncadd.s32 @!p0 $0xFFFFFC00  }
0x44: {  	v8 =	vmov s14;
	_ =	swait.ge @!p0 [sflag:s0], $0x400  }
0x45: {  	v8 =	vand.u32 $0x3D, v8;
	[sflag:s0] =	ssyncset.done @!p0 $0x0  }
0x46: {  	s15 =	simm.s32 $0x2;
	v29 =	vbroadcast v8, $0x0;
	[sflag:s0] =	ssyncadd.s32 @!p0 $0xFFFFFC00  }
0x47: {  	s23 =	sshll.u32 s10, $0x2;
	v9 =	vmov s15;
	_ =	swait.ge @!p0 [sflag:s0], $0x400  }
0x48: {  	s16 =	sshll.u32 s23, $0x6;
	v8 =	vand.u32 $0x3E, v9;
	v9 =	vor.u32 v0, v29;
	[sflag:s0] =	ssyncset.done @!p0 $0x0  }
0x49: {  	s18 =	simm.s32 $0x3;
	v19 =	vmov s16;
	v34 =	vbroadcast v8, $0x0;
	[sflag:s0] =	ssyncadd.s32 @!p0 $0xFFFFFC00  }
0x4a: {  	v10 =	vmov s18;
	v8 =	vor.u32 v19, v29;
	_ =	swait.ge @!p0 [sflag:s0], $0x400  }
0x4b: {  	v10 =	vand.u32 $0x3F, v10;
	v11 =	vor.u32 v0, v34;
	[sflag:s0] =	ssyncset.done @!p0 $0x0  }
0x4c: {  	v32 =	vbroadcast v10, $0x0;
	[sflag:s0] =	ssyncadd.s32 @!p0 $0xFFFFFC00  }
0x4d: {  	v10 =	vor.u32 v19, v34;
	v12 =	vld.idx.msk [tilespmem:v9+s24+$0x0], $0xffff  }
0x4e: {  	s21 =	simm.s32 $0x0;
	v13 =	vor.u32 v0, v32  }
0x4f: {  	v14 =	vor.u32 v19, v32;
	v9 =	vld.idx.msk [tilespmem:v8+s19+$0x0], $0xffff;
	v8 =	vmov s21  }
0x50: {  	v11 =	vld.idx.msk [tilespmem:v11+s24+$0x0], $0xffff;
	v15 =	vand.u32 $0x3C, v8  }
0x51: {  	v33 =	vbroadcast v15, $0x0  }
0x52: {  	s1 =	simm.s32 $0x0;
	v8 =	vld.idx.msk [tilespmem:v10+s19+$0x0], $0xffff;
	v10 =	vmul.f32 $8.000000000e+00, v12;
	v12 =	vor.u32 v1, v29  }
0x53: {  	s3 =	simm.s32 $0x80;
	s0 =	sand.u32 $0x1C00, s1;
	v15 =	vld.idx.msk [tilespmem:v13+s24+$0x0], $0xffff;
	v16 =	vor.u32 v0, v33  }
0x54: {  	s1 =	sand.u32 $0x280, s3;
	s0 =	sor.u32 $0x8200, s0;
	v13 =	vld.idx.msk [tilespmem:v14+s19+$0x0], $0xffff;
	v14 =	vor.u32 v19, v33;
	v10 =	vadd.f32 v10, v9  }
0x55: {  	v17 =	vor.u32 v1, v34;
	s29 =	sadd.s32 s1, s0;
	v11 =	vmul.f32 $8.000000000e+00, v11  }
0x56: {  	s6 =	simm.s32 $0x100;
	[tilespmem:s29+$0x0] =	vst v10  }
0x57: {  	s1 =	sand.u32 $0x300, s6;
	v10 =	vadd.f32 v11, v8;
	v11 =	vld.idx.msk [tilespmem:v12+s24+$0x0], $0xffff  }
0x58: {  	s28 =	sadd.s32 s1, s0;
	v12 =	vmul.f32 $8.000000000e+00, v15;
	v15 =	vld.idx.msk [tilespmem:v16+s24+$0x0], $0xffff  }
0x59: {  	s7 =	simm.s32 $0x180;
	v24 =	vld.idx.msk [tilespmem:v14+s19+$0x0], $0xffff;
	[tilespmem:s28+$0x0] =	vst v10;
	v10 =	vor.u32 v1, v32  }
0x5a: {  	s1 =	sand.u32 $0x380, s7;
	v16 =	vld.idx.msk [tilespmem:v17+s24+$0x0], $0xffff;
	v12 =	vadd.f32 v12, v13  }
0x5b: {  	s8 =	simm.s32 $0x5;
	s1 =	sadd.s32 s1, s0  }
0x5c: {  	[tilespmem:s1+$0x0] =	vst v12;
	v12 =	vmov s8  }
0x5d: {  	v14 =	vor.u32 v1, v33;
	v15 =	vmul.f32 $8.000000000e+00, v15;
	v12 =	vand.u32 $0x3D, v12  }
0x5e: {  	v11 =	vmul.f32 $8.000000000e+00, v11;
	v10 =	vld.idx.msk [tilespmem:v10+s24+$0x0], $0xffff;
	v12 =	vbroadcast v12, $0x0  }
0x5f: {  	s25 =	smov.u32 s22;
	v18 =	vor.u32 v2, v29;
	v16 =	vmul.f32 $8.000000000e+00, v16;
	v15 =	vadd.f32 v15, v24  }
0x60: {  	s22 =	smov.u32 s31;
	s31 =	simm.s32 $0x8240;
	s11 =	simm.s32 $0x6;
	v11 =	vadd.f32 v11, v9;
	v21 =	vor.u32 v0, v12  }
0x61: {  	v20 =	vmov s11;
	v17 =	vor.u32 v2, v34;
	v16 =	vadd.f32 v16, v8;
	[tilespmem:s31+$0xFFFFFFC0] =	vst v15  }
0x62: {  	v20 =	vand.u32 $0x3E, v20;
	v23 =	vor.u32 v19, v12;
	[tilespmem:s29+$0x10] =	vst v11;
	v22 =	vld.idx.msk [tilespmem:v14+s24+$0x0], $0xffff  }
0x63: {  	s12 =	simm.s32 $0x7;
	v15 =	vor.u32 v2, v32;
	v10 =	vmul.f32 $8.000000000e+00, v10;
	[tilespmem:s28+$0x10] =	vst v16;
	v16 =	vbroadcast v20, $0x0  }
0x64: {  	v11 =	vmov s12;
	v18 =	vld.idx.msk [tilespmem:v18+s24+$0x0], $0xffff  }
0x65: {  	v11 =	vand.u32 $0x3F, v11;
	v10 =	vadd.f32 v10, v13;
	v20 =	vor.u32 v0, v16;
	v21 =	vld.idx.msk [tilespmem:v21+s24+$0x0], $0xffff  }
0x66: {  	v14 =	vbroadcast v11, $0x0;
	v17 =	vld.idx.msk [tilespmem:v17+s24+$0x0], $0xffff;
	v11 =	vor.u32 v19, v16  }
0x67: {  	v25 =	vor.u32 v2, v33;
	[tilespmem:s1+$0x10] =	vst v10;
	v22 =	vmul.f32 $8.000000000e+00, v22;
	v10 =	vld.idx.msk [tilespmem:v23+s19+$0x0], $0xffff  }
0x68: {  	v26 =	vor.u32 v0, v14;
	v15 =	vld.idx.msk [tilespmem:v15+s24+$0x0], $0xffff  }
0x69: {  	v23 =	vor.u32 v19, v14;
	v22 =	vadd.f32 v22, v24  }
0x6a: {  	s14 =	simm.s32 $0x200;
	v28 =	vor.u32 v1, v12;
	v20 =	vld.idx.msk [tilespmem:v20+s24+$0x0], $0xffff;
	v21 =	vmul.f32 $8.000000000e+00, v21  }
0x6b: {  	v30 =	vor.u32 v3, v29;
	v27 =	vor.u32 v3, v34;
	s3 =	sand.u32 $0x1C00, s14;
	s6 =	simm.s32 $0x280;
	v17 =	vmul.f32 $8.000000000e+00, v17;
	v11 =	vld.idx.msk [tilespmem:v11+s19+$0x0], $0xffff;
	[tilespmem:s31+$0xFFFFFFD0] =	vst v22  }
0x6c: {  	v31 =	vor.u32 v3, v32;
	s13 =	simm.s32 $0x4;
	s3 =	sor.u32 $0x8200, s3;
	s15 =	sand.u32 $0x280, s6;
	v18 =	vmul.f32 $8.000000000e+00, v18;
	v25 =	vld.idx.msk [tilespmem:v25+s24+$0x0], $0xffff;
	v21 =	vadd.f32 v21, v10  }
0x6d: {  	s0 =	sadd.s32 s15, s3;
	v26 =	vld.idx.msk [tilespmem:v26+s24+$0x0], $0xffff;
	v17 =	vadd.f32 v17, v8;
	v22 =	vmul.f32 $8.000000000e+00, v15;
	v15 =	vmov s13  }
0x6e: {  	v36 =	vadd.f32 v18, v9;
	v35 =	vand.u32 $0x3C, v15;
	v15 =	vld.idx.msk [tilespmem:v23+s19+$0x0], $0xffff;
	[tilespmem:s0+$0x0] =	vst v21  }
0x6f: {  	[tilespmem:s28+$0x20] =	vst v17;
	v18 =	vbroadcast v35, $0x0;
	v17 =	vadd.f32 v22, v13;
	v20 =	vmul.f32 $8.000000000e+00, v20;
	v21 =	vld.idx.msk [tilespmem:v28+s24+$0x0], $0xffff  }
0x70: {  	s16 =	simm.s32 $0x300;
	[tilespmem:s29+$0x20] =	vst v36;
	v23 =	vor.u32 v1, v16;
	v22 =	vld.idx.msk [tilespmem:v27+s24+$0x0], $0xffff  }
0x71: {  	s6 =	sand.u32 $0x300, s16;
	v27 =	vor.u32 v0, v18;
	[tilespmem:s1+$0x20] =	vst v17;
	v17 =	vadd.f32 v20, v11;
	v20 =	vmul.f32 $8.000000000e+00, v25;
	v25 =	vld.idx.msk [tilespmem:v30+s24+$0x0], $0xffff  }
0x72: {  	v50 =	vor.u32 v4, v32;
	s8 =	sadd.s32 s6, s3;
	v28 =	vor.u32 v3, v33;
	v30 =	vld.idx.msk [tilespmem:v31+s24+$0x0], $0xffff  }
0x73: {  	v26 =	vmul.f32 $8.000000000e+00, v26;
	v31 =	vor.u32 v1, v14;
	[tilespmem:s8+$0x0] =	vst v17;
	v17 =	vadd.f32 v20, v24  }
0x74: {  	s18 =	simm.s32 $0x380;
	v51 =	vor.u32 v5, v29;
	v35 =	vor.u32 v19, v18;
	v21 =	vmul.f32 $8.000000000e+00, v21  }
0x75: {  	s6 =	sand.u32 $0x380, s18;
	v38 =	vor.u32 v2, v12;
	v26 =	vadd.f32 v26, v15;
	v23 =	vld.idx.msk [tilespmem:v23+s24+$0x0], $0xffff;
	[tilespmem:s31+$0xFFFFFFE0] =	vst v17;
	v17 =	vmul.f32 $8.000000000e+00, v22  }
0x76: {  	s7 =	sadd.s32 s6, s3;
	v20 =	vor.u32 v4, v34;
	v27 =	vld.idx.msk [tilespmem:v27+s24+$0x0], $0xffff;
	v22 =	vmul.f32 $8.000000000e+00, v25;
	v21 =	vadd.f32 v21, v10  }
0x77: {  	[tilespmem:s7+$0x0] =	vst v26;
	v25 =	vld.idx.msk [tilespmem:v28+s24+$0x0], $0xffff;
	v28 =	vor.u32 v4, v29;
	v30 =	vmul.f32 $8.000000000e+00, v30;
	v37 =	vadd.f32 v17, v8  }
0x78: {  	v54 =	vor.u32 v5, v32;
	s11 =	simm.s32 $0xB;
	s6 =	simm.s32 $0xA;
	v31 =	vld.idx.msk [tilespmem:v31+s24+$0x0], $0xffff;
	v22 =	vadd.f32 v22, v9;
	[tilespmem:s0+$0x10] =	vst v21  }
0x79: {  	v40 =	vmov s11;
	v52 =	vmov s6;
	v17 =	vld.idx.msk [tilespmem:v35+s19+$0x0], $0xffff;
	v30 =	vadd.f32 v30, v13;
	[tilespmem:s28+$0x30] =	vst v37  }
0x7a: {  	s21 =	simm.s32 $0x9;
	v39 =	vor.u32 v1, v18;
	v26 =	vor.u32 v2, v16;
	v23 =	vmul.f32 $8.000000000e+00, v23;
	v38 =	vld.idx.msk [tilespmem:v38+s24+$0x0], $0xffff;
	[tilespmem:s29+$0x30] =	vst v22  }
0x7b: {  	v21 =	vor.u32 v2, v14;
	v22 =	vmov s21;
	v20 =	vld.idx.msk [tilespmem:v20+s24+$0x0], $0xffff;
	[tilespmem:s1+$0x30] =	vst v30;
	v30 =	vor.u32 v4, v33  }
0x7c: {  	v28 =	vld.idx.msk [tilespmem:v28+s24+$0x0], $0xffff;
	v25 =	vmul.f32 $8.000000000e+00, v25;
	v23 =	vadd.f32 v23, v11;
	v22 =	vand.u32 $0x3D, v22  }
0x7d: {  	v37 =	vand.u32 $0x3E, v52;
	v36 =	vld.idx.msk [tilespmem:v50+s24+$0x0], $0xffff;
	v22 =	vbroadcast v22, $0x0;
	v31 =	vmul.f32 $8.000000000e+00, v31  }
0x7e: {  	v27 =	vmul.f32 $8.000000000e+00, v27;
	v25 =	vadd.f32 v25, v24;
	[tilespmem:s8+$0x10] =	vst v23;
	v23 =	vand.u32 $0x3F, v40  }
0x7f: {  	v41 =	vor.u32 v0, v22;
	v31 =	vadd.f32 v31, v15;
	v42 =	vld.idx.msk [tilespmem:v26+s24+$0x0], $0xffff;
	v43 =	vor.u32 v19, v22  }
0x80: {  	[tilespmem:s31+$0xFFFFFFF0] =	vst v25;
	v25 =	vadd.f32 v27, v17;
	v27 =	vbroadcast v23, $0x0;
	v44 =	vmul.f32 $8.000000000e+00, v20  }
0x81: {  	v46 =	vor.u32 v6, v29;
	s18 =	simm.s32 $0x8440;
	v30 =	vld.idx.msk [tilespmem:v30+s24+$0x0], $0xffff;
	v53 =	vmul.f32 $8.000000000e+00, v28;
	v28 =	vbroadcast v37, $0x0;
	[tilespmem:s7+$0x10] =	vst v31  }
0x82: {  	v48 =	vor.u32 v6, v32;
	v20 =	vmul.f32 $8.000000000e+00, v38;
	v36 =	vmul.f32 $8.000000000e+00, v36;
	[tilespmem:s18+$0xFFFFFFC0] =	vst v25;
	v56 =	vld.idx.msk [tilespmem:v21+s24+$0x0], $0xffff  }
0x83: {  	v45 =	vor.u32 v0, v27;
	v23 =	vadd.f32 v53, v9;
	v39 =	vld.idx.msk [tilespmem:v39+s24+$0x0], $0xffff;
	v55 =	vor.u32 v19, v28  }
0x84: {  	v31 =	vadd.f32 v36, v13;
	v59 =	vmul.f32 $8.000000000e+00, v42;
	v42 =	vadd.f32 v20, v10;
	v20 =	vld.idx.msk [tilespmem:v43+s19+$0x0], $0xffff  }
0x85: {  	v63 =	vor.u32 v3, v16;
	v58 =	vor.u32 v0, v28;
	[tilespmem:s29+$0x40] =	vst v23;
	v23 =	vld.idx.msk [tilespmem:v41+s24+$0x0], $0xffff  }
0x86: {  	v47 =	vor.u32 v2, v18;
	v52 =	vor.u32 v5, v34;
	[tilespmem:s1+$0x40] =	vst v31;
	v21 =	vmul.f32 $8.000000000e+00, v30;
	v30 =	vld.idx.msk [tilespmem:v51+s24+$0x0], $0xffff  }
0x87: {  	v26 =	vor.u32 v7, v34;
	v34 =	vor.u32 v6, v34;
	v31 =	vor.u32 v5, v33;
	v37 =	vld.idx.msk [tilespmem:v54+s24+$0x0], $0xffff  }
0x88: {  	v25 =	vor.u32 v7, v16;
	v57 =	vor.u32 v19, v27;
	v62 =	vadd.f32 v59, v11;
	v45 =	vld.idx.msk [tilespmem:v45+s24+$0x0], $0xffff  }
0x89: {  	v53 =	vor.u32 v1, v22;
	v60 =	vadd.f32 v21, v24;
	v21 =	vld.idx.msk [tilespmem:v55+s19+$0x0], $0xffff;
	v61 =	vmul.f32 $8.000000000e+00, v39  }
0x8a: {  	v51 =	vor.u32 v4, v16;
	v40 =	vmul.f32 $8.000000000e+00, v56;
	v54 =	vor.u32 v3, v14;
	v35 =	vld.idx.msk [tilespmem:v58+s24+$0x0], $0xffff;
	[tilespmem:s8+$0x20] =	vst v62  }
0x8b: {  	v58 =	vor.u32 v3, v12;
	v56 =	vld.idx.msk [tilespmem:v63+s24+$0x0], $0xffff;
	v36 =	vadd.f32 v61, v17;
	[tilespmem:s31+$0x0] =	vst v60  }
0x8c: {  	s12 =	simm.s32 $0x400;
	[tilespmem:s0+$0x20] =	vst v42;
	v40 =	vadd.f32 v40, v15;
	v63 =	vor.u32 v3, v18;
	v49 =	vmul.f32 $8.000000000e+00, v23;
	v50 =	vld.idx.msk [tilespmem:v31+s24+$0x0], $0xffff  }
0x8d: {  	s11 =	simm.s32 $0x480;
	s3 =	sand.u32 $0x1C00, s12;
	v23 =	vld.idx.msk [tilespmem:v57+s19+$0x0], $0xffff;
	v60 =	vor.u32 v6, v33;
	v30 =	vmul.f32 $8.000000000e+00, v30;
	v31 =	vadd.f32 v44, v8;
	[tilespmem:s18+$0xFFFFFFD0] =	vst v36  }
0x8e: {  	s11 =	sand.u32 $0x280, s11;
	s3 =	sor.u32 $0x8200, s3;
	s13 =	simm.s32 $0x8;
	[tilespmem:s7+$0x20] =	vst v40;
	v37 =	vmul.f32 $8.000000000e+00, v37;
	v55 =	vadd.f32 v49, v20;
	v49 =	vor.u32 v1, v28;
	v47 =	vld.idx.msk [tilespmem:v47+s24+$0x0], $0xffff  }
0x8f: {  	s21 =	sadd.s32 s11, s3;
	v39 =	vld.idx.msk [tilespmem:v54+s24+$0x0], $0xffff;
	v57 =	vadd.f32 v30, v9;
	v30 =	vmov s13;
	[tilespmem:s28+$0x40] =	vst v31;
	v35 =	vmul.f32 $8.000000000e+00, v35  }
0x90: {  	s14 =	simm.s32 $0x500;
	v37 =	vadd.f32 v37, v13;
	v31 =	vand.u32 $0x3C, v30;
	[tilespmem:s21+$0x0] =	vst v55;
	v38 =	vld.idx.msk [tilespmem:v52+s24+$0x0], $0xffff;
	v36 =	vmul.f32 $8.000000000e+00, v56  }
0x91: {  	s6 =	sand.u32 $0x300, s14;
	v31 =	vbroadcast v31, $0x0;
	v43 =	vld.idx.msk [tilespmem:v53+s24+$0x0], $0xffff;
	[tilespmem:s29+$0x50] =	vst v57;
	v35 =	vadd.f32 v35, v21;
	v59 =	vmul.f32 $8.000000000e+00, v50  }
0x92: {  	s6 =	sadd.s32 s6, s3;
	v45 =	vmul.f32 $8.000000000e+00, v45;
	v30 =	vor.u32 v7, v28;
	v46 =	vld.idx.msk [tilespmem:v46+s24+$0x0], $0xffff;
	[tilespmem:s1+$0x50] =	vst v37;
	v36 =	vadd.f32 v36, v11  }
0x93: {  	s12 =	simm.s32 $0x580;
	v44 =	vld.idx.msk [tilespmem:v58+s24+$0x0], $0xffff;
	v37 =	vor.u32 v0, v31;
	[tilespmem:s6+$0x0] =	vst v35;
	v41 =	vadd.f32 v59, v24;
	v62 =	vmul.f32 $8.000000000e+00, v47  }
0x94: {  	s15 =	sand.u32 $0x380, s12;
	v57 =	vor.u32 v2, v22;
	v61 =	vld.idx.msk [tilespmem:v48+s24+$0x0], $0xffff;
	v48 =	vadd.f32 v45, v23;
	v39 =	vmul.f32 $8.000000000e+00, v39;
	[tilespmem:s8+$0x30] =	vst v36  }
0x95: {  	s11 =	sadd.s32 s15, s3;
	v52 =	vor.u32 v19, v31;
	v49 =	vld.idx.msk [tilespmem:v49+s24+$0x0], $0xffff;
	v38 =	vmul.f32 $8.000000000e+00, v38;
	[tilespmem:s31+$0x10] =	vst v41;
	v55 =	vadd.f32 v62, v17  }
0x96: {  	v59 =	vor.u32 v1, v27;
	[tilespmem:s11+$0x0] =	vst v48;
	v54 =	vmul.f32 $8.000000000e+00, v43;
	v62 =	vadd.f32 v39, v15;
	v56 =	vld.idx.msk [tilespmem:v60+s24+$0x0], $0xffff  }
0x97: {  	v35 =	vor.u32 v7, v32;
	v58 =	vmul.f32 $8.000000000e+00, v46;
	v38 =	vadd.f32 v38, v8;
	v60 =	vld.idx.msk [tilespmem:v51+s24+$0x0], $0xffff;
	[tilespmem:s18+$0xFFFFFFE0] =	vst v55  }
0x98: {  	v44 =	vmul.f32 $8.000000000e+00, v44;
	v41 =	vor.u32 v2, v28;
	v43 =	vadd.f32 v54, v20;
	v37 =	vld.idx.msk [tilespmem:v37+s24+$0x0], $0xffff;
	[tilespmem:s7+$0x30] =	vst v62  }
0x99: {  	v40 =	vmul.f32 $8.000000000e+00, v61;
	v61 =	vor.u32 v4, v14;
	v36 =	vadd.f32 v58, v9;
	[tilespmem:s28+$0x50] =	vst v38;
	v45 =	vld.idx.msk [tilespmem:v63+s24+$0x0], $0xffff  }
0x9a: {  	v63 =	vadd.f32 v44, v10;
	[tilespmem:s21+$0x10] =	vst v43;
	v38 =	vld.idx.msk [tilespmem:v34+s24+$0x0], $0xffff;
	v43 =	vor.u32 v4, v12  }
0x9b: {  	v39 =	vor.u32 v7, v33;
	v49 =	vmul.f32 $8.000000000e+00, v49;
	v47 =	vld.idx.msk [tilespmem:v59+s24+$0x0], $0xffff;
	[tilespmem:s29+$0x60] =	vst v36;
	v42 =	vmul.f32 $8.000000000e+00, v56  }
0x9c: {  	s16 =	sor.u32 $0x2, s23;
	v53 =	vadd.f32 v40, v13;
	v46 =	vld.idx.msk [tilespmem:v57+s24+$0x0], $0xffff;
	v36 =	vor.u32 v7, v29;
	[tilespmem:s0+$0x30] =	vst v63  }
0x9d: {  	v44 =	vor.u32 v1, v31;
	v29 =	vld.idx.msk [tilespmem:v52+s19+$0x0], $0xffff;
	v34 =	vadd.f32 v49, v21;
	[dreg:$0x12] =	wrdreg s16;
	v40 =	vadd.f32 v42, v24  }
0x9e: {  	s3 =	simm.s32 $0x8640;
	s13 =	simm.s32 $0xC;
	v33 =	vmul.f32 $8.000000000e+00, v60;
	v48 =	vmul.f32 $8.000000000e+00, v37;
	v37 =	vor.u32 v5, v12;
	[tilespmem:s1+$0x60] =	vst v53;
	v42 =	vld.idx.msk [tilespmem:v61+s24+$0x0], $0xffff  }
.LBB2_3:
0x9f: {  	s14 =	sadd.s32 $0x1, s13;
	s15 =	sadd.s32 $0x2, s13;
	s16 =	sadd.s32 $0x3, s13;
	v49 =	vor.u32 v2, v27;
	v50 =	vor.u32 v4, v18;
	v43 =	vld.idx.msk [tilespmem:v43+s24+$0x0], $0xffff;
	[tilespmem:s31+$0x20] =	vst v40;
	v38 =	vmul.f32 $8.000000000e+00, v38  }
0xa0: {  	p1 =	slt.u32 s13, $0x3C;
	v45 =	vmul.f32 $8.000000000e+00, v45;
	v32 =	vmovc v12;
	v12 =	vmovc v22;
	v40 =	vmov s14;
	v51 =	vmov s15;
	v39 =	vld.idx.msk [tilespmem:v39+s24+$0x0], $0xffff;
	s14 =	smov.u32 s13;
	s13 =	sadd.s32 $0x4, s13  }
0xa1: {  	v22 =	vand.u32 $0x3D, v40;
	v40 =	vand.u32 $0x3E, v51;
	[tilespmem:s6+$0x10] =	vst v34;
	v51 =	vld.idx.msk [tilespmem:v36+s24+$0x0], $0xffff;
	v38 =	vadd.f32 v38, v8;
	v34 =	vmovc v14  }
0xa2: {  	v52 =	vmov s16;
	v45 =	vadd.f32 v45, v17;
	v14 =	vmovc v27;
	v36 =	vmovc v18;
	v22 =	vbroadcast v22, $0x0;
	v41 =	vld.idx.msk [tilespmem:v41+s24+$0x0], $0xffff  }
0xa3: {  	v46 =	vmul.f32 $8.000000000e+00, v46;
	v27 =	vand.u32 $0x3F, v52;
	v47 =	vmul.f32 $8.000000000e+00, v47;
	v18 =	vmovc v31;
	[tilespmem:s28+$0x60] =	vst v38;
	v35 =	vld.idx.msk [tilespmem:v35+s24+$0x0], $0xffff  }
0xa4: {  	v42 =	vmul.f32 $8.000000000e+00, v42;
	v31 =	vor.u32 v19, v22;
	v38 =	vor.u32 v0, v22;
	[tilespmem:s18+$0xFFFFFFF0] =	vst v45;
	v45 =	vld.idx.msk [tilespmem:v26+s24+$0x0], $0xffff  }
0xa5: {  	v48 =	vadd.f32 v48, v29;
	v47 =	vadd.f32 v47, v23;
	v43 =	vmul.f32 $8.000000000e+00, v43;
	v26 =	vmovc v25;
	v50 =	vld.idx.msk [tilespmem:v50+s24+$0x0], $0xffff  }
0xa6: {  	v40 =	vbroadcast v40, $0x0;
	v52 =	vor.u32 v5, v34;
	v25 =	vmovc v30;
	v42 =	vadd.f32 v42, v15  }
0xa7: {  	v27 =	vbroadcast v27, $0x0;
	v30 =	vor.u32 v5, v36;
	v43 =	vadd.f32 v43, v10;
	[tilespmem:s3+$0xFFFFFFC0] =	vst v48  }
0xa8: {  	v53 =	vor.u32 v0, v40;
	v39 =	vmul.f32 $8.000000000e+00, v39;
	v48 =	vor.u32 v19, v40;
	v44 =	vld.idx.msk [tilespmem:v44+s24+$0x0], $0xffff;
	[tilespmem:s11+$0x10] =	vst v47  }
0xa9: {  	v47 =	vor.u32 v0, v27;
	v35 =	vmul.f32 $8.000000000e+00, v35;
	v49 =	vld.idx.msk [tilespmem:v49+s24+$0x0], $0xffff;
	[tilespmem:s0+$0x40] =	vst v43;
	v43 =	vmul.f32 $8.000000000e+00, v51  }
0xaa: {  	v24 =	vadd.f32 v39, v24;
	v51 =	vor.u32 v19, v27;
	v39 =	vmul.f32 $8.000000000e+00, v45;
	v38 =	vld.idx.msk [tilespmem:v38+s24+$0x0], $0xffff;
	[tilespmem:s7+$0x40] =	vst v42  }
0xab: {  	v42 =	vadd.f32 v46, v20;
	v45 =	vmul.f32 $8.000000000e+00, v50;
	v37 =	vld.idx.msk [tilespmem:v37+s24+$0x0], $0xffff;
	v43 =	vadd.f32 v43, v9;
	v9 =	vmovc v10  }
0xac: {  	v41 =	vmul.f32 $8.000000000e+00, v41;
	v13 =	vadd.f32 v35, v13;
	v8 =	vadd.f32 v39, v8;
	v46 =	vld.idx.msk [tilespmem:v52+s24+$0x0], $0xffff;
	[tilespmem:s31+$0x30] =	vst v24;
	s31 =	smov.u32 s18;
	s18 =	smov.u32 s3  }
0xad: {  	v35 =	vor.u32 v6, v32;
	v10 =	vmov v20;
	v24 =	vadd.f32 v45, v17;
	[tilespmem:s29+$0x70] =	vst v43;
	v20 =	vld.idx.msk [tilespmem:v31+s19+$0x0], $0xffff;
	s29 =	smov.u32 s0;
	s0 =	smov.u32 s21  }
0xae: {  	s12 =	sadd.s32 $0x200, s12;
	v41 =	vadd.f32 v41, v21;
	v39 =	vmul.f32 $8.000000000e+00, v44;
	v43 =	vor.u32 v3, v28;
	v31 =	vld.idx.msk [tilespmem:v48+s19+$0x0], $0xffff;
	[tilespmem:s1+$0x70] =	vst v13;
	s1 =	smov.u32 s7;
	s7 =	smov.u32 s11  }
0xaf: {  	v44 =	vor.u32 v2, v18;
	v45 =	vmul.f32 $8.000000000e+00, v49;
	v13 =	vld.idx.msk [tilespmem:v47+s24+$0x0], $0xffff;
	v47 =	vor.u32 v6, v34;
	[tilespmem:s28+$0x70] =	vst v8;
	s28 =	smov.u32 s8;
	s8 =	smov.u32 s6  }
0xb0: {  	v38 =	vmul.f32 $8.000000000e+00, v38;
	v39 =	vadd.f32 v39, v29;
	v48 =	vld.idx.msk [tilespmem:v51+s19+$0x0], $0xffff;
	[tilespmem:s31+$0x0] =	vst v24;
	v24 =	vor.u32 v5, v16  }
0xb1: {  	v49 =	vor.u32 v1, v22;
	s6 =	sadd.s32 $0xFFFFFE80, s12;
	v8 =	vmovc v11;
	v45 =	vadd.f32 v45, v23;
	v50 =	vld.idx.msk [tilespmem:v30+s24+$0x0], $0xffff;
	v30 =	vmul.f32 $8.000000000e+00, v37  }
0xb2: {  	s11 =	sadd.s32 $0xFFFFFF00, s12;
	s6 =	sand.u32 $0x1C00, s6;
	v33 =	vadd.f32 v33, v8;
	v46 =	vmul.f32 $8.000000000e+00, v46;
	v37 =	vld.idx.msk [tilespmem:v53+s24+$0x0], $0xffff;
	[tilespmem:s8+$0x20] =	vst v41;
	v41 =	vor.u32 v3, v14  }
0xb3: {  	s15 =	sand.u32 $0x280, s11;
	v11 =	vmov v21;
	s11 =	sor.u32 $0x8200, s6;
	v38 =	vadd.f32 v38, v20;
	[tilespmem:s3+$0xFFFFFFD0] =	vst v39;
	v39 =	vld.idx.msk [tilespmem:v43+s24+$0x0], $0xffff;
	v43 =	vadd.f32 v30, v9  }
0xb4: {  	v51 =	vor.u32 v1, v40;
	s21 =	sadd.s32 s15, s11;
	v30 =	vmov s14;
	v21 =	vmovc v31;
	v44 =	vld.idx.msk [tilespmem:v44+s24+$0x0], $0xffff;
	[tilespmem:s28+$0x40] =	vst v33;
	v33 =	vadd.f32 v46, v15  }
0xb5: {  	v31 =	vand.u32 $0x3C, v30;
	v30 =	vor.u32 v7, v40;
	[tilespmem:s21+$0x0] =	vst v38;
	v38 =	vor.u32 v3, v12;
	v24 =	vld.idx.msk [tilespmem:v24+s24+$0x0], $0xffff  }
0xb6: {  	v31 =	vbroadcast v31, $0x0;
	v46 =	vld.idx.msk [tilespmem:v49+s24+$0x0], $0xffff;
	[tilespmem:s29+$0x50] =	vst v43;
	v43 =	vor.u32 v6, v16;
	v16 =	vmovc v28;
	v28 =	vmov v40  }
0xb7: {  	v40 =	vmul.f32 $8.000000000e+00, v13;
	v49 =	vmul.f32 $8.000000000e+00, v50;
	v50 =	vor.u32 v6, v36;
	v13 =	vmovc v15;
	v35 =	vld.idx.msk [tilespmem:v35+s24+$0x0], $0xffff;
	[tilespmem:s1+$0x50] =	vst v33  }
0xb8: {  	v33 =	vor.u32 v0, v31;
	v52 =	vmul.f32 $8.000000000e+00, v37;
	v37 =	vor.u32 v4, v16;
	[tilespmem:s7+$0x20] =	vst v45;
	v45 =	vld.idx.msk [tilespmem:v47+s24+$0x0], $0xffff  }
0xb9: {  	s6 =	sadd.s32 $0xFFFFFF80, s12;
	v40 =	vadd.f32 v40, v48;
	v39 =	vmul.f32 $8.000000000e+00, v39;
	[tilespmem:s0+$0x20] =	vst v42;
	v42 =	vld.idx.msk [tilespmem:v41+s24+$0x0], $0xffff;
	v41 =	vadd.f32 v49, v17  }
0xba: {  	s6 =	sand.u32 $0x300, s6;
	v15 =	vmovc v23;
	v49 =	vor.u32 v19, v31;
	v47 =	vadd.f32 v52, v21;
	v44 =	vmul.f32 $8.000000000e+00, v44;
	v38 =	vld.idx.msk [tilespmem:v38+s24+$0x0], $0xffff  }
0xbb: {  	s6 =	sadd.s32 s6, s11;
	v23 =	vmovc v48;
	v52 =	vor.u32 v3, v18;
	v39 =	vadd.f32 v39, v11;
	v53 =	vmul.f32 $8.000000000e+00, v24;
	[tilespmem:s31+$0x10] =	vst v41  }
0xbc: {  	v41 =	vmul.f32 $8.000000000e+00, v46;
	v46 =	vor.u32 v2, v22;
	v44 =	vadd.f32 v44, v29;
	[tilespmem:s6+$0x0] =	vst v47;
	v47 =	vld.idx.msk [tilespmem:v50+s24+$0x0], $0xffff  }
0xbd: {  	v24 =	vmovc v17;
	v17 =	vmov v29;
	v35 =	vmul.f32 $8.000000000e+00, v35;
	v48 =	vld.idx.msk [tilespmem:v51+s24+$0x0], $0xffff;
	[tilespmem:s8+$0x30] =	vst v39;
	v39 =	vadd.f32 v53, v8  }
0xbe: {  	v50 =	vor.u32 v1, v27;
	v29 =	vadd.f32 v41, v20;
	[tilespmem:s3+$0xFFFFFFE0] =	vst v44;
	v37 =	vld.idx.msk [tilespmem:v37+s24+$0x0], $0xffff;
	v44 =	vmul.f32 $8.000000000e+00, v45  }
0xbf: {  	v41 =	vor.u32 v2, v28;
	v35 =	vadd.f32 v35, v9;
	v51 =	vld.idx.msk [tilespmem:v33+s24+$0x0], $0xffff;
	v33 =	vmul.f32 $8.000000000e+00, v42;
	[tilespmem:s28+$0x50] =	vst v39  }
0xc0: {  	s14 =	sand.u32 $0x380, s12;
	v42 =	vor.u32 v4, v14;
	[tilespmem:s21+$0x10] =	vst v29;
	v29 =	vmul.f32 $8.000000000e+00, v38;
	v38 =	vld.idx.msk [tilespmem:v43+s24+$0x0], $0xffff;
	v53 =	vadd.f32 v44, v13  }
.Ltmp0:
0xc1: {  	s11 =	sadd.s32 s14, s11;
	v43 =	vor.u32 v4, v12;
	v45 =	vld.idx.msk [tilespmem:v52+s24+$0x0], $0xffff;
	v33 =	vadd.f32 v33, v15;
	[tilespmem:s29+$0x60] =	vst v35;
	(pc) =	sbr.rel @p1 .LBB2_3-.Ltmp0, $4  }
0xc2: {  	v39 =	vor.u32 v7, v36;
	v46 =	vld.idx.msk [tilespmem:v46+s24+$0x0], $0xffff;
	[tilespmem:s11+$0x0] =	vst v40;
	v35 =	vadd.f32 v29, v10;
	v40 =	vmul.f32 $8.000000000e+00, v47  }
0xc3: {  	v36 =	vor.u32 v7, v32;
	v44 =	vor.u32 v1, v31;
	v52 =	vmul.f32 $8.000000000e+00, v48;
	v47 =	vld.idx.msk [tilespmem:v50+s24+$0x0], $0xffff;
	[tilespmem:s7+$0x30] =	vst v33  }
0xc4: {  	v33 =	vmul.f32 $8.000000000e+00, v37;
	v29 =	vld.idx.msk [tilespmem:v49+s19+$0x0], $0xffff;
	[tilespmem:s0+$0x30] =	vst v35;
	v40 =	vadd.f32 v40, v24;
	v35 =	vor.u32 v7, v34  }
0xc5: {  	s3 =	sadd.s32 $0x200, s3;
	v37 =	vor.u32 v5, v12;
	v48 =	vmul.f32 $8.000000000e+00, v51;
	v34 =	vadd.f32 v52, v21;
	v42 =	vld.idx.msk [tilespmem:v42+s24+$0x0], $0xffff;
	[tilespmem:s1+$0x60] =	vst v53  }
0xc6: {  	_ =	sdelay $0x2  }
0xc7: {  	v19 =	vadd.f32 v48, v29;
	_ =	sdelay $0x1  }
0xc8: {  	[tilespmem:s3+$0xFFFFFFC0] =	vst v19  }
0xc9: {  	v19 =	vld.idx.msk [tilespmem:v44+s24+$0x0], $0xffff;
	_ =	sdelay $0x4  }
0xca: {  	v32 =	vor.u32 v2, v31;
	v19 =	vmul.f32 $8.000000000e+00, v19;
	_ =	sdelay $0x1  }
0xcb: {  	v50 =	vor.u32 v2, v27;
	v47 =	vmul.f32 $8.000000000e+00, v47;
	v19 =	vadd.f32 v19, v29;
	_ =	sdelay $0x1  }
0xcc: {  	v47 =	vadd.f32 v47, v23;
	[tilespmem:s3+$0xFFFFFFD0] =	vst v19  }
0xcd: {  	v19 =	vld.idx.msk [tilespmem:v32+s24+$0x0], $0xffff  }
0xce: {  	[tilespmem:s11+$0x10] =	vst v47  }
0xcf: {  	[tilespmem:s6+$0x10] =	vst v34;
	v51 =	vld.idx.msk [tilespmem:v50+s24+$0x0], $0xffff  }
0xd0: {  	v34 =	vld.idx.msk [tilespmem:v41+s24+$0x0], $0xffff;
	_ =	sdelay $0x1  }
0xd1: {  	v52 =	vor.u32 v3, v31;
	v19 =	vmul.f32 $8.000000000e+00, v19  }
0xd2: {  	v54 =	vor.u32 v3, v22;
	v53 =	vmul.f32 $8.000000000e+00, v46  }
0xd3: {  	v55 =	vor.u32 v3, v27;
	v32 =	vmul.f32 $8.000000000e+00, v51;
	v19 =	vadd.f32 v19, v29  }
0xd4: {  	v56 =	vor.u32 v3, v28;
	v44 =	vadd.f32 v53, v20;
	v34 =	vmul.f32 $8.000000000e+00, v34  }
0xd5: {  	v32 =	vadd.f32 v32, v23;
	[tilespmem:s3+$0xFFFFFFE0] =	vst v19  }
0xd6: {  	v58 =	vor.u32 v4, v18;
	v59 =	vmul.f32 $8.000000000e+00, v45;
	[tilespmem:s21+$0x20] =	vst v44;
	v19 =	vadd.f32 v34, v21;
	v57 =	vld.idx.msk [tilespmem:v52+s24+$0x0], $0xffff  }
0xd7: {  	v60 =	vld.idx.msk [tilespmem:v54+s24+$0x0], $0xffff;
	[tilespmem:s11+$0x20] =	vst v32  }
0xd8: {  	v44 =	vadd.f32 v59, v17;
	[tilespmem:s6+$0x20] =	vst v19;
	v19 =	vld.idx.msk [tilespmem:v55+s24+$0x0], $0xffff  }
0xd9: {  	v61 =	vld.idx.msk [tilespmem:v56+s24+$0x0], $0xffff  }
0xda: {  	[tilespmem:s18+$0xFFFFFFF0] =	vst v44  }
0xdb: {  	v62 =	vor.u32 v4, v31;
	v41 =	vld.idx.msk [tilespmem:v58+s24+$0x0], $0xffff;
	v34 =	vmul.f32 $8.000000000e+00, v57  }
0xdc: {  	v63 =	vor.u32 v4, v22;
	v43 =	vld.idx.msk [tilespmem:v43+s24+$0x0], $0xffff;
	v32 =	vmul.f32 $8.000000000e+00, v60  }
0xdd: {  	v52 =	vor.u32 v4, v27;
	v19 =	vmul.f32 $8.000000000e+00, v19;
	v34 =	vadd.f32 v34, v29  }
0xde: {  	v53 =	vor.u32 v4, v28;
	v32 =	vadd.f32 v32, v20;
	v45 =	vmul.f32 $8.000000000e+00, v61  }
0xdf: {  	v19 =	vadd.f32 v19, v23;
	[tilespmem:s3+$0xFFFFFFF0] =	vst v34  }
0xe0: {  	v41 =	vmul.f32 $8.000000000e+00, v41;
	[tilespmem:s21+$0x30] =	vst v32;
	v56 =	vor.u32 v5, v18;
	v54 =	vadd.f32 v45, v21;
	v55 =	vld.idx.msk [tilespmem:v62+s24+$0x0], $0xffff  }
0xe1: {  	v43 =	vmul.f32 $8.000000000e+00, v43;
	[tilespmem:s11+$0x30] =	vst v19;
	v19 =	vld.idx.msk [tilespmem:v63+s24+$0x0], $0xffff  }
0xe2: {  	v41 =	vadd.f32 v41, v17;
	v60 =	vor.u32 v5, v16;
	[tilespmem:s6+$0x30] =	vst v54;
	v57 =	vld.idx.msk [tilespmem:v52+s24+$0x0], $0xffff  }
0xe3: {  	v42 =	vmul.f32 $8.000000000e+00, v42;
	v43 =	vadd.f32 v43, v10;
	v58 =	vor.u32 v5, v14;
	v59 =	vld.idx.msk [tilespmem:v53+s24+$0x0], $0xffff  }
0xe4: {  	v33 =	vadd.f32 v33, v11;
	[tilespmem:s18+$0x0] =	vst v41  }
0xe5: {  	v42 =	vadd.f32 v42, v15;
	[tilespmem:s0+$0x40] =	vst v43;
	v61 =	vor.u32 v5, v31;
	v62 =	vld.idx.msk [tilespmem:v56+s24+$0x0], $0xffff;
	v32 =	vmul.f32 $8.000000000e+00, v55  }
0xe6: {  	[tilespmem:s8+$0x40] =	vst v33;
	v37 =	vld.idx.msk [tilespmem:v37+s24+$0x0], $0xffff;
	v63 =	vor.u32 v5, v22;
	v19 =	vmul.f32 $8.000000000e+00, v19  }
0xe7: {  	v48 =	vor.u32 v5, v27;
	[tilespmem:s7+$0x40] =	vst v42;
	v47 =	vld.idx.msk [tilespmem:v60+s24+$0x0], $0xffff;
	v34 =	vmul.f32 $8.000000000e+00, v57;
	v32 =	vadd.f32 v32, v29  }
0xe8: {  	v50 =	vor.u32 v5, v28;
	v45 =	vld.idx.msk [tilespmem:v58+s24+$0x0], $0xffff;
	v49 =	vmul.f32 $8.000000000e+00, v59;
	v19 =	vadd.f32 v19, v20  }
0xe9: {  	v34 =	vadd.f32 v34, v23;
	[tilespmem:s3+$0x0] =	vst v32  }
0xea: {  	v52 =	vmul.f32 $8.000000000e+00, v62;
	[tilespmem:s21+$0x40] =	vst v19;
	v33 =	vadd.f32 v49, v21;
	v19 =	vld.idx.msk [tilespmem:v61+s24+$0x0], $0xffff  }
0xeb: {  	v37 =	vmul.f32 $8.000000000e+00, v37;
	v51 =	vmul.f32 $8.000000000e+00, v38;
	v53 =	vor.u32 v6, v18;
	[tilespmem:s11+$0x40] =	vst v34;
	v54 =	vld.idx.msk [tilespmem:v63+s24+$0x0], $0xffff  }
0xec: {  	v60 =	vmul.f32 $8.000000000e+00, v47;
	v55 =	vor.u32 v6, v12;
	v38 =	vadd.f32 v52, v17;
	v42 =	vld.idx.msk [tilespmem:v48+s24+$0x0], $0xffff;
	[tilespmem:s6+$0x40] =	vst v33  }
0xed: {  	[tilespmem:s31+$0x20] =	vst v40;
	v56 =	vor.u32 v6, v14;
	v57 =	vmul.f32 $8.000000000e+00, v45;
	v59 =	vadd.f32 v37, v10;
	v58 =	vld.idx.msk [tilespmem:v50+s24+$0x0], $0xffff  }
0xee: {  	v39 =	vld.idx.msk [tilespmem:v39+s24+$0x0], $0xffff;
	v16 =	vor.u32 v6, v16;
	v37 =	vadd.f32 v60, v11;
	[tilespmem:s18+$0x10] =	vst v38  }
0xef: {  	v36 =	vld.idx.msk [tilespmem:v36+s24+$0x0], $0xffff;
	v40 =	vadd.f32 v57, v15;
	[tilespmem:s0+$0x50] =	vst v59;
	v61 =	vor.u32 v6, v31;
	v19 =	vmul.f32 $8.000000000e+00, v19  }
0xf0: {  	v32 =	vadd.f32 v51, v8;
	[tilespmem:s8+$0x50] =	vst v37;
	v62 =	vld.idx.msk [tilespmem:v53+s24+$0x0], $0xffff;
	v63 =	vor.u32 v6, v22;
	v34 =	vmul.f32 $8.000000000e+00, v54  }
0xf1: {  	v45 =	vor.u32 v6, v27;
	v43 =	vld.idx.msk [tilespmem:v55+s24+$0x0], $0xffff;
	[tilespmem:s7+$0x50] =	vst v40;
	v42 =	vmul.f32 $8.000000000e+00, v42;
	v19 =	vadd.f32 v19, v29  }
0xf2: {  	v28 =	vor.u32 v6, v28;
	[tilespmem:s28+$0x60] =	vst v32;
	v33 =	vld.idx.msk [tilespmem:v56+s24+$0x0], $0xffff;
	v34 =	vadd.f32 v34, v20;
	v46 =	vmul.f32 $8.000000000e+00, v58  }
0xf3: {  	v39 =	vmul.f32 $8.000000000e+00, v39;
	v16 =	vld.idx.msk [tilespmem:v16+s24+$0x0], $0xffff;
	v42 =	vadd.f32 v42, v23;
	[tilespmem:s3+$0x10] =	vst v19  }
0xf4: {  	v19 =	vmul.f32 $8.000000000e+00, v36;
	[tilespmem:s21+$0x50] =	vst v34;
	v48 =	vadd.f32 v46, v21;
	v47 =	vld.idx.msk [tilespmem:v61+s24+$0x0], $0xffff  }
0xf5: {  	v24 =	vadd.f32 v39, v24;
	v18 =	vor.u32 v7, v18;
	v32 =	vmul.f32 $8.000000000e+00, v62;
	v49 =	vld.idx.msk [tilespmem:v63+s24+$0x0], $0xffff;
	[tilespmem:s11+$0x50] =	vst v42  }
0xf6: {  	v12 =	vor.u32 v7, v12;
	v9 =	vadd.f32 v19, v9;
	v19 =	vmul.f32 $8.000000000e+00, v43;
	v50 =	vld.idx.msk [tilespmem:v45+s24+$0x0], $0xffff;
	[tilespmem:s6+$0x50] =	vst v48  }
0xf7: {  	[tilespmem:s31+$0x30] =	vst v24;
	v14 =	vor.u32 v7, v14;
	v24 =	vmul.f32 $8.000000000e+00, v33;
	v32 =	vadd.f32 v32, v17;
	v28 =	vld.idx.msk [tilespmem:v28+s24+$0x0], $0xffff  }
0xf8: {  	v51 =	vld.idx.msk [tilespmem:v35+s24+$0x0], $0xffff;
	v16 =	vmul.f32 $8.000000000e+00, v16;
	[tilespmem:s29+$0x70] =	vst v9;
	v9 =	vadd.f32 v19, v10  }
0xf9: {  	v31 =	vor.u32 v7, v31;
	v24 =	vadd.f32 v24, v15;
	[tilespmem:s18+$0x20] =	vst v32;
	v19 =	vld.idx.msk [tilespmem:v26+s24+$0x0], $0xffff;
	v26 =	vmul.f32 $8.000000000e+00, v47  }
0xfa: {  	v22 =	vor.u32 v7, v22;
	v16 =	vadd.f32 v16, v11;
	[tilespmem:s0+$0x60] =	vst v9;
	v9 =	vld.idx.msk [tilespmem:v18+s24+$0x0], $0xffff;
	v18 =	vmul.f32 $8.000000000e+00, v49  }
0xfb: {  	v27 =	vor.u32 v7, v27;
	[tilespmem:s7+$0x60] =	vst v24;
	v12 =	vld.idx.msk [tilespmem:v12+s24+$0x0], $0xffff;
	v24 =	vmul.f32 $8.000000000e+00, v50;
	v26 =	vadd.f32 v26, v29  }
0xfc: {  	[tilespmem:s8+$0x60] =	vst v16;
	v14 =	vld.idx.msk [tilespmem:v14+s24+$0x0], $0xffff;
	v16 =	vadd.f32 v18, v20;
	v18 =	vmul.f32 $8.000000000e+00, v28  }
0xfd: {  	v25 =	vld.idx.msk [tilespmem:v25+s24+$0x0], $0xffff;
	v28 =	vmul.f32 $8.000000000e+00, v51;
	v24 =	vadd.f32 v24, v23;
	[tilespmem:s3+$0x20] =	vst v26  }
0xfe: {  	v19 =	vmul.f32 $8.000000000e+00, v19;
	[tilespmem:s21+$0x60] =	vst v16;
	v18 =	vadd.f32 v18, v21;
	v16 =	vld.idx.msk [tilespmem:v31+s24+$0x0], $0xffff  }
0xff: {  	v13 =	vadd.f32 v28, v13;
	v9 =	vmul.f32 $8.000000000e+00, v9;
	[tilespmem:s11+$0x60] =	vst v24;
	v22 =	vld.idx.msk [tilespmem:v22+s24+$0x0], $0xffff  }
0x100: {  	v8 =	vadd.f32 v19, v8;
	v12 =	vmul.f32 $8.000000000e+00, v12;
	[tilespmem:s6+$0x60] =	vst v18;
	v18 =	vld.idx.msk [tilespmem:v27+s24+$0x0], $0xffff  }
0x101: {  	[tilespmem:s1+$0x70] =	vst v13;
	v13 =	vmul.f32 $8.000000000e+00, v14;
	v9 =	vadd.f32 v9, v17;
	v14 =	vld.idx.msk [tilespmem:v30+s24+$0x0], $0xffff  }
0x102: {  	[tilespmem:s28+$0x70] =	vst v8;
	v8 =	vmul.f32 $8.000000000e+00, v25;
	v10 =	vadd.f32 v12, v10  }
0x103: {  	[tilespmem:s18+$0x30] =	vst v9;
	v9 =	vadd.f32 v13, v15;
	v12 =	vmul.f32 $8.000000000e+00, v16  }
0x104: {  	v8 =	vadd.f32 v8, v11;
	[tilespmem:s0+$0x70] =	vst v10;
	v10 =	vmul.f32 $8.000000000e+00, v22  }
0x105: {  	[tilespmem:s7+$0x70] =	vst v9;
	v9 =	vmul.f32 $8.000000000e+00, v18;
	v11 =	vadd.f32 v12, v29  }
0x106: {  	[tilespmem:s8+$0x70] =	vst v8;
	v8 =	vmul.f32 $8.000000000e+00, v14;
	v10 =	vadd.f32 v10, v20  }
0x107: {  	s16 =	sshll.u32 s10, $0x14;
	v9 =	vadd.f32 v9, v23;
	[tilespmem:s3+$0x30] =	vst v11  }
0x108: {  	s0 =	sor.u32 s5, s16;
	v8 =	vadd.f32 v8, v21;
	[tilespmem:s21+$0x70] =	vst v10  }
0x109: {  	s0 =	sshrl.u32 s0, $0x3;
	[tilespmem:s11+$0x70] =	vst v9  }
0x10a: {  	s18 =	sadd.s32 s22, s0;
	s21 =	simm.s32 $0x8200;
	[tilespmem:s6+$0x70] =	vst v8  }
0x10b: {  	[hbm4b:s18+s4] =	stream.linear.scatter [tilespmem:s21], [sflag:$0x9], $0x400, $0x38;
	[tilespmem:$0x13400] =	vst v63  }
0x10c: {  	s3 =	sadd.s32 s0, s25;
	s6 =	simm.s32 $0x8600;
	s7 =	rddreg [dreg:$0x9]  }
0x10d: {  	[hbm4b:s3+s4] =	stream.linear.scatter [tilespmem:s6], [sflag:$0x9], $0x400, $0x38;
	[tilespmem:$0x13400] =	vst v63  }
0x10e: {  	s8 =	simm.s32 $0x8A00;
	s11 =	rddreg [dreg:$0xa];
	s1 =	sadd.s32 s0, s7  }
0x10f: {  	[hbm4b:s1+s4] =	stream.linear.scatter [tilespmem:s8], [sflag:$0x9], $0x400, $0x38;
	[tilespmem:$0x13400] =	vst v63  }
0x110: {  	s12 =	simm.s32 $0x8E00;
	s13 =	rddreg [dreg:$0xb];
	s1 =	sadd.s32 s0, s11  }
0x111: {  	[hbm4b:s1+s4] =	stream.linear.scatter [tilespmem:s12], [sflag:$0x9], $0x400, $0x38;
	[tilespmem:$0x13400] =	vst v63  }
0x112: {  	s14 =	simm.s32 $0x9200;
	s15 =	rddreg [dreg:$0xc];
	s1 =	sadd.s32 s0, s13  }
0x113: {  	[hbm4b:s1+s4] =	stream.linear.scatter [tilespmem:s14], [sflag:$0x9], $0x400, $0x38;
	[tilespmem:$0x13400] =	vst v63  }
0x114: {  	s16 =	simm.s32 $0x9600;
	s18 =	rddreg [dreg:$0xd];
	s1 =	sadd.s32 s0, s15  }
0x115: {  	[hbm4b:s1+s4] =	stream.linear.scatter [tilespmem:s16], [sflag:$0x9], $0x400, $0x38;
	[tilespmem:$0x13400] =	vst v63  }
0x116: {  	s21 =	simm.s32 $0x9A00;
	s3 =	rddreg [dreg:$0xe];
	s1 =	sadd.s32 s0, s18  }
0x117: {  	[hbm4b:s1+s4] =	stream.linear.scatter [tilespmem:s21], [sflag:$0x9], $0x400, $0x38;
	[tilespmem:$0x13400] =	vst v63  }
0x118: {  	p1 =	seq.s32 s10, $0x31;
	s6 =	simm.s32 $0x9E00;
	s0 =	sadd.s32 s0, s3  }
0x119: {  	[hbm4b:s0+s4] =	stream.linear.scatter [tilespmem:s6], [sflag:$0x9], $0x400, $0x38;
	[tilespmem:$0x13400] =	vst v63  }
0x11a: {  	s0 =	sadd.s32 @!p1 $0x4, s23  }
0x11b: {  	s1 =	sshll.u32 @!p1 s0, $0x7;
	s0 =	sshll.u32 @!p1 s0, $0xC  }
0x11c: {  	s1 =	sand.u32 @!p1 $0x200, s1;
	s0 =	sand.u32 @!p1 $0x1F8000, s0  }
0x11d: {  	s0 =	sor.u32 @!p1 s0, s1  }
0x11e: {  	s0 =	sor.u32 @!p1 s5, s0  }
0x11f: {  	s1 =	rddreg [dreg:$0x0];
	s0 =	sshrl.u32 @!p1 s0, $0x3  }
0x120: {  	s7 =	simm.s32 $0x4;
	s0 =	sadd.s32 @!p1 s1, s0;
	s1 =	simm.s32 @!p1 $0x0  }
0x121: {  	[tilespmem:s1], [sflag:$0x1] =	stream.linear.gather @!p1 [hbm4b:s0+s1], $0x80, $0x38;
	[tilespmem:$0x13400] =	vst v63  }
0x122: {  	_ =	swait.ge [sflag:s7], $0x80  }
0x123: {  	s11 =	simm.s32 $0x80;
	[sflag:s7] =	ssyncset.done $0x0  }
0x124: {  	s12 =	simm.s32 $0x6;
	s8 =	rddreg [dreg:$0x4];
	[sflag:s7] =	ssyncadd.s32 $0xFFFFFF80  }
0x125: {  	[tilespmem:s2], [sflag:$0x8] =	stream.indirect.gather [hbm4b:s8+s11], $0x40, s17, s11, $0xb8;
	[tilespmem:$0x13400] =	vst v63  }
0x126: {  	_ =	swait.ge [sflag:s12], $0x2000  }
0x127: {  	[sflag:s12] =	ssyncset.done $0x0  }
0x128: {  	s0 =	simm.s32 @!p0 $0xA;
	[sflag:s12] =	ssyncadd.s32 $0xFFFFE000  }
0x129: {  	_ =	swait.ge @!p0 [sflag:s0], $0x400  }
0x12a: {  	[sflag:s0] =	ssyncset.done @!p0 $0x0  }
0x12b: {  	[sflag:s0] =	ssyncadd.s32 @!p0 $0xFFFFFC00  }
0x12c: {  	_ =	swait.ge @!p0 [sflag:s0], $0x400  }
0x12d: {  	[sflag:s0] =	ssyncset.done @!p0 $0x0  }
0x12e: {  	[sflag:s0] =	ssyncadd.s32 @!p0 $0xFFFFFC00  }
0x12f: {  	_ =	swait.ge @!p0 [sflag:s0], $0x400  }
0x130: {  	[sflag:s0] =	ssyncset.done @!p0 $0x0  }
0x131: {  	[sflag:s0] =	ssyncadd.s32 @!p0 $0xFFFFFC00  }
0x132: {  	_ =	swait.ge @!p0 [sflag:s0], $0x400  }
0x133: {  	[sflag:s0] =	ssyncset.done @!p0 $0x0  }
0x134: {  	[sflag:s0] =	ssyncadd.s32 @!p0 $0xFFFFFC00  }
0x135: {  	_ =	swait.ge @!p0 [sflag:s0], $0x400  }
0x136: {  	[sflag:s0] =	ssyncset.done @!p0 $0x0  }
0x137: {  	s13 =	simm.s32 $0x1;
	[sflag:s0] =	ssyncadd.s32 @!p0 $0xFFFFFC00  }
0x138: {  	v8 =	vmov s13;
	_ =	swait.ge @!p0 [sflag:s0], $0x400  }
0x139: {  	v8 =	vand.u32 $0x3D, v8;
	[sflag:s0] =	ssyncset.done @!p0 $0x0  }
0x13a: {  	s14 =	simm.s32 $0x2;
	v29 =	vbroadcast v8, $0x0;
	[sflag:s0] =	ssyncadd.s32 @!p0 $0xFFFFFC00  }
0x13b: {  	s28 =	sor.u32 $0x1, s23;
	v9 =	vmov s14;
	_ =	swait.ge @!p0 [sflag:s0], $0x400  }
0x13c: {  	s15 =	sshll.u32 s28, $0x6;
	v8 =	vand.u32 $0x3E, v9;
	v9 =	vor.u32 v0, v29;
	[sflag:s0] =	ssyncset.done @!p0 $0x0  }
0x13d: {  	v19 =	vmov s15;
	s16 =	simm.s32 $0x3;
	v34 =	vbroadcast v8, $0x0;
	[sflag:s0] =	ssyncadd.s32 @!p0 $0xFFFFFC00  }
0x13e: {  	v8 =	vor.u32 v19, v29;
	v10 =	vmov s16;
	_ =	swait.ge @!p0 [sflag:s0], $0x400  }
0x13f: {  	v10 =	vand.u32 $0x3F, v10;
	v11 =	vor.u32 v0, v34;
	[sflag:s0] =	ssyncset.done @!p0 $0x0  }
0x140: {  	v32 =	vbroadcast v10, $0x0;
	[sflag:s0] =	ssyncadd.s32 @!p0 $0xFFFFFC00  }
0x141: {  	v10 =	vor.u32 v19, v34;
	v12 =	vld.idx.msk [tilespmem:v9+s26+$0x0], $0xffff  }
0x142: {  	v13 =	vor.u32 v0, v32;
	s17 =	simm.s32 $0x0  }
0x143: {  	v14 =	vor.u32 v19, v32;
	v9 =	vld.idx.msk [tilespmem:v8+s19+$0x0], $0xffff;
	v8 =	vmov s17  }
0x144: {  	v11 =	vld.idx.msk [tilespmem:v11+s26+$0x0], $0xffff;
	v15 =	vand.u32 $0x3C, v8  }
0x145: {  	v33 =	vbroadcast v15, $0x0  }
0x146: {  	s18 =	simm.s32 $0x0;
	v8 =	vld.idx.msk [tilespmem:v10+s19+$0x0], $0xffff;
	v10 =	vmul.f32 $8.000000000e+00, v12;
	v12 =	vor.u32 v1, v29  }
0x147: {  	s21 =	simm.s32 $0x80;
	s0 =	sand.u32 $0x1C00, s18;
	v15 =	vld.idx.msk [tilespmem:v13+s26+$0x0], $0xffff;
	v16 =	vor.u32 v0, v33  }
0x148: {  	s1 =	sand.u32 $0x280, s21;
	s0 =	sor.u32 $0xA200, s0;
	v13 =	vld.idx.msk [tilespmem:v14+s19+$0x0], $0xffff;
	v14 =	vor.u32 v19, v33;
	v10 =	vadd.f32 v10, v9  }
0x149: {  	v17 =	vor.u32 v1, v34;
	s31 =	sadd.s32 s1, s0;
	v11 =	vmul.f32 $8.000000000e+00, v11  }
0x14a: {  	s3 =	simm.s32 $0x100;
	[tilespmem:s31+$0x0] =	vst v10  }
0x14b: {  	s1 =	sand.u32 $0x300, s3;
	v10 =	vadd.f32 v11, v8;
	v11 =	vld.idx.msk [tilespmem:v12+s26+$0x0], $0xffff  }
0x14c: {  	s1 =	sadd.s32 s1, s0;
	v12 =	vmul.f32 $8.000000000e+00, v15;
	v15 =	vld.idx.msk [tilespmem:v16+s26+$0x0], $0xffff  }
0x14d: {  	s6 =	simm.s32 $0x180;
	v28 =	vld.idx.msk [tilespmem:v14+s19+$0x0], $0xffff;
	[tilespmem:s1+$0x0] =	vst v10;
	v10 =	vor.u32 v1, v32  }
0x14e: {  	s3 =	sand.u32 $0x380, s6;
	v16 =	vld.idx.msk [tilespmem:v17+s26+$0x0], $0xffff;
	v12 =	vadd.f32 v12, v13  }
0x14f: {  	s7 =	simm.s32 $0x5;
	s29 =	sadd.s32 s3, s0  }
0x150: {  	[tilespmem:s29+$0x0] =	vst v12;
	v12 =	vmov s7  }
0x151: {  	v14 =	vor.u32 v1, v33;
	v15 =	vmul.f32 $8.000000000e+00, v15;
	v12 =	vand.u32 $0x3D, v12  }
0x152: {  	v11 =	vmul.f32 $8.000000000e+00, v11;
	v10 =	vld.idx.msk [tilespmem:v10+s26+$0x0], $0xffff;
	v12 =	vbroadcast v12, $0x0  }
0x153: {  	v18 =	vor.u32 v2, v29;
	v16 =	vmul.f32 $8.000000000e+00, v16;
	v15 =	vadd.f32 v15, v28  }
0x154: {  	s8 =	simm.s32 $0x6;
	s18 =	simm.s32 $0xA240;
	v11 =	vadd.f32 v11, v9;
	v21 =	vor.u32 v0, v12  }
0x155: {  	v20 =	vmov s8;
	v17 =	vor.u32 v2, v34;
	v16 =	vadd.f32 v16, v8;
	[tilespmem:s18+$0xFFFFFFC0] =	vst v15  }
0x156: {  	v20 =	vand.u32 $0x3E, v20;
	v23 =	vor.u32 v19, v12;
	[tilespmem:s31+$0x10] =	vst v11;
	v22 =	vld.idx.msk [tilespmem:v14+s26+$0x0], $0xffff  }
0x157: {  	s11 =	simm.s32 $0x7;
	v15 =	vor.u32 v2, v32;
	v10 =	vmul.f32 $8.000000000e+00, v10;
	[tilespmem:s1+$0x10] =	vst v16;
	v16 =	vbroadcast v20, $0x0  }
0x158: {  	v11 =	vmov s11;
	v18 =	vld.idx.msk [tilespmem:v18+s26+$0x0], $0xffff  }
0x159: {  	v11 =	vand.u32 $0x3F, v11;
	v10 =	vadd.f32 v10, v13;
	v20 =	vor.u32 v0, v16;
	v21 =	vld.idx.msk [tilespmem:v21+s26+$0x0], $0xffff  }
0x15a: {  	v14 =	vbroadcast v11, $0x0;
	v17 =	vld.idx.msk [tilespmem:v17+s26+$0x0], $0xffff;
	v11 =	vor.u32 v19, v16  }
0x15b: {  	v24 =	vor.u32 v2, v33;
	[tilespmem:s29+$0x10] =	vst v10;
	v22 =	vmul.f32 $8.000000000e+00, v22;
	v10 =	vld.idx.msk [tilespmem:v23+s19+$0x0], $0xffff  }
0x15c: {  	v25 =	vor.u32 v0, v14;
	v15 =	vld.idx.msk [tilespmem:v15+s26+$0x0], $0xffff  }
0x15d: {  	v23 =	vor.u32 v19, v14;
	v22 =	vadd.f32 v22, v28  }
0x15e: {  	s13 =	simm.s32 $0x200;
	v27 =	vor.u32 v1, v12;
	v20 =	vld.idx.msk [tilespmem:v20+s26+$0x0], $0xffff;
	v21 =	vmul.f32 $8.000000000e+00, v21  }
0x15f: {  	s14 =	simm.s32 $0x280;
	v30 =	vor.u32 v3, v29;
	v26 =	vor.u32 v3, v34;
	s3 =	sand.u32 $0x1C00, s13;
	v17 =	vmul.f32 $8.000000000e+00, v17;
	v11 =	vld.idx.msk [tilespmem:v11+s19+$0x0], $0xffff;
	[tilespmem:s18+$0xFFFFFFD0] =	vst v22  }
0x160: {  	s15 =	sand.u32 $0x280, s14;
	v31 =	vor.u32 v3, v32;
	s12 =	simm.s32 $0x4;
	s3 =	sor.u32 $0xA200, s3;
	v18 =	vmul.f32 $8.000000000e+00, v18;
	v24 =	vld.idx.msk [tilespmem:v24+s26+$0x0], $0xffff;
	v21 =	vadd.f32 v21, v10  }
0x161: {  	s0 =	sadd.s32 s15, s3;
	v25 =	vld.idx.msk [tilespmem:v25+s26+$0x0], $0xffff;
	v17 =	vadd.f32 v17, v8;
	v22 =	vmul.f32 $8.000000000e+00, v15;
	v15 =	vmov s12  }
0x162: {  	v53 =	vadd.f32 v18, v9;
	v52 =	vand.u32 $0x3C, v15;
	v15 =	vld.idx.msk [tilespmem:v23+s19+$0x0], $0xffff;
	[tilespmem:s0+$0x0] =	vst v21  }
0x163: {  	[tilespmem:s1+$0x20] =	vst v17;
	v18 =	vbroadcast v52, $0x0;
	v17 =	vadd.f32 v22, v13;
	v20 =	vmul.f32 $8.000000000e+00, v20;
	v21 =	vld.idx.msk [tilespmem:v27+s26+$0x0], $0xffff  }
0x164: {  	s16 =	simm.s32 $0x300;
	v58 =	vor.u32 v5, v29;
	[tilespmem:s31+$0x20] =	vst v53;
	v23 =	vor.u32 v1, v16;
	v22 =	vld.idx.msk [tilespmem:v26+s26+$0x0], $0xffff  }
0x165: {  	s17 =	simm.s32 $0x380;
	s6 =	sand.u32 $0x300, s16;
	v26 =	vor.u32 v0, v18;
	[tilespmem:s29+$0x20] =	vst v17;
	v17 =	vadd.f32 v20, v11;
	v20 =	vmul.f32 $8.000000000e+00, v24;
	v24 =	vld.idx.msk [tilespmem:v30+s26+$0x0], $0xffff  }
0x166: {  	v54 =	vor.u32 v4, v32;
	v48 =	vor.u32 v5, v32;
	s8 =	sadd.s32 s6, s3;
	s6 =	sand.u32 $0x380, s17;
	v27 =	vor.u32 v3, v33;
	v30 =	vld.idx.msk [tilespmem:v31+s26+$0x0], $0xffff  }
0x167: {  	s7 =	sadd.s32 s6, s3;
	s6 =	simm.s32 $0xA;
	v25 =	vmul.f32 $8.000000000e+00, v25;
	v31 =	vor.u32 v1, v14;
	[tilespmem:s8+$0x0] =	vst v17;
	v17 =	vadd.f32 v20, v28  }
0x168: {  	v59 =	vmov s6;
	v35 =	vor.u32 v19, v18;
	v21 =	vmul.f32 $8.000000000e+00, v21  }
0x169: {  	v56 =	vor.u32 v2, v12;
	v25 =	vadd.f32 v25, v15;
	v23 =	vld.idx.msk [tilespmem:v23+s26+$0x0], $0xffff;
	[tilespmem:s18+$0xFFFFFFE0] =	vst v17;
	v17 =	vmul.f32 $8.000000000e+00, v22  }
0x16a: {  	v20 =	vor.u32 v4, v34;
	v26 =	vld.idx.msk [tilespmem:v26+s26+$0x0], $0xffff;
	v22 =	vmul.f32 $8.000000000e+00, v24;
	v21 =	vadd.f32 v21, v10  }
0x16b: {  	[tilespmem:s7+$0x0] =	vst v25;
	v24 =	vld.idx.msk [tilespmem:v27+s26+$0x0], $0xffff;
	v27 =	vor.u32 v4, v29;
	v30 =	vmul.f32 $8.000000000e+00, v30;
	v55 =	vadd.f32 v17, v8  }
0x16c: {  	v37 =	vand.u32 $0x3E, v59;
	s11 =	simm.s32 $0xB;
	v52 =	vor.u32 v6, v29;
	v31 =	vld.idx.msk [tilespmem:v31+s26+$0x0], $0xffff;
	v22 =	vadd.f32 v22, v9;
	[tilespmem:s0+$0x10] =	vst v21  }
0x16d: {  	v60 =	vmov s11;
	v57 =	vor.u32 v1, v18;
	v17 =	vld.idx.msk [tilespmem:v35+s19+$0x0], $0xffff;
	v30 =	vadd.f32 v30, v13;
	[tilespmem:s1+$0x30] =	vst v55  }
0x16e: {  	s21 =	simm.s32 $0x9;
	v59 =	vor.u32 v2, v18;
	v25 =	vor.u32 v2, v16;
	v23 =	vmul.f32 $8.000000000e+00, v23;
	v38 =	vld.idx.msk [tilespmem:v56+s26+$0x0], $0xffff;
	[tilespmem:s31+$0x30] =	vst v22  }
0x16f: {  	v22 =	vmov s21;
	v20 =	vld.idx.msk [tilespmem:v20+s26+$0x0], $0xffff;
	v26 =	vmul.f32 $8.000000000e+00, v26;
	[tilespmem:s29+$0x30] =	vst v30;
	v30 =	vor.u32 v4, v33  }
0x170: {  	v27 =	vld.idx.msk [tilespmem:v27+s26+$0x0], $0xffff;
	v24 =	vmul.f32 $8.000000000e+00, v24;
	v23 =	vadd.f32 v23, v11;
	v22 =	vand.u32 $0x3D, v22  }
0x171: {  	v21 =	vor.u32 v2, v14;
	v36 =	vld.idx.msk [tilespmem:v54+s26+$0x0], $0xffff;
	v22 =	vbroadcast v22, $0x0;
	v31 =	vmul.f32 $8.000000000e+00, v31  }
0x172: {  	v24 =	vadd.f32 v24, v28;
	[tilespmem:s8+$0x10] =	vst v23;
	v23 =	vand.u32 $0x3F, v60;
	v60 =	vor.u32 v6, v32  }
0x173: {  	v61 =	vor.u32 v0, v22;
	v31 =	vadd.f32 v31, v15;
	v49 =	vor.u32 v19, v22  }
0x174: {  	v63 =	vld.idx.msk [tilespmem:v25+s26+$0x0], $0xffff;
	[tilespmem:s18+$0xFFFFFFF0] =	vst v24;
	v24 =	vadd.f32 v26, v17;
	v44 =	vmul.f32 $8.000000000e+00, v20;
	v20 =	vmul.f32 $8.000000000e+00, v38  }
0x175: {  	s21 =	simm.s32 $0xA440;
	v25 =	vor.u32 v7, v34;
	v26 =	vbroadcast v23, $0x0;
	v30 =	vld.idx.msk [tilespmem:v30+s26+$0x0], $0xffff;
	v62 =	vmul.f32 $8.000000000e+00, v27;
	[tilespmem:s7+$0x10] =	vst v31  }
0x176: {  	v27 =	vbroadcast v37, $0x0;
	v36 =	vmul.f32 $8.000000000e+00, v36;
	[tilespmem:s21+$0xFFFFFFC0] =	vst v24;
	v51 =	vld.idx.msk [tilespmem:v21+s26+$0x0], $0xffff;
	v42 =	vadd.f32 v20, v10  }
0x177: {  	v24 =	vor.u32 v7, v16;
	v53 =	vor.u32 v0, v26;
	v23 =	vadd.f32 v62, v9;
	v39 =	vld.idx.msk [tilespmem:v57+s26+$0x0], $0xffff  }
0x178: {  	v50 =	vor.u32 v19, v27;
	v31 =	vadd.f32 v36, v13;
	v20 =	vld.idx.msk [tilespmem:v49+s19+$0x0], $0xffff;
	[tilespmem:s0+$0x20] =	vst v42  }
0x179: {  	v54 =	vor.u32 v19, v26;
	v55 =	vor.u32 v0, v27;
	[tilespmem:s31+$0x40] =	vst v23;
	v23 =	vld.idx.msk [tilespmem:v61+s26+$0x0], $0xffff  }
0x17a: {  	v62 =	vmul.f32 $8.000000000e+00, v63;
	v42 =	vor.u32 v4, v12;
	[tilespmem:s29+$0x40] =	vst v31;
	v21 =	vmul.f32 $8.000000000e+00, v30;
	v30 =	vld.idx.msk [tilespmem:v58+s26+$0x0], $0xffff  }
0x17b: {  	v61 =	vor.u32 v5, v34;
	v34 =	vor.u32 v6, v34;
	v31 =	vor.u32 v5, v33;
	v37 =	vld.idx.msk [tilespmem:v48+s26+$0x0], $0xffff  }
0x17c: {  	v57 =	vadd.f32 v62, v11;
	v58 =	vor.u32 v3, v16;
	v45 =	vld.idx.msk [tilespmem:v53+s26+$0x0], $0xffff;
	v40 =	vmul.f32 $8.000000000e+00, v51  }
0x17d: {  	v62 =	vor.u32 v1, v22;
	v63 =	vadd.f32 v21, v28;
	v21 =	vld.idx.msk [tilespmem:v50+s19+$0x0], $0xffff;
	v56 =	vmul.f32 $8.000000000e+00, v39  }
0x17e: {  	v51 =	vor.u32 v4, v16;
	v35 =	vld.idx.msk [tilespmem:v55+s26+$0x0], $0xffff;
	[tilespmem:s8+$0x20] =	vst v57;
	v40 =	vadd.f32 v40, v15  }
0x17f: {  	s12 =	simm.s32 $0x400;
	v49 =	vmul.f32 $8.000000000e+00, v23;
	v23 =	vld.idx.msk [tilespmem:v54+s19+$0x0], $0xffff;
	v36 =	vadd.f32 v56, v17;
	[tilespmem:s18+$0x0] =	vst v63;
	v63 =	vor.u32 v3, v14  }
0x180: {  	s14 =	simm.s32 $0x480;
	s3 =	sand.u32 $0x1C00, s12;
	v56 =	vor.u32 v3, v12;
	v50 =	vld.idx.msk [tilespmem:v31+s26+$0x0], $0xffff;
	v31 =	vadd.f32 v44, v8;
	[tilespmem:s7+$0x20] =	vst v40  }
0x181: {  	s12 =	sand.u32 $0x280, s14;
	s15 =	sor.u32 $0xA200, s3;
	v30 =	vmul.f32 $8.000000000e+00, v30;
	v54 =	vld.idx.msk [tilespmem:v58+s26+$0x0], $0xffff;
	v58 =	vor.u32 v6, v33;
	v53 =	vadd.f32 v49, v20;
	[tilespmem:s21+$0xFFFFFFD0] =	vst v36  }
0x182: {  	s13 =	simm.s32 $0x8;
	s3 =	sadd.s32 s12, s15;
	v40 =	vor.u32 v2, v27;
	v37 =	vmul.f32 $8.000000000e+00, v37;
	v49 =	vor.u32 v1, v27;
	v47 =	vld.idx.msk [tilespmem:v59+s26+$0x0], $0xffff;
	[tilespmem:s1+$0x40] =	vst v31  }
0x183: {  	v45 =	vmul.f32 $8.000000000e+00, v45;
	v55 =	vadd.f32 v30, v9;
	v30 =	vmov s13;
	[tilespmem:s3+$0x0] =	vst v53;
	v38 =	vld.idx.msk [tilespmem:v61+s26+$0x0], $0xffff  }
0x184: {  	v35 =	vmul.f32 $8.000000000e+00, v35;
	v37 =	vadd.f32 v37, v13;
	v31 =	vand.u32 $0x3C, v30;
	v43 =	vld.idx.msk [tilespmem:v62+s26+$0x0], $0xffff  }
0x185: {  	s16 =	simm.s32 $0x500;
	v30 =	vor.u32 v7, v27;
	v31 =	vbroadcast v31, $0x0;
	[tilespmem:s31+$0x50] =	vst v55;
	v39 =	vld.idx.msk [tilespmem:v63+s26+$0x0], $0xffff;
	v57 =	vmul.f32 $8.000000000e+00, v50  }
0x186: {  	s11 =	sand.u32 $0x300, s16;
	v48 =	vadd.f32 v45, v23;
	v35 =	vadd.f32 v35, v21;
	v46 =	vld.idx.msk [tilespmem:v52+s26+$0x0], $0xffff;
	[tilespmem:s29+$0x50] =	vst v37;
	v36 =	vmul.f32 $8.000000000e+00, v54  }
0x187: {  	s11 =	sadd.s32 s11, s15;
	v63 =	vor.u32 v2, v22;
	v59 =	vor.u32 v0, v31;
	v60 =	vld.idx.msk [tilespmem:v60+s26+$0x0], $0xffff;
	v41 =	vadd.f32 v57, v28  }
0x188: {  	s13 =	simm.s32 $0x580;
	v44 =	vld.idx.msk [tilespmem:v56+s26+$0x0], $0xffff;
	v56 =	vor.u32 v1, v26;
	[tilespmem:s11+$0x0] =	vst v35;
	v36 =	vadd.f32 v36, v11;
	v38 =	vmul.f32 $8.000000000e+00, v38  }
0x189: {  	s17 =	sand.u32 $0x380, s13;
	v52 =	vor.u32 v19, v31;
	v61 =	vmul.f32 $8.000000000e+00, v47;
	v49 =	vld.idx.msk [tilespmem:v49+s26+$0x0], $0xffff;
	[tilespmem:s18+$0x10] =	vst v41;
	v41 =	vor.u32 v3, v18  }
0x18a: {  	s12 =	sadd.s32 s17, s15;
	v35 =	vor.u32 v7, v32;
	v43 =	vmul.f32 $8.000000000e+00, v43;
	[tilespmem:s8+$0x30] =	vst v36;
	v47 =	vld.idx.msk [tilespmem:v58+s26+$0x0], $0xffff;
	v38 =	vadd.f32 v38, v8  }
0x18b: {  	[tilespmem:s12+$0x0] =	vst v48;
	v62 =	vadd.f32 v61, v17;
	v39 =	vmul.f32 $8.000000000e+00, v39;
	v61 =	vor.u32 v4, v14;
	v57 =	vld.idx.msk [tilespmem:v51+s26+$0x0], $0xffff  }
0x18c: {  	v54 =	vmul.f32 $8.000000000e+00, v46;
	v55 =	vadd.f32 v43, v20;
	v58 =	vmul.f32 $8.000000000e+00, v60;
	v59 =	vld.idx.msk [tilespmem:v59+s26+$0x0], $0xffff;
	[tilespmem:s1+$0x50] =	vst v38  }
0x18d: {  	[tilespmem:s21+$0xFFFFFFE0] =	vst v62;
	v60 =	vmul.f32 $8.000000000e+00, v44;
	v62 =	vadd.f32 v39, v15;
	v39 =	vor.u32 v7, v33;
	v37 =	vld.idx.msk [tilespmem:v34+s26+$0x0], $0xffff  }
0x18e: {  	v43 =	vor.u32 v1, v31;
	v36 =	vadd.f32 v54, v9;
	[tilespmem:s3+$0x10] =	vst v55;
	v44 =	vld.idx.msk [tilespmem:v41+s26+$0x0], $0xffff  }
0x18f: {  	v49 =	vmul.f32 $8.000000000e+00, v49;
	v38 =	vadd.f32 v60, v10;
	[tilespmem:s7+$0x30] =	vst v62;
	v45 =	vld.idx.msk [tilespmem:v63+s26+$0x0], $0xffff;
	v63 =	vmul.f32 $8.000000000e+00, v47  }
0x190: {  	v53 =	vadd.f32 v58, v13;
	[tilespmem:s31+$0x60] =	vst v36;
	v36 =	vor.u32 v7, v29;
	v29 =	vld.idx.msk [tilespmem:v52+s19+$0x0], $0xffff  }
0x191: {  	v34 =	vadd.f32 v49, v21;
	v41 =	vld.idx.msk [tilespmem:v61+s26+$0x0], $0xffff;
	[tilespmem:s0+$0x30] =	vst v38;
	v46 =	vadd.f32 v63, v28  }
0x192: {  	s6 =	simm.s32 $0xA640;
	s14 =	simm.s32 $0xC;
	v47 =	vld.idx.msk [tilespmem:v56+s26+$0x0], $0xffff;
	v33 =	vmul.f32 $8.000000000e+00, v57;
	v38 =	vor.u32 v5, v12;
	[tilespmem:s29+$0x60] =	vst v53;
	v48 =	vmul.f32 $8.000000000e+00, v59  }
.LBB2_5:
0x193: {  	s15 =	sadd.s32 $0x1, s14;
	s16 =	sadd.s32 $0x2, s14;
	s17 =	sadd.s32 $0x3, s14;
	v49 =	vor.u32 v2, v26;
	v50 =	vor.u32 v4, v18;
	v42 =	vld.idx.msk [tilespmem:v42+s26+$0x0], $0xffff;
	[tilespmem:s18+$0x20] =	vst v46;
	v37 =	vmul.f32 $8.000000000e+00, v37  }
0x194: {  	p1 =	slt.u32 s14, $0x3C;
	v44 =	vmul.f32 $8.000000000e+00, v44;
	v32 =	vmovc v12;
	v12 =	vmovc v22;
	v46 =	vmov s15;
	v51 =	vmov s16;
	v39 =	vld.idx.msk [tilespmem:v39+s26+$0x0], $0xffff;
	s15 =	smov.u32 s14;
	s14 =	sadd.s32 $0x4, s14  }
0x195: {  	v22 =	vand.u32 $0x3D, v46;
	v46 =	vand.u32 $0x3E, v51;
	[tilespmem:s11+$0x10] =	vst v34;
	v51 =	vld.idx.msk [tilespmem:v36+s26+$0x0], $0xffff;
	v37 =	vadd.f32 v37, v8;
	v34 =	vmovc v14  }
0x196: {  	v52 =	vmov s17;
	v44 =	vadd.f32 v44, v17;
	v14 =	vmovc v26;
	v36 =	vmovc v18;
	v22 =	vbroadcast v22, $0x0;
	v40 =	vld.idx.msk [tilespmem:v40+s26+$0x0], $0xffff  }
0x197: {  	v45 =	vmul.f32 $8.000000000e+00, v45;
	v26 =	vand.u32 $0x3F, v52;
	v47 =	vmul.f32 $8.000000000e+00, v47;
	v18 =	vmovc v31;
	[tilespmem:s1+$0x60] =	vst v37;
	v35 =	vld.idx.msk [tilespmem:v35+s26+$0x0], $0xffff  }
0x198: {  	v41 =	vmul.f32 $8.000000000e+00, v41;
	v31 =	vor.u32 v19, v22;
	v37 =	vor.u32 v0, v22;
	[tilespmem:s21+$0xFFFFFFF0] =	vst v44;
	v44 =	vld.idx.msk [tilespmem:v25+s26+$0x0], $0xffff  }
0x199: {  	v48 =	vadd.f32 v48, v29;
	v47 =	vadd.f32 v47, v23;
	v42 =	vmul.f32 $8.000000000e+00, v42;
	v25 =	vmovc v24;
	v50 =	vld.idx.msk [tilespmem:v50+s26+$0x0], $0xffff  }
0x19a: {  	v46 =	vbroadcast v46, $0x0;
	v52 =	vor.u32 v5, v34;
	v24 =	vmovc v30;
	v41 =	vadd.f32 v41, v15  }
0x19b: {  	v26 =	vbroadcast v26, $0x0;
	v30 =	vor.u32 v5, v36;
	v42 =	vadd.f32 v42, v10;
	[tilespmem:s6+$0xFFFFFFC0] =	vst v48  }
0x19c: {  	v53 =	vor.u32 v0, v46;
	v39 =	vmul.f32 $8.000000000e+00, v39;
	v48 =	vor.u32 v19, v46;
	v43 =	vld.idx.msk [tilespmem:v43+s26+$0x0], $0xffff;
	[tilespmem:s12+$0x10] =	vst v47  }
0x19d: {  	v47 =	vor.u32 v0, v26;
	v35 =	vmul.f32 $8.000000000e+00, v35;
	v49 =	vld.idx.msk [tilespmem:v49+s26+$0x0], $0xffff;
	[tilespmem:s0+$0x40] =	vst v42;
	v42 =	vmul.f32 $8.000000000e+00, v51  }
0x19e: {  	v28 =	vadd.f32 v39, v28;
	v51 =	vor.u32 v19, v26;
	v39 =	vmul.f32 $8.000000000e+00, v44;
	v37 =	vld.idx.msk [tilespmem:v37+s26+$0x0], $0xffff;
	[tilespmem:s7+$0x40] =	vst v41  }
0x19f: {  	v41 =	vadd.f32 v45, v20;
	v44 =	vmul.f32 $8.000000000e+00, v50;
	v38 =	vld.idx.msk [tilespmem:v38+s26+$0x0], $0xffff;
	v42 =	vadd.f32 v42, v9;
	v9 =	vmovc v10  }
0x1a0: {  	v40 =	vmul.f32 $8.000000000e+00, v40;
	v13 =	vadd.f32 v35, v13;
	v8 =	vadd.f32 v39, v8;
	v45 =	vld.idx.msk [tilespmem:v52+s26+$0x0], $0xffff;
	[tilespmem:s18+$0x30] =	vst v28;
	s18 =	smov.u32 s21;
	s21 =	smov.u32 s6  }
0x1a1: {  	v35 =	vor.u32 v6, v32;
	v10 =	vmov v20;
	v28 =	vadd.f32 v44, v17;
	[tilespmem:s31+$0x70] =	vst v42;
	v20 =	vld.idx.msk [tilespmem:v31+s19+$0x0], $0xffff;
	s31 =	smov.u32 s0;
	s0 =	smov.u32 s3  }
0x1a2: {  	s13 =	sadd.s32 $0x200, s13;
	v40 =	vadd.f32 v40, v21;
	v39 =	vmul.f32 $8.000000000e+00, v43;
	v42 =	vor.u32 v3, v27;
	v31 =	vld.idx.msk [tilespmem:v48+s19+$0x0], $0xffff;
	[tilespmem:s29+$0x70] =	vst v13;
	s29 =	smov.u32 s7;
	s7 =	smov.u32 s12  }
0x1a3: {  	v43 =	vor.u32 v2, v18;
	v44 =	vmul.f32 $8.000000000e+00, v49;
	v13 =	vld.idx.msk [tilespmem:v47+s26+$0x0], $0xffff;
	v47 =	vor.u32 v6, v34;
	[tilespmem:s1+$0x70] =	vst v8;
	s1 =	smov.u32 s8;
	s8 =	smov.u32 s11  }
0x1a4: {  	v37 =	vmul.f32 $8.000000000e+00, v37;
	v39 =	vadd.f32 v39, v29;
	v48 =	vld.idx.msk [tilespmem:v51+s19+$0x0], $0xffff;
	[tilespmem:s18+$0x0] =	vst v28;
	v28 =	vor.u32 v5, v16  }
0x1a5: {  	s3 =	sadd.s32 $0xFFFFFE80, s13;
	v49 =	vor.u32 v1, v22;
	v8 =	vmovc v11;
	v44 =	vadd.f32 v44, v23;
	v50 =	vld.idx.msk [tilespmem:v30+s26+$0x0], $0xffff;
	v30 =	vmul.f32 $8.000000000e+00, v38  }
0x1a6: {  	s3 =	sand.u32 $0x1C00, s3;
	s11 =	sadd.s32 $0xFFFFFF00, s13;
	v33 =	vadd.f32 v33, v8;
	v45 =	vmul.f32 $8.000000000e+00, v45;
	v38 =	vld.idx.msk [tilespmem:v53+s26+$0x0], $0xffff;
	[tilespmem:s8+$0x20] =	vst v40;
	v40 =	vor.u32 v3, v14  }
0x1a7: {  	s12 =	sor.u32 $0xA200, s3;
	v11 =	vmov v21;
	s11 =	sand.u32 $0x280, s11;
	v37 =	vadd.f32 v37, v20;
	[tilespmem:s6+$0xFFFFFFD0] =	vst v39;
	v39 =	vld.idx.msk [tilespmem:v42+s26+$0x0], $0xffff;
	v42 =	vadd.f32 v30, v9  }
0x1a8: {  	v51 =	vor.u32 v1, v46;
	s3 =	sadd.s32 s11, s12;
	v30 =	vmov s15;
	v21 =	vmovc v31;
	v43 =	vld.idx.msk [tilespmem:v43+s26+$0x0], $0xffff;
	[tilespmem:s1+$0x40] =	vst v33;
	v33 =	vadd.f32 v45, v15  }
0x1a9: {  	v31 =	vand.u32 $0x3C, v30;
	v30 =	vor.u32 v7, v46;
	[tilespmem:s3+$0x0] =	vst v37;
	v37 =	vor.u32 v3, v12;
	v28 =	vld.idx.msk [tilespmem:v28+s26+$0x0], $0xffff  }
0x1aa: {  	v31 =	vbroadcast v31, $0x0;
	v45 =	vld.idx.msk [tilespmem:v49+s26+$0x0], $0xffff;
	[tilespmem:s31+$0x50] =	vst v42;
	v42 =	vor.u32 v6, v16;
	v16 =	vmovc v27;
	v27 =	vmov v46  }
0x1ab: {  	v46 =	vmul.f32 $8.000000000e+00, v13;
	v49 =	vmul.f32 $8.000000000e+00, v50;
	v50 =	vor.u32 v6, v36;
	v13 =	vmovc v15;
	v35 =	vld.idx.msk [tilespmem:v35+s26+$0x0], $0xffff;
	[tilespmem:s29+$0x50] =	vst v33  }
0x1ac: {  	v33 =	vor.u32 v0, v31;
	v52 =	vmul.f32 $8.000000000e+00, v38;
	v38 =	vor.u32 v4, v16;
	[tilespmem:s7+$0x20] =	vst v44;
	v44 =	vld.idx.msk [tilespmem:v47+s26+$0x0], $0xffff  }
0x1ad: {  	s11 =	sadd.s32 $0xFFFFFF80, s13;
	v46 =	vadd.f32 v46, v48;
	v39 =	vmul.f32 $8.000000000e+00, v39;
	[tilespmem:s0+$0x20] =	vst v41;
	v41 =	vld.idx.msk [tilespmem:v40+s26+$0x0], $0xffff;
	v40 =	vadd.f32 v49, v17  }
0x1ae: {  	s11 =	sand.u32 $0x300, s11;
	v15 =	vmovc v23;
	v49 =	vor.u32 v19, v31;
	v47 =	vadd.f32 v52, v21;
	v43 =	vmul.f32 $8.000000000e+00, v43;
	v37 =	vld.idx.msk [tilespmem:v37+s26+$0x0], $0xffff  }
0x1af: {  	s11 =	sadd.s32 s11, s12;
	v23 =	vmovc v48;
	v52 =	vor.u32 v3, v18;
	v39 =	vadd.f32 v39, v11;
	v53 =	vmul.f32 $8.000000000e+00, v28;
	[tilespmem:s18+$0x10] =	vst v40  }
0x1b0: {  	v40 =	vmul.f32 $8.000000000e+00, v45;
	v45 =	vor.u32 v2, v22;
	v43 =	vadd.f32 v43, v29;
	[tilespmem:s11+$0x0] =	vst v47;
	v47 =	vld.idx.msk [tilespmem:v50+s26+$0x0], $0xffff  }
0x1b1: {  	v28 =	vmovc v17;
	v17 =	vmov v29;
	v35 =	vmul.f32 $8.000000000e+00, v35;
	v48 =	vld.idx.msk [tilespmem:v51+s26+$0x0], $0xffff;
	[tilespmem:s8+$0x30] =	vst v39;
	v39 =	vadd.f32 v53, v8  }
0x1b2: {  	v50 =	vor.u32 v1, v26;
	v29 =	vadd.f32 v40, v20;
	[tilespmem:s6+$0xFFFFFFE0] =	vst v43;
	v38 =	vld.idx.msk [tilespmem:v38+s26+$0x0], $0xffff;
	v43 =	vmul.f32 $8.000000000e+00, v44  }
0x1b3: {  	v40 =	vor.u32 v2, v27;
	v35 =	vadd.f32 v35, v9;
	v51 =	vld.idx.msk [tilespmem:v33+s26+$0x0], $0xffff;
	v33 =	vmul.f32 $8.000000000e+00, v41;
	[tilespmem:s1+$0x50] =	vst v39  }
0x1b4: {  	s15 =	sand.u32 $0x380, s13;
	v41 =	vor.u32 v4, v14;
	[tilespmem:s3+$0x10] =	vst v29;
	v29 =	vmul.f32 $8.000000000e+00, v37;
	v37 =	vld.idx.msk [tilespmem:v42+s26+$0x0], $0xffff;
	v53 =	vadd.f32 v43, v13  }
.Ltmp1:
0x1b5: {  	s12 =	sadd.s32 s15, s12;
	v42 =	vor.u32 v4, v12;
	v44 =	vld.idx.msk [tilespmem:v52+s26+$0x0], $0xffff;
	v33 =	vadd.f32 v33, v15;
	[tilespmem:s31+$0x60] =	vst v35;
	(pc) =	sbr.rel @p1 .LBB2_5-.Ltmp1, $4  }
0x1b6: {  	v39 =	vor.u32 v7, v36;
	v45 =	vld.idx.msk [tilespmem:v45+s26+$0x0], $0xffff;
	[tilespmem:s12+$0x0] =	vst v46;
	v35 =	vadd.f32 v29, v10;
	v46 =	vmul.f32 $8.000000000e+00, v47  }
0x1b7: {  	v36 =	vor.u32 v7, v32;
	v43 =	vor.u32 v1, v31;
	v52 =	vmul.f32 $8.000000000e+00, v48;
	v47 =	vld.idx.msk [tilespmem:v50+s26+$0x0], $0xffff;
	[tilespmem:s7+$0x30] =	vst v33  }
0x1b8: {  	v33 =	vmul.f32 $8.000000000e+00, v38;
	v29 =	vld.idx.msk [tilespmem:v49+s19+$0x0], $0xffff;
	[tilespmem:s0+$0x30] =	vst v35;
	v46 =	vadd.f32 v46, v28;
	v35 =	vor.u32 v7, v34  }
0x1b9: {  	s6 =	sadd.s32 $0x200, s6;
	v38 =	vor.u32 v5, v12;
	v48 =	vmul.f32 $8.000000000e+00, v51;
	v34 =	vadd.f32 v52, v21;
	v41 =	vld.idx.msk [tilespmem:v41+s26+$0x0], $0xffff;
	[tilespmem:s29+$0x60] =	vst v53  }
0x1ba: {  	_ =	sdelay $0x2  }
0x1bb: {  	v19 =	vadd.f32 v48, v29;
	_ =	sdelay $0x1  }
0x1bc: {  	[tilespmem:s6+$0xFFFFFFC0] =	vst v19  }
0x1bd: {  	v19 =	vld.idx.msk [tilespmem:v43+s26+$0x0], $0xffff;
	_ =	sdelay $0x3  }
0x1be: {  	v55 =	vor.u32 v2, v26;
	v47 =	vmul.f32 $8.000000000e+00, v47  }
0x1bf: {  	v32 =	vor.u32 v2, v31;
	v19 =	vmul.f32 $8.000000000e+00, v19  }
0x1c0: {  	v47 =	vadd.f32 v47, v23  }
0x1c1: {  	v19 =	vadd.f32 v19, v29  }
0x1c2: {  	[tilespmem:s12+$0x10] =	vst v47  }
0x1c3: {  	v56 =	vld.idx.msk [tilespmem:v55+s26+$0x0], $0xffff;
	[tilespmem:s6+$0xFFFFFFD0] =	vst v19  }
0x1c4: {  	[tilespmem:s11+$0x10] =	vst v34;
	v19 =	vld.idx.msk [tilespmem:v32+s26+$0x0], $0xffff  }
0x1c5: {  	v34 =	vld.idx.msk [tilespmem:v40+s26+$0x0], $0xffff;
	_ =	sdelay $0x1  }
0x1c6: {  	v59 =	vor.u32 v3, v22;
	v58 =	vmul.f32 $8.000000000e+00, v45  }
0x1c7: {  	v60 =	vor.u32 v3, v26;
	v32 =	vmul.f32 $8.000000000e+00, v56  }
0x1c8: {  	v57 =	vor.u32 v3, v31;
	v43 =	vadd.f32 v58, v20;
	v19 =	vmul.f32 $8.000000000e+00, v19  }
0x1c9: {  	v61 =	vor.u32 v3, v27;
	v34 =	vmul.f32 $8.000000000e+00, v34;
	v32 =	vadd.f32 v32, v23  }
0x1ca: {  	[tilespmem:s3+$0x20] =	vst v43;
	v19 =	vadd.f32 v19, v29  }
0x1cb: {  	v62 =	vadd.f32 v34, v21;
	v51 =	vld.idx.msk [tilespmem:v59+s26+$0x0], $0xffff;
	[tilespmem:s12+$0x20] =	vst v32  }
0x1cc: {  	v52 =	vld.idx.msk [tilespmem:v60+s26+$0x0], $0xffff;
	[tilespmem:s6+$0xFFFFFFE0] =	vst v19  }
0x1cd: {  	v49 =	vor.u32 v4, v18;
	v50 =	vmul.f32 $8.000000000e+00, v44;
	[tilespmem:s11+$0x20] =	vst v62;
	v63 =	vld.idx.msk [tilespmem:v57+s26+$0x0], $0xffff  }
0x1ce: {  	v53 =	vld.idx.msk [tilespmem:v61+s26+$0x0], $0xffff  }
0x1cf: {  	v43 =	vadd.f32 v50, v17  }
0x1d0: {  	v42 =	vld.idx.msk [tilespmem:v42+s26+$0x0], $0xffff;
	v55 =	vor.u32 v4, v22;
	v32 =	vmul.f32 $8.000000000e+00, v51  }
0x1d1: {  	[tilespmem:s21+$0xFFFFFFF0] =	vst v43;
	v56 =	vor.u32 v4, v26;
	v19 =	vmul.f32 $8.000000000e+00, v52  }
0x1d2: {  	v54 =	vor.u32 v4, v31;
	v40 =	vld.idx.msk [tilespmem:v49+s26+$0x0], $0xffff;
	v32 =	vadd.f32 v32, v20;
	v34 =	vmul.f32 $8.000000000e+00, v63  }
0x1d3: {  	v44 =	vmul.f32 $8.000000000e+00, v53;
	v57 =	vor.u32 v4, v27;
	v19 =	vadd.f32 v19, v23  }
0x1d4: {  	[tilespmem:s3+$0x30] =	vst v32;
	v34 =	vadd.f32 v34, v29  }
0x1d5: {  	v42 =	vmul.f32 $8.000000000e+00, v42;
	v58 =	vadd.f32 v44, v21;
	v61 =	vld.idx.msk [tilespmem:v55+s26+$0x0], $0xffff;
	[tilespmem:s12+$0x30] =	vst v19  }
0x1d6: {  	v62 =	vld.idx.msk [tilespmem:v56+s26+$0x0], $0xffff;
	[tilespmem:s6+$0xFFFFFFF0] =	vst v34  }
0x1d7: {  	v42 =	vadd.f32 v42, v10;
	v40 =	vmul.f32 $8.000000000e+00, v40;
	v60 =	vor.u32 v5, v18;
	[tilespmem:s11+$0x30] =	vst v58;
	v59 =	vld.idx.msk [tilespmem:v54+s26+$0x0], $0xffff  }
0x1d8: {  	v41 =	vmul.f32 $8.000000000e+00, v41;
	v63 =	vor.u32 v5, v14;
	v48 =	vld.idx.msk [tilespmem:v57+s26+$0x0], $0xffff  }
0x1d9: {  	[tilespmem:s0+$0x40] =	vst v42;
	v49 =	vor.u32 v5, v16;
	v40 =	vadd.f32 v40, v17  }
0x1da: {  	[tilespmem:s18+$0x20] =	vst v46;
	v41 =	vadd.f32 v41, v15;
	v38 =	vld.idx.msk [tilespmem:v38+s26+$0x0], $0xffff;
	v52 =	vor.u32 v5, v22;
	v19 =	vmul.f32 $8.000000000e+00, v61  }
0x1db: {  	v33 =	vadd.f32 v33, v11;
	v39 =	vld.idx.msk [tilespmem:v39+s26+$0x0], $0xffff;
	v53 =	vor.u32 v5, v26;
	[tilespmem:s21+$0x0] =	vst v40;
	v34 =	vmul.f32 $8.000000000e+00, v62  }
0x1dc: {  	v50 =	vor.u32 v5, v31;
	[tilespmem:s7+$0x40] =	vst v41;
	v51 =	vld.idx.msk [tilespmem:v60+s26+$0x0], $0xffff;
	v19 =	vadd.f32 v19, v20;
	v32 =	vmul.f32 $8.000000000e+00, v59  }
0x1dd: {  	[tilespmem:s8+$0x40] =	vst v33;
	v55 =	vor.u32 v5, v27;
	v44 =	vld.idx.msk [tilespmem:v63+s26+$0x0], $0xffff;
	v54 =	vmul.f32 $8.000000000e+00, v48;
	v34 =	vadd.f32 v34, v23  }
0x1de: {  	v46 =	vld.idx.msk [tilespmem:v49+s26+$0x0], $0xffff;
	[tilespmem:s3+$0x40] =	vst v19;
	v32 =	vadd.f32 v32, v29  }
0x1df: {  	v38 =	vmul.f32 $8.000000000e+00, v38;
	v60 =	vld.idx.msk [tilespmem:v52+s26+$0x0], $0xffff;
	v33 =	vadd.f32 v54, v21;
	[tilespmem:s12+$0x40] =	vst v34  }
0x1e0: {  	v61 =	vor.u32 v6, v12;
	v56 =	vmul.f32 $8.000000000e+00, v39;
	v41 =	vld.idx.msk [tilespmem:v53+s26+$0x0], $0xffff;
	[tilespmem:s6+$0x0] =	vst v32  }
0x1e1: {  	v49 =	vadd.f32 v38, v10;
	v58 =	vmul.f32 $8.000000000e+00, v51;
	[tilespmem:s11+$0x40] =	vst v33;
	v59 =	vor.u32 v6, v18;
	v57 =	vld.idx.msk [tilespmem:v50+s26+$0x0], $0xffff  }
0x1e2: {  	v28 =	vadd.f32 v56, v28;
	v62 =	vor.u32 v6, v14;
	v63 =	vmul.f32 $8.000000000e+00, v44;
	v47 =	vld.idx.msk [tilespmem:v55+s26+$0x0], $0xffff  }
0x1e3: {  	[tilespmem:s0+$0x50] =	vst v49;
	v51 =	vmul.f32 $8.000000000e+00, v46;
	v39 =	vadd.f32 v58, v17;
	v48 =	vld.idx.msk [tilespmem:v36+s26+$0x0], $0xffff;
	v50 =	vor.u32 v6, v16  }
0x1e4: {  	[tilespmem:s18+$0x30] =	vst v28;
	v54 =	vor.u32 v6, v22;
	v34 =	vmul.f32 $8.000000000e+00, v60;
	v42 =	vadd.f32 v63, v15  }
0x1e5: {  	v38 =	vadd.f32 v51, v11;
	[tilespmem:s21+$0x10] =	vst v39;
	v55 =	vor.u32 v6, v26;
	v32 =	vld.idx.msk [tilespmem:v61+s26+$0x0], $0xffff;
	v41 =	vmul.f32 $8.000000000e+00, v41  }
0x1e6: {  	v52 =	vor.u32 v6, v31;
	v34 =	vadd.f32 v34, v20;
	[tilespmem:s7+$0x50] =	vst v42;
	v53 =	vld.idx.msk [tilespmem:v59+s26+$0x0], $0xffff;
	v19 =	vmul.f32 $8.000000000e+00, v57  }
0x1e7: {  	v56 =	vor.u32 v6, v27;
	[tilespmem:s8+$0x50] =	vst v38;
	v33 =	vld.idx.msk [tilespmem:v62+s26+$0x0], $0xffff;
	v41 =	vadd.f32 v41, v23;
	v57 =	vmul.f32 $8.000000000e+00, v47  }
0x1e8: {  	v28 =	vmul.f32 $8.000000000e+00, v48;
	[tilespmem:s3+$0x50] =	vst v34;
	v16 =	vld.idx.msk [tilespmem:v50+s26+$0x0], $0xffff;
	v19 =	vadd.f32 v19, v29  }
0x1e9: {  	v58 =	vmul.f32 $8.000000000e+00, v37;
	v63 =	vld.idx.msk [tilespmem:v54+s26+$0x0], $0xffff;
	[tilespmem:s12+$0x50] =	vst v41;
	v60 =	vadd.f32 v57, v21  }
0x1ea: {  	v40 =	vor.u32 v7, v12;
	v9 =	vadd.f32 v28, v9;
	v32 =	vmul.f32 $8.000000000e+00, v32;
	v41 =	vld.idx.msk [tilespmem:v55+s26+$0x0], $0xffff;
	[tilespmem:s6+$0x10] =	vst v19  }
0x1eb: {  	v62 =	vor.u32 v7, v18;
	v61 =	vmul.f32 $8.000000000e+00, v53;
	v19 =	vadd.f32 v58, v8;
	[tilespmem:s11+$0x50] =	vst v60;
	v59 =	vld.idx.msk [tilespmem:v52+s26+$0x0], $0xffff  }
0x1ec: {  	v43 =	vor.u32 v7, v14;
	[tilespmem:s31+$0x70] =	vst v9;
	v42 =	vmul.f32 $8.000000000e+00, v33;
	v32 =	vadd.f32 v32, v10;
	v27 =	vld.idx.msk [tilespmem:v56+s26+$0x0], $0xffff  }
0x1ed: {  	v44 =	vld.idx.msk [tilespmem:v35+s26+$0x0], $0xffff;
	v28 =	vadd.f32 v61, v17;
	v16 =	vmul.f32 $8.000000000e+00, v16;
	[tilespmem:s1+$0x60] =	vst v19  }
0x1ee: {  	v48 =	vor.u32 v7, v22;
	v47 =	vmul.f32 $8.000000000e+00, v63;
	v9 =	vadd.f32 v42, v15;
	[tilespmem:s0+$0x60] =	vst v32;
	v25 =	vld.idx.msk [tilespmem:v25+s26+$0x0], $0xffff  }
0x1ef: {  	v51 =	vor.u32 v7, v26;
	[tilespmem:s21+$0x20] =	vst v28;
	v49 =	vld.idx.msk [tilespmem:v40+s26+$0x0], $0xffff;
	v50 =	vmul.f32 $8.000000000e+00, v41;
	v16 =	vadd.f32 v16, v11  }
0x1f0: {  	v46 =	vor.u32 v7, v31;
	[tilespmem:s7+$0x60] =	vst v9;
	v18 =	vld.idx.msk [tilespmem:v62+s26+$0x0], $0xffff;
	v52 =	vadd.f32 v47, v20;
	v45 =	vmul.f32 $8.000000000e+00, v59  }
0x1f1: {  	v14 =	vld.idx.msk [tilespmem:v43+s26+$0x0], $0xffff;
	v12 =	vadd.f32 v50, v23;
	[tilespmem:s8+$0x60] =	vst v16;
	v27 =	vmul.f32 $8.000000000e+00, v27  }
0x1f2: {  	v19 =	vmul.f32 $8.000000000e+00, v44;
	[tilespmem:s3+$0x60] =	vst v52;
	v24 =	vld.idx.msk [tilespmem:v24+s26+$0x0], $0xffff;
	v28 =	vadd.f32 v45, v29  }
0x1f3: {  	v54 =	vld.idx.msk [tilespmem:v48+s26+$0x0], $0xffff;
	[tilespmem:s12+$0x60] =	vst v12;
	v25 =	vmul.f32 $8.000000000e+00, v25;
	v27 =	vadd.f32 v27, v21  }
0x1f4: {  	v13 =	vadd.f32 v19, v13;
	v9 =	vmul.f32 $8.000000000e+00, v49;
	v55 =	vld.idx.msk [tilespmem:v51+s26+$0x0], $0xffff;
	[tilespmem:s6+$0x20] =	vst v28  }
0x1f5: {  	v18 =	vmul.f32 $8.000000000e+00, v18;
	v8 =	vadd.f32 v25, v8;
	[tilespmem:s11+$0x60] =	vst v27;
	v53 =	vld.idx.msk [tilespmem:v46+s26+$0x0], $0xffff  }
0x1f6: {  	[tilespmem:s29+$0x70] =	vst v13;
	v56 =	vmul.f32 $8.000000000e+00, v14;
	v9 =	vadd.f32 v9, v10;
	v58 =	vld.idx.msk [tilespmem:v30+s26+$0x0], $0xffff  }
0x1f7: {  	v57 =	vadd.f32 v18, v17;
	[tilespmem:s1+$0x70] =	vst v8;
	v8 =	vmul.f32 $8.000000000e+00, v24  }
0x1f8: {  	v59 =	vadd.f32 v56, v15;
	[tilespmem:s0+$0x70] =	vst v9;
	v61 =	vmul.f32 $8.000000000e+00, v54  }
0x1f9: {  	[tilespmem:s21+$0x30] =	vst v57;
	v62 =	vmul.f32 $8.000000000e+00, v55;
	v8 =	vadd.f32 v8, v11  }
0x1fa: {  	[tilespmem:s7+$0x70] =	vst v59;
	v9 =	vadd.f32 v61, v20;
	v60 =	vmul.f32 $8.000000000e+00, v53  }
0x1fb: {  	v10 =	vadd.f32 v62, v23;
	[tilespmem:s8+$0x70] =	vst v8;
	v8 =	vmul.f32 $8.000000000e+00, v58  }
0x1fc: {  	s1 =	sshll.u32 s28, $0x12;
	[tilespmem:s3+$0x70] =	vst v9;
	v63 =	vadd.f32 v60, v29  }
0x1fd: {  	s0 =	sor.u32 s5, s1;
	[tilespmem:s12+$0x70] =	vst v10;
	v8 =	vadd.f32 v8, v21  }
0x1fe: {  	s0 =	sshrl.u32 s0, $0x3;
	[tilespmem:s6+$0x30] =	vst v63  }
0x1ff: {  	s14 =	simm.s32 $0xAE00;
	s3 =	sadd.s32 s22, s0;
	[tilespmem:s11+$0x70] =	vst v8;
	s6 =	simm.s32 $0xA200  }
0x200: {  	[hbm4b:s3+s4] =	stream.linear.scatter [tilespmem:s6], [sflag:$0xA], $0x400, $0x38;
	[tilespmem:$0x13400] =	vst v63  }
0x201: {  	s7 =	sadd.s32 s0, s25;
	s8 =	simm.s32 $0xA600;
	s11 =	rddreg [dreg:$0x9]  }
0x202: {  	[hbm4b:s7+s4] =	stream.linear.scatter [tilespmem:s8], [sflag:$0xA], $0x400, $0x38;
	[tilespmem:$0x13400] =	vst v63  }
0x203: {  	s12 =	simm.s32 $0xAA00;
	s13 =	rddreg [dreg:$0xa];
	s1 =	sadd.s32 s0, s11  }
0x204: {  	[hbm4b:s1+s4] =	stream.linear.scatter [tilespmem:s12], [sflag:$0xA], $0x400, $0x38;
	[tilespmem:$0x13400] =	vst v63  }
0x205: {  	s16 =	simm.s32 $0xB200;
	s15 =	rddreg [dreg:$0xb];
	s1 =	sadd.s32 s0, s13  }
0x206: {  	[hbm4b:s1+s4] =	stream.linear.scatter [tilespmem:s14], [sflag:$0xA], $0x400, $0x38;
	[tilespmem:$0x13400] =	vst v63  }
0x207: {  	p1 =	sne.s32 s10, $0x31;
	s17 =	rddreg [dreg:$0xc];
	s1 =	sadd.s32 s0, s15  }
0x208: {  	[hbm4b:s1+s4] =	stream.linear.scatter [tilespmem:s16], [sflag:$0xA], $0x400, $0x38;
	[tilespmem:$0x13400] =	vst v63  }
0x209: {  	s18 =	simm.s32 $0xB600;
	s31 =	smov.u32 s22;
	s1 =	sadd.s32 s0, s17  }
0x20a: {  	[hbm4b:s1+s4] =	stream.linear.scatter [tilespmem:s18], [sflag:$0xA], $0x400, $0x38;
	[tilespmem:$0x13400] =	vst v63  }
.Ltmp2:
0x20b: {  	s22 =	smov.u32 s25;
	s21 =	rddreg [dreg:$0xd];
	(pc) =	sbr.rel @p1 .LBB2_8-.Ltmp2, $4  }
0x20c: {  	s25 =	simm.s32 $0xBA00;
	s28 =	rddreg [dreg:$0xe];
	s1 =	sadd.s32 s0, s21  }
0x20d: {  	[hbm4b:s1+s4] =	stream.linear.scatter [tilespmem:s25], [sflag:$0xA], $0x400, $0x38;
	[tilespmem:$0x13400] =	vst v63  }
0x20e: {  	s29 =	simm.s32 $0xBE00;
	s0 =	sadd.s32 s0, s28  }
0x20f: {  	[hbm4b:s0+s4] =	stream.linear.scatter [tilespmem:s29], [sflag:$0xA], $0x400, $0x38;
	[tilespmem:$0x13400] =	vst v63  }
.Ltmp3:
0x210: {  	(pc) =	sbr.rel .LBB2_9-.Ltmp3, $4  }
0x211: {  	s0 =	simm.s32 $0x7  }
0x212: {  	_ =	swait.ge [sflag:s0], $0x2000  }
0x213: {  	[sflag:s0] =	ssyncset.done $0x0  }
0x214: {  	s25 =	rddreg [dreg:$0x12];
	[sflag:s0] =	ssyncadd.s32 $0xFFFFE000  }
.LBB2_8:
0x215: {  	s0 =	sadd.s32 $0x5, s23  }
0x216: {  	s1 =	sshll.u32 s0, $0x7;
	s0 =	sshll.u32 s0, $0xC  }
0x217: {  	s1 =	sand.u32 $0x280, s1;
	s0 =	sand.u32 $0x1F8000, s0  }
0x218: {  	s0 =	sor.u32 s0, s1  }
0x219: {  	s0 =	sor.u32 s5, s0  }
0x21a: {  	s18 =	rddreg [dreg:$0x0];
	s0 =	sshrl.u32 s0, $0x3  }
0x21b: {  	s21 =	simm.s32 $0x80;
	s25 =	simm.s32 $0x1;
	s0 =	sadd.s32 s18, s0  }
0x21c: {  	[tilespmem:s21], [sflag:$0x2] =	stream.linear.gather [hbm4b:s0+s4], $0x80, $0x38;
	[tilespmem:$0x13400] =	vst v63  }
0x21d: {  	_ =	swait.ge [sflag:s25], $0x80  }
0x21e: {  	s29 =	simm.s32 $0x7;
	[sflag:s25] =	ssyncset.done $0x0  }
.Ltmp4:
0x21f: {  	s28 =	rddreg [dreg:$0x4];
	[sflag:s25] =	ssyncadd.s32 $0xFFFFFF80;
	(pc) =	sbr.rel @p0 .LBB2_10-.Ltmp4, $4  }
0x220: {  	[tilespmem:s24], [sflag:$0x5] =	stream.indirect.gather [hbm4b:s28+s21], $0x40, s4, s21, $0xb8;
	[tilespmem:$0x13400] =	vst v63  }
0x221: {  	_ =	swait.ge [sflag:s29], $0x2000  }
0x222: {  	[sflag:s29] =	ssyncset.done $0x0  }
0x223: {  	s25 =	rddreg [dreg:$0x12];
	[sflag:s29] =	ssyncadd.s32 $0xFFFFE000  }
.LBB2_9:
0x224: {  	_ =	swait.ge [sflag:s20], $0x400  }
0x225: {  	[sflag:s20] =	ssyncset.done $0x0  }
0x226: {  	[sflag:s20] =	ssyncadd.s32 $0xFFFFFC00  }
0x227: {  	_ =	swait.ge [sflag:s20], $0x400  }
0x228: {  	[sflag:s20] =	ssyncset.done $0x0  }
0x229: {  	[sflag:s20] =	ssyncadd.s32 $0xFFFFFC00  }
0x22a: {  	_ =	swait.ge [sflag:s20], $0x400  }
0x22b: {  	[sflag:s20] =	ssyncset.done $0x0  }
0x22c: {  	[sflag:s20] =	ssyncadd.s32 $0xFFFFFC00  }
0x22d: {  	_ =	swait.ge [sflag:s20], $0x400  }
0x22e: {  	[sflag:s20] =	ssyncset.done $0x0  }
0x22f: {  	[sflag:s20] =	ssyncadd.s32 $0xFFFFFC00  }
0x230: {  	_ =	swait.ge [sflag:s20], $0x400  }
0x231: {  	[sflag:s20] =	ssyncset.done $0x0  }
0x232: {  	[sflag:s20] =	ssyncadd.s32 $0xFFFFFC00  }
0x233: {  	_ =	swait.ge [sflag:s20], $0x400  }
0x234: {  	[sflag:s20] =	ssyncset.done $0x0  }
0x235: {  	[sflag:s20] =	ssyncadd.s32 $0xFFFFFC00  }
0x236: {  	_ =	swait.ge [sflag:s20], $0x400  }
0x237: {  	[sflag:s20] =	ssyncset.done $0x0  }
0x238: {  	[sflag:s20] =	ssyncadd.s32 $0xFFFFFC00  }
0x239: {  	_ =	swait.ge [sflag:s20], $0x400  }
0x23a: {  	[sflag:s20] =	ssyncset.done $0x0  }
0x23b: {  	[sflag:s20] =	ssyncadd.s32 $0xFFFFFC00  }
.LBB2_10:
0x23c: {  	s0 =	simm.s32 $0x1  }
0x23d: {  	v8 =	vmov s0  }
0x23e: {  	v8 =	vand.u32 $0x3D, v8  }
0x23f: {  	s21 =	simm.s32 $0x2;
	v29 =	vbroadcast v8, $0x0  }
0x240: {  	v9 =	vmov s21  }
0x241: {  	s1 =	sshll.u32 s25, $0x6;
	v8 =	vand.u32 $0x3E, v9;
	v9 =	vor.u32 v0, v29  }
0x242: {  	s3 =	simm.s32 $0x3;
	v19 =	vmov s1;
	v34 =	vbroadcast v8, $0x0  }
0x243: {  	v10 =	vmov s3;
	v8 =	vor.u32 v19, v29  }
0x244: {  	v10 =	vand.u32 $0x3F, v10;
	v11 =	vor.u32 v0, v34  }
0x245: {  	v32 =	vbroadcast v10, $0x0  }
0x246: {  	v10 =	vor.u32 v19, v34;
	v12 =	vld.idx.msk [tilespmem:v9+s30+$0x0], $0xffff  }
0x247: {  	s6 =	simm.s32 $0x0;
	v13 =	vor.u32 v0, v32  }
0x248: {  	v14 =	vor.u32 v19, v32;
	v9 =	vld.idx.msk [tilespmem:v8+s19+$0x0], $0xffff;
	v8 =	vmov s6  }
0x249: {  	v11 =	vld.idx.msk [tilespmem:v11+s30+$0x0], $0xffff;
	v15 =	vand.u32 $0x3C, v8  }
0x24a: {  	v33 =	vbroadcast v15, $0x0  }
0x24b: {  	s7 =	simm.s32 $0x0;
	v8 =	vld.idx.msk [tilespmem:v10+s19+$0x0], $0xffff;
	v10 =	vmul.f32 $8.000000000e+00, v12;
	v12 =	vor.u32 v1, v29  }
0x24c: {  	s0 =	sand.u32 $0x1C00, s7;
	s1 =	simm.s32 $0x80;
	v15 =	vld.idx.msk [tilespmem:v13+s30+$0x0], $0xffff;
	v16 =	vor.u32 v0, v33  }
0x24d: {  	s1 =	sand.u32 $0x280, s1;
	s0 =	sor.u32 $0xC200, s0;
	v13 =	vld.idx.msk [tilespmem:v14+s19+$0x0], $0xffff;
	v14 =	vor.u32 v19, v33;
	v10 =	vadd.f32 v10, v9  }
0x24e: {  	s29 =	sadd.s32 s1, s0;
	v17 =	vor.u32 v1, v34;
	v11 =	vmul.f32 $8.000000000e+00, v11  }
0x24f: {  	s8 =	simm.s32 $0x100;
	[tilespmem:s29+$0x0] =	vst v10  }
0x250: {  	s1 =	sand.u32 $0x300, s8;
	v10 =	vadd.f32 v11, v8;
	v11 =	vld.idx.msk [tilespmem:v12+s30+$0x0], $0xffff  }
0x251: {  	s1 =	sadd.s32 s1, s0;
	v12 =	vmul.f32 $8.000000000e+00, v15;
	v15 =	vld.idx.msk [tilespmem:v16+s30+$0x0], $0xffff  }
0x252: {  	s3 =	simm.s32 $0x180;
	v28 =	vld.idx.msk [tilespmem:v14+s19+$0x0], $0xffff;
	[tilespmem:s1+$0x0] =	vst v10;
	v10 =	vor.u32 v1, v32  }
0x253: {  	s3 =	sand.u32 $0x380, s3;
	v16 =	vld.idx.msk [tilespmem:v17+s30+$0x0], $0xffff;
	v12 =	vadd.f32 v12, v13  }
0x254: {  	s11 =	simm.s32 $0x5;
	s28 =	sadd.s32 s3, s0  }
0x255: {  	[tilespmem:s28+$0x0] =	vst v12;
	v12 =	vmov s11  }
0x256: {  	v14 =	vor.u32 v1, v33;
	v15 =	vmul.f32 $8.000000000e+00, v15;
	v12 =	vand.u32 $0x3D, v12  }
0x257: {  	v11 =	vmul.f32 $8.000000000e+00, v11;
	v10 =	vld.idx.msk [tilespmem:v10+s30+$0x0], $0xffff;
	v12 =	vbroadcast v12, $0x0  }
0x258: {  	v18 =	vor.u32 v2, v29;
	v16 =	vmul.f32 $8.000000000e+00, v16;
	v15 =	vadd.f32 v15, v28  }
0x259: {  	s18 =	simm.s32 $0xC240;
	s12 =	simm.s32 $0x6;
	v11 =	vadd.f32 v11, v9;
	v21 =	vor.u32 v0, v12  }
0x25a: {  	v20 =	vmov s12;
	v17 =	vor.u32 v2, v34;
	v16 =	vadd.f32 v16, v8;
	[tilespmem:s18+$0xFFFFFFC0] =	vst v15  }
0x25b: {  	v20 =	vand.u32 $0x3E, v20;
	v23 =	vor.u32 v19, v12;
	[tilespmem:s29+$0x10] =	vst v11;
	v22 =	vld.idx.msk [tilespmem:v14+s30+$0x0], $0xffff  }
0x25c: {  	s13 =	simm.s32 $0x7;
	v15 =	vor.u32 v2, v32;
	v10 =	vmul.f32 $8.000000000e+00, v10;
	[tilespmem:s1+$0x10] =	vst v16;
	v16 =	vbroadcast v20, $0x0  }
0x25d: {  	v11 =	vmov s13;
	v18 =	vld.idx.msk [tilespmem:v18+s30+$0x0], $0xffff  }
0x25e: {  	v11 =	vand.u32 $0x3F, v11;
	v10 =	vadd.f32 v10, v13;
	v20 =	vor.u32 v0, v16;
	v21 =	vld.idx.msk [tilespmem:v21+s30+$0x0], $0xffff  }
0x25f: {  	v14 =	vbroadcast v11, $0x0;
	v17 =	vld.idx.msk [tilespmem:v17+s30+$0x0], $0xffff;
	v11 =	vor.u32 v19, v16  }
0x260: {  	v24 =	vor.u32 v2, v33;
	[tilespmem:s28+$0x10] =	vst v10;
	v22 =	vmul.f32 $8.000000000e+00, v22;
	v10 =	vld.idx.msk [tilespmem:v23+s19+$0x0], $0xffff  }
0x261: {  	v25 =	vor.u32 v0, v14;
	v15 =	vld.idx.msk [tilespmem:v15+s30+$0x0], $0xffff  }
0x262: {  	v23 =	vor.u32 v19, v14;
	v22 =	vadd.f32 v22, v28  }
0x263: {  	s15 =	simm.s32 $0x200;
	v27 =	vor.u32 v1, v12;
	v20 =	vld.idx.msk [tilespmem:v20+s30+$0x0], $0xffff;
	v21 =	vmul.f32 $8.000000000e+00, v21  }
0x264: {  	s3 =	sand.u32 $0x1C00, s15;
	v30 =	vor.u32 v3, v29;
	v26 =	vor.u32 v3, v34;
	s6 =	simm.s32 $0x280;
	v17 =	vmul.f32 $8.000000000e+00, v17;
	v11 =	vld.idx.msk [tilespmem:v11+s19+$0x0], $0xffff;
	[tilespmem:s18+$0xFFFFFFD0] =	vst v22  }
0x265: {  	s14 =	simm.s32 $0x4;
	s3 =	sor.u32 $0xC200, s3;
	v31 =	vor.u32 v3, v32;
	s16 =	sand.u32 $0x280, s6;
	v18 =	vmul.f32 $8.000000000e+00, v18;
	v24 =	vld.idx.msk [tilespmem:v24+s30+$0x0], $0xffff;
	v21 =	vadd.f32 v21, v10  }
0x266: {  	s0 =	sadd.s32 s16, s3;
	v25 =	vld.idx.msk [tilespmem:v25+s30+$0x0], $0xffff;
	v17 =	vadd.f32 v17, v8;
	v22 =	vmul.f32 $8.000000000e+00, v15;
	v15 =	vmov s14  }
0x267: {  	v36 =	vadd.f32 v18, v9;
	v35 =	vand.u32 $0x3C, v15;
	v15 =	vld.idx.msk [tilespmem:v23+s19+$0x0], $0xffff;
	[tilespmem:s0+$0x0] =	vst v21  }
0x268: {  	[tilespmem:s1+$0x20] =	vst v17;
	v18 =	vbroadcast v35, $0x0;
	v17 =	vadd.f32 v22, v13;
	v20 =	vmul.f32 $8.000000000e+00, v20;
	v21 =	vld.idx.msk [tilespmem:v27+s30+$0x0], $0xffff  }
0x269: {  	s17 =	simm.s32 $0x300;
	[tilespmem:s29+$0x20] =	vst v36;
	v23 =	vor.u32 v1, v16;
	v22 =	vld.idx.msk [tilespmem:v26+s30+$0x0], $0xffff  }
0x26a: {  	s6 =	sand.u32 $0x300, s17;
	v26 =	vor.u32 v0, v18;
	[tilespmem:s28+$0x20] =	vst v17;
	v17 =	vadd.f32 v20, v11;
	v20 =	vmul.f32 $8.000000000e+00, v24;
	v24 =	vld.idx.msk [tilespmem:v30+s30+$0x0], $0xffff  }
0x26b: {  	s8 =	sadd.s32 s6, s3;
	v27 =	vor.u32 v3, v33;
	v30 =	vld.idx.msk [tilespmem:v31+s30+$0x0], $0xffff  }
0x26c: {  	v25 =	vmul.f32 $8.000000000e+00, v25;
	v31 =	vor.u32 v1, v14;
	[tilespmem:s8+$0x0] =	vst v17;
	v17 =	vadd.f32 v20, v28  }
0x26d: {  	s21 =	simm.s32 $0x380;
	v47 =	vor.u32 v4, v32;
	v35 =	vor.u32 v19, v18;
	v21 =	vmul.f32 $8.000000000e+00, v21  }
0x26e: {  	s6 =	sand.u32 $0x380, s21;
	v38 =	vor.u32 v2, v12;
	v25 =	vadd.f32 v25, v15;
	v23 =	vld.idx.msk [tilespmem:v23+s30+$0x0], $0xffff;
	[tilespmem:s18+$0xFFFFFFE0] =	vst v17;
	v17 =	vmul.f32 $8.000000000e+00, v22  }
0x26f: {  	s7 =	sadd.s32 s6, s3;
	v20 =	vor.u32 v4, v34;
	v26 =	vld.idx.msk [tilespmem:v26+s30+$0x0], $0xffff;
	v22 =	vmul.f32 $8.000000000e+00, v24;
	v21 =	vadd.f32 v21, v10  }
0x270: {  	s12 =	simm.s32 $0xB;
	[tilespmem:s7+$0x0] =	vst v25;
	v24 =	vld.idx.msk [tilespmem:v27+s30+$0x0], $0xffff;
	v27 =	vor.u32 v4, v29;
	v30 =	vmul.f32 $8.000000000e+00, v30;
	v37 =	vadd.f32 v17, v8  }
0x271: {  	v40 =	vmov s12;
	v48 =	vor.u32 v5, v29;
	s11 =	simm.s32 $0xA;
	v31 =	vld.idx.msk [tilespmem:v31+s30+$0x0], $0xffff;
	v22 =	vadd.f32 v22, v9;
	[tilespmem:s0+$0x10] =	vst v21  }
0x272: {  	v51 =	vor.u32 v5, v32;
	v49 =	vmov s11;
	v17 =	vld.idx.msk [tilespmem:v35+s19+$0x0], $0xffff;
	v30 =	vadd.f32 v30, v13;
	[tilespmem:s1+$0x30] =	vst v37  }
0x273: {  	s6 =	simm.s32 $0x9;
	v39 =	vor.u32 v1, v18;
	v25 =	vor.u32 v2, v16;
	v23 =	vmul.f32 $8.000000000e+00, v23;
	v38 =	vld.idx.msk [tilespmem:v38+s30+$0x0], $0xffff;
	[tilespmem:s29+$0x30] =	vst v22  }
0x274: {  	v21 =	vor.u32 v2, v14;
	v22 =	vmov s6;
	v20 =	vld.idx.msk [tilespmem:v20+s30+$0x0], $0xffff;
	[tilespmem:s28+$0x30] =	vst v30;
	v30 =	vor.u32 v4, v33  }
0x275: {  	v27 =	vld.idx.msk [tilespmem:v27+s30+$0x0], $0xffff;
	v24 =	vmul.f32 $8.000000000e+00, v24;
	v23 =	vadd.f32 v23, v11;
	v22 =	vand.u32 $0x3D, v22  }
0x276: {  	v37 =	vand.u32 $0x3E, v49;
	v36 =	vld.idx.msk [tilespmem:v47+s30+$0x0], $0xffff;
	v22 =	vbroadcast v22, $0x0;
	v31 =	vmul.f32 $8.000000000e+00, v31  }
0x277: {  	v26 =	vmul.f32 $8.000000000e+00, v26;
	v24 =	vadd.f32 v24, v28;
	[tilespmem:s8+$0x10] =	vst v23;
	v23 =	vand.u32 $0x3F, v40  }
0x278: {  	v41 =	vor.u32 v0, v22;
	v31 =	vadd.f32 v31, v15;
	v42 =	vld.idx.msk [tilespmem:v25+s30+$0x0], $0xffff;
	v43 =	vor.u32 v19, v22  }
0x279: {  	[tilespmem:s18+$0xFFFFFFF0] =	vst v24;
	v24 =	vadd.f32 v26, v17;
	v26 =	vbroadcast v23, $0x0;
	v44 =	vmul.f32 $8.000000000e+00, v20  }
0x27a: {  	v46 =	vor.u32 v6, v29;
	s21 =	simm.s32 $0xC440;
	v30 =	vld.idx.msk [tilespmem:v30+s30+$0x0], $0xffff;
	v50 =	vmul.f32 $8.000000000e+00, v27;
	v27 =	vbroadcast v37, $0x0;
	[tilespmem:s7+$0x10] =	vst v31  }
0x27b: {  	v61 =	vor.u32 v5, v34;
	v20 =	vmul.f32 $8.000000000e+00, v38;
	v36 =	vmul.f32 $8.000000000e+00, v36;
	[tilespmem:s21+$0xFFFFFFC0] =	vst v24;
	v53 =	vld.idx.msk [tilespmem:v21+s30+$0x0], $0xffff  }
0x27c: {  	v45 =	vor.u32 v0, v26;
	v23 =	vadd.f32 v50, v9;
	v39 =	vld.idx.msk [tilespmem:v39+s30+$0x0], $0xffff;
	v52 =	vor.u32 v19, v27  }
0x27d: {  	v31 =	vadd.f32 v36, v13;
	v56 =	vmul.f32 $8.000000000e+00, v42;
	v42 =	vadd.f32 v20, v10;
	v20 =	vld.idx.msk [tilespmem:v43+s19+$0x0], $0xffff  }
0x27e: {  	v60 =	vor.u32 v3, v16;
	v55 =	vor.u32 v0, v27;
	[tilespmem:s29+$0x40] =	vst v23;
	v23 =	vld.idx.msk [tilespmem:v41+s30+$0x0], $0xffff  }
0x27f: {  	v63 =	vor.u32 v3, v14;
	v54 =	vor.u32 v19, v26;
	[tilespmem:s28+$0x40] =	vst v31;
	v21 =	vmul.f32 $8.000000000e+00, v30;
	v30 =	vld.idx.msk [tilespmem:v48+s30+$0x0], $0xffff  }
0x280: {  	v47 =	vor.u32 v2, v18;
	v25 =	vor.u32 v7, v34;
	v31 =	vor.u32 v5, v33;
	v37 =	vld.idx.msk [tilespmem:v51+s30+$0x0], $0xffff  }
0x281: {  	v62 =	vor.u32 v1, v22;
	v34 =	vor.u32 v6, v34;
	v24 =	vor.u32 v7, v16;
	v45 =	vld.idx.msk [tilespmem:v45+s30+$0x0], $0xffff  }
0x282: {  	v59 =	vadd.f32 v56, v11;
	v56 =	vor.u32 v3, v12;
	v57 =	vadd.f32 v21, v28;
	v21 =	vld.idx.msk [tilespmem:v52+s19+$0x0], $0xffff  }
0x283: {  	v48 =	vor.u32 v6, v32;
	[tilespmem:s0+$0x20] =	vst v42;
	v42 =	vor.u32 v4, v12;
	v40 =	vmul.f32 $8.000000000e+00, v53;
	v35 =	vld.idx.msk [tilespmem:v55+s30+$0x0], $0xffff  }
0x284: {  	v51 =	vor.u32 v4, v16;
	v58 =	vmul.f32 $8.000000000e+00, v39;
	v49 =	vmul.f32 $8.000000000e+00, v23;
	v23 =	vld.idx.msk [tilespmem:v54+s19+$0x0], $0xffff;
	[tilespmem:s18+$0x0] =	vst v57  }
0x285: {  	s13 =	simm.s32 $0x400;
	[tilespmem:s8+$0x20] =	vst v59;
	v40 =	vadd.f32 v40, v15;
	v50 =	vld.idx.msk [tilespmem:v31+s30+$0x0], $0xffff;
	v31 =	vadd.f32 v44, v8  }
0x286: {  	s3 =	sand.u32 $0x1C00, s13;
	s14 =	simm.s32 $0x480;
	v36 =	vadd.f32 v58, v17;
	v54 =	vld.idx.msk [tilespmem:v60+s30+$0x0], $0xffff;
	v58 =	vor.u32 v6, v33;
	v30 =	vmul.f32 $8.000000000e+00, v30  }
0x287: {  	s11 =	simm.s32 $0x8;
	s15 =	sor.u32 $0xC200, s3;
	s12 =	sand.u32 $0x280, s14;
	v44 =	vld.idx.msk [tilespmem:v56+s30+$0x0], $0xffff;
	v56 =	vor.u32 v1, v26;
	v53 =	vadd.f32 v49, v20;
	[tilespmem:s1+$0x40] =	vst v31  }
0x288: {  	s3 =	sadd.s32 s12, s15;
	v37 =	vmul.f32 $8.000000000e+00, v37;
	[tilespmem:s21+$0xFFFFFFD0] =	vst v36;
	v55 =	vadd.f32 v30, v9;
	v30 =	vmov s11;
	v38 =	vld.idx.msk [tilespmem:v61+s30+$0x0], $0xffff  }
0x289: {  	v49 =	vor.u32 v1, v27;
	v47 =	vld.idx.msk [tilespmem:v47+s30+$0x0], $0xffff;
	v35 =	vmul.f32 $8.000000000e+00, v35;
	v31 =	vand.u32 $0x3C, v30;
	[tilespmem:s3+$0x0] =	vst v53  }
0x28a: {  	s16 =	simm.s32 $0x500;
	[tilespmem:s7+$0x20] =	vst v40;
	v37 =	vadd.f32 v37, v13;
	v31 =	vbroadcast v31, $0x0;
	v43 =	vld.idx.msk [tilespmem:v62+s30+$0x0], $0xffff;
	v57 =	vmul.f32 $8.000000000e+00, v50  }
0x28b: {  	v40 =	vor.u32 v2, v27;
	v39 =	vld.idx.msk [tilespmem:v63+s30+$0x0], $0xffff;
	s11 =	sand.u32 $0x300, s16;
	[tilespmem:s29+$0x50] =	vst v55;
	v36 =	vmul.f32 $8.000000000e+00, v54;
	v35 =	vadd.f32 v35, v21  }
0x28c: {  	v45 =	vmul.f32 $8.000000000e+00, v45;
	s11 =	sadd.s32 s11, s15;
	v46 =	vld.idx.msk [tilespmem:v46+s30+$0x0], $0xffff;
	[tilespmem:s28+$0x50] =	vst v37;
	v59 =	vor.u32 v0, v31;
	v41 =	vadd.f32 v57, v28  }
0x28d: {  	s13 =	simm.s32 $0x580;
	v63 =	vor.u32 v2, v22;
	v60 =	vld.idx.msk [tilespmem:v48+s30+$0x0], $0xffff;
	v36 =	vadd.f32 v36, v11;
	[tilespmem:s11+$0x0] =	vst v35;
	v38 =	vmul.f32 $8.000000000e+00, v38  }
0x28e: {  	s17 =	sand.u32 $0x380, s13;
	v48 =	vadd.f32 v45, v23;
	v61 =	vmul.f32 $8.000000000e+00, v47;
	v49 =	vld.idx.msk [tilespmem:v49+s30+$0x0], $0xffff;
	[tilespmem:s18+$0x10] =	vst v41;
	v41 =	vor.u32 v3, v18  }
0x28f: {  	s12 =	sadd.s32 s17, s15;
	v30 =	vor.u32 v7, v27;
	[tilespmem:s8+$0x30] =	vst v36;
	v43 =	vmul.f32 $8.000000000e+00, v43;
	v47 =	vld.idx.msk [tilespmem:v58+s30+$0x0], $0xffff;
	v38 =	vadd.f32 v38, v8  }
0x290: {  	v52 =	vor.u32 v19, v31;
	v39 =	vmul.f32 $8.000000000e+00, v39;
	[tilespmem:s12+$0x0] =	vst v48;
	v62 =	vadd.f32 v61, v17;
	v57 =	vld.idx.msk [tilespmem:v51+s30+$0x0], $0xffff  }
0x291: {  	v61 =	vor.u32 v4, v14;
	v54 =	vmul.f32 $8.000000000e+00, v46;
	v55 =	vadd.f32 v43, v20;
	v59 =	vld.idx.msk [tilespmem:v59+s30+$0x0], $0xffff;
	[tilespmem:s1+$0x50] =	vst v38  }
0x292: {  	[tilespmem:s21+$0xFFFFFFE0] =	vst v62;
	v58 =	vmul.f32 $8.000000000e+00, v60;
	v60 =	vmul.f32 $8.000000000e+00, v44;
	v62 =	vadd.f32 v39, v15;
	v37 =	vld.idx.msk [tilespmem:v34+s30+$0x0], $0xffff  }
0x293: {  	v35 =	vor.u32 v7, v32;
	v36 =	vadd.f32 v54, v9;
	[tilespmem:s3+$0x10] =	vst v55;
	v44 =	vld.idx.msk [tilespmem:v41+s30+$0x0], $0xffff  }
0x294: {  	v39 =	vor.u32 v7, v33;
	v38 =	vadd.f32 v60, v10;
	[tilespmem:s7+$0x30] =	vst v62;
	v45 =	vld.idx.msk [tilespmem:v63+s30+$0x0], $0xffff;
	v63 =	vmul.f32 $8.000000000e+00, v47  }
0x295: {  	v49 =	vmul.f32 $8.000000000e+00, v49;
	v53 =	vadd.f32 v58, v13;
	[tilespmem:s29+$0x60] =	vst v36;
	v36 =	vor.u32 v7, v29;
	v29 =	vld.idx.msk [tilespmem:v52+s19+$0x0], $0xffff  }
0x296: {  	v43 =	vor.u32 v1, v31;
	v33 =	vmul.f32 $8.000000000e+00, v57;
	v41 =	vld.idx.msk [tilespmem:v61+s30+$0x0], $0xffff;
	[tilespmem:s0+$0x30] =	vst v38;
	v46 =	vadd.f32 v63, v28  }
0x297: {  	s14 =	simm.s32 $0xC;
	s6 =	simm.s32 $0xC640;
	v34 =	vadd.f32 v49, v21;
	v47 =	vld.idx.msk [tilespmem:v56+s30+$0x0], $0xffff;
	v38 =	vor.u32 v5, v12;
	[tilespmem:s28+$0x60] =	vst v53;
	v48 =	vmul.f32 $8.000000000e+00, v59  }
.LBB2_11:
0x298: {  	s15 =	sadd.s32 $0x1, s14;
	s16 =	sadd.s32 $0x2, s14;
	s17 =	sadd.s32 $0x3, s14;
	v49 =	vor.u32 v2, v26;
	v50 =	vor.u32 v4, v18;
	v42 =	vld.idx.msk [tilespmem:v42+s30+$0x0], $0xffff;
	[tilespmem:s18+$0x20] =	vst v46;
	v37 =	vmul.f32 $8.000000000e+00, v37  }
0x299: {  	p2 =	slt.u32 s14, $0x3C;
	v44 =	vmul.f32 $8.000000000e+00, v44;
	v32 =	vmovc v12;
	v12 =	vmovc v22;
	v46 =	vmov s15;
	v51 =	vmov s16;
	v39 =	vld.idx.msk [tilespmem:v39+s30+$0x0], $0xffff;
	s15 =	smov.u32 s14;
	s14 =	sadd.s32 $0x4, s14  }
0x29a: {  	v22 =	vand.u32 $0x3D, v46;
	v46 =	vand.u32 $0x3E, v51;
	[tilespmem:s11+$0x10] =	vst v34;
	v51 =	vld.idx.msk [tilespmem:v36+s30+$0x0], $0xffff;
	v37 =	vadd.f32 v37, v8;
	v34 =	vmovc v14  }
0x29b: {  	v52 =	vmov s17;
	v44 =	vadd.f32 v44, v17;
	v14 =	vmovc v26;
	v36 =	vmovc v18;
	v22 =	vbroadcast v22, $0x0;
	v40 =	vld.idx.msk [tilespmem:v40+s30+$0x0], $0xffff  }
0x29c: {  	v45 =	vmul.f32 $8.000000000e+00, v45;
	v26 =	vand.u32 $0x3F, v52;
	v47 =	vmul.f32 $8.000000000e+00, v47;
	v18 =	vmovc v31;
	[tilespmem:s1+$0x60] =	vst v37;
	v35 =	vld.idx.msk [tilespmem:v35+s30+$0x0], $0xffff  }
0x29d: {  	v41 =	vmul.f32 $8.000000000e+00, v41;
	v31 =	vor.u32 v19, v22;
	v37 =	vor.u32 v0, v22;
	[tilespmem:s21+$0xFFFFFFF0] =	vst v44;
	v44 =	vld.idx.msk [tilespmem:v25+s30+$0x0], $0xffff  }
0x29e: {  	v48 =	vadd.f32 v48, v29;
	v47 =	vadd.f32 v47, v23;
	v42 =	vmul.f32 $8.000000000e+00, v42;
	v25 =	vmovc v24;
	v50 =	vld.idx.msk [tilespmem:v50+s30+$0x0], $0xffff  }
0x29f: {  	v46 =	vbroadcast v46, $0x0;
	v52 =	vor.u32 v5, v34;
	v24 =	vmovc v30;
	v41 =	vadd.f32 v41, v15  }
0x2a0: {  	v26 =	vbroadcast v26, $0x0;
	v30 =	vor.u32 v5, v36;
	v42 =	vadd.f32 v42, v10;
	[tilespmem:s6+$0xFFFFFFC0] =	vst v48  }
0x2a1: {  	v53 =	vor.u32 v0, v46;
	v39 =	vmul.f32 $8.000000000e+00, v39;
	v48 =	vor.u32 v19, v46;
	v43 =	vld.idx.msk [tilespmem:v43+s30+$0x0], $0xffff;
	[tilespmem:s12+$0x10] =	vst v47  }
0x2a2: {  	v47 =	vor.u32 v0, v26;
	v35 =	vmul.f32 $8.000000000e+00, v35;
	v49 =	vld.idx.msk [tilespmem:v49+s30+$0x0], $0xffff;
	[tilespmem:s0+$0x40] =	vst v42;
	v42 =	vmul.f32 $8.000000000e+00, v51  }
0x2a3: {  	v28 =	vadd.f32 v39, v28;
	v51 =	vor.u32 v19, v26;
	v39 =	vmul.f32 $8.000000000e+00, v44;
	v37 =	vld.idx.msk [tilespmem:v37+s30+$0x0], $0xffff;
	[tilespmem:s7+$0x40] =	vst v41  }
0x2a4: {  	v41 =	vadd.f32 v45, v20;
	v44 =	vmul.f32 $8.000000000e+00, v50;
	v38 =	vld.idx.msk [tilespmem:v38+s30+$0x0], $0xffff;
	v42 =	vadd.f32 v42, v9;
	v9 =	vmovc v10  }
0x2a5: {  	v40 =	vmul.f32 $8.000000000e+00, v40;
	v13 =	vadd.f32 v35, v13;
	v8 =	vadd.f32 v39, v8;
	v45 =	vld.idx.msk [tilespmem:v52+s30+$0x0], $0xffff;
	[tilespmem:s18+$0x30] =	vst v28;
	s18 =	smov.u32 s21;
	s21 =	smov.u32 s6  }
0x2a6: {  	v35 =	vor.u32 v6, v32;
	v10 =	vmov v20;
	v28 =	vadd.f32 v44, v17;
	[tilespmem:s29+$0x70] =	vst v42;
	v20 =	vld.idx.msk [tilespmem:v31+s19+$0x0], $0xffff;
	s29 =	smov.u32 s0;
	s0 =	smov.u32 s3  }
0x2a7: {  	s13 =	sadd.s32 $0x200, s13;
	v40 =	vadd.f32 v40, v21;
	v39 =	vmul.f32 $8.000000000e+00, v43;
	v42 =	vor.u32 v3, v27;
	v31 =	vld.idx.msk [tilespmem:v48+s19+$0x0], $0xffff;
	[tilespmem:s28+$0x70] =	vst v13;
	s28 =	smov.u32 s7;
	s7 =	smov.u32 s12  }
0x2a8: {  	v43 =	vor.u32 v2, v18;
	v44 =	vmul.f32 $8.000000000e+00, v49;
	v13 =	vld.idx.msk [tilespmem:v47+s30+$0x0], $0xffff;
	v47 =	vor.u32 v6, v34;
	[tilespmem:s1+$0x70] =	vst v8;
	s1 =	smov.u32 s8;
	s8 =	smov.u32 s11  }
0x2a9: {  	v37 =	vmul.f32 $8.000000000e+00, v37;
	v39 =	vadd.f32 v39, v29;
	v48 =	vld.idx.msk [tilespmem:v51+s19+$0x0], $0xffff;
	[tilespmem:s18+$0x0] =	vst v28;
	v28 =	vor.u32 v5, v16  }
0x2aa: {  	s3 =	sadd.s32 $0xFFFFFE80, s13;
	v49 =	vor.u32 v1, v22;
	v8 =	vmovc v11;
	v44 =	vadd.f32 v44, v23;
	v50 =	vld.idx.msk [tilespmem:v30+s30+$0x0], $0xffff;
	v30 =	vmul.f32 $8.000000000e+00, v38  }
0x2ab: {  	s3 =	sand.u32 $0x1C00, s3;
	s11 =	sadd.s32 $0xFFFFFF00, s13;
	v33 =	vadd.f32 v33, v8;
	v45 =	vmul.f32 $8.000000000e+00, v45;
	v38 =	vld.idx.msk [tilespmem:v53+s30+$0x0], $0xffff;
	[tilespmem:s8+$0x20] =	vst v40;
	v40 =	vor.u32 v3, v14  }
0x2ac: {  	s12 =	sor.u32 $0xC200, s3;
	v11 =	vmov v21;
	s11 =	sand.u32 $0x280, s11;
	v37 =	vadd.f32 v37, v20;
	[tilespmem:s6+$0xFFFFFFD0] =	vst v39;
	v39 =	vld.idx.msk [tilespmem:v42+s30+$0x0], $0xffff;
	v42 =	vadd.f32 v30, v9  }
0x2ad: {  	v51 =	vor.u32 v1, v46;
	s3 =	sadd.s32 s11, s12;
	v30 =	vmov s15;
	v21 =	vmovc v31;
	v43 =	vld.idx.msk [tilespmem:v43+s30+$0x0], $0xffff;
	[tilespmem:s1+$0x40] =	vst v33;
	v33 =	vadd.f32 v45, v15  }
0x2ae: {  	v31 =	vand.u32 $0x3C, v30;
	v30 =	vor.u32 v7, v46;
	[tilespmem:s3+$0x0] =	vst v37;
	v37 =	vor.u32 v3, v12;
	v28 =	vld.idx.msk [tilespmem:v28+s30+$0x0], $0xffff  }
0x2af: {  	v31 =	vbroadcast v31, $0x0;
	v45 =	vld.idx.msk [tilespmem:v49+s30+$0x0], $0xffff;
	[tilespmem:s29+$0x50] =	vst v42;
	v42 =	vor.u32 v6, v16;
	v16 =	vmovc v27;
	v27 =	vmov v46  }
0x2b0: {  	v46 =	vmul.f32 $8.000000000e+00, v13;
	v49 =	vmul.f32 $8.000000000e+00, v50;
	v50 =	vor.u32 v6, v36;
	v13 =	vmovc v15;
	v35 =	vld.idx.msk [tilespmem:v35+s30+$0x0], $0xffff;
	[tilespmem:s28+$0x50] =	vst v33  }
0x2b1: {  	v33 =	vor.u32 v0, v31;
	v52 =	vmul.f32 $8.000000000e+00, v38;
	v38 =	vor.u32 v4, v16;
	[tilespmem:s7+$0x20] =	vst v44;
	v44 =	vld.idx.msk [tilespmem:v47+s30+$0x0], $0xffff  }
0x2b2: {  	s11 =	sadd.s32 $0xFFFFFF80, s13;
	v46 =	vadd.f32 v46, v48;
	v39 =	vmul.f32 $8.000000000e+00, v39;
	[tilespmem:s0+$0x20] =	vst v41;
	v41 =	vld.idx.msk [tilespmem:v40+s30+$0x0], $0xffff;
	v40 =	vadd.f32 v49, v17  }
0x2b3: {  	s11 =	sand.u32 $0x300, s11;
	v15 =	vmovc v23;
	v49 =	vor.u32 v19, v31;
	v47 =	vadd.f32 v52, v21;
	v43 =	vmul.f32 $8.000000000e+00, v43;
	v37 =	vld.idx.msk [tilespmem:v37+s30+$0x0], $0xffff  }
0x2b4: {  	s11 =	sadd.s32 s11, s12;
	v23 =	vmovc v48;
	v52 =	vor.u32 v3, v18;
	v39 =	vadd.f32 v39, v11;
	v53 =	vmul.f32 $8.000000000e+00, v28;
	[tilespmem:s18+$0x10] =	vst v40  }
0x2b5: {  	v40 =	vmul.f32 $8.000000000e+00, v45;
	v45 =	vor.u32 v2, v22;
	v43 =	vadd.f32 v43, v29;
	[tilespmem:s11+$0x0] =	vst v47;
	v47 =	vld.idx.msk [tilespmem:v50+s30+$0x0], $0xffff  }
0x2b6: {  	v28 =	vmovc v17;
	v17 =	vmov v29;
	v35 =	vmul.f32 $8.000000000e+00, v35;
	v48 =	vld.idx.msk [tilespmem:v51+s30+$0x0], $0xffff;
	[tilespmem:s8+$0x30] =	vst v39;
	v39 =	vadd.f32 v53, v8  }
0x2b7: {  	v50 =	vor.u32 v1, v26;
	v29 =	vadd.f32 v40, v20;
	[tilespmem:s6+$0xFFFFFFE0] =	vst v43;
	v38 =	vld.idx.msk [tilespmem:v38+s30+$0x0], $0xffff;
	v43 =	vmul.f32 $8.000000000e+00, v44  }
0x2b8: {  	v40 =	vor.u32 v2, v27;
	v35 =	vadd.f32 v35, v9;
	v51 =	vld.idx.msk [tilespmem:v33+s30+$0x0], $0xffff;
	v33 =	vmul.f32 $8.000000000e+00, v41;
	[tilespmem:s1+$0x50] =	vst v39  }
0x2b9: {  	s15 =	sand.u32 $0x380, s13;
	v41 =	vor.u32 v4, v14;
	[tilespmem:s3+$0x10] =	vst v29;
	v29 =	vmul.f32 $8.000000000e+00, v37;
	v37 =	vld.idx.msk [tilespmem:v42+s30+$0x0], $0xffff;
	v53 =	vadd.f32 v43, v13  }
.Ltmp5:
0x2ba: {  	s12 =	sadd.s32 s15, s12;
	v42 =	vor.u32 v4, v12;
	v44 =	vld.idx.msk [tilespmem:v52+s30+$0x0], $0xffff;
	v33 =	vadd.f32 v33, v15;
	[tilespmem:s29+$0x60] =	vst v35;
	(pc) =	sbr.rel @p2 .LBB2_11-.Ltmp5, $4  }
0x2bb: {  	v39 =	vor.u32 v7, v36;
	v45 =	vld.idx.msk [tilespmem:v45+s30+$0x0], $0xffff;
	[tilespmem:s12+$0x0] =	vst v46;
	v35 =	vadd.f32 v29, v10;
	v46 =	vmul.f32 $8.000000000e+00, v47  }
0x2bc: {  	v36 =	vor.u32 v7, v32;
	v43 =	vor.u32 v1, v31;
	v52 =	vmul.f32 $8.000000000e+00, v48;
	v47 =	vld.idx.msk [tilespmem:v50+s30+$0x0], $0xffff;
	[tilespmem:s7+$0x30] =	vst v33  }
0x2bd: {  	v33 =	vmul.f32 $8.000000000e+00, v38;
	v29 =	vld.idx.msk [tilespmem:v49+s19+$0x0], $0xffff;
	[tilespmem:s0+$0x30] =	vst v35;
	v46 =	vadd.f32 v46, v28;
	v35 =	vor.u32 v7, v34  }
0x2be: {  	s6 =	sadd.s32 $0x200, s6;
	v38 =	vor.u32 v5, v12;
	v48 =	vmul.f32 $8.000000000e+00, v51;
	v34 =	vadd.f32 v52, v21;
	v41 =	vld.idx.msk [tilespmem:v41+s30+$0x0], $0xffff;
	[tilespmem:s28+$0x60] =	vst v53  }
0x2bf: {  	_ =	sdelay $0x2  }
0x2c0: {  	v19 =	vadd.f32 v48, v29;
	_ =	sdelay $0x1  }
0x2c1: {  	[tilespmem:s6+$0xFFFFFFC0] =	vst v19  }
0x2c2: {  	v19 =	vld.idx.msk [tilespmem:v43+s30+$0x0], $0xffff;
	_ =	sdelay $0x3  }
0x2c3: {  	v55 =	vor.u32 v2, v26;
	v47 =	vmul.f32 $8.000000000e+00, v47  }
0x2c4: {  	v32 =	vor.u32 v2, v31;
	v19 =	vmul.f32 $8.000000000e+00, v19  }
0x2c5: {  	v47 =	vadd.f32 v47, v23  }
0x2c6: {  	v19 =	vadd.f32 v19, v29  }
0x2c7: {  	[tilespmem:s12+$0x10] =	vst v47  }
0x2c8: {  	v56 =	vld.idx.msk [tilespmem:v55+s30+$0x0], $0xffff;
	[tilespmem:s6+$0xFFFFFFD0] =	vst v19  }
0x2c9: {  	[tilespmem:s11+$0x10] =	vst v34;
	v19 =	vld.idx.msk [tilespmem:v32+s30+$0x0], $0xffff  }
0x2ca: {  	v34 =	vld.idx.msk [tilespmem:v40+s30+$0x0], $0xffff;
	_ =	sdelay $0x1  }
0x2cb: {  	v59 =	vor.u32 v3, v22;
	v58 =	vmul.f32 $8.000000000e+00, v45  }
0x2cc: {  	v60 =	vor.u32 v3, v26;
	v32 =	vmul.f32 $8.000000000e+00, v56  }
0x2cd: {  	v57 =	vor.u32 v3, v31;
	v43 =	vadd.f32 v58, v20;
	v19 =	vmul.f32 $8.000000000e+00, v19  }
0x2ce: {  	v61 =	vor.u32 v3, v27;
	v34 =	vmul.f32 $8.000000000e+00, v34;
	v32 =	vadd.f32 v32, v23  }
0x2cf: {  	[tilespmem:s3+$0x20] =	vst v43;
	v19 =	vadd.f32 v19, v29  }
0x2d0: {  	v62 =	vadd.f32 v34, v21;
	v51 =	vld.idx.msk [tilespmem:v59+s30+$0x0], $0xffff;
	[tilespmem:s12+$0x20] =	vst v32  }
0x2d1: {  	v52 =	vld.idx.msk [tilespmem:v60+s30+$0x0], $0xffff;
	[tilespmem:s6+$0xFFFFFFE0] =	vst v19  }
0x2d2: {  	v49 =	vor.u32 v4, v18;
	v50 =	vmul.f32 $8.000000000e+00, v44;
	[tilespmem:s11+$0x20] =	vst v62;
	v63 =	vld.idx.msk [tilespmem:v57+s30+$0x0], $0xffff  }
0x2d3: {  	v53 =	vld.idx.msk [tilespmem:v61+s30+$0x0], $0xffff  }
0x2d4: {  	v43 =	vadd.f32 v50, v17  }
0x2d5: {  	v42 =	vld.idx.msk [tilespmem:v42+s30+$0x0], $0xffff;
	v55 =	vor.u32 v4, v22;
	v32 =	vmul.f32 $8.000000000e+00, v51  }
0x2d6: {  	[tilespmem:s21+$0xFFFFFFF0] =	vst v43;
	v56 =	vor.u32 v4, v26;
	v19 =	vmul.f32 $8.000000000e+00, v52  }
0x2d7: {  	v54 =	vor.u32 v4, v31;
	v40 =	vld.idx.msk [tilespmem:v49+s30+$0x0], $0xffff;
	v32 =	vadd.f32 v32, v20;
	v34 =	vmul.f32 $8.000000000e+00, v63  }
0x2d8: {  	v44 =	vmul.f32 $8.000000000e+00, v53;
	v57 =	vor.u32 v4, v27;
	v19 =	vadd.f32 v19, v23  }
0x2d9: {  	[tilespmem:s3+$0x30] =	vst v32;
	v34 =	vadd.f32 v34, v29  }
0x2da: {  	v42 =	vmul.f32 $8.000000000e+00, v42;
	v58 =	vadd.f32 v44, v21;
	v61 =	vld.idx.msk [tilespmem:v55+s30+$0x0], $0xffff;
	[tilespmem:s12+$0x30] =	vst v19  }
0x2db: {  	v62 =	vld.idx.msk [tilespmem:v56+s30+$0x0], $0xffff;
	[tilespmem:s6+$0xFFFFFFF0] =	vst v34  }
0x2dc: {  	v42 =	vadd.f32 v42, v10;
	v40 =	vmul.f32 $8.000000000e+00, v40;
	v60 =	vor.u32 v5, v18;
	[tilespmem:s11+$0x30] =	vst v58;
	v59 =	vld.idx.msk [tilespmem:v54+s30+$0x0], $0xffff  }
0x2dd: {  	v41 =	vmul.f32 $8.000000000e+00, v41;
	v63 =	vor.u32 v5, v14;
	v48 =	vld.idx.msk [tilespmem:v57+s30+$0x0], $0xffff  }
0x2de: {  	[tilespmem:s0+$0x40] =	vst v42;
	v49 =	vor.u32 v5, v16;
	v40 =	vadd.f32 v40, v17  }
0x2df: {  	[tilespmem:s18+$0x20] =	vst v46;
	v41 =	vadd.f32 v41, v15;
	v38 =	vld.idx.msk [tilespmem:v38+s30+$0x0], $0xffff;
	v52 =	vor.u32 v5, v22;
	v19 =	vmul.f32 $8.000000000e+00, v61  }
0x2e0: {  	v33 =	vadd.f32 v33, v11;
	v39 =	vld.idx.msk [tilespmem:v39+s30+$0x0], $0xffff;
	v53 =	vor.u32 v5, v26;
	[tilespmem:s21+$0x0] =	vst v40;
	v34 =	vmul.f32 $8.000000000e+00, v62  }
0x2e1: {  	v50 =	vor.u32 v5, v31;
	[tilespmem:s7+$0x40] =	vst v41;
	v51 =	vld.idx.msk [tilespmem:v60+s30+$0x0], $0xffff;
	v19 =	vadd.f32 v19, v20;
	v32 =	vmul.f32 $8.000000000e+00, v59  }
0x2e2: {  	[tilespmem:s8+$0x40] =	vst v33;
	v55 =	vor.u32 v5, v27;
	v44 =	vld.idx.msk [tilespmem:v63+s30+$0x0], $0xffff;
	v54 =	vmul.f32 $8.000000000e+00, v48;
	v34 =	vadd.f32 v34, v23  }
0x2e3: {  	v46 =	vld.idx.msk [tilespmem:v49+s30+$0x0], $0xffff;
	[tilespmem:s3+$0x40] =	vst v19;
	v32 =	vadd.f32 v32, v29  }
0x2e4: {  	v38 =	vmul.f32 $8.000000000e+00, v38;
	v60 =	vld.idx.msk [tilespmem:v52+s30+$0x0], $0xffff;
	v33 =	vadd.f32 v54, v21;
	[tilespmem:s12+$0x40] =	vst v34  }
0x2e5: {  	v61 =	vor.u32 v6, v12;
	v56 =	vmul.f32 $8.000000000e+00, v39;
	v41 =	vld.idx.msk [tilespmem:v53+s30+$0x0], $0xffff;
	[tilespmem:s6+$0x0] =	vst v32  }
0x2e6: {  	v49 =	vadd.f32 v38, v10;
	v58 =	vmul.f32 $8.000000000e+00, v51;
	[tilespmem:s11+$0x40] =	vst v33;
	v59 =	vor.u32 v6, v18;
	v57 =	vld.idx.msk [tilespmem:v50+s30+$0x0], $0xffff  }
0x2e7: {  	v28 =	vadd.f32 v56, v28;
	v62 =	vor.u32 v6, v14;
	v63 =	vmul.f32 $8.000000000e+00, v44;
	v47 =	vld.idx.msk [tilespmem:v55+s30+$0x0], $0xffff  }
0x2e8: {  	[tilespmem:s0+$0x50] =	vst v49;
	v51 =	vmul.f32 $8.000000000e+00, v46;
	v39 =	vadd.f32 v58, v17;
	v48 =	vld.idx.msk [tilespmem:v36+s30+$0x0], $0xffff;
	v50 =	vor.u32 v6, v16  }
0x2e9: {  	[tilespmem:s18+$0x30] =	vst v28;
	v54 =	vor.u32 v6, v22;
	v34 =	vmul.f32 $8.000000000e+00, v60;
	v42 =	vadd.f32 v63, v15  }
0x2ea: {  	v38 =	vadd.f32 v51, v11;
	[tilespmem:s21+$0x10] =	vst v39;
	v55 =	vor.u32 v6, v26;
	v32 =	vld.idx.msk [tilespmem:v61+s30+$0x0], $0xffff;
	v41 =	vmul.f32 $8.000000000e+00, v41  }
0x2eb: {  	v52 =	vor.u32 v6, v31;
	v34 =	vadd.f32 v34, v20;
	[tilespmem:s7+$0x50] =	vst v42;
	v53 =	vld.idx.msk [tilespmem:v59+s30+$0x0], $0xffff;
	v19 =	vmul.f32 $8.000000000e+00, v57  }
0x2ec: {  	v56 =	vor.u32 v6, v27;
	[tilespmem:s8+$0x50] =	vst v38;
	v33 =	vld.idx.msk [tilespmem:v62+s30+$0x0], $0xffff;
	v41 =	vadd.f32 v41, v23;
	v57 =	vmul.f32 $8.000000000e+00, v47  }
0x2ed: {  	v28 =	vmul.f32 $8.000000000e+00, v48;
	[tilespmem:s3+$0x50] =	vst v34;
	v16 =	vld.idx.msk [tilespmem:v50+s30+$0x0], $0xffff;
	v19 =	vadd.f32 v19, v29  }
0x2ee: {  	v58 =	vmul.f32 $8.000000000e+00, v37;
	v63 =	vld.idx.msk [tilespmem:v54+s30+$0x0], $0xffff;
	[tilespmem:s12+$0x50] =	vst v41;
	v60 =	vadd.f32 v57, v21  }
0x2ef: {  	v40 =	vor.u32 v7, v12;
	v9 =	vadd.f32 v28, v9;
	v32 =	vmul.f32 $8.000000000e+00, v32;
	v41 =	vld.idx.msk [tilespmem:v55+s30+$0x0], $0xffff;
	[tilespmem:s6+$0x10] =	vst v19  }
0x2f0: {  	v62 =	vor.u32 v7, v18;
	v61 =	vmul.f32 $8.000000000e+00, v53;
	v19 =	vadd.f32 v58, v8;
	[tilespmem:s11+$0x50] =	vst v60;
	v59 =	vld.idx.msk [tilespmem:v52+s30+$0x0], $0xffff  }
0x2f1: {  	v43 =	vor.u32 v7, v14;
	[tilespmem:s29+$0x70] =	vst v9;
	v42 =	vmul.f32 $8.000000000e+00, v33;
	v32 =	vadd.f32 v32, v10;
	v27 =	vld.idx.msk [tilespmem:v56+s30+$0x0], $0xffff  }
0x2f2: {  	v44 =	vld.idx.msk [tilespmem:v35+s30+$0x0], $0xffff;
	v28 =	vadd.f32 v61, v17;
	v16 =	vmul.f32 $8.000000000e+00, v16;
	[tilespmem:s1+$0x60] =	vst v19  }
0x2f3: {  	v48 =	vor.u32 v7, v22;
	v47 =	vmul.f32 $8.000000000e+00, v63;
	v9 =	vadd.f32 v42, v15;
	[tilespmem:s0+$0x60] =	vst v32;
	v25 =	vld.idx.msk [tilespmem:v25+s30+$0x0], $0xffff  }
0x2f4: {  	v51 =	vor.u32 v7, v26;
	[tilespmem:s21+$0x20] =	vst v28;
	v49 =	vld.idx.msk [tilespmem:v40+s30+$0x0], $0xffff;
	v50 =	vmul.f32 $8.000000000e+00, v41;
	v16 =	vadd.f32 v16, v11  }
0x2f5: {  	v46 =	vor.u32 v7, v31;
	[tilespmem:s7+$0x60] =	vst v9;
	v18 =	vld.idx.msk [tilespmem:v62+s30+$0x0], $0xffff;
	v52 =	vadd.f32 v47, v20;
	v45 =	vmul.f32 $8.000000000e+00, v59  }
0x2f6: {  	v14 =	vld.idx.msk [tilespmem:v43+s30+$0x0], $0xffff;
	v12 =	vadd.f32 v50, v23;
	[tilespmem:s8+$0x60] =	vst v16;
	v27 =	vmul.f32 $8.000000000e+00, v27  }
0x2f7: {  	v19 =	vmul.f32 $8.000000000e+00, v44;
	[tilespmem:s3+$0x60] =	vst v52;
	v24 =	vld.idx.msk [tilespmem:v24+s30+$0x0], $0xffff;
	v28 =	vadd.f32 v45, v29  }
0x2f8: {  	v54 =	vld.idx.msk [tilespmem:v48+s30+$0x0], $0xffff;
	[tilespmem:s12+$0x60] =	vst v12;
	v25 =	vmul.f32 $8.000000000e+00, v25;
	v27 =	vadd.f32 v27, v21  }
0x2f9: {  	v13 =	vadd.f32 v19, v13;
	v9 =	vmul.f32 $8.000000000e+00, v49;
	v55 =	vld.idx.msk [tilespmem:v51+s30+$0x0], $0xffff;
	[tilespmem:s6+$0x20] =	vst v28  }
0x2fa: {  	v18 =	vmul.f32 $8.000000000e+00, v18;
	v8 =	vadd.f32 v25, v8;
	[tilespmem:s11+$0x60] =	vst v27;
	v53 =	vld.idx.msk [tilespmem:v46+s30+$0x0], $0xffff  }
0x2fb: {  	[tilespmem:s28+$0x70] =	vst v13;
	v56 =	vmul.f32 $8.000000000e+00, v14;
	v9 =	vadd.f32 v9, v10;
	v58 =	vld.idx.msk [tilespmem:v30+s30+$0x0], $0xffff  }
0x2fc: {  	v57 =	vadd.f32 v18, v17;
	[tilespmem:s1+$0x70] =	vst v8;
	v8 =	vmul.f32 $8.000000000e+00, v24  }
0x2fd: {  	v59 =	vadd.f32 v56, v15;
	[tilespmem:s0+$0x70] =	vst v9;
	v61 =	vmul.f32 $8.000000000e+00, v54  }
0x2fe: {  	[tilespmem:s21+$0x30] =	vst v57;
	v62 =	vmul.f32 $8.000000000e+00, v55;
	v8 =	vadd.f32 v8, v11  }
0x2ff: {  	[tilespmem:s7+$0x70] =	vst v59;
	v9 =	vadd.f32 v61, v20;
	v60 =	vmul.f32 $8.000000000e+00, v53  }
0x300: {  	v10 =	vadd.f32 v62, v23;
	[tilespmem:s8+$0x70] =	vst v8;
	v8 =	vmul.f32 $8.000000000e+00, v58  }
0x301: {  	s1 =	sshll.u32 s25, $0x12;
	[tilespmem:s3+$0x70] =	vst v9;
	v63 =	vadd.f32 v60, v29  }
0x302: {  	s0 =	sor.u32 s5, s1;
	[tilespmem:s12+$0x70] =	vst v10;
	v8 =	vadd.f32 v8, v21  }
0x303: {  	s0 =	sshrl.u32 s0, $0x3;
	[tilespmem:s6+$0x30] =	vst v63  }
0x304: {  	s3 =	sadd.s32 s31, s0;
	[tilespmem:s11+$0x70] =	vst v8;
	s6 =	simm.s32 $0xC200  }
0x305: {  	[hbm4b:s3+s4] =	stream.linear.scatter [tilespmem:s6], [sflag:$0xB], $0x400, $0x38;
	[tilespmem:$0x13400] =	vst v63  }
0x306: {  	s7 =	sadd.s32 s0, s22;
	s8 =	simm.s32 $0xC600;
	s11 =	rddreg [dreg:$0x9]  }
0x307: {  	[hbm4b:s7+s4] =	stream.linear.scatter [tilespmem:s8], [sflag:$0xB], $0x400, $0x38;
	[tilespmem:$0x13400] =	vst v63  }
0x308: {  	s12 =	simm.s32 $0xCA00;
	s13 =	rddreg [dreg:$0xa];
	s1 =	sadd.s32 s0, s11  }
0x309: {  	[hbm4b:s1+s4] =	stream.linear.scatter [tilespmem:s12], [sflag:$0xB], $0x400, $0x38;
	[tilespmem:$0x13400] =	vst v63  }
0x30a: {  	s14 =	simm.s32 $0xCE00;
	s15 =	rddreg [dreg:$0xb];
	s1 =	sadd.s32 s0, s13  }
0x30b: {  	[hbm4b:s1+s4] =	stream.linear.scatter [tilespmem:s14], [sflag:$0xB], $0x400, $0x38;
	[tilespmem:$0x13400] =	vst v63  }
0x30c: {  	s16 =	simm.s32 $0xD200;
	s17 =	rddreg [dreg:$0xc];
	s1 =	sadd.s32 s0, s15  }
0x30d: {  	[hbm4b:s1+s4] =	stream.linear.scatter [tilespmem:s16], [sflag:$0xB], $0x400, $0x38;
	[tilespmem:$0x13400] =	vst v63  }
0x30e: {  	s18 =	simm.s32 $0xD600;
	s1 =	sadd.s32 s0, s17  }
0x30f: {  	[hbm4b:s1+s4] =	stream.linear.scatter [tilespmem:s18], [sflag:$0xB], $0x400, $0x38;
	[tilespmem:$0x13400] =	vst v63  }
.Ltmp6:
0x310: {  	s21 =	rddreg [dreg:$0xd];
	(pc) =	sbr.rel @p1 .LBB2_14-.Ltmp6, $4  }
0x311: {  	s25 =	simm.s32 $0xDA00;
	s28 =	rddreg [dreg:$0xe];
	s1 =	sadd.s32 s0, s21  }
0x312: {  	[hbm4b:s1+s4] =	stream.linear.scatter [tilespmem:s25], [sflag:$0xB], $0x400, $0x38;
	[tilespmem:$0x13400] =	vst v63  }
0x313: {  	s29 =	simm.s32 $0xDE00;
	s0 =	sadd.s32 s0, s28  }
0x314: {  	[hbm4b:s0+s4] =	stream.linear.scatter [tilespmem:s29], [sflag:$0xB], $0x400, $0x38;
	[tilespmem:$0x13400] =	vst v63  }
.Ltmp7:
0x315: {  	(pc) =	sbr.rel .LBB2_15-.Ltmp7, $4  }
0x316: {  	s0 =	simm.s32 $0x8  }
0x317: {  	_ =	swait.ge [sflag:s0], $0x2000  }
0x318: {  	[sflag:s0] =	ssyncset.done $0x0  }
0x319: {  	s28 =	rddreg [dreg:$0x11];
	[sflag:s0] =	ssyncadd.s32 $0xFFFFE000  }
.LBB2_14:
0x31a: {  	s0 =	sadd.s32 $0x6, s23  }
0x31b: {  	s1 =	sshll.u32 s0, $0x7;
	s0 =	sshll.u32 s0, $0xC  }
0x31c: {  	s1 =	sand.u32 $0x300, s1;
	s0 =	sand.u32 $0x1F8000, s0  }
0x31d: {  	s0 =	sor.u32 s0, s1  }
0x31e: {  	s0 =	sor.u32 s5, s0  }
0x31f: {  	s17 =	rddreg [dreg:$0x0];
	s0 =	sshrl.u32 s0, $0x3  }
0x320: {  	s18 =	simm.s32 $0x100;
	s21 =	simm.s32 $0x2;
	s0 =	sadd.s32 s17, s0  }
0x321: {  	[tilespmem:s18], [sflag:$0x3] =	stream.linear.gather [hbm4b:s0+s4], $0x80, $0x38;
	[tilespmem:$0x13400] =	vst v63  }
0x322: {  	_ =	swait.ge [sflag:s21], $0x80  }
0x323: {  	s25 =	simm.s32 $0x80;
	s29 =	simm.s32 $0x8;
	[sflag:s21] =	ssyncset.done $0x0  }
.Ltmp8:
0x324: {  	s23 =	rddreg [dreg:$0x4];
	[sflag:s21] =	ssyncadd.s32 $0xFFFFFF80;
	(pc) =	sbr.rel @p0 .LBB2_16-.Ltmp8, $4  }
0x325: {  	[tilespmem:s26], [sflag:$0x6] =	stream.indirect.gather [hbm4b:s23+s25], $0x40, s25, s25, $0xb8;
	[tilespmem:$0x13400] =	vst v63  }
0x326: {  	_ =	swait.ge [sflag:s29], $0x2000  }
0x327: {  	[sflag:s29] =	ssyncset.done $0x0  }
0x328: {  	s28 =	rddreg [dreg:$0x11];
	[sflag:s29] =	ssyncadd.s32 $0xFFFFE000  }
.LBB2_15:
0x329: {  	_ =	swait.ge [sflag:s9], $0x400  }
0x32a: {  	[sflag:s9] =	ssyncset.done $0x0  }
0x32b: {  	[sflag:s9] =	ssyncadd.s32 $0xFFFFFC00  }
0x32c: {  	_ =	swait.ge [sflag:s9], $0x400  }
0x32d: {  	[sflag:s9] =	ssyncset.done $0x0  }
0x32e: {  	[sflag:s9] =	ssyncadd.s32 $0xFFFFFC00  }
0x32f: {  	_ =	swait.ge [sflag:s9], $0x400  }
0x330: {  	[sflag:s9] =	ssyncset.done $0x0  }
0x331: {  	[sflag:s9] =	ssyncadd.s32 $0xFFFFFC00  }
0x332: {  	_ =	swait.ge [sflag:s9], $0x400  }
0x333: {  	[sflag:s9] =	ssyncset.done $0x0  }
0x334: {  	[sflag:s9] =	ssyncadd.s32 $0xFFFFFC00  }
0x335: {  	_ =	swait.ge [sflag:s9], $0x400  }
0x336: {  	[sflag:s9] =	ssyncset.done $0x0  }
0x337: {  	[sflag:s9] =	ssyncadd.s32 $0xFFFFFC00  }
0x338: {  	_ =	swait.ge [sflag:s9], $0x400  }
0x339: {  	[sflag:s9] =	ssyncset.done $0x0  }
0x33a: {  	[sflag:s9] =	ssyncadd.s32 $0xFFFFFC00  }
0x33b: {  	_ =	swait.ge [sflag:s9], $0x400  }
0x33c: {  	[sflag:s9] =	ssyncset.done $0x0  }
0x33d: {  	[sflag:s9] =	ssyncadd.s32 $0xFFFFFC00  }
0x33e: {  	_ =	swait.ge [sflag:s9], $0x400  }
0x33f: {  	[sflag:s9] =	ssyncset.done $0x0  }
0x340: {  	[sflag:s9] =	ssyncadd.s32 $0xFFFFFC00  }
.LBB2_16:
0x341: {  	s0 =	simm.s32 $0x1  }
0x342: {  	v8 =	vmov s0  }
0x343: {  	v8 =	vand.u32 $0x3D, v8  }
0x344: {  	s3 =	simm.s32 $0x2;
	v29 =	vbroadcast v8, $0x0  }
0x345: {  	v9 =	vmov s3  }
0x346: {  	s6 =	sshll.u32 s28, $0x6;
	v8 =	vand.u32 $0x3E, v9;
	v9 =	vor.u32 v0, v29  }
0x347: {  	s7 =	simm.s32 $0x3;
	v19 =	vmov s6;
	v34 =	vbroadcast v8, $0x0  }
0x348: {  	v10 =	vmov s7;
	v8 =	vor.u32 v19, v29  }
0x349: {  	v10 =	vand.u32 $0x3F, v10;
	v11 =	vor.u32 v0, v34  }
0x34a: {  	v32 =	vbroadcast v10, $0x0  }
0x34b: {  	v10 =	vor.u32 v19, v34;
	v12 =	vld.idx.msk [tilespmem:v9+s2+$0x0], $0xffff  }
0x34c: {  	s8 =	simm.s32 $0x0;
	v13 =	vor.u32 v0, v32  }
0x34d: {  	v14 =	vor.u32 v19, v32;
	v9 =	vld.idx.msk [tilespmem:v8+s19+$0x0], $0xffff;
	v8 =	vmov s8  }
0x34e: {  	v11 =	vld.idx.msk [tilespmem:v11+s2+$0x0], $0xffff;
	v15 =	vand.u32 $0x3C, v8  }
0x34f: {  	v33 =	vbroadcast v15, $0x0  }
0x350: {  	s11 =	simm.s32 $0x0;
	v8 =	vld.idx.msk [tilespmem:v10+s19+$0x0], $0xffff;
	v10 =	vmul.f32 $8.000000000e+00, v12;
	v12 =	vor.u32 v1, v29  }
0x351: {  	s1 =	simm.s32 $0x80;
	s0 =	sand.u32 $0x1C00, s11;
	v15 =	vld.idx.msk [tilespmem:v13+s2+$0x0], $0xffff;
	v16 =	vor.u32 v0, v33  }
0x352: {  	s1 =	sand.u32 $0x280, s1;
	s0 =	sor.u32 $0xE200, s0;
	v13 =	vld.idx.msk [tilespmem:v14+s19+$0x0], $0xffff;
	v14 =	vor.u32 v19, v33;
	v10 =	vadd.f32 v10, v9  }
0x353: {  	s25 =	sadd.s32 s1, s0;
	v17 =	vor.u32 v1, v34;
	v11 =	vmul.f32 $8.000000000e+00, v11  }
0x354: {  	s12 =	simm.s32 $0x100;
	[tilespmem:s25+$0x0] =	vst v10  }
0x355: {  	s1 =	sand.u32 $0x300, s12;
	v10 =	vadd.f32 v11, v8;
	v11 =	vld.idx.msk [tilespmem:v12+s2+$0x0], $0xffff  }
0x356: {  	s1 =	sadd.s32 s1, s0;
	v12 =	vmul.f32 $8.000000000e+00, v15;
	v15 =	vld.idx.msk [tilespmem:v16+s2+$0x0], $0xffff  }
0x357: {  	s3 =	simm.s32 $0x180;
	v28 =	vld.idx.msk [tilespmem:v14+s19+$0x0], $0xffff;
	[tilespmem:s1+$0x0] =	vst v10;
	v10 =	vor.u32 v1, v32  }
0x358: {  	s3 =	sand.u32 $0x380, s3;
	v16 =	vld.idx.msk [tilespmem:v17+s2+$0x0], $0xffff;
	v12 =	vadd.f32 v12, v13  }
0x359: {  	s13 =	simm.s32 $0x5;
	s23 =	sadd.s32 s3, s0  }
0x35a: {  	[tilespmem:s23+$0x0] =	vst v12;
	v12 =	vmov s13  }
0x35b: {  	v14 =	vor.u32 v1, v33;
	v15 =	vmul.f32 $8.000000000e+00, v15;
	v12 =	vand.u32 $0x3D, v12  }
0x35c: {  	v11 =	vmul.f32 $8.000000000e+00, v11;
	v10 =	vld.idx.msk [tilespmem:v10+s2+$0x0], $0xffff;
	v12 =	vbroadcast v12, $0x0  }
0x35d: {  	v18 =	vor.u32 v2, v29;
	v16 =	vmul.f32 $8.000000000e+00, v16;
	v15 =	vadd.f32 v15, v28  }
0x35e: {  	s18 =	simm.s32 $0xE240;
	s14 =	simm.s32 $0x6;
	v11 =	vadd.f32 v11, v9;
	v21 =	vor.u32 v0, v12  }
0x35f: {  	v20 =	vmov s14;
	v17 =	vor.u32 v2, v34;
	v16 =	vadd.f32 v16, v8;
	[tilespmem:s18+$0xFFFFFFC0] =	vst v15  }
0x360: {  	v20 =	vand.u32 $0x3E, v20;
	v23 =	vor.u32 v19, v12;
	[tilespmem:s25+$0x10] =	vst v11;
	v22 =	vld.idx.msk [tilespmem:v14+s2+$0x0], $0xffff  }
0x361: {  	s15 =	simm.s32 $0x7;
	v15 =	vor.u32 v2, v32;
	v10 =	vmul.f32 $8.000000000e+00, v10;
	[tilespmem:s1+$0x10] =	vst v16;
	v16 =	vbroadcast v20, $0x0  }
0x362: {  	v11 =	vmov s15;
	v18 =	vld.idx.msk [tilespmem:v18+s2+$0x0], $0xffff  }
0x363: {  	v11 =	vand.u32 $0x3F, v11;
	v10 =	vadd.f32 v10, v13;
	v20 =	vor.u32 v0, v16;
	v21 =	vld.idx.msk [tilespmem:v21+s2+$0x0], $0xffff  }
0x364: {  	v14 =	vbroadcast v11, $0x0;
	v17 =	vld.idx.msk [tilespmem:v17+s2+$0x0], $0xffff;
	v11 =	vor.u32 v19, v16  }
0x365: {  	v24 =	vor.u32 v2, v33;
	[tilespmem:s23+$0x10] =	vst v10;
	v22 =	vmul.f32 $8.000000000e+00, v22;
	v10 =	vld.idx.msk [tilespmem:v23+s19+$0x0], $0xffff  }
0x366: {  	v25 =	vor.u32 v0, v14;
	v15 =	vld.idx.msk [tilespmem:v15+s2+$0x0], $0xffff  }
0x367: {  	v23 =	vor.u32 v19, v14;
	v22 =	vadd.f32 v22, v28  }
0x368: {  	s17 =	simm.s32 $0x200;
	v27 =	vor.u32 v1, v12;
	v20 =	vld.idx.msk [tilespmem:v20+s2+$0x0], $0xffff;
	v21 =	vmul.f32 $8.000000000e+00, v21  }
0x369: {  	s6 =	simm.s32 $0x280;
	s3 =	sand.u32 $0x1C00, s17;
	v30 =	vor.u32 v3, v29;
	v26 =	vor.u32 v3, v34;
	v17 =	vmul.f32 $8.000000000e+00, v17;
	v11 =	vld.idx.msk [tilespmem:v11+s19+$0x0], $0xffff;
	[tilespmem:s18+$0xFFFFFFD0] =	vst v22  }
0x36a: {  	s16 =	simm.s32 $0x4;
	s21 =	sand.u32 $0x280, s6;
	s3 =	sor.u32 $0xE200, s3;
	v31 =	vor.u32 v3, v32;
	v18 =	vmul.f32 $8.000000000e+00, v18;
	v24 =	vld.idx.msk [tilespmem:v24+s2+$0x0], $0xffff;
	v21 =	vadd.f32 v21, v10  }
0x36b: {  	s0 =	sadd.s32 s21, s3;
	v25 =	vld.idx.msk [tilespmem:v25+s2+$0x0], $0xffff;
	v17 =	vadd.f32 v17, v8;
	v22 =	vmul.f32 $8.000000000e+00, v15;
	v15 =	vmov s16  }
0x36c: {  	v36 =	vadd.f32 v18, v9;
	v35 =	vand.u32 $0x3C, v15;
	v15 =	vld.idx.msk [tilespmem:v23+s19+$0x0], $0xffff;
	[tilespmem:s0+$0x0] =	vst v21  }
0x36d: {  	[tilespmem:s1+$0x20] =	vst v17;
	v18 =	vbroadcast v35, $0x0;
	v17 =	vadd.f32 v22, v13;
	v20 =	vmul.f32 $8.000000000e+00, v20;
	v21 =	vld.idx.msk [tilespmem:v27+s2+$0x0], $0xffff  }
0x36e: {  	s29 =	simm.s32 $0x300;
	[tilespmem:s25+$0x20] =	vst v36;
	v23 =	vor.u32 v1, v16;
	v22 =	vld.idx.msk [tilespmem:v26+s2+$0x0], $0xffff  }
0x36f: {  	s6 =	sand.u32 $0x300, s29;
	v26 =	vor.u32 v0, v18;
	[tilespmem:s23+$0x20] =	vst v17;
	v17 =	vadd.f32 v20, v11;
	v20 =	vmul.f32 $8.000000000e+00, v24;
	v24 =	vld.idx.msk [tilespmem:v30+s2+$0x0], $0xffff  }
0x370: {  	s8 =	sadd.s32 s6, s3;
	v27 =	vor.u32 v3, v33;
	v30 =	vld.idx.msk [tilespmem:v31+s2+$0x0], $0xffff  }
0x371: {  	v25 =	vmul.f32 $8.000000000e+00, v25;
	v31 =	vor.u32 v1, v14;
	[tilespmem:s8+$0x0] =	vst v17;
	v17 =	vadd.f32 v20, v28  }
0x372: {  	s7 =	simm.s32 $0x380;
	v47 =	vor.u32 v4, v32;
	v35 =	vor.u32 v19, v18;
	v21 =	vmul.f32 $8.000000000e+00, v21  }
0x373: {  	s6 =	sand.u32 $0x380, s7;
	v38 =	vor.u32 v2, v12;
	v25 =	vadd.f32 v25, v15;
	v23 =	vld.idx.msk [tilespmem:v23+s2+$0x0], $0xffff;
	[tilespmem:s18+$0xFFFFFFE0] =	vst v17;
	v17 =	vmul.f32 $8.000000000e+00, v22  }
0x374: {  	s7 =	sadd.s32 s6, s3;
	v20 =	vor.u32 v4, v34;
	v26 =	vld.idx.msk [tilespmem:v26+s2+$0x0], $0xffff;
	v22 =	vmul.f32 $8.000000000e+00, v24;
	v21 =	vadd.f32 v21, v10  }
0x375: {  	s12 =	simm.s32 $0xA;
	[tilespmem:s7+$0x0] =	vst v25;
	v24 =	vld.idx.msk [tilespmem:v27+s2+$0x0], $0xffff;
	v27 =	vor.u32 v4, v29;
	v30 =	vmul.f32 $8.000000000e+00, v30;
	v37 =	vadd.f32 v17, v8  }
0x376: {  	v49 =	vmov s12;
	v48 =	vor.u32 v5, v29;
	s13 =	simm.s32 $0xB;
	v31 =	vld.idx.msk [tilespmem:v31+s2+$0x0], $0xffff;
	v22 =	vadd.f32 v22, v9;
	[tilespmem:s0+$0x10] =	vst v21  }
0x377: {  	v51 =	vor.u32 v5, v32;
	v40 =	vmov s13;
	v17 =	vld.idx.msk [tilespmem:v35+s19+$0x0], $0xffff;
	v30 =	vadd.f32 v30, v13;
	[tilespmem:s1+$0x30] =	vst v37  }
0x378: {  	s11 =	simm.s32 $0x9;
	v39 =	vor.u32 v1, v18;
	v25 =	vor.u32 v2, v16;
	v23 =	vmul.f32 $8.000000000e+00, v23;
	v38 =	vld.idx.msk [tilespmem:v38+s2+$0x0], $0xffff;
	[tilespmem:s25+$0x30] =	vst v22  }
0x379: {  	v21 =	vor.u32 v2, v14;
	v22 =	vmov s11;
	v20 =	vld.idx.msk [tilespmem:v20+s2+$0x0], $0xffff;
	[tilespmem:s23+$0x30] =	vst v30;
	v30 =	vor.u32 v4, v33  }
0x37a: {  	v27 =	vld.idx.msk [tilespmem:v27+s2+$0x0], $0xffff;
	v24 =	vmul.f32 $8.000000000e+00, v24;
	v23 =	vadd.f32 v23, v11;
	v22 =	vand.u32 $0x3D, v22  }
0x37b: {  	v37 =	vand.u32 $0x3E, v49;
	v36 =	vld.idx.msk [tilespmem:v47+s2+$0x0], $0xffff;
	v22 =	vbroadcast v22, $0x0;
	v31 =	vmul.f32 $8.000000000e+00, v31  }
0x37c: {  	v26 =	vmul.f32 $8.000000000e+00, v26;
	v24 =	vadd.f32 v24, v28;
	[tilespmem:s8+$0x10] =	vst v23;
	v23 =	vand.u32 $0x3F, v40  }
0x37d: {  	v41 =	vor.u32 v0, v22;
	v31 =	vadd.f32 v31, v15;
	v42 =	vld.idx.msk [tilespmem:v25+s2+$0x0], $0xffff;
	v43 =	vor.u32 v19, v22  }
0x37e: {  	[tilespmem:s18+$0xFFFFFFF0] =	vst v24;
	v24 =	vadd.f32 v26, v17;
	v26 =	vbroadcast v23, $0x0;
	v44 =	vmul.f32 $8.000000000e+00, v20  }
0x37f: {  	s21 =	simm.s32 $0xE440;
	v46 =	vor.u32 v6, v29;
	v30 =	vld.idx.msk [tilespmem:v30+s2+$0x0], $0xffff;
	v50 =	vmul.f32 $8.000000000e+00, v27;
	v27 =	vbroadcast v37, $0x0;
	[tilespmem:s7+$0x10] =	vst v31  }
0x380: {  	v61 =	vor.u32 v5, v34;
	v20 =	vmul.f32 $8.000000000e+00, v38;
	v36 =	vmul.f32 $8.000000000e+00, v36;
	[tilespmem:s21+$0xFFFFFFC0] =	vst v24;
	v53 =	vld.idx.msk [tilespmem:v21+s2+$0x0], $0xffff  }
0x381: {  	v45 =	vor.u32 v0, v26;
	v23 =	vadd.f32 v50, v9;
	v39 =	vld.idx.msk [tilespmem:v39+s2+$0x0], $0xffff;
	v52 =	vor.u32 v19, v27  }
0x382: {  	v31 =	vadd.f32 v36, v13;
	v56 =	vmul.f32 $8.000000000e+00, v42;
	v42 =	vadd.f32 v20, v10;
	v20 =	vld.idx.msk [tilespmem:v43+s19+$0x0], $0xffff  }
0x383: {  	v60 =	vor.u32 v3, v16;
	v55 =	vor.u32 v0, v27;
	[tilespmem:s25+$0x40] =	vst v23;
	v23 =	vld.idx.msk [tilespmem:v41+s2+$0x0], $0xffff  }
0x384: {  	v63 =	vor.u32 v3, v14;
	v54 =	vor.u32 v19, v26;
	[tilespmem:s23+$0x40] =	vst v31;
	v21 =	vmul.f32 $8.000000000e+00, v30;
	v30 =	vld.idx.msk [tilespmem:v48+s2+$0x0], $0xffff  }
0x385: {  	v47 =	vor.u32 v2, v18;
	v25 =	vor.u32 v7, v34;
	v31 =	vor.u32 v5, v33;
	v37 =	vld.idx.msk [tilespmem:v51+s2+$0x0], $0xffff  }
0x386: {  	v62 =	vor.u32 v1, v22;
	v34 =	vor.u32 v6, v34;
	v24 =	vor.u32 v7, v16;
	v45 =	vld.idx.msk [tilespmem:v45+s2+$0x0], $0xffff  }
0x387: {  	v59 =	vadd.f32 v56, v11;
	v56 =	vor.u32 v3, v12;
	v57 =	vadd.f32 v21, v28;
	v21 =	vld.idx.msk [tilespmem:v52+s19+$0x0], $0xffff  }
0x388: {  	v48 =	vor.u32 v6, v32;
	[tilespmem:s0+$0x20] =	vst v42;
	v42 =	vor.u32 v4, v12;
	v40 =	vmul.f32 $8.000000000e+00, v53;
	v35 =	vld.idx.msk [tilespmem:v55+s2+$0x0], $0xffff  }
0x389: {  	v51 =	vor.u32 v4, v16;
	v58 =	vmul.f32 $8.000000000e+00, v39;
	v49 =	vmul.f32 $8.000000000e+00, v23;
	v23 =	vld.idx.msk [tilespmem:v54+s19+$0x0], $0xffff;
	[tilespmem:s18+$0x0] =	vst v57  }
0x38a: {  	s14 =	simm.s32 $0x400;
	[tilespmem:s8+$0x20] =	vst v59;
	v40 =	vadd.f32 v40, v15;
	v50 =	vld.idx.msk [tilespmem:v31+s2+$0x0], $0xffff;
	v31 =	vadd.f32 v44, v8  }
0x38b: {  	s3 =	sand.u32 $0x1C00, s14;
	s15 =	simm.s32 $0x480;
	v36 =	vadd.f32 v58, v17;
	v54 =	vld.idx.msk [tilespmem:v60+s2+$0x0], $0xffff;
	v58 =	vor.u32 v6, v33;
	v30 =	vmul.f32 $8.000000000e+00, v30  }
0x38c: {  	s12 =	sand.u32 $0x280, s15;
	s16 =	sor.u32 $0xE200, s3;
	s11 =	simm.s32 $0x8;
	v44 =	vld.idx.msk [tilespmem:v56+s2+$0x0], $0xffff;
	v56 =	vor.u32 v1, v26;
	v53 =	vadd.f32 v49, v20;
	[tilespmem:s1+$0x40] =	vst v31  }
0x38d: {  	s3 =	sadd.s32 s12, s16;
	v37 =	vmul.f32 $8.000000000e+00, v37;
	[tilespmem:s21+$0xFFFFFFD0] =	vst v36;
	v55 =	vadd.f32 v30, v9;
	v30 =	vmov s11;
	v38 =	vld.idx.msk [tilespmem:v61+s2+$0x0], $0xffff  }
0x38e: {  	v49 =	vor.u32 v1, v27;
	v47 =	vld.idx.msk [tilespmem:v47+s2+$0x0], $0xffff;
	v35 =	vmul.f32 $8.000000000e+00, v35;
	v31 =	vand.u32 $0x3C, v30;
	[tilespmem:s3+$0x0] =	vst v53  }
0x38f: {  	s17 =	simm.s32 $0x500;
	[tilespmem:s7+$0x20] =	vst v40;
	v37 =	vadd.f32 v37, v13;
	v31 =	vbroadcast v31, $0x0;
	v43 =	vld.idx.msk [tilespmem:v62+s2+$0x0], $0xffff;
	v57 =	vmul.f32 $8.000000000e+00, v50  }
0x390: {  	v40 =	vor.u32 v2, v27;
	v39 =	vld.idx.msk [tilespmem:v63+s2+$0x0], $0xffff;
	s11 =	sand.u32 $0x300, s17;
	[tilespmem:s25+$0x50] =	vst v55;
	v36 =	vmul.f32 $8.000000000e+00, v54;
	v35 =	vadd.f32 v35, v21  }
0x391: {  	v45 =	vmul.f32 $8.000000000e+00, v45;
	s11 =	sadd.s32 s11, s16;
	v46 =	vld.idx.msk [tilespmem:v46+s2+$0x0], $0xffff;
	[tilespmem:s23+$0x50] =	vst v37;
	v59 =	vor.u32 v0, v31;
	v41 =	vadd.f32 v57, v28  }
0x392: {  	s13 =	simm.s32 $0x580;
	v63 =	vor.u32 v2, v22;
	v60 =	vld.idx.msk [tilespmem:v48+s2+$0x0], $0xffff;
	v36 =	vadd.f32 v36, v11;
	[tilespmem:s11+$0x0] =	vst v35;
	v38 =	vmul.f32 $8.000000000e+00, v38  }
0x393: {  	s29 =	sand.u32 $0x380, s13;
	v48 =	vadd.f32 v45, v23;
	v61 =	vmul.f32 $8.000000000e+00, v47;
	v49 =	vld.idx.msk [tilespmem:v49+s2+$0x0], $0xffff;
	[tilespmem:s18+$0x10] =	vst v41;
	v41 =	vor.u32 v3, v18  }
0x394: {  	s12 =	sadd.s32 s29, s16;
	v30 =	vor.u32 v7, v27;
	[tilespmem:s8+$0x30] =	vst v36;
	v43 =	vmul.f32 $8.000000000e+00, v43;
	v47 =	vld.idx.msk [tilespmem:v58+s2+$0x0], $0xffff;
	v38 =	vadd.f32 v38, v8  }
0x395: {  	v52 =	vor.u32 v19, v31;
	v39 =	vmul.f32 $8.000000000e+00, v39;
	[tilespmem:s12+$0x0] =	vst v48;
	v62 =	vadd.f32 v61, v17;
	v57 =	vld.idx.msk [tilespmem:v51+s2+$0x0], $0xffff  }
0x396: {  	v61 =	vor.u32 v4, v14;
	v54 =	vmul.f32 $8.000000000e+00, v46;
	v55 =	vadd.f32 v43, v20;
	v59 =	vld.idx.msk [tilespmem:v59+s2+$0x0], $0xffff;
	[tilespmem:s1+$0x50] =	vst v38  }
0x397: {  	[tilespmem:s21+$0xFFFFFFE0] =	vst v62;
	v58 =	vmul.f32 $8.000000000e+00, v60;
	v60 =	vmul.f32 $8.000000000e+00, v44;
	v62 =	vadd.f32 v39, v15;
	v37 =	vld.idx.msk [tilespmem:v34+s2+$0x0], $0xffff  }
0x398: {  	v35 =	vor.u32 v7, v32;
	v36 =	vadd.f32 v54, v9;
	[tilespmem:s3+$0x10] =	vst v55;
	v44 =	vld.idx.msk [tilespmem:v41+s2+$0x0], $0xffff  }
0x399: {  	v39 =	vor.u32 v7, v33;
	v38 =	vadd.f32 v60, v10;
	[tilespmem:s7+$0x30] =	vst v62;
	v45 =	vld.idx.msk [tilespmem:v63+s2+$0x0], $0xffff;
	v63 =	vmul.f32 $8.000000000e+00, v47  }
0x39a: {  	v49 =	vmul.f32 $8.000000000e+00, v49;
	v53 =	vadd.f32 v58, v13;
	[tilespmem:s25+$0x60] =	vst v36;
	v36 =	vor.u32 v7, v29;
	v29 =	vld.idx.msk [tilespmem:v52+s19+$0x0], $0xffff  }
0x39b: {  	v43 =	vor.u32 v1, v31;
	v33 =	vmul.f32 $8.000000000e+00, v57;
	v41 =	vld.idx.msk [tilespmem:v61+s2+$0x0], $0xffff;
	[tilespmem:s0+$0x30] =	vst v38;
	v46 =	vadd.f32 v63, v28  }
0x39c: {  	s14 =	simm.s32 $0xC;
	s6 =	simm.s32 $0xE640;
	v34 =	vadd.f32 v49, v21;
	v47 =	vld.idx.msk [tilespmem:v56+s2+$0x0], $0xffff;
	v38 =	vor.u32 v5, v12;
	[tilespmem:s23+$0x60] =	vst v53;
	v48 =	vmul.f32 $8.000000000e+00, v59  }
.LBB2_17:
0x39d: {  	s15 =	sadd.s32 $0x1, s14;
	s16 =	sadd.s32 $0x2, s14;
	s17 =	sadd.s32 $0x3, s14;
	v49 =	vor.u32 v2, v26;
	v50 =	vor.u32 v4, v18;
	v42 =	vld.idx.msk [tilespmem:v42+s2+$0x0], $0xffff;
	[tilespmem:s18+$0x20] =	vst v46;
	v37 =	vmul.f32 $8.000000000e+00, v37  }
0x39e: {  	p0 =	slt.u32 s14, $0x3C;
	v44 =	vmul.f32 $8.000000000e+00, v44;
	v32 =	vmovc v12;
	v12 =	vmovc v22;
	v46 =	vmov s15;
	v51 =	vmov s16;
	v39 =	vld.idx.msk [tilespmem:v39+s2+$0x0], $0xffff;
	s15 =	smov.u32 s14;
	s14 =	sadd.s32 $0x4, s14  }
0x39f: {  	v22 =	vand.u32 $0x3D, v46;
	v46 =	vand.u32 $0x3E, v51;
	[tilespmem:s11+$0x10] =	vst v34;
	v51 =	vld.idx.msk [tilespmem:v36+s2+$0x0], $0xffff;
	v37 =	vadd.f32 v37, v8;
	v34 =	vmovc v14  }
0x3a0: {  	v52 =	vmov s17;
	v44 =	vadd.f32 v44, v17;
	v14 =	vmovc v26;
	v36 =	vmovc v18;
	v22 =	vbroadcast v22, $0x0;
	v40 =	vld.idx.msk [tilespmem:v40+s2+$0x0], $0xffff  }
0x3a1: {  	v45 =	vmul.f32 $8.000000000e+00, v45;
	v26 =	vand.u32 $0x3F, v52;
	v47 =	vmul.f32 $8.000000000e+00, v47;
	v18 =	vmovc v31;
	[tilespmem:s1+$0x60] =	vst v37;
	v35 =	vld.idx.msk [tilespmem:v35+s2+$0x0], $0xffff  }
0x3a2: {  	v41 =	vmul.f32 $8.000000000e+00, v41;
	v31 =	vor.u32 v19, v22;
	v37 =	vor.u32 v0, v22;
	[tilespmem:s21+$0xFFFFFFF0] =	vst v44;
	v44 =	vld.idx.msk [tilespmem:v25+s2+$0x0], $0xffff  }
0x3a3: {  	v48 =	vadd.f32 v48, v29;
	v47 =	vadd.f32 v47, v23;
	v42 =	vmul.f32 $8.000000000e+00, v42;
	v25 =	vmovc v24;
	v50 =	vld.idx.msk [tilespmem:v50+s2+$0x0], $0xffff  }
0x3a4: {  	v46 =	vbroadcast v46, $0x0;
	v52 =	vor.u32 v5, v34;
	v24 =	vmovc v30;
	v41 =	vadd.f32 v41, v15  }
0x3a5: {  	v26 =	vbroadcast v26, $0x0;
	v30 =	vor.u32 v5, v36;
	v42 =	vadd.f32 v42, v10;
	[tilespmem:s6+$0xFFFFFFC0] =	vst v48  }
0x3a6: {  	v53 =	vor.u32 v0, v46;
	v39 =	vmul.f32 $8.000000000e+00, v39;
	v48 =	vor.u32 v19, v46;
	v43 =	vld.idx.msk [tilespmem:v43+s2+$0x0], $0xffff;
	[tilespmem:s12+$0x10] =	vst v47  }
0x3a7: {  	v47 =	vor.u32 v0, v26;
	v35 =	vmul.f32 $8.000000000e+00, v35;
	v49 =	vld.idx.msk [tilespmem:v49+s2+$0x0], $0xffff;
	[tilespmem:s0+$0x40] =	vst v42;
	v42 =	vmul.f32 $8.000000000e+00, v51  }
0x3a8: {  	v28 =	vadd.f32 v39, v28;
	v51 =	vor.u32 v19, v26;
	v39 =	vmul.f32 $8.000000000e+00, v44;
	v37 =	vld.idx.msk [tilespmem:v37+s2+$0x0], $0xffff;
	[tilespmem:s7+$0x40] =	vst v41  }
0x3a9: {  	v41 =	vadd.f32 v45, v20;
	v44 =	vmul.f32 $8.000000000e+00, v50;
	v38 =	vld.idx.msk [tilespmem:v38+s2+$0x0], $0xffff;
	v42 =	vadd.f32 v42, v9;
	v9 =	vmovc v10  }
0x3aa: {  	v40 =	vmul.f32 $8.000000000e+00, v40;
	v13 =	vadd.f32 v35, v13;
	v8 =	vadd.f32 v39, v8;
	v45 =	vld.idx.msk [tilespmem:v52+s2+$0x0], $0xffff;
	[tilespmem:s18+$0x30] =	vst v28;
	s18 =	smov.u32 s21;
	s21 =	smov.u32 s6  }
0x3ab: {  	v35 =	vor.u32 v6, v32;
	v10 =	vmov v20;
	v28 =	vadd.f32 v44, v17;
	[tilespmem:s25+$0x70] =	vst v42;
	v20 =	vld.idx.msk [tilespmem:v31+s19+$0x0], $0xffff;
	s25 =	smov.u32 s0;
	s0 =	smov.u32 s3  }
0x3ac: {  	s13 =	sadd.s32 $0x200, s13;
	v40 =	vadd.f32 v40, v21;
	v39 =	vmul.f32 $8.000000000e+00, v43;
	v42 =	vor.u32 v3, v27;
	v31 =	vld.idx.msk [tilespmem:v48+s19+$0x0], $0xffff;
	[tilespmem:s23+$0x70] =	vst v13;
	s23 =	smov.u32 s7;
	s7 =	smov.u32 s12  }
0x3ad: {  	v43 =	vor.u32 v2, v18;
	v44 =	vmul.f32 $8.000000000e+00, v49;
	v13 =	vld.idx.msk [tilespmem:v47+s2+$0x0], $0xffff;
	v47 =	vor.u32 v6, v34;
	[tilespmem:s1+$0x70] =	vst v8;
	s1 =	smov.u32 s8;
	s8 =	smov.u32 s11  }
0x3ae: {  	v37 =	vmul.f32 $8.000000000e+00, v37;
	v39 =	vadd.f32 v39, v29;
	v48 =	vld.idx.msk [tilespmem:v51+s19+$0x0], $0xffff;
	[tilespmem:s18+$0x0] =	vst v28;
	v28 =	vor.u32 v5, v16  }
0x3af: {  	s3 =	sadd.s32 $0xFFFFFE80, s13;
	v49 =	vor.u32 v1, v22;
	v8 =	vmovc v11;
	v44 =	vadd.f32 v44, v23;
	v50 =	vld.idx.msk [tilespmem:v30+s2+$0x0], $0xffff;
	v30 =	vmul.f32 $8.000000000e+00, v38  }
0x3b0: {  	s3 =	sand.u32 $0x1C00, s3;
	s11 =	sadd.s32 $0xFFFFFF00, s13;
	v33 =	vadd.f32 v33, v8;
	v45 =	vmul.f32 $8.000000000e+00, v45;
	v38 =	vld.idx.msk [tilespmem:v53+s2+$0x0], $0xffff;
	[tilespmem:s8+$0x20] =	vst v40;
	v40 =	vor.u32 v3, v14  }
0x3b1: {  	s12 =	sor.u32 $0xE200, s3;
	v11 =	vmov v21;
	s11 =	sand.u32 $0x280, s11;
	v37 =	vadd.f32 v37, v20;
	[tilespmem:s6+$0xFFFFFFD0] =	vst v39;
	v39 =	vld.idx.msk [tilespmem:v42+s2+$0x0], $0xffff;
	v42 =	vadd.f32 v30, v9  }
0x3b2: {  	v51 =	vor.u32 v1, v46;
	s3 =	sadd.s32 s11, s12;
	v30 =	vmov s15;
	v21 =	vmovc v31;
	v43 =	vld.idx.msk [tilespmem:v43+s2+$0x0], $0xffff;
	[tilespmem:s1+$0x40] =	vst v33;
	v33 =	vadd.f32 v45, v15  }
0x3b3: {  	v31 =	vand.u32 $0x3C, v30;
	v30 =	vor.u32 v7, v46;
	[tilespmem:s3+$0x0] =	vst v37;
	v37 =	vor.u32 v3, v12;
	v28 =	vld.idx.msk [tilespmem:v28+s2+$0x0], $0xffff  }
0x3b4: {  	v31 =	vbroadcast v31, $0x0;
	v45 =	vld.idx.msk [tilespmem:v49+s2+$0x0], $0xffff;
	[tilespmem:s25+$0x50] =	vst v42;
	v42 =	vor.u32 v6, v16;
	v16 =	vmovc v27;
	v27 =	vmov v46  }
0x3b5: {  	v46 =	vmul.f32 $8.000000000e+00, v13;
	v49 =	vmul.f32 $8.000000000e+00, v50;
	v50 =	vor.u32 v6, v36;
	v13 =	vmovc v15;
	v35 =	vld.idx.msk [tilespmem:v35+s2+$0x0], $0xffff;
	[tilespmem:s23+$0x50] =	vst v33  }
0x3b6: {  	v33 =	vor.u32 v0, v31;
	v52 =	vmul.f32 $8.000000000e+00, v38;
	v38 =	vor.u32 v4, v16;
	[tilespmem:s7+$0x20] =	vst v44;
	v44 =	vld.idx.msk [tilespmem:v47+s2+$0x0], $0xffff  }
0x3b7: {  	s11 =	sadd.s32 $0xFFFFFF80, s13;
	v46 =	vadd.f32 v46, v48;
	v39 =	vmul.f32 $8.000000000e+00, v39;
	[tilespmem:s0+$0x20] =	vst v41;
	v41 =	vld.idx.msk [tilespmem:v40+s2+$0x0], $0xffff;
	v40 =	vadd.f32 v49, v17  }
0x3b8: {  	s11 =	sand.u32 $0x300, s11;
	v15 =	vmovc v23;
	v49 =	vor.u32 v19, v31;
	v47 =	vadd.f32 v52, v21;
	v43 =	vmul.f32 $8.000000000e+00, v43;
	v37 =	vld.idx.msk [tilespmem:v37+s2+$0x0], $0xffff  }
0x3b9: {  	s11 =	sadd.s32 s11, s12;
	v23 =	vmovc v48;
	v52 =	vor.u32 v3, v18;
	v39 =	vadd.f32 v39, v11;
	v53 =	vmul.f32 $8.000000000e+00, v28;
	[tilespmem:s18+$0x10] =	vst v40  }
0x3ba: {  	v40 =	vmul.f32 $8.000000000e+00, v45;
	v45 =	vor.u32 v2, v22;
	v43 =	vadd.f32 v43, v29;
	[tilespmem:s11+$0x0] =	vst v47;
	v47 =	vld.idx.msk [tilespmem:v50+s2+$0x0], $0xffff  }
0x3bb: {  	v28 =	vmovc v17;
	v17 =	vmov v29;
	v35 =	vmul.f32 $8.000000000e+00, v35;
	v48 =	vld.idx.msk [tilespmem:v51+s2+$0x0], $0xffff;
	[tilespmem:s8+$0x30] =	vst v39;
	v39 =	vadd.f32 v53, v8  }
0x3bc: {  	v50 =	vor.u32 v1, v26;
	v29 =	vadd.f32 v40, v20;
	[tilespmem:s6+$0xFFFFFFE0] =	vst v43;
	v38 =	vld.idx.msk [tilespmem:v38+s2+$0x0], $0xffff;
	v43 =	vmul.f32 $8.000000000e+00, v44  }
0x3bd: {  	v40 =	vor.u32 v2, v27;
	v35 =	vadd.f32 v35, v9;
	v51 =	vld.idx.msk [tilespmem:v33+s2+$0x0], $0xffff;
	v33 =	vmul.f32 $8.000000000e+00, v41;
	[tilespmem:s1+$0x50] =	vst v39  }
0x3be: {  	s15 =	sand.u32 $0x380, s13;
	v41 =	vor.u32 v4, v14;
	[tilespmem:s3+$0x10] =	vst v29;
	v29 =	vmul.f32 $8.000000000e+00, v37;
	v37 =	vld.idx.msk [tilespmem:v42+s2+$0x0], $0xffff;
	v53 =	vadd.f32 v43, v13  }
.Ltmp9:
0x3bf: {  	s12 =	sadd.s32 s15, s12;
	v42 =	vor.u32 v4, v12;
	v44 =	vld.idx.msk [tilespmem:v52+s2+$0x0], $0xffff;
	v33 =	vadd.f32 v33, v15;
	[tilespmem:s25+$0x60] =	vst v35;
	(pc) =	sbr.rel @p0 .LBB2_17-.Ltmp9, $4  }
0x3c0: {  	v39 =	vor.u32 v7, v36;
	v45 =	vld.idx.msk [tilespmem:v45+s2+$0x0], $0xffff;
	[tilespmem:s12+$0x0] =	vst v46;
	v35 =	vadd.f32 v29, v10;
	v46 =	vmul.f32 $8.000000000e+00, v47  }
0x3c1: {  	v36 =	vor.u32 v7, v32;
	v43 =	vor.u32 v1, v31;
	v52 =	vmul.f32 $8.000000000e+00, v48;
	v47 =	vld.idx.msk [tilespmem:v50+s2+$0x0], $0xffff;
	[tilespmem:s7+$0x30] =	vst v33  }
0x3c2: {  	v33 =	vmul.f32 $8.000000000e+00, v38;
	v29 =	vld.idx.msk [tilespmem:v49+s19+$0x0], $0xffff;
	[tilespmem:s0+$0x30] =	vst v35;
	v46 =	vadd.f32 v46, v28;
	v35 =	vor.u32 v7, v34  }
0x3c3: {  	s6 =	sadd.s32 $0x200, s6;
	v38 =	vor.u32 v5, v12;
	v48 =	vmul.f32 $8.000000000e+00, v51;
	v34 =	vadd.f32 v52, v21;
	v41 =	vld.idx.msk [tilespmem:v41+s2+$0x0], $0xffff;
	[tilespmem:s23+$0x60] =	vst v53  }
0x3c4: {  	_ =	sdelay $0x2  }
0x3c5: {  	v19 =	vadd.f32 v48, v29;
	_ =	sdelay $0x1  }
0x3c6: {  	[tilespmem:s6+$0xFFFFFFC0] =	vst v19  }
0x3c7: {  	v19 =	vld.idx.msk [tilespmem:v43+s2+$0x0], $0xffff;
	_ =	sdelay $0x3  }
0x3c8: {  	v55 =	vor.u32 v2, v26;
	v47 =	vmul.f32 $8.000000000e+00, v47  }
0x3c9: {  	v32 =	vor.u32 v2, v31;
	v19 =	vmul.f32 $8.000000000e+00, v19  }
0x3ca: {  	v47 =	vadd.f32 v47, v23  }
0x3cb: {  	v19 =	vadd.f32 v19, v29  }
0x3cc: {  	[tilespmem:s12+$0x10] =	vst v47  }
0x3cd: {  	v56 =	vld.idx.msk [tilespmem:v55+s2+$0x0], $0xffff;
	[tilespmem:s6+$0xFFFFFFD0] =	vst v19  }
0x3ce: {  	[tilespmem:s11+$0x10] =	vst v34;
	v19 =	vld.idx.msk [tilespmem:v32+s2+$0x0], $0xffff  }
0x3cf: {  	v34 =	vld.idx.msk [tilespmem:v40+s2+$0x0], $0xffff;
	_ =	sdelay $0x1  }
0x3d0: {  	v59 =	vor.u32 v3, v22;
	v58 =	vmul.f32 $8.000000000e+00, v45  }
0x3d1: {  	v60 =	vor.u32 v3, v26;
	v32 =	vmul.f32 $8.000000000e+00, v56  }
0x3d2: {  	v57 =	vor.u32 v3, v31;
	v43 =	vadd.f32 v58, v20;
	v19 =	vmul.f32 $8.000000000e+00, v19  }
0x3d3: {  	v61 =	vor.u32 v3, v27;
	v34 =	vmul.f32 $8.000000000e+00, v34;
	v32 =	vadd.f32 v32, v23  }
0x3d4: {  	[tilespmem:s3+$0x20] =	vst v43;
	v19 =	vadd.f32 v19, v29  }
0x3d5: {  	v62 =	vadd.f32 v34, v21;
	v51 =	vld.idx.msk [tilespmem:v59+s2+$0x0], $0xffff;
	[tilespmem:s12+$0x20] =	vst v32  }
0x3d6: {  	v52 =	vld.idx.msk [tilespmem:v60+s2+$0x0], $0xffff;
	[tilespmem:s6+$0xFFFFFFE0] =	vst v19  }
0x3d7: {  	v49 =	vor.u32 v4, v18;
	v50 =	vmul.f32 $8.000000000e+00, v44;
	[tilespmem:s11+$0x20] =	vst v62;
	v63 =	vld.idx.msk [tilespmem:v57+s2+$0x0], $0xffff  }
0x3d8: {  	v53 =	vld.idx.msk [tilespmem:v61+s2+$0x0], $0xffff  }
0x3d9: {  	v43 =	vadd.f32 v50, v17  }
0x3da: {  	v42 =	vld.idx.msk [tilespmem:v42+s2+$0x0], $0xffff;
	v55 =	vor.u32 v4, v22;
	v32 =	vmul.f32 $8.000000000e+00, v51  }
0x3db: {  	[tilespmem:s21+$0xFFFFFFF0] =	vst v43;
	v56 =	vor.u32 v4, v26;
	v19 =	vmul.f32 $8.000000000e+00, v52  }
0x3dc: {  	v54 =	vor.u32 v4, v31;
	v40 =	vld.idx.msk [tilespmem:v49+s2+$0x0], $0xffff;
	v32 =	vadd.f32 v32, v20;
	v34 =	vmul.f32 $8.000000000e+00, v63  }
0x3dd: {  	v44 =	vmul.f32 $8.000000000e+00, v53;
	v57 =	vor.u32 v4, v27;
	v19 =	vadd.f32 v19, v23  }
0x3de: {  	[tilespmem:s3+$0x30] =	vst v32;
	v34 =	vadd.f32 v34, v29  }
0x3df: {  	v42 =	vmul.f32 $8.000000000e+00, v42;
	v58 =	vadd.f32 v44, v21;
	v61 =	vld.idx.msk [tilespmem:v55+s2+$0x0], $0xffff;
	[tilespmem:s12+$0x30] =	vst v19  }
0x3e0: {  	v62 =	vld.idx.msk [tilespmem:v56+s2+$0x0], $0xffff;
	[tilespmem:s6+$0xFFFFFFF0] =	vst v34  }
0x3e1: {  	v42 =	vadd.f32 v42, v10;
	v40 =	vmul.f32 $8.000000000e+00, v40;
	v60 =	vor.u32 v5, v18;
	[tilespmem:s11+$0x30] =	vst v58;
	v59 =	vld.idx.msk [tilespmem:v54+s2+$0x0], $0xffff  }
0x3e2: {  	v41 =	vmul.f32 $8.000000000e+00, v41;
	v63 =	vor.u32 v5, v14;
	v48 =	vld.idx.msk [tilespmem:v57+s2+$0x0], $0xffff  }
0x3e3: {  	[tilespmem:s0+$0x40] =	vst v42;
	v49 =	vor.u32 v5, v16;
	v40 =	vadd.f32 v40, v17  }
0x3e4: {  	[tilespmem:s18+$0x20] =	vst v46;
	v41 =	vadd.f32 v41, v15;
	v38 =	vld.idx.msk [tilespmem:v38+s2+$0x0], $0xffff;
	v52 =	vor.u32 v5, v22;
	v19 =	vmul.f32 $8.000000000e+00, v61  }
0x3e5: {  	v33 =	vadd.f32 v33, v11;
	v39 =	vld.idx.msk [tilespmem:v39+s2+$0x0], $0xffff;
	v53 =	vor.u32 v5, v26;
	[tilespmem:s21+$0x0] =	vst v40;
	v34 =	vmul.f32 $8.000000000e+00, v62  }
0x3e6: {  	v50 =	vor.u32 v5, v31;
	[tilespmem:s7+$0x40] =	vst v41;
	v51 =	vld.idx.msk [tilespmem:v60+s2+$0x0], $0xffff;
	v19 =	vadd.f32 v19, v20;
	v32 =	vmul.f32 $8.000000000e+00, v59  }
0x3e7: {  	[tilespmem:s8+$0x40] =	vst v33;
	v55 =	vor.u32 v5, v27;
	v44 =	vld.idx.msk [tilespmem:v63+s2+$0x0], $0xffff;
	v54 =	vmul.f32 $8.000000000e+00, v48;
	v34 =	vadd.f32 v34, v23  }
0x3e8: {  	v46 =	vld.idx.msk [tilespmem:v49+s2+$0x0], $0xffff;
	[tilespmem:s3+$0x40] =	vst v19;
	v32 =	vadd.f32 v32, v29  }
0x3e9: {  	v38 =	vmul.f32 $8.000000000e+00, v38;
	v60 =	vld.idx.msk [tilespmem:v52+s2+$0x0], $0xffff;
	v33 =	vadd.f32 v54, v21;
	[tilespmem:s12+$0x40] =	vst v34  }
0x3ea: {  	v61 =	vor.u32 v6, v12;
	v56 =	vmul.f32 $8.000000000e+00, v39;
	v41 =	vld.idx.msk [tilespmem:v53+s2+$0x0], $0xffff;
	[tilespmem:s6+$0x0] =	vst v32  }
0x3eb: {  	v49 =	vadd.f32 v38, v10;
	v58 =	vmul.f32 $8.000000000e+00, v51;
	[tilespmem:s11+$0x40] =	vst v33;
	v59 =	vor.u32 v6, v18;
	v57 =	vld.idx.msk [tilespmem:v50+s2+$0x0], $0xffff  }
0x3ec: {  	v28 =	vadd.f32 v56, v28;
	v62 =	vor.u32 v6, v14;
	v63 =	vmul.f32 $8.000000000e+00, v44;
	v47 =	vld.idx.msk [tilespmem:v55+s2+$0x0], $0xffff  }
0x3ed: {  	[tilespmem:s0+$0x50] =	vst v49;
	v51 =	vmul.f32 $8.000000000e+00, v46;
	v39 =	vadd.f32 v58, v17;
	v48 =	vld.idx.msk [tilespmem:v36+s2+$0x0], $0xffff;
	v50 =	vor.u32 v6, v16  }
0x3ee: {  	[tilespmem:s18+$0x30] =	vst v28;
	v54 =	vor.u32 v6, v22;
	v34 =	vmul.f32 $8.000000000e+00, v60;
	v42 =	vadd.f32 v63, v15  }
0x3ef: {  	v38 =	vadd.f32 v51, v11;
	[tilespmem:s21+$0x10] =	vst v39;
	v55 =	vor.u32 v6, v26;
	v32 =	vld.idx.msk [tilespmem:v61+s2+$0x0], $0xffff;
	v41 =	vmul.f32 $8.000000000e+00, v41  }
0x3f0: {  	v52 =	vor.u32 v6, v31;
	v34 =	vadd.f32 v34, v20;
	[tilespmem:s7+$0x50] =	vst v42;
	v53 =	vld.idx.msk [tilespmem:v59+s2+$0x0], $0xffff;
	v19 =	vmul.f32 $8.000000000e+00, v57  }
0x3f1: {  	v56 =	vor.u32 v6, v27;
	[tilespmem:s8+$0x50] =	vst v38;
	v33 =	vld.idx.msk [tilespmem:v62+s2+$0x0], $0xffff;
	v41 =	vadd.f32 v41, v23;
	v57 =	vmul.f32 $8.000000000e+00, v47  }
0x3f2: {  	v28 =	vmul.f32 $8.000000000e+00, v48;
	[tilespmem:s3+$0x50] =	vst v34;
	v16 =	vld.idx.msk [tilespmem:v50+s2+$0x0], $0xffff;
	v19 =	vadd.f32 v19, v29  }
0x3f3: {  	v58 =	vmul.f32 $8.000000000e+00, v37;
	v63 =	vld.idx.msk [tilespmem:v54+s2+$0x0], $0xffff;
	[tilespmem:s12+$0x50] =	vst v41;
	v60 =	vadd.f32 v57, v21  }
0x3f4: {  	v40 =	vor.u32 v7, v12;
	v9 =	vadd.f32 v28, v9;
	v32 =	vmul.f32 $8.000000000e+00, v32;
	v41 =	vld.idx.msk [tilespmem:v55+s2+$0x0], $0xffff;
	[tilespmem:s6+$0x10] =	vst v19  }
0x3f5: {  	v62 =	vor.u32 v7, v18;
	v61 =	vmul.f32 $8.000000000e+00, v53;
	v19 =	vadd.f32 v58, v8;
	[tilespmem:s11+$0x50] =	vst v60;
	v59 =	vld.idx.msk [tilespmem:v52+s2+$0x0], $0xffff  }
0x3f6: {  	v43 =	vor.u32 v7, v14;
	[tilespmem:s25+$0x70] =	vst v9;
	v42 =	vmul.f32 $8.000000000e+00, v33;
	v32 =	vadd.f32 v32, v10;
	v27 =	vld.idx.msk [tilespmem:v56+s2+$0x0], $0xffff  }
0x3f7: {  	v44 =	vld.idx.msk [tilespmem:v35+s2+$0x0], $0xffff;
	v28 =	vadd.f32 v61, v17;
	v16 =	vmul.f32 $8.000000000e+00, v16;
	[tilespmem:s1+$0x60] =	vst v19  }
0x3f8: {  	v48 =	vor.u32 v7, v22;
	v47 =	vmul.f32 $8.000000000e+00, v63;
	v9 =	vadd.f32 v42, v15;
	[tilespmem:s0+$0x60] =	vst v32;
	v25 =	vld.idx.msk [tilespmem:v25+s2+$0x0], $0xffff  }
0x3f9: {  	v51 =	vor.u32 v7, v26;
	[tilespmem:s21+$0x20] =	vst v28;
	v49 =	vld.idx.msk [tilespmem:v40+s2+$0x0], $0xffff;
	v50 =	vmul.f32 $8.000000000e+00, v41;
	v16 =	vadd.f32 v16, v11  }
0x3fa: {  	v46 =	vor.u32 v7, v31;
	[tilespmem:s7+$0x60] =	vst v9;
	v18 =	vld.idx.msk [tilespmem:v62+s2+$0x0], $0xffff;
	v52 =	vadd.f32 v47, v20;
	v45 =	vmul.f32 $8.000000000e+00, v59  }
0x3fb: {  	v14 =	vld.idx.msk [tilespmem:v43+s2+$0x0], $0xffff;
	v12 =	vadd.f32 v50, v23;
	[tilespmem:s8+$0x60] =	vst v16;
	v27 =	vmul.f32 $8.000000000e+00, v27  }
0x3fc: {  	v19 =	vmul.f32 $8.000000000e+00, v44;
	[tilespmem:s3+$0x60] =	vst v52;
	v24 =	vld.idx.msk [tilespmem:v24+s2+$0x0], $0xffff;
	v28 =	vadd.f32 v45, v29  }
0x3fd: {  	v54 =	vld.idx.msk [tilespmem:v48+s2+$0x0], $0xffff;
	[tilespmem:s12+$0x60] =	vst v12;
	v25 =	vmul.f32 $8.000000000e+00, v25;
	v27 =	vadd.f32 v27, v21  }
0x3fe: {  	v13 =	vadd.f32 v19, v13;
	v9 =	vmul.f32 $8.000000000e+00, v49;
	v55 =	vld.idx.msk [tilespmem:v51+s2+$0x0], $0xffff;
	[tilespmem:s6+$0x20] =	vst v28  }
0x3ff: {  	v18 =	vmul.f32 $8.000000000e+00, v18;
	v8 =	vadd.f32 v25, v8;
	[tilespmem:s11+$0x60] =	vst v27;
	v53 =	vld.idx.msk [tilespmem:v46+s2+$0x0], $0xffff  }
0x400: {  	[tilespmem:s23+$0x70] =	vst v13;
	v56 =	vmul.f32 $8.000000000e+00, v14;
	v9 =	vadd.f32 v9, v10;
	v58 =	vld.idx.msk [tilespmem:v30+s2+$0x0], $0xffff  }
0x401: {  	v57 =	vadd.f32 v18, v17;
	[tilespmem:s1+$0x70] =	vst v8;
	v8 =	vmul.f32 $8.000000000e+00, v24  }
0x402: {  	v59 =	vadd.f32 v56, v15;
	[tilespmem:s0+$0x70] =	vst v9;
	v61 =	vmul.f32 $8.000000000e+00, v54  }
0x403: {  	[tilespmem:s21+$0x30] =	vst v57;
	v62 =	vmul.f32 $8.000000000e+00, v55;
	v8 =	vadd.f32 v8, v11  }
0x404: {  	[tilespmem:s7+$0x70] =	vst v59;
	v9 =	vadd.f32 v61, v20;
	v60 =	vmul.f32 $8.000000000e+00, v53  }
0x405: {  	v10 =	vadd.f32 v62, v23;
	[tilespmem:s8+$0x70] =	vst v8;
	v8 =	vmul.f32 $8.000000000e+00, v58  }
0x406: {  	s1 =	sshll.u32 s28, $0x12;
	[tilespmem:s3+$0x70] =	vst v9;
	v63 =	vadd.f32 v60, v29  }
0x407: {  	s0 =	sor.u32 s5, s1;
	[tilespmem:s12+$0x70] =	vst v10;
	v8 =	vadd.f32 v8, v21  }
0x408: {  	s0 =	sshrl.u32 s0, $0x3;
	[tilespmem:s6+$0x30] =	vst v63  }
0x409: {  	s13 =	simm.s32 $0xEA00;
	s7 =	simm.s32 $0xE200;
	[tilespmem:s11+$0x70] =	vst v8;
	s6 =	sadd.s32 s31, s0  }
0x40a: {  	[hbm4b:s6+s4] =	stream.linear.scatter [tilespmem:s7], [sflag:$0xC], $0x400, $0x38;
	[tilespmem:$0x13400] =	vst v63  }
0x40b: {  	s8 =	sadd.s32 s0, s22;
	s11 =	simm.s32 $0xE600;
	s12 =	rddreg [dreg:$0x9]  }
0x40c: {  	[hbm4b:s8+s4] =	stream.linear.scatter [tilespmem:s11], [sflag:$0xC], $0x400, $0x38;
	[tilespmem:$0x13400] =	vst v63  }
0x40d: {  	s15 =	simm.s32 $0xEE00;
	s14 =	rddreg [dreg:$0xa];
	s1 =	sadd.s32 s0, s12  }
0x40e: {  	[hbm4b:s1+s4] =	stream.linear.scatter [tilespmem:s13], [sflag:$0xC], $0x400, $0x38;
	[tilespmem:$0x13400] =	vst v63  }
0x40f: {  	s17 =	simm.s32 $0xF200;
	s16 =	rddreg [dreg:$0xb];
	s1 =	sadd.s32 s0, s14  }
0x410: {  	[hbm4b:s1+s4] =	stream.linear.scatter [tilespmem:s15], [sflag:$0xC], $0x400, $0x38;
	[tilespmem:$0x13400] =	vst v63  }
0x411: {  	s10 =	sadd.s32 $0x1, s10;
	s18 =	rddreg [dreg:$0xc];
	s1 =	sadd.s32 s0, s16  }
0x412: {  	[hbm4b:s1+s4] =	stream.linear.scatter [tilespmem:s17], [sflag:$0xC], $0x400, $0x38;
	[tilespmem:$0x13400] =	vst v63  }
0x413: {  	p0 =	sne.s32 s10, $0x32;
	s21 =	simm.s32 $0xF600;
	s1 =	sadd.s32 s0, s18  }
0x414: {  	[hbm4b:s1+s4] =	stream.linear.scatter [tilespmem:s21], [sflag:$0xC], $0x400, $0x38;
	[tilespmem:$0x13400] =	vst v63  }
.Ltmp10:
0x415: {  	s23 =	rddreg [dreg:$0xd];
	(pc) =	sbr.rel @p0 .LBB2_2-.Ltmp10, $4  }
0x416: {  	s25 =	simm.s32 $0xFA00;
	s28 =	rddreg [dreg:$0xe];
	s1 =	sadd.s32 s0, s23  }
0x417: {  	[hbm4b:s1+s4] =	stream.linear.scatter [tilespmem:s25], [sflag:$0xC], $0x400, $0x38;
	[tilespmem:$0x13400] =	vst v63  }
0x418: {  	s29 =	simm.s32 $0xFE00;
	s17 =	simm.s32 $0x180;
	s0 =	sadd.s32 s0, s28  }
0x419: {  	[hbm4b:s0+s4] =	stream.linear.scatter [tilespmem:s29], [sflag:$0xC], $0x400, $0x38;
	[tilespmem:$0x13400] =	vst v63  }
0x41a: {  	s0 =	simm.s32 $0x9  }
0x41b: {  	_ =	swait.ge [sflag:s0], $0x400  }
0x41c: {  	[sflag:s0] =	ssyncset.done $0x0  }
0x41d: {  	[sflag:s0] =	ssyncadd.s32 $0xFFFFFC00  }
0x41e: {  	_ =	swait.ge [sflag:s0], $0x400  }
0x41f: {  	[sflag:s0] =	ssyncset.done $0x0  }
0x420: {  	[sflag:s0] =	ssyncadd.s32 $0xFFFFFC00  }
0x421: {  	_ =	swait.ge [sflag:s0], $0x400  }
0x422: {  	[sflag:s0] =	ssyncset.done $0x0  }
0x423: {  	[sflag:s0] =	ssyncadd.s32 $0xFFFFFC00  }
0x424: {  	_ =	swait.ge [sflag:s0], $0x400  }
0x425: {  	[sflag:s0] =	ssyncset.done $0x0  }
0x426: {  	[sflag:s0] =	ssyncadd.s32 $0xFFFFFC00  }
0x427: {  	_ =	swait.ge [sflag:s0], $0x400  }
0x428: {  	[sflag:s0] =	ssyncset.done $0x0  }
0x429: {  	[sflag:s0] =	ssyncadd.s32 $0xFFFFFC00  }
0x42a: {  	_ =	swait.ge [sflag:s0], $0x400  }
0x42b: {  	[sflag:s0] =	ssyncset.done $0x0  }
0x42c: {  	[sflag:s0] =	ssyncadd.s32 $0xFFFFFC00  }
0x42d: {  	_ =	swait.ge [sflag:s0], $0x400  }
0x42e: {  	[sflag:s0] =	ssyncset.done $0x0  }
0x42f: {  	[sflag:s0] =	ssyncadd.s32 $0xFFFFFC00  }
0x430: {  	_ =	swait.ge [sflag:s0], $0x400  }
0x431: {  	[sflag:s0] =	ssyncset.done $0x0  }
0x432: {  	s28 =	simm.s32 $0xA;
	[sflag:s0] =	ssyncadd.s32 $0xFFFFFC00  }
0x433: {  	_ =	swait.ge [sflag:s28], $0x400  }
0x434: {  	[sflag:s28] =	ssyncset.done $0x0  }
0x435: {  	[sflag:s28] =	ssyncadd.s32 $0xFFFFFC00  }
0x436: {  	_ =	swait.ge [sflag:s28], $0x400  }
0x437: {  	[sflag:s28] =	ssyncset.done $0x0  }
0x438: {  	[sflag:s28] =	ssyncadd.s32 $0xFFFFFC00  }
0x439: {  	_ =	swait.ge [sflag:s28], $0x400  }
0x43a: {  	[sflag:s28] =	ssyncset.done $0x0  }
0x43b: {  	[sflag:s28] =	ssyncadd.s32 $0xFFFFFC00  }
0x43c: {  	_ =	swait.ge [sflag:s28], $0x400  }
0x43d: {  	[sflag:s28] =	ssyncset.done $0x0  }
0x43e: {  	[sflag:s28] =	ssyncadd.s32 $0xFFFFFC00  }
0x43f: {  	_ =	swait.ge [sflag:s28], $0x400  }
0x440: {  	[sflag:s28] =	ssyncset.done $0x0  }
0x441: {  	[sflag:s28] =	ssyncadd.s32 $0xFFFFFC00  }
0x442: {  	_ =	swait.ge [sflag:s28], $0x400  }
0x443: {  	[sflag:s28] =	ssyncset.done $0x0  }
0x444: {  	[sflag:s28] =	ssyncadd.s32 $0xFFFFFC00  }
0x445: {  	_ =	swait.ge [sflag:s28], $0x400  }
0x446: {  	[sflag:s28] =	ssyncset.done $0x0  }
0x447: {  	[sflag:s28] =	ssyncadd.s32 $0xFFFFFC00  }
0x448: {  	_ =	swait.ge [sflag:s28], $0x400  }
0x449: {  	[sflag:s28] =	ssyncset.done $0x0  }
0x44a: {  	[sflag:s28] =	ssyncadd.s32 $0xFFFFFC00  }
0x44b: {  	_ =	swait.ge [sflag:s20], $0x400  }
0x44c: {  	[sflag:s20] =	ssyncset.done $0x0  }
0x44d: {  	[sflag:s20] =	ssyncadd.s32 $0xFFFFFC00  }
0x44e: {  	_ =	swait.ge [sflag:s20], $0x400  }
0x44f: {  	[sflag:s20] =	ssyncset.done $0x0  }
0x450: {  	[sflag:s20] =	ssyncadd.s32 $0xFFFFFC00  }
0x451: {  	_ =	swait.ge [sflag:s20], $0x400  }
0x452: {  	[sflag:s20] =	ssyncset.done $0x0  }
0x453: {  	[sflag:s20] =	ssyncadd.s32 $0xFFFFFC00  }
0x454: {  	_ =	swait.ge [sflag:s20], $0x400  }
0x455: {  	[sflag:s20] =	ssyncset.done $0x0  }
0x456: {  	[sflag:s20] =	ssyncadd.s32 $0xFFFFFC00  }
0x457: {  	_ =	swait.ge [sflag:s20], $0x400  }
0x458: {  	[sflag:s20] =	ssyncset.done $0x0  }
0x459: {  	[sflag:s20] =	ssyncadd.s32 $0xFFFFFC00  }
0x45a: {  	_ =	swait.ge [sflag:s20], $0x400  }
0x45b: {  	[sflag:s20] =	ssyncset.done $0x0  }
0x45c: {  	[sflag:s20] =	ssyncadd.s32 $0xFFFFFC00  }
0x45d: {  	_ =	swait.ge [sflag:s20], $0x400  }
0x45e: {  	[sflag:s20] =	ssyncset.done $0x0  }
0x45f: {  	[sflag:s20] =	ssyncadd.s32 $0xFFFFFC00  }
0x460: {  	_ =	swait.ge [sflag:s20], $0x400  }
0x461: {  	[sflag:s20] =	ssyncset.done $0x0  }
0x462: {  	[sflag:s20] =	ssyncadd.s32 $0xFFFFFC00  }
0x463: {  	_ =	swait.ge [sflag:s9], $0x400  }
0x464: {  	[sflag:s9] =	ssyncset.done $0x0  }
0x465: {  	[sflag:s9] =	ssyncadd.s32 $0xFFFFFC00  }
0x466: {  	_ =	swait.ge [sflag:s9], $0x400  }
0x467: {  	[sflag:s9] =	ssyncset.done $0x0  }
0x468: {  	[sflag:s9] =	ssyncadd.s32 $0xFFFFFC00  }
0x469: {  	_ =	swait.ge [sflag:s9], $0x400  }
0x46a: {  	[sflag:s9] =	ssyncset.done $0x0  }
0x46b: {  	[sflag:s9] =	ssyncadd.s32 $0xFFFFFC00  }
0x46c: {  	_ =	swait.ge [sflag:s9], $0x400  }
0x46d: {  	[sflag:s9] =	ssyncset.done $0x0  }
0x46e: {  	[sflag:s9] =	ssyncadd.s32 $0xFFFFFC00  }
0x46f: {  	_ =	swait.ge [sflag:s9], $0x400  }
0x470: {  	[sflag:s9] =	ssyncset.done $0x0  }
0x471: {  	[sflag:s9] =	ssyncadd.s32 $0xFFFFFC00  }
0x472: {  	_ =	swait.ge [sflag:s9], $0x400  }
0x473: {  	[sflag:s9] =	ssyncset.done $0x0  }
0x474: {  	[sflag:s9] =	ssyncadd.s32 $0xFFFFFC00  }
0x475: {  	_ =	swait.ge [sflag:s9], $0x400  }
0x476: {  	[sflag:s9] =	ssyncset.done $0x0  }
0x477: {  	[sflag:s9] =	ssyncadd.s32 $0xFFFFFC00  }
0x478: {  	_ =	swait.ge [sflag:s9], $0x400  }
0x479: {  	s1 =	rddreg [dreg:$0x10]  }
0x47a: {  	s29 =	rddreg [dreg:$0xf];
	s1 =	sadd.s32 $0x1, s1  }
0x47b: {  	p0 =	sne.s32 s1, s29  }
.Ltmp11:
0x47c: {  	_ = 	snop;
	(pc) =	sbr.rel @p0 .LBB2_1-.Ltmp11, $3  }
0x47d: {  	_ =	sdelay $0x1  }
0x47e: {  	[sflag:s9] =	ssyncset.done $0x0  }
0x47f: {  	[sflag:s9] =	ssyncadd.s32 $0xFFFFFC00  }
0x480: {  	_ =	sfence.sel $0x180000  }
0x481: {  	[bflag:$0x0] =	sbarrier.arrive $0xFFFF  }
0x482: {  	_ =	strace $0x90000047  }
0x483: {  	s0 =	stileid.u32;
	[bflag:$0x2] =	sbarrier.arrive $0xFFFF  }
0x484: {  	p0 =	sne.s32 s0, $0x0;
	s0 =	rddreg [dreg:$0x3]  }
0x485: {  	s0 =	sadd.s32 @!p0 $0x100000, s0  }
0x486: {  	[sflag:s0] =	ssyncadd.tile.s32 @!p0 $0x1;
	_ =	shalt  }
.Lfunc_end2:
_tile_overlayer_lowered:
.L_overlay_start_2:
0x487: {  	(tag) =	ssettag $0x2  }
0x488: {  	s0 =	rddreg [dreg:$0x0];
	s2 =	stileid.u32  }
0x489: {  	s1 =	rddreg [dreg:$0x1];
	p0 =	sne.s32 s2, $0x0  }
0x48a: {  	s3 =	rddreg [dreg:$0x2];
	[bflag:$0x3] =	sbarrier.arrive $0xFFFF;
	s2 =	simm.s32 @!p0 $0x1C0D  }
0x48b: {  	[timem:s3], [sflag:s2] =	dma.local @!p0 [hbm:s0], s1  }
0x48c: {  	s0 =	simm.s32 @!p0 $0xD  }
0x48d: {  	_ =	swait.ge @!p0 [sflag:s0], s1  }
0x48e: {  	s1 =	ssub.s32 @!p0 $0x0, s1;
	[sflag:s0] =	ssyncset.done @!p0 $0x0  }
0x48f: {  	[sflag:s0] =	ssyncadd.s32 @!p0 s1  }
0x490: {  	[bflag:$0x3] =	sbarrier.arrive $0xFFFF  }
0x491: {  	_ =	shalt  }

</sc_bundles>
